<compile_context>
chip_gen: v7x
topology: tpu7x:2x2x1
jax: 0.10.2.dev20260603
libtpu: 0.0.44.dev20260713+nightly
codegen_flags: <defaults>
</compile_context>

<pallas_src>
import functools

import jax
import jax.numpy as jnp
from jax import lax
from jax.experimental import pallas as pl
from jax.experimental.pallas import tpu as pltpu
from jax.experimental.pallas import tpu_sc as plsc

N = 10000
E = 160000
NCORE = 2
NSUB = 16
K = 125
PH = 40
NPASS = E // NSUB // K // PH
CH2 = E // (NCORE * NSUB) // K
R_MAIN = 624
R_LAST = N - (NSUB - 1) * R_MAIN
BN = 2000


def _mm_call(h, wcat, b2, split):
    Din = h.shape[1]
    Dout = wcat.shape[1] // 2
    S = Dout // 2

    def body(h_ref, w_ref, b_ref, *outs):
        out = jnp.dot(h_ref[...], w_ref[...],
                      preferred_element_type=jnp.float32)
        p = out[:, :Dout]
        q = out[:, Dout:] + b_ref[...]
        if split:
            outs[0][...] = p[:, :S]
            outs[1][...] = p[:, S:]
            outs[2][...] = q[:, :S]
            outs[3][...] = q[:, S:]
        else:
            outs[0][...] = p
            outs[1][...] = q

    n_out, w_out = (4, S) if split else (2, Dout)
    os_ = jax.ShapeDtypeStruct((N, w_out), jnp.float32)
    return pl.pallas_call(
        body,
        grid=(N // BN,),
        in_specs=[
            pl.BlockSpec((BN, Din), lambda i: (i, 0)),
            pl.BlockSpec((Din, 2 * Dout), lambda i: (0, 0)),
            pl.BlockSpec((1, Dout), lambda i: (0, 0)),
        ],
        out_specs=[pl.BlockSpec((BN, w_out), lambda i: (i, 0))] * n_out,
        out_shape=[os_] * n_out,
    )(h, wcat, b2)


def _fused_call(o0, o1, wcat, b2, split):
    Dh = o0.shape[1] * 2
    Dout = wcat.shape[1] // 2
    S = Dout // 2

    def body(a_ref, b_ref, w_ref, bias_ref, *outs):
        v = jnp.concatenate([a_ref[...], b_ref[...]], axis=1)
        nrm = jnp.sqrt(jnp.sum(v * v, axis=1, keepdims=True))
        v = jnp.maximum(v / jnp.maximum(nrm, 1e-12), 0.0)
        out = jnp.dot(v, w_ref[...], preferred_element_type=jnp.float32)
        p = out[:, :Dout]
        q = out[:, Dout:] + bias_ref[...]
        if split:
            outs[0][...] = p[:, :S]
            outs[1][...] = p[:, S:]
            outs[2][...] = q[:, :S]
            outs[3][...] = q[:, S:]
        else:
            outs[0][...] = p
            outs[1][...] = q

    n_out, w_out = (4, S) if split else (2, Dout)
    os_ = jax.ShapeDtypeStruct((N, w_out), jnp.float32)
    return pl.pallas_call(
        body,
        grid=(N // BN,),
        in_specs=[
            pl.BlockSpec((BN, Dh // 2), lambda i: (i, 0)),
            pl.BlockSpec((BN, Dh // 2), lambda i: (i, 0)),
            pl.BlockSpec((Dh, 2 * Dout), lambda i: (0, 0)),
            pl.BlockSpec((1, Dout), lambda i: (0, 0)),
        ],
        out_specs=[pl.BlockSpec((BN, w_out), lambda i: (i, 0))] * n_out,
        out_shape=[os_] * n_out,
    )(o0, o1, wcat, b2)


def _edge_loop_db(tbl, srcv, dstv, acc, rows0, rows1, sem0, sem1, n_chunks):
    pltpu.async_copy(tbl.at[srcv.at[0]], rows0, sem0)

    def body(t, carry):
        a = 2 * t
        pltpu.async_copy(tbl.at[srcv.at[a + 1]], rows1, sem1)
        pltpu.make_async_copy(tbl.at[srcv.at[0]], rows0, sem0).wait()
        pltpu.sync_copy(rows0, acc.at[dstv.at[a]], add=True)

        @pl.when(t < n_chunks // 2 - 1)
        def _():
            pltpu.async_copy(tbl.at[srcv.at[a + 2]], rows0, sem0)

        pltpu.make_async_copy(tbl.at[srcv.at[0]], rows1, sem1).wait()
        pltpu.sync_copy(rows1, acc.at[dstv.at[a + 1]], add=True)
        return carry

    lax.fori_loop(0, n_chunks // 2, body, 0)


@functools.cache
def _make_sc(S):
    mesh = plsc.VectorSubcoreMesh(
        core_axis_name="c", subcore_axis_name="s",
        num_cores=NCORE, num_subcores=NSUB)

    @functools.partial(
        pl.kernel,
        out_type=[jax.ShapeDtypeStruct((N, S), jnp.float32)] * 2,
        mesh=mesh,
        scratch_types=[
            pltpu.VMEM((PH, K), jnp.int32),
            pltpu.VMEM((PH, K), jnp.int32),
            pltpu.VMEM((K, S), jnp.float32),
            pltpu.VMEM((K, S), jnp.float32),
            pltpu.VMEM_SHARED((N, S), jnp.float32),
            pltpu.SemaphoreType.DMA,
            pltpu.SemaphoreType.DMA,
        ],
    )
    def sc(p0, p1, q0, q1, srcr, dstr, out0, out1,
           srcv, dstv, rows0, rows1, acc, sem0, sem1):
        c = lax.axis_index("c")
        s = lax.axis_index("s")
        r0 = pl.multiple_of(s * R_MAIN, 8)

        def rowwise(fn):
            @pl.when(s < NSUB - 1)
            def _():
                fn(r0, R_MAIN)

            @pl.when(s == NSUB - 1)
            def _():
                fn((NSUB - 1) * R_MAIN, R_LAST)

        def init_start(row0, nrows):
            @pl.when(c == 0)
            def _():
                pltpu.async_copy(q0.at[pl.ds(row0, nrows)],
                                 acc.at[pl.ds(row0, nrows)], sem0)

            @pl.when(c == 1)
            def _():
                pltpu.async_copy(q1.at[pl.ds(row0, nrows)],
                                 acc.at[pl.ds(row0, nrows)], sem0)

        def init_wait(row0, nrows):
            @pl.when(c == 0)
            def _():
                pltpu.make_async_copy(q0.at[pl.ds(row0, nrows)],
                                      acc.at[pl.ds(row0, nrows)],
                                      sem0).wait()

            @pl.when(c == 1)
            def _():
                pltpu.make_async_copy(q1.at[pl.ds(row0, nrows)],
                                      acc.at[pl.ds(row0, nrows)],
                                      sem0).wait()

        rowwise(init_start)

        for ps in range(NPASS):
            pltpu.sync_copy(srcr.at[s, ps], srcv)
            pltpu.sync_copy(dstr.at[s, ps], dstv)
            if ps == 0:
                rowwise(init_wait)
                plsc.subcore_barrier()

            @pl.when(c == 0)
            def _():
                _edge_loop_db(p0, srcv, dstv, acc, rows0, rows1,
                              sem0, sem1, PH)

            @pl.when(c == 1)
            def _():
                _edge_loop_db(p1, srcv, dstv, acc, rows0, rows1,
                              sem0, sem1, PH)

        plsc.subcore_barrier()

        def writeout(row0, nrows):
            @pl.when(c == 0)
            def _():
                pltpu.sync_copy(acc.at[pl.ds(row0, nrows)],
                                out0.at[pl.ds(row0, nrows)])

            @pl.when(c == 1)
            def _():
                pltpu.sync_copy(acc.at[pl.ds(row0, nrows)],
                                out1.at[pl.ds(row0, nrows)])

        rowwise(writeout)

    return sc


@functools.cache
def _make_sc_last():
    D = 128
    mesh = plsc.VectorSubcoreMesh(
        core_axis_name="c", subcore_axis_name="s",
        num_cores=NCORE, num_subcores=NSUB)

    @functools.partial(
        pl.kernel,
        out_type=[jax.ShapeDtypeStruct((N, D), jnp.float32)] * 2,
        mesh=mesh,
        scratch_types=[
            pltpu.VMEM((CH2, K), jnp.int32),
            pltpu.VMEM((CH2, K), jnp.int32),
            pltpu.VMEM((K, D), jnp.float32),
            pltpu.VMEM((K, D), jnp.float32),
            pltpu.VMEM_SHARED((N, D), jnp.float32),
            pltpu.SemaphoreType.DMA,
            pltpu.SemaphoreType.DMA,
        ],
    )
    def sc(p, q, z, srcr, dstr, out0, out1,
           srcv, dstv, rows0, rows1, acc, sem0, sem1):
        c = lax.axis_index("c")
        s = lax.axis_index("s")
        r0 = pl.multiple_of(s * R_MAIN, 8)
        w = c * NSUB + s

        def rowwise(fn):
            @pl.when(s < NSUB - 1)
            def _():
                fn(r0, R_MAIN)

            @pl.when(s == NSUB - 1)
            def _():
                fn((NSUB - 1) * R_MAIN, R_LAST)

        def init_start(row0, nrows):
            @pl.when(c == 0)
            def _():
                pltpu.async_copy(q.at[pl.ds(row0, nrows)],
                                 acc.at[pl.ds(row0, nrows)], sem0)

            @pl.when(c == 1)
            def _():
                pltpu.async_copy(z.at[pl.ds(row0, nrows)],
                                 acc.at[pl.ds(row0, nrows)], sem0)

        def init_wait(row0, nrows):
            @pl.when(c == 0)
            def _():
                pltpu.make_async_copy(q.at[pl.ds(row0, nrows)],
                                      acc.at[pl.ds(row0, nrows)],
                                      sem0).wait()

            @pl.when(c == 1)
            def _():
                pltpu.make_async_copy(z.at[pl.ds(row0, nrows)],
                                      acc.at[pl.ds(row0, nrows)],
                                      sem0).wait()

        rowwise(init_start)
        pltpu.sync_copy(srcr.at[w], srcv)
        pltpu.sync_copy(dstr.at[w], dstv)
        rowwise(init_wait)
        plsc.subcore_barrier()

        _edge_loop_db(p, srcv, dstv, acc, rows0, rows1, sem0, sem1, CH2)
        plsc.subcore_barrier()

        def writeout(row0, nrows):
            @pl.when(c == 0)
            def _():
                pltpu.sync_copy(acc.at[pl.ds(row0, nrows)],
                                out0.at[pl.ds(row0, nrows)])

            @pl.when(c == 1)
            def _():
                pltpu.sync_copy(acc.at[pl.ds(row0, nrows)],
                                out1.at[pl.ds(row0, nrows)])

        rowwise(writeout)

    return sc


def _fin_call(o0, o1, last):
    if last:
        Dout = o0.shape[1]
    else:
        Dout = o0.shape[1] * 2

    def body(a_ref, b_ref, o_ref):
        if last:
            v = a_ref[...] + b_ref[...]
        else:
            v = jnp.concatenate([a_ref[...], b_ref[...]], axis=1)
        nrm = jnp.sqrt(jnp.sum(v * v, axis=1, keepdims=True))
        v = v / jnp.maximum(nrm, 1e-12)
        if last:
            m = jnp.max(v, axis=1, keepdims=True)
            e = v - m
            o_ref[...] = e - jnp.log(jnp.sum(jnp.exp(e), axis=1,
                                             keepdims=True))
        else:
            o_ref[...] = jnp.maximum(v, 0.0)

    Sin = o0.shape[1]
    return pl.pallas_call(
        body,
        grid=(N // BN,),
        in_specs=[pl.BlockSpec((BN, Sin), lambda i: (i, 0))] * 2,
        out_specs=pl.BlockSpec((BN, Dout), lambda i: (i, 0)),
        out_shape=jax.ShapeDtypeStruct((N, Dout), jnp.float32),
    )(o0, o1)


def kernel(x, edge_index, Wl0, bl0, Wr0, Wl1, bl1, Wr1,
           Wl2, bl2, Wr2, Wl3, bl3, Wr3):
    src = edge_index[0].reshape(NSUB, NPASS, PH, K)
    dst = edge_index[1].reshape(NSUB, NPASS, PH, K)
    src2 = edge_index[0].reshape(NCORE * NSUB, CH2, K)
    dst2 = edge_index[1].reshape(NCORE * NSUB, CH2, K)
    zeros = jnp.zeros((N, 128), jnp.float32)
    layers = [(Wl0, bl0, Wr0), (Wl1, bl1, Wr1), (Wl2, bl2, Wr2),
              (Wl3, bl3, Wr3)]
    wcats = [jnp.concatenate([Wl, Wr], axis=1) for Wl, _, Wr in layers]
    b2s = [bl.reshape(1, Wl.shape[1]) for Wl, bl, _ in layers]

    p0, p1, q0, q1 = _mm_call(x, wcats[0], b2s[0], split=True)
    for i in range(3):
        out0, out1 = _make_sc(128)(p0, p1, q0, q1, src, dst)
        if i < 2:
            p0, p1, q0, q1 = _fused_call(out0, out1, wcats[i + 1],
                                         b2s[i + 1], split=True)
        else:
            p, q = _fused_call(out0, out1, wcats[3], b2s[3], split=False)
    out0, out1 = _make_sc_last()(p, q, zeros, src2, dst2)
    return _fin_call(out0, out1, last=True)

# --- scband reference (transcript-rebuilt; emitter-appended) ---
"""Pipeline reference for scband-gcn1-3255585210646 (READ-ONLY COPY).

The authoritative reference and input builder live on the scoring server;
editing this copy changes nothing except your own understanding.
"""

import jax, jax.numpy as jnp
import numpy as np

N = 10000
E = 160000
D_IN = 256
D_H = 256
D_OUT = 128


def setup_inputs(seed: int = 0) -> dict:
    key = jax.random.key(seed)
    ks = jax.random.split(key, 16)
    x = jax.random.normal(ks[0], (N, D_IN), dtype=jnp.float32)
    edge_index = jax.random.randint(ks[1], (2, E), 0, N, dtype=jnp.int32)
    dims = [(D_IN, D_H), (D_H, D_H), (D_H, D_H), (D_H, D_OUT)]
    params = {}
    ki = 2
    for li, (din, dout) in enumerate(dims):
        params[f"Wl{li}"] = jax.random.normal(ks[ki], (din, dout), dtype=jnp.float32) / np.sqrt(din)
        ki += 1
        params[f"bl{li}"] = jnp.zeros((dout,), dtype=jnp.float32)
        params[f"Wr{li}"] = jax.random.normal(ks[ki], (din, dout), dtype=jnp.float32) / np.sqrt(din)
        ki += 1
    return {"x": x, "edge_index": edge_index, **params}


def _sage_layer(h, src, dst, Wl, bl, Wr):
    # SAGEConv(aggr='sum', normalize=True): out = lin_l(sum_j x_j) + lin_r(x_i), then L2-normalize
    msg = jnp.take(h, src, axis=0)
    agg = jax.ops.segment_sum(msg, dst, num_segments=N)
    out = agg @ Wl + bl + h @ Wr
    norm = jnp.linalg.norm(out, ord=2, axis=-1, keepdims=True)
    return out / jnp.maximum(norm, 1e-12)


def reference(x, edge_index, Wl0, bl0, Wr0, Wl1, bl1, Wr1, Wl2, bl2, Wr2, Wl3, bl3, Wr3):
    src = edge_index[0]
    dst = edge_index[1]
    layers = [(Wl0, bl0, Wr0), (Wl1, bl1, Wr1), (Wl2, bl2, Wr2), (Wl3, bl3, Wr3)]
    h = x
    for i, (Wl, bl, Wr) in enumerate(layers):
        h = _sage_layer(h, src, dst, Wl, bl, Wr)
        if i < len(layers) - 1:
            h = jax.nn.relu(h)
            # dropout p=0.5 is a no-op in eval mode
    return jax.nn.log_softmax(h, axis=-1)

if __name__ == "__main__":
    import jax
    _d = setup_inputs()
    print(jax.jit(kernel)(*tuple(_d.values())))

</pallas_src>

<mosaic_0001>
#map = affine_map<(d0, d1) -> (0, 0)>
#map1 = affine_map<(d0, d1) -> (0, 0, 0)>
module attributes {stable_mosaic.version = 14 : i64} {
  func.func @sc(%arg0: i32, %arg1: i32, %arg2: memref<10000x128xf32, #tpu.memory_space<hbm>>, %arg3: memref<10000x128xf32, #tpu.memory_space<hbm>>, %arg4: memref<10000x128xf32, #tpu.memory_space<hbm>>, %arg5: memref<32x40x125xi32, #tpu.memory_space<hbm>>, %arg6: memref<32x40x125xi32, #tpu.memory_space<hbm>>, %arg7: memref<10000x128xf32, #tpu.memory_space<hbm>>, %arg8: memref<10000x128xf32, #tpu.memory_space<hbm>>, %arg9: memref<40x125xi32, #tpu.memory_space<vmem>>, %arg10: memref<40x125xi32, #tpu.memory_space<vmem>>, %arg11: memref<125x128xf32, #tpu.memory_space<vmem>>, %arg12: memref<125x128xf32, #tpu.memory_space<vmem>>, %arg13: memref<10000x128xf32, #tpu.memory_space<vmem_shared>>, %arg14: memref<!tpu.dma_semaphore, #tpu.memory_space<semaphore_mem>>, %arg15: memref<!tpu.dma_semaphore, #tpu.memory_space<semaphore_mem>>) attributes {dimension_semantics = [#tpu.dimension_semantics<core_parallel>, #tpu.dimension_semantics<subcore_parallel>], iteration_bounds = array<i64: 2, 16>, scalar_prefetch = 0 : i64, scratch_operands = 7 : i64, tpu.core_type = #tpu.core_type<sc_vector_subcore>, window_params = [{transform_indices = #map}, {transform_indices = #map}, {transform_indices = #map}, {transform_indices = #map1}, {transform_indices = #map1}, {transform_indices = #map}, {transform_indices = #map}]} {
    %mul3A = arith.constant 624 : i32
    %mul3A_0 = arith.muli %arg1, %mul3A : i32
    %multiple_of3A = tpu.assume_multiple %mul3A_0, 8 : i32
    %mul3A_1 = arith.constant 16 : i32
    %mul3A_2 = arith.muli %arg0, %mul3A_1 : i32
    %add3A = arith.addi %mul3A_2, %arg1 : i32
    %lt3A = arith.constant 15 : i32
    %lt3A_3 = arith.cmpi slt, %arg1, %lt3A : i32
    %convert_element_type3A = arith.extui %lt3A_3 : i1 to i32
    %cond3A = arith.constant 0 : i32
    %cond3A_4 = arith.cmpi ne, %convert_element_type3A, %cond3A : i32
    scf.if %cond3A_4 {
      %eq3A_41 = arith.constant 0 : i32
      %eq3A_42 = arith.cmpi eq, %arg0, %eq3A_41 : i32
      %convert_element_type3A_43 = arith.extui %eq3A_42 : i1 to i32
      %cond3A_44 = arith.constant 0 : i32
      %cond3A_45 = arith.cmpi ne, %convert_element_type3A_43, %cond3A_44 : i32
      scf.if %cond3A_45 {
        %dma_start3A_51 = arith.constant 0 : i32
        %dma_start3A_52 = tpu.memref_slice %arg13[%multiple_of3A, %dma_start3A_51] : memref<10000x128xf32, #tpu.memory_space<vmem_shared>> -> memref<624x128xf32, #tpu.memory_space<vmem_shared>>
        %dma_start3A_53 = arith.constant 0 : i32
        %dma_start3A_54 = tpu.memref_slice %arg3[%multiple_of3A, %dma_start3A_53] : memref<10000x128xf32, #tpu.memory_space<hbm>> -> memref<624x128xf32, #tpu.memory_space<hbm>>
        tpu.enqueue_dma source(%dma_start3A_54 : memref<624x128xf32, #tpu.memory_space<hbm>>) target(%dma_start3A_52 : memref<624x128xf32, #tpu.memory_space<vmem_shared>>) target_semaphore(%arg14 : memref<!tpu.dma_semaphore, #tpu.memory_space<semaphore_mem>>)
      } else {
      }
      %eq3A_46 = arith.constant 1 : i32
      %eq3A_47 = arith.cmpi eq, %arg0, %eq3A_46 : i32
      %convert_element_type3A_48 = arith.extui %eq3A_47 : i1 to i32
      %cond3A_49 = arith.constant 0 : i32
      %cond3A_50 = arith.cmpi ne, %convert_element_type3A_48, %cond3A_49 : i32
      scf.if %cond3A_50 {
        %dma_start3A_51 = arith.constant 0 : i32
        %dma_start3A_52 = tpu.memref_slice %arg13[%multiple_of3A, %dma_start3A_51] : memref<10000x128xf32, #tpu.memory_space<vmem_shared>> -> memref<624x128xf32, #tpu.memory_space<vmem_shared>>
        %dma_start3A_53 = arith.constant 0 : i32
        %dma_start3A_54 = tpu.memref_slice %arg4[%multiple_of3A, %dma_start3A_53] : memref<10000x128xf32, #tpu.memory_space<hbm>> -> memref<624x128xf32, #tpu.memory_space<hbm>>
        tpu.enqueue_dma source(%dma_start3A_54 : memref<624x128xf32, #tpu.memory_space<hbm>>) target(%dma_start3A_52 : memref<624x128xf32, #tpu.memory_space<vmem_shared>>) target_semaphore(%arg14 : memref<!tpu.dma_semaphore, #tpu.memory_space<semaphore_mem>>)
      } else {
      }
    } else {
    }
    %eq3A = arith.constant 15 : i32
    %eq3A_5 = arith.cmpi eq, %arg1, %eq3A : i32
    %convert_element_type3A_6 = arith.extui %eq3A_5 : i1 to i32
    %cond3A_7 = arith.constant 0 : i32
    %cond3A_8 = arith.cmpi ne, %convert_element_type3A_6, %cond3A_7 : i32
    scf.if %cond3A_8 {
      %eq3A_41 = arith.constant 0 : i32
      %eq3A_42 = arith.cmpi eq, %arg0, %eq3A_41 : i32
      %convert_element_type3A_43 = arith.extui %eq3A_42 : i1 to i32
      %cond3A_44 = arith.constant 0 : i32
      %cond3A_45 = arith.cmpi ne, %convert_element_type3A_43, %cond3A_44 : i32
      scf.if %cond3A_45 {
        %dma_start3A_51 = arith.constant 9360 : i32
        %dma_start3A_52 = arith.constant 0 : i32
        %dma_start3A_53 = tpu.memref_slice %arg13[%dma_start3A_51, %dma_start3A_52] : memref<10000x128xf32, #tpu.memory_space<vmem_shared>> -> memref<640x128xf32, #tpu.memory_space<vmem_shared>>
        %dma_start3A_54 = arith.constant 9360 : i32
        %dma_start3A_55 = arith.constant 0 : i32
        %dma_start3A_56 = tpu.memref_slice %arg3[%dma_start3A_54, %dma_start3A_55] : memref<10000x128xf32, #tpu.memory_space<hbm>> -> memref<640x128xf32, #tpu.memory_space<hbm>>
        tpu.enqueue_dma source(%dma_start3A_56 : memref<640x128xf32, #tpu.memory_space<hbm>>) target(%dma_start3A_53 : memref<640x128xf32, #tpu.memory_space<vmem_shared>>) target_semaphore(%arg14 : memref<!tpu.dma_semaphore, #tpu.memory_space<semaphore_mem>>)
      } else {
      }
      %eq3A_46 = arith.constant 1 : i32
      %eq3A_47 = arith.cmpi eq, %arg0, %eq3A_46 : i32
      %convert_element_type3A_48 = arith.extui %eq3A_47 : i1 to i32
      %cond3A_49 = arith.constant 0 : i32
      %cond3A_50 = arith.cmpi ne, %convert_element_type3A_48, %cond3A_49 : i32
      scf.if %cond3A_50 {
        %dma_start3A_51 = arith.constant 9360 : i32
        %dma_start3A_52 = arith.constant 0 : i32
        %dma_start3A_53 = tpu.memref_slice %arg13[%dma_start3A_51, %dma_start3A_52] : memref<10000x128xf32, #tpu.memory_space<vmem_shared>> -> memref<640x128xf32, #tpu.memory_space<vmem_shared>>
        %dma_start3A_54 = arith.constant 9360 : i32
        %dma_start3A_55 = arith.constant 0 : i32
        %dma_start3A_56 = tpu.memref_slice %arg4[%dma_start3A_54, %dma_start3A_55] : memref<10000x128xf32, #tpu.memory_space<hbm>> -> memref<640x128xf32, #tpu.memory_space<hbm>>
        tpu.enqueue_dma source(%dma_start3A_56 : memref<640x128xf32, #tpu.memory_space<hbm>>) target(%dma_start3A_53 : memref<640x128xf32, #tpu.memory_space<vmem_shared>>) target_semaphore(%arg14 : memref<!tpu.dma_semaphore, #tpu.memory_space<semaphore_mem>>)
      } else {
      }
    } else {
    }
    "tpu.region"() ({
      %run_scoped3A = tpu.sem_alloc : memref<!tpu.dma_semaphore, #tpu.memory_space<semaphore_mem>>
      %dma_start3A_41 = arith.constant 0 : i32
      %dma_start3A_42 = arith.constant 0 : i32
      %dma_start3A_43 = tpu.memref_slice %arg5[%add3A, %dma_start3A_41, %dma_start3A_42] : memref<32x40x125xi32, #tpu.memory_space<hbm>> -> memref<1x40x125xi32, #tpu.memory_space<hbm>>
      %dma_start3A_44 = tpu.memref_squeeze %dma_start3A_43 : memref<1x40x125xi32, #tpu.memory_space<hbm>> -> memref<40x125xi32, #tpu.memory_space<hbm>>
      %dma_start3A_45 = arith.constant 0 : i32
      %dma_start3A_46 = arith.constant 0 : i32
      %dma_start3A_47 = tpu.memref_slice %arg5[%add3A, %dma_start3A_45, %dma_start3A_46] : memref<32x40x125xi32, #tpu.memory_space<hbm>> -> memref<1x40x125xi32, #tpu.memory_space<hbm>>
      %dma_start3A_48 = tpu.memref_squeeze %dma_start3A_47 : memref<1x40x125xi32, #tpu.memory_space<hbm>> -> memref<40x125xi32, #tpu.memory_space<hbm>>
      tpu.enqueue_dma source(%dma_start3A_48 : memref<40x125xi32, #tpu.memory_space<hbm>>) target(%arg9 : memref<40x125xi32, #tpu.memory_space<vmem>>) target_semaphore(%run_scoped3A : memref<!tpu.dma_semaphore, #tpu.memory_space<semaphore_mem>>)
      %dma_wait3A = arith.constant 0 : i32
      %dma_wait3A_49 = arith.constant 0 : i32
      %dma_wait3A_50 = tpu.memref_slice %arg5[%add3A, %dma_wait3A, %dma_wait3A_49] : memref<32x40x125xi32, #tpu.memory_space<hbm>> -> memref<1x40x125xi32, #tpu.memory_space<hbm>>
      %dma_wait3A_51 = tpu.memref_squeeze %dma_wait3A_50 : memref<1x40x125xi32, #tpu.memory_space<hbm>> -> memref<40x125xi32, #tpu.memory_space<hbm>>
      %dma_wait3A_52 = arith.constant 0 : i32
      %dma_wait3A_53 = arith.constant 0 : i32
      %dma_wait3A_54 = tpu.memref_slice %arg5[%add3A, %dma_wait3A_52, %dma_wait3A_53] : memref<32x40x125xi32, #tpu.memory_space<hbm>> -> memref<1x40x125xi32, #tpu.memory_space<hbm>>
      %dma_wait3A_55 = tpu.memref_squeeze %dma_wait3A_54 : memref<1x40x125xi32, #tpu.memory_space<hbm>> -> memref<40x125xi32, #tpu.memory_space<hbm>>
      tpu.wait_dma2 semaphore(%run_scoped3A : memref<!tpu.dma_semaphore, #tpu.memory_space<semaphore_mem>>) src(%dma_wait3A_55 : memref<40x125xi32, #tpu.memory_space<hbm>>) dst(%arg9 : memref<40x125xi32, #tpu.memory_space<vmem>>)
      tpu.yield
    }) : () -> ()
    "tpu.region"() ({
      %run_scoped3A = tpu.sem_alloc : memref<!tpu.dma_semaphore, #tpu.memory_space<semaphore_mem>>
      %dma_start3A_41 = arith.constant 0 : i32
      %dma_start3A_42 = arith.constant 0 : i32
      %dma_start3A_43 = tpu.memref_slice %arg6[%add3A, %dma_start3A_41, %dma_start3A_42] : memref<32x40x125xi32, #tpu.memory_space<hbm>> -> memref<1x40x125xi32, #tpu.memory_space<hbm>>
      %dma_start3A_44 = tpu.memref_squeeze %dma_start3A_43 : memref<1x40x125xi32, #tpu.memory_space<hbm>> -> memref<40x125xi32, #tpu.memory_space<hbm>>
      %dma_start3A_45 = arith.constant 0 : i32
      %dma_start3A_46 = arith.constant 0 : i32
      %dma_start3A_47 = tpu.memref_slice %arg6[%add3A, %dma_start3A_45, %dma_start3A_46] : memref<32x40x125xi32, #tpu.memory_space<hbm>> -> memref<1x40x125xi32, #tpu.memory_space<hbm>>
      %dma_start3A_48 = tpu.memref_squeeze %dma_start3A_47 : memref<1x40x125xi32, #tpu.memory_space<hbm>> -> memref<40x125xi32, #tpu.memory_space<hbm>>
      tpu.enqueue_dma source(%dma_start3A_48 : memref<40x125xi32, #tpu.memory_space<hbm>>) target(%arg10 : memref<40x125xi32, #tpu.memory_space<vmem>>) target_semaphore(%run_scoped3A : memref<!tpu.dma_semaphore, #tpu.memory_space<semaphore_mem>>)
      %dma_wait3A = arith.constant 0 : i32
      %dma_wait3A_49 = arith.constant 0 : i32
      %dma_wait3A_50 = tpu.memref_slice %arg6[%add3A, %dma_wait3A, %dma_wait3A_49] : memref<32x40x125xi32, #tpu.memory_space<hbm>> -> memref<1x40x125xi32, #tpu.memory_space<hbm>>
      %dma_wait3A_51 = tpu.memref_squeeze %dma_wait3A_50 : memref<1x40x125xi32, #tpu.memory_space<hbm>> -> memref<40x125xi32, #tpu.memory_space<hbm>>
      %dma_wait3A_52 = arith.constant 0 : i32
      %dma_wait3A_53 = arith.constant 0 : i32
      %dma_wait3A_54 = tpu.memref_slice %arg6[%add3A, %dma_wait3A_52, %dma_wait3A_53] : memref<32x40x125xi32, #tpu.memory_space<hbm>> -> memref<1x40x125xi32, #tpu.memory_space<hbm>>
      %dma_wait3A_55 = tpu.memref_squeeze %dma_wait3A_54 : memref<1x40x125xi32, #tpu.memory_space<hbm>> -> memref<40x125xi32, #tpu.memory_space<hbm>>
      tpu.wait_dma2 semaphore(%run_scoped3A : memref<!tpu.dma_semaphore, #tpu.memory_space<semaphore_mem>>) src(%dma_wait3A_55 : memref<40x125xi32, #tpu.memory_space<hbm>>) dst(%arg10 : memref<40x125xi32, #tpu.memory_space<vmem>>)
      tpu.yield
    }) : () -> ()
    %lt3A_9 = arith.constant 15 : i32
    %lt3A_10 = arith.cmpi slt, %arg1, %lt3A_9 : i32
    %convert_element_type3A_11 = arith.extui %lt3A_10 : i1 to i32
    %cond3A_12 = arith.constant 0 : i32
    %cond3A_13 = arith.cmpi ne, %convert_element_type3A_11, %cond3A_12 : i32
    scf.if %cond3A_13 {
      %eq3A_41 = arith.constant 0 : i32
      %eq3A_42 = arith.cmpi eq, %arg0, %eq3A_41 : i32
      %convert_element_type3A_43 = arith.extui %eq3A_42 : i1 to i32
      %cond3A_44 = arith.constant 0 : i32
      %cond3A_45 = arith.cmpi ne, %convert_element_type3A_43, %cond3A_44 : i32
      scf.if %cond3A_45 {
        %dma_wait3A = arith.constant 0 : i32
        %dma_wait3A_51 = tpu.memref_slice %arg13[%multiple_of3A, %dma_wait3A] : memref<10000x128xf32, #tpu.memory_space<vmem_shared>> -> memref<624x128xf32, #tpu.memory_space<vmem_shared>>
        %dma_wait3A_52 = arith.constant 0 : i32
        %dma_wait3A_53 = tpu.memref_slice %arg3[%multiple_of3A, %dma_wait3A_52] : memref<10000x128xf32, #tpu.memory_space<hbm>> -> memref<624x128xf32, #tpu.memory_space<hbm>>
        tpu.wait_dma2 semaphore(%arg14 : memref<!tpu.dma_semaphore, #tpu.memory_space<semaphore_mem>>) src(%dma_wait3A_53 : memref<624x128xf32, #tpu.memory_space<hbm>>) dst(%dma_wait3A_51 : memref<624x128xf32, #tpu.memory_space<vmem_shared>>)
      } else {
      }
      %eq3A_46 = arith.constant 1 : i32
      %eq3A_47 = arith.cmpi eq, %arg0, %eq3A_46 : i32
      %convert_element_type3A_48 = arith.extui %eq3A_47 : i1 to i32
      %cond3A_49 = arith.constant 0 : i32
      %cond3A_50 = arith.cmpi ne, %convert_element_type3A_48, %cond3A_49 : i32
      scf.if %cond3A_50 {
        %dma_wait3A = arith.constant 0 : i32
        %dma_wait3A_51 = tpu.memref_slice %arg13[%multiple_of3A, %dma_wait3A] : memref<10000x128xf32, #tpu.memory_space<vmem_shared>> -> memref<624x128xf32, #tpu.memory_space<vmem_shared>>
        %dma_wait3A_52 = arith.constant 0 : i32
        %dma_wait3A_53 = tpu.memref_slice %arg4[%multiple_of3A, %dma_wait3A_52] : memref<10000x128xf32, #tpu.memory_space<hbm>> -> memref<624x128xf32, #tpu.memory_space<hbm>>
        tpu.wait_dma2 semaphore(%arg14 : memref<!tpu.dma_semaphore, #tpu.memory_space<semaphore_mem>>) src(%dma_wait3A_53 : memref<624x128xf32, #tpu.memory_space<hbm>>) dst(%dma_wait3A_51 : memref<624x128xf32, #tpu.memory_space<vmem_shared>>)
      } else {
      }
    } else {
    }
    %eq3A_14 = arith.constant 15 : i32
    %eq3A_15 = arith.cmpi eq, %arg1, %eq3A_14 : i32
    %convert_element_type3A_16 = arith.extui %eq3A_15 : i1 to i32
    %cond3A_17 = arith.constant 0 : i32
    %cond3A_18 = arith.cmpi ne, %convert_element_type3A_16, %cond3A_17 : i32
    scf.if %cond3A_18 {
      %eq3A_41 = arith.constant 0 : i32
      %eq3A_42 = arith.cmpi eq, %arg0, %eq3A_41 : i32
      %convert_element_type3A_43 = arith.extui %eq3A_42 : i1 to i32
      %cond3A_44 = arith.constant 0 : i32
      %cond3A_45 = arith.cmpi ne, %convert_element_type3A_43, %cond3A_44 : i32
      scf.if %cond3A_45 {
        %dma_wait3A = arith.constant 9360 : i32
        %dma_wait3A_51 = arith.constant 0 : i32
        %dma_wait3A_52 = tpu.memref_slice %arg13[%dma_wait3A, %dma_wait3A_51] : memref<10000x128xf32, #tpu.memory_space<vmem_shared>> -> memref<640x128xf32, #tpu.memory_space<vmem_shared>>
        %dma_wait3A_53 = arith.constant 9360 : i32
        %dma_wait3A_54 = arith.constant 0 : i32
        %dma_wait3A_55 = tpu.memref_slice %arg3[%dma_wait3A_53, %dma_wait3A_54] : memref<10000x128xf32, #tpu.memory_space<hbm>> -> memref<640x128xf32, #tpu.memory_space<hbm>>
        tpu.wait_dma2 semaphore(%arg14 : memref<!tpu.dma_semaphore, #tpu.memory_space<semaphore_mem>>) src(%dma_wait3A_55 : memref<640x128xf32, #tpu.memory_space<hbm>>) dst(%dma_wait3A_52 : memref<640x128xf32, #tpu.memory_space<vmem_shared>>)
      } else {
      }
      %eq3A_46 = arith.constant 1 : i32
      %eq3A_47 = arith.cmpi eq, %arg0, %eq3A_46 : i32
      %convert_element_type3A_48 = arith.extui %eq3A_47 : i1 to i32
      %cond3A_49 = arith.constant 0 : i32
      %cond3A_50 = arith.cmpi ne, %convert_element_type3A_48, %cond3A_49 : i32
      scf.if %cond3A_50 {
        %dma_wait3A = arith.constant 9360 : i32
        %dma_wait3A_51 = arith.constant 0 : i32
        %dma_wait3A_52 = tpu.memref_slice %arg13[%dma_wait3A, %dma_wait3A_51] : memref<10000x128xf32, #tpu.memory_space<vmem_shared>> -> memref<640x128xf32, #tpu.memory_space<vmem_shared>>
        %dma_wait3A_53 = arith.constant 9360 : i32
        %dma_wait3A_54 = arith.constant 0 : i32
        %dma_wait3A_55 = tpu.memref_slice %arg4[%dma_wait3A_53, %dma_wait3A_54] : memref<10000x128xf32, #tpu.memory_space<hbm>> -> memref<640x128xf32, #tpu.memory_space<hbm>>
        tpu.wait_dma2 semaphore(%arg14 : memref<!tpu.dma_semaphore, #tpu.memory_space<semaphore_mem>>) src(%dma_wait3A_55 : memref<640x128xf32, #tpu.memory_space<hbm>>) dst(%dma_wait3A_52 : memref<640x128xf32, #tpu.memory_space<vmem_shared>>)
      } else {
      }
    } else {
    }
    %barrier3A = arith.constant 0 : index
    tpu.barrier barrier_id(%barrier3A)
    %dma_start3A = arith.constant 0 : i32
    %dma_start3A_19 = arith.constant 0 : i32
    %dma_start3A_20 = tpu.memref_slice %arg9[%dma_start3A, %dma_start3A_19] : memref<40x125xi32, #tpu.memory_space<vmem>> -> memref<1x125xi32, #tpu.memory_space<vmem>>
    %dma_start3A_21 = tpu.memref_squeeze %dma_start3A_20 : memref<1x125xi32, #tpu.memory_space<vmem>> -> memref<125xi32, #tpu.memory_space<vmem>>
    %dma_start3A_22 = arith.constant 0 : i32
    %dma_start3A_23 = arith.constant 0 : i32
    %dma_start3A_24 = tpu.memref_slice %arg2[%dma_start3A_22, %dma_start3A_23] : memref<10000x128xf32, #tpu.memory_space<hbm>> -> memref<10000x128xf32, #tpu.memory_space<hbm>>
    tpu.enqueue_indirect_dma source(%dma_start3A_24 : memref<10000x128xf32, #tpu.memory_space<hbm>>) target(%arg11 : memref<125x128xf32, #tpu.memory_space<vmem>>) offsets(%dma_start3A_21 : memref<125xi32, #tpu.memory_space<vmem>>) semaphore(%arg14 : memref<!tpu.dma_semaphore, #tpu.memory_space<semaphore_mem>>)
    %scan3A = arith.constant 0 : i32
    %scan3A_25 = arith.constant 0 : i32
    %scan3A_26 = arith.constant 20 : i32
    %scan3A_27 = arith.addi %scan3A_25, %scan3A_26 : i32
    %scan3A_28 = arith.constant 1 : i32
    scf.for %scan3A_41 = %scan3A_25 to %scan3A_27 step %scan3A_28  : i32 {
      %mul3A_42 = arith.constant 2 : i32
      %mul3A_43 = arith.muli %mul3A_42, %scan3A_41 : i32
      %add3A_44 = arith.constant 1 : i32
      %add3A_45 = arith.addi %mul3A_43, %add3A_44 : i32
      %dma_start3A_46 = arith.constant 0 : i32
      %dma_start3A_47 = tpu.memref_slice %arg9[%add3A_45, %dma_start3A_46] : memref<40x125xi32, #tpu.memory_space<vmem>> -> memref<1x125xi32, #tpu.memory_space<vmem>>
      %dma_start3A_48 = tpu.memref_squeeze %dma_start3A_47 : memref<1x125xi32, #tpu.memory_space<vmem>> -> memref<125xi32, #tpu.memory_space<vmem>>
      %dma_start3A_49 = arith.constant 0 : i32
      %dma_start3A_50 = arith.constant 0 : i32
      %dma_start3A_51 = tpu.memref_slice %arg2[%dma_start3A_49, %dma_start3A_50] : memref<10000x128xf32, #tpu.memory_space<hbm>> -> memref<10000x128xf32, #tpu.memory_space<hbm>>
      tpu.enqueue_indirect_dma source(%dma_start3A_51 : memref<10000x128xf32, #tpu.memory_space<hbm>>) target(%arg12 : memref<125x128xf32, #tpu.memory_space<vmem>>) offsets(%dma_start3A_48 : memref<125xi32, #tpu.memory_space<vmem>>) semaphore(%arg15 : memref<!tpu.dma_semaphore, #tpu.memory_space<semaphore_mem>>)
      %dma_wait3A = arith.constant 0 : i32
      %dma_wait3A_52 = arith.constant 0 : i32
      %dma_wait3A_53 = tpu.memref_slice %arg9[%dma_wait3A, %dma_wait3A_52] : memref<40x125xi32, #tpu.memory_space<vmem>> -> memref<1x125xi32, #tpu.memory_space<vmem>>
      %dma_wait3A_54 = tpu.memref_squeeze %dma_wait3A_53 : memref<1x125xi32, #tpu.memory_space<vmem>> -> memref<125xi32, #tpu.memory_space<vmem>>
      %dma_wait3A_55 = arith.constant 0 : i32
      %dma_wait3A_56 = arith.constant 0 : i32
      %dma_wait3A_57 = tpu.memref_slice %arg2[%dma_wait3A_55, %dma_wait3A_56] : memref<10000x128xf32, #tpu.memory_space<hbm>> -> memref<10000x128xf32, #tpu.memory_space<hbm>>
      tpu.wait_indirect_dma semaphore(%arg14 : memref<!tpu.dma_semaphore, #tpu.memory_space<semaphore_mem>>) src(%dma_wait3A_57 : memref<10000x128xf32, #tpu.memory_space<hbm>>) dst(%arg11 : memref<125x128xf32, #tpu.memory_space<vmem>>)
      "tpu.region"() ({
        %run_scoped3A = tpu.sem_alloc : memref<!tpu.dma_semaphore, #tpu.memory_space<semaphore_mem>>
        %dma_start3A_72 = arith.constant 0 : i32
        %dma_start3A_73 = tpu.memref_slice %arg10[%mul3A_43, %dma_start3A_72] : memref<40x125xi32, #tpu.memory_space<vmem>> -> memref<1x125xi32, #tpu.memory_space<vmem>>
        %dma_start3A_74 = tpu.memref_squeeze %dma_start3A_73 : memref<1x125xi32, #tpu.memory_space<vmem>> -> memref<125xi32, #tpu.memory_space<vmem>>
        %dma_start3A_75 = arith.constant 0 : i32
        %dma_start3A_76 = arith.constant 0 : i32
        %dma_start3A_77 = tpu.memref_slice %arg13[%dma_start3A_75, %dma_start3A_76] : memref<10000x128xf32, #tpu.memory_space<vmem_shared>> -> memref<10000x128xf32, #tpu.memory_space<vmem_shared>>
        tpu.enqueue_indirect_dma source(%arg11 : memref<125x128xf32, #tpu.memory_space<vmem>>) target(%dma_start3A_77 : memref<10000x128xf32, #tpu.memory_space<vmem_shared>>) offsets(%dma_start3A_74 : memref<125xi32, #tpu.memory_space<vmem>>) semaphore(%run_scoped3A : memref<!tpu.dma_semaphore, #tpu.memory_space<semaphore_mem>>) {add = true}
        %dma_wait3A_78 = arith.constant 0 : i32
        %dma_wait3A_79 = tpu.memref_slice %arg10[%mul3A_43, %dma_wait3A_78] : memref<40x125xi32, #tpu.memory_space<vmem>> -> memref<1x125xi32, #tpu.memory_space<vmem>>
        %dma_wait3A_80 = tpu.memref_squeeze %dma_wait3A_79 : memref<1x125xi32, #tpu.memory_space<vmem>> -> memref<125xi32, #tpu.memory_space<vmem>>
        %dma_wait3A_81 = arith.constant 0 : i32
        %dma_wait3A_82 = arith.constant 0 : i32
        %dma_wait3A_83 = tpu.memref_slice %arg13[%dma_wait3A_81, %dma_wait3A_82] : memref<10000x128xf32, #tpu.memory_space<vmem_shared>> -> memref<10000x128xf32, #tpu.memory_space<vmem_shared>>
        tpu.wait_indirect_dma semaphore(%run_scoped3A : memref<!tpu.dma_semaphore, #tpu.memory_space<semaphore_mem>>) src(%arg11 : memref<125x128xf32, #tpu.memory_space<vmem>>) dst(%dma_wait3A_83 : memref<10000x128xf32, #tpu.memory_space<vmem_shared>>)
        tpu.yield
      }) : () -> ()
      %lt3A_58 = arith.constant 19 : i32
      %lt3A_59 = arith.cmpi slt, %scan3A_41, %lt3A_58 : i32
      %convert_element_type3A_60 = arith.extui %lt3A_59 : i1 to i32
      %cond3A_61 = arith.constant 0 : i32
      %cond3A_62 = arith.cmpi ne, %convert_element_type3A_60, %cond3A_61 : i32
      scf.if %cond3A_62 {
        %add3A_72 = arith.constant 2 : i32
        %add3A_73 = arith.addi %mul3A_43, %add3A_72 : i32
        %dma_start3A_74 = arith.constant 0 : i32
        %dma_start3A_75 = tpu.memref_slice %arg9[%add3A_73, %dma_start3A_74] : memref<40x125xi32, #tpu.memory_space<vmem>> -> memref<1x125xi32, #tpu.memory_space<vmem>>
        %dma_start3A_76 = tpu.memref_squeeze %dma_start3A_75 : memref<1x125xi32, #tpu.memory_space<vmem>> -> memref<125xi32, #tpu.memory_space<vmem>>
        %dma_start3A_77 = arith.constant 0 : i32
        %dma_start3A_78 = arith.constant 0 : i32
        %dma_start3A_79 = tpu.memref_slice %arg2[%dma_start3A_77, %dma_start3A_78] : memref<10000x128xf32, #tpu.memory_space<hbm>> -> memref<10000x128xf32, #tpu.memory_space<hbm>>
        tpu.enqueue_indirect_dma source(%dma_start3A_79 : memref<10000x128xf32, #tpu.memory_space<hbm>>) target(%arg11 : memref<125x128xf32, #tpu.memory_space<vmem>>) offsets(%dma_start3A_76 : memref<125xi32, #tpu.memory_space<vmem>>) semaphore(%arg14 : memref<!tpu.dma_semaphore, #tpu.memory_space<semaphore_mem>>)
      } else {
      }
      %dma_wait3A_63 = arith.constant 0 : i32
      %dma_wait3A_64 = arith.constant 0 : i32
      %dma_wait3A_65 = tpu.memref_slice %arg9[%dma_wait3A_63, %dma_wait3A_64] : memref<40x125xi32, #tpu.memory_space<vmem>> -> memref<1x125xi32, #tpu.memory_space<vmem>>
      %dma_wait3A_66 = tpu.memref_squeeze %dma_wait3A_65 : memref<1x125xi32, #tpu.memory_space<vmem>> -> memref<125xi32, #tpu.memory_space<vmem>>
      %dma_wait3A_67 = arith.constant 0 : i32
      %dma_wait3A_68 = arith.constant 0 : i32
      %dma_wait3A_69 = tpu.memref_slice %arg2[%dma_wait3A_67, %dma_wait3A_68] : memref<10000x128xf32, #tpu.memory_space<hbm>> -> memref<10000x128xf32, #tpu.memory_space<hbm>>
      tpu.wait_indirect_dma semaphore(%arg15 : memref<!tpu.dma_semaphore, #tpu.memory_space<semaphore_mem>>) src(%dma_wait3A_69 : memref<10000x128xf32, #tpu.memory_space<hbm>>) dst(%arg12 : memref<125x128xf32, #tpu.memory_space<vmem>>)
      %add3A_70 = arith.constant 1 : i32
      %add3A_71 = arith.addi %mul3A_43, %add3A_70 : i32
      "tpu.region"() ({
        %run_scoped3A = tpu.sem_alloc : memref<!tpu.dma_semaphore, #tpu.memory_space<semaphore_mem>>
        %dma_start3A_72 = arith.constant 0 : i32
        %dma_start3A_73 = tpu.memref_slice %arg10[%add3A_71, %dma_start3A_72] : memref<40x125xi32, #tpu.memory_space<vmem>> -> memref<1x125xi32, #tpu.memory_space<vmem>>
        %dma_start3A_74 = tpu.memref_squeeze %dma_start3A_73 : memref<1x125xi32, #tpu.memory_space<vmem>> -> memref<125xi32, #tpu.memory_space<vmem>>
        %dma_start3A_75 = arith.constant 0 : i32
        %dma_start3A_76 = arith.constant 0 : i32
        %dma_start3A_77 = tpu.memref_slice %arg13[%dma_start3A_75, %dma_start3A_76] : memref<10000x128xf32, #tpu.memory_space<vmem_shared>> -> memref<10000x128xf32, #tpu.memory_space<vmem_shared>>
        tpu.enqueue_indirect_dma source(%arg12 : memref<125x128xf32, #tpu.memory_space<vmem>>) target(%dma_start3A_77 : memref<10000x128xf32, #tpu.memory_space<vmem_shared>>) offsets(%dma_start3A_74 : memref<125xi32, #tpu.memory_space<vmem>>) semaphore(%run_scoped3A : memref<!tpu.dma_semaphore, #tpu.memory_space<semaphore_mem>>) {add = true}
        %dma_wait3A_78 = arith.constant 0 : i32
        %dma_wait3A_79 = tpu.memref_slice %arg10[%add3A_71, %dma_wait3A_78] : memref<40x125xi32, #tpu.memory_space<vmem>> -> memref<1x125xi32, #tpu.memory_space<vmem>>
        %dma_wait3A_80 = tpu.memref_squeeze %dma_wait3A_79 : memref<1x125xi32, #tpu.memory_space<vmem>> -> memref<125xi32, #tpu.memory_space<vmem>>
        %dma_wait3A_81 = arith.constant 0 : i32
        %dma_wait3A_82 = arith.constant 0 : i32
        %dma_wait3A_83 = tpu.memref_slice %arg13[%dma_wait3A_81, %dma_wait3A_82] : memref<10000x128xf32, #tpu.memory_space<vmem_shared>> -> memref<10000x128xf32, #tpu.memory_space<vmem_shared>>
        tpu.wait_indirect_dma semaphore(%run_scoped3A : memref<!tpu.dma_semaphore, #tpu.memory_space<semaphore_mem>>) src(%arg12 : memref<125x128xf32, #tpu.memory_space<vmem>>) dst(%dma_wait3A_83 : memref<10000x128xf32, #tpu.memory_space<vmem_shared>>)
        tpu.yield
      }) : () -> ()
    }
    %scan3A_29 = arith.constant 20 : i32
    %barrier3A_30 = arith.constant 0 : index
    tpu.barrier barrier_id(%barrier3A_30)
    %lt3A_31 = arith.constant 15 : i32
    %lt3A_32 = arith.cmpi slt, %arg1, %lt3A_31 : i32
    %convert_element_type3A_33 = arith.extui %lt3A_32 : i1 to i32
    %cond3A_34 = arith.constant 0 : i32
    %cond3A_35 = arith.cmpi ne, %convert_element_type3A_33, %cond3A_34 : i32
    scf.if %cond3A_35 {
      %eq3A_41 = arith.constant 0 : i32
      %eq3A_42 = arith.cmpi eq, %arg0, %eq3A_41 : i32
      %convert_element_type3A_43 = arith.extui %eq3A_42 : i1 to i32
      %cond3A_44 = arith.constant 0 : i32
      %cond3A_45 = arith.cmpi ne, %convert_element_type3A_43, %cond3A_44 : i32
      scf.if %cond3A_45 {
        "tpu.region"() ({
          %run_scoped3A = tpu.sem_alloc : memref<!tpu.dma_semaphore, #tpu.memory_space<semaphore_mem>>
          %dma_start3A_51 = arith.constant 0 : i32
          %dma_start3A_52 = tpu.memref_slice %arg7[%multiple_of3A, %dma_start3A_51] : memref<10000x128xf32, #tpu.memory_space<hbm>> -> memref<624x128xf32, #tpu.memory_space<hbm>>
          %dma_start3A_53 = arith.constant 0 : i32
          %dma_start3A_54 = tpu.memref_slice %arg13[%multiple_of3A, %dma_start3A_53] : memref<10000x128xf32, #tpu.memory_space<vmem_shared>> -> memref<624x128xf32, #tpu.memory_space<vmem_shared>>
          tpu.enqueue_dma source(%dma_start3A_54 : memref<624x128xf32, #tpu.memory_space<vmem_shared>>) target(%dma_start3A_52 : memref<624x128xf32, #tpu.memory_space<hbm>>) target_semaphore(%run_scoped3A : memref<!tpu.dma_semaphore, #tpu.memory_space<semaphore_mem>>)
          %dma_wait3A = arith.constant 0 : i32
          %dma_wait3A_55 = tpu.memref_slice %arg7[%multiple_of3A, %dma_wait3A] : memref<10000x128xf32, #tpu.memory_space<hbm>> -> memref<624x128xf32, #tpu.memory_space<hbm>>
          %dma_wait3A_56 = arith.constant 0 : i32
          %dma_wait3A_57 = tpu.memref_slice %arg13[%multiple_of3A, %dma_wait3A_56] : memref<10000x128xf32, #tpu.memory_space<vmem_shared>> -> memref<624x128xf32, #tpu.memory_space<vmem_shared>>
          tpu.wait_dma2 semaphore(%run_scoped3A : memref<!tpu.dma_semaphore, #tpu.memory_space<semaphore_mem>>) src(%dma_wait3A_57 : memref<624x128xf32, #tpu.memory_space<vmem_shared>>) dst(%dma_wait3A_55 : memref<624x128xf32, #tpu.memory_space<hbm>>)
          tpu.yield
        }) : () -> ()
      } else {
      }
      %eq3A_46 = arith.constant 1 : i32
      %eq3A_47 = arith.cmpi eq, %arg0, %eq3A_46 : i32
      %convert_element_type3A_48 = arith.extui %eq3A_47 : i1 to i32
      %cond3A_49 = arith.constant 0 : i32
      %cond3A_50 = arith.cmpi ne, %convert_element_type3A_48, %cond3A_49 : i32
      scf.if %cond3A_50 {
        "tpu.region"() ({
          %run_scoped3A = tpu.sem_alloc : memref<!tpu.dma_semaphore, #tpu.memory_space<semaphore_mem>>
          %dma_start3A_51 = arith.constant 0 : i32
          %dma_start3A_52 = tpu.memref_slice %arg8[%multiple_of3A, %dma_start3A_51] : memref<10000x128xf32, #tpu.memory_space<hbm>> -> memref<624x128xf32, #tpu.memory_space<hbm>>
          %dma_start3A_53 = arith.constant 0 : i32
          %dma_start3A_54 = tpu.memref_slice %arg13[%multiple_of3A, %dma_start3A_53] : memref<10000x128xf32, #tpu.memory_space<vmem_shared>> -> memref<624x128xf32, #tpu.memory_space<vmem_shared>>
          tpu.enqueue_dma source(%dma_start3A_54 : memref<624x128xf32, #tpu.memory_space<vmem_shared>>) target(%dma_start3A_52 : memref<624x128xf32, #tpu.memory_space<hbm>>) target_semaphore(%run_scoped3A : memref<!tpu.dma_semaphore, #tpu.memory_space<semaphore_mem>>)
          %dma_wait3A = arith.constant 0 : i32
          %dma_wait3A_55 = tpu.memref_slice %arg8[%multiple_of3A, %dma_wait3A] : memref<10000x128xf32, #tpu.memory_space<hbm>> -> memref<624x128xf32, #tpu.memory_space<hbm>>
          %dma_wait3A_56 = arith.constant 0 : i32
          %dma_wait3A_57 = tpu.memref_slice %arg13[%multiple_of3A, %dma_wait3A_56] : memref<10000x128xf32, #tpu.memory_space<vmem_shared>> -> memref<624x128xf32, #tpu.memory_space<vmem_shared>>
          tpu.wait_dma2 semaphore(%run_scoped3A : memref<!tpu.dma_semaphore, #tpu.memory_space<semaphore_mem>>) src(%dma_wait3A_57 : memref<624x128xf32, #tpu.memory_space<vmem_shared>>) dst(%dma_wait3A_55 : memref<624x128xf32, #tpu.memory_space<hbm>>)
          tpu.yield
        }) : () -> ()
      } else {
      }
    } else {
    }
    %eq3A_36 = arith.constant 15 : i32
    %eq3A_37 = arith.cmpi eq, %arg1, %eq3A_36 : i32
    %convert_element_type3A_38 = arith.extui %eq3A_37 : i1 to i32
    %cond3A_39 = arith.constant 0 : i32
    %cond3A_40 = arith.cmpi ne, %convert_element_type3A_38, %cond3A_39 : i32
    scf.if %cond3A_40 {
      %eq3A_41 = arith.constant 0 : i32
      %eq3A_42 = arith.cmpi eq, %arg0, %eq3A_41 : i32
      %convert_element_type3A_43 = arith.extui %eq3A_42 : i1 to i32
      %cond3A_44 = arith.constant 0 : i32
      %cond3A_45 = arith.cmpi ne, %convert_element_type3A_43, %cond3A_44 : i32
      scf.if %cond3A_45 {
        "tpu.region"() ({
          %run_scoped3A = tpu.sem_alloc : memref<!tpu.dma_semaphore, #tpu.memory_space<semaphore_mem>>
          %dma_start3A_51 = arith.constant 9360 : i32
          %dma_start3A_52 = arith.constant 0 : i32
          %dma_start3A_53 = tpu.memref_slice %arg7[%dma_start3A_51, %dma_start3A_52] : memref<10000x128xf32, #tpu.memory_space<hbm>> -> memref<640x128xf32, #tpu.memory_space<hbm>>
          %dma_start3A_54 = arith.constant 9360 : i32
          %dma_start3A_55 = arith.constant 0 : i32
          %dma_start3A_56 = tpu.memref_slice %arg13[%dma_start3A_54, %dma_start3A_55] : memref<10000x128xf32, #tpu.memory_space<vmem_shared>> -> memref<640x128xf32, #tpu.memory_space<vmem_shared>>
          tpu.enqueue_dma source(%dma_start3A_56 : memref<640x128xf32, #tpu.memory_space<vmem_shared>>) target(%dma_start3A_53 : memref<640x128xf32, #tpu.memory_space<hbm>>) target_semaphore(%run_scoped3A : memref<!tpu.dma_semaphore, #tpu.memory_space<semaphore_mem>>)
          %dma_wait3A = arith.constant 9360 : i32
          %dma_wait3A_57 = arith.constant 0 : i32
          %dma_wait3A_58 = tpu.memref_slice %arg7[%dma_wait3A, %dma_wait3A_57] : memref<10000x128xf32, #tpu.memory_space<hbm>> -> memref<640x128xf32, #tpu.memory_space<hbm>>
          %dma_wait3A_59 = arith.constant 9360 : i32
          %dma_wait3A_60 = arith.constant 0 : i32
          %dma_wait3A_61 = tpu.memref_slice %arg13[%dma_wait3A_59, %dma_wait3A_60] : memref<10000x128xf32, #tpu.memory_space<vmem_shared>> -> memref<640x128xf32, #tpu.memory_space<vmem_shared>>
          tpu.wait_dma2 semaphore(%run_scoped3A : memref<!tpu.dma_semaphore, #tpu.memory_space<semaphore_mem>>) src(%dma_wait3A_61 : memref<640x128xf32, #tpu.memory_space<vmem_shared>>) dst(%dma_wait3A_58 : memref<640x128xf32, #tpu.memory_space<hbm>>)
          tpu.yield
        }) : () -> ()
      } else {
      }
      %eq3A_46 = arith.constant 1 : i32
      %eq3A_47 = arith.cmpi eq, %arg0, %eq3A_46 : i32
      %convert_element_type3A_48 = arith.extui %eq3A_47 : i1 to i32
      %cond3A_49 = arith.constant 0 : i32
      %cond3A_50 = arith.cmpi ne, %convert_element_type3A_48, %cond3A_49 : i32
      scf.if %cond3A_50 {
        "tpu.region"() ({
          %run_scoped3A = tpu.sem_alloc : memref<!tpu.dma_semaphore, #tpu.memory_space<semaphore_mem>>
          %dma_start3A_51 = arith.constant 9360 : i32
          %dma_start3A_52 = arith.constant 0 : i32
          %dma_start3A_53 = tpu.memref_slice %arg8[%dma_start3A_51, %dma_start3A_52] : memref<10000x128xf32, #tpu.memory_space<hbm>> -> memref<640x128xf32, #tpu.memory_space<hbm>>
          %dma_start3A_54 = arith.constant 9360 : i32
          %dma_start3A_55 = arith.constant 0 : i32
          %dma_start3A_56 = tpu.memref_slice %arg13[%dma_start3A_54, %dma_start3A_55] : memref<10000x128xf32, #tpu.memory_space<vmem_shared>> -> memref<640x128xf32, #tpu.memory_space<vmem_shared>>
          tpu.enqueue_dma source(%dma_start3A_56 : memref<640x128xf32, #tpu.memory_space<vmem_shared>>) target(%dma_start3A_53 : memref<640x128xf32, #tpu.memory_space<hbm>>) target_semaphore(%run_scoped3A : memref<!tpu.dma_semaphore, #tpu.memory_space<semaphore_mem>>)
          %dma_wait3A = arith.constant 9360 : i32
          %dma_wait3A_57 = arith.constant 0 : i32
          %dma_wait3A_58 = tpu.memref_slice %arg8[%dma_wait3A, %dma_wait3A_57] : memref<10000x128xf32, #tpu.memory_space<hbm>> -> memref<640x128xf32, #tpu.memory_space<hbm>>
          %dma_wait3A_59 = arith.constant 9360 : i32
          %dma_wait3A_60 = arith.constant 0 : i32
          %dma_wait3A_61 = tpu.memref_slice %arg13[%dma_wait3A_59, %dma_wait3A_60] : memref<10000x128xf32, #tpu.memory_space<vmem_shared>> -> memref<640x128xf32, #tpu.memory_space<vmem_shared>>
          tpu.wait_dma2 semaphore(%run_scoped3A : memref<!tpu.dma_semaphore, #tpu.memory_space<semaphore_mem>>) src(%dma_wait3A_61 : memref<640x128xf32, #tpu.memory_space<vmem_shared>>) dst(%dma_wait3A_58 : memref<640x128xf32, #tpu.memory_space<hbm>>)
          tpu.yield
        }) : () -> ()
      } else {
      }
    } else {
    }
    return
  }
}

#map = affine_map<(d0, d1) -> (0, 0)>
#map1 = affine_map<(d0, d1) -> (0, 0, 0, 0)>
module attributes {stable_mosaic.version = 14 : i64} {
  func.func @sc(%arg0: i32, %arg1: i32, %arg2: memref<10000x128xf32, #tpu.memory_space<hbm>>, %arg3: memref<10000x128xf32, #tpu.memory_space<hbm>>, %arg4: memref<10000x128xf32, #tpu.memory_space<hbm>>, %arg5: memref<10000x128xf32, #tpu.memory_space<hbm>>, %arg6: memref<16x2x40x125xi32, #tpu.memory_space<hbm>>, %arg7: memref<16x2x40x125xi32, #tpu.memory_space<hbm>>, %arg8: memref<10000x128xf32, #tpu.memory_space<hbm>>, %arg9: memref<10000x128xf32, #tpu.memory_space<hbm>>, %arg10: memref<40x125xi32, #tpu.memory_space<vmem>>, %arg11: memref<40x125xi32, #tpu.memory_space<vmem>>, %arg12: memref<125x128xf32, #tpu.memory_space<vmem>>, %arg13: memref<125x128xf32, #tpu.memory_space<vmem>>, %arg14: memref<10000x128xf32, #tpu.memory_space<vmem_shared>>, %arg15: memref<!tpu.dma_semaphore, #tpu.memory_space<semaphore_mem>>, %arg16: memref<!tpu.dma_semaphore, #tpu.memory_space<semaphore_mem>>) attributes {dimension_semantics = [#tpu.dimension_semantics<core_parallel>, #tpu.dimension_semantics<subcore_parallel>], iteration_bounds = array<i64: 2, 16>, scalar_prefetch = 0 : i64, scratch_operands = 7 : i64, tpu.core_type = #tpu.core_type<sc_vector_subcore>, window_params = [{transform_indices = #map}, {transform_indices = #map}, {transform_indices = #map}, {transform_indices = #map}, {transform_indices = #map1}, {transform_indices = #map1}, {transform_indices = #map}, {transform_indices = #map}]} {
    %mul3A = arith.constant 624 : i32
    %mul3A_0 = arith.muli %arg1, %mul3A : i32
    %multiple_of3A = tpu.assume_multiple %mul3A_0, 8 : i32
    %lt3A = arith.constant 15 : i32
    %lt3A_1 = arith.cmpi slt, %arg1, %lt3A : i32
    %convert_element_type3A = arith.extui %lt3A_1 : i1 to i32
    %cond3A = arith.constant 0 : i32
    %cond3A_2 = arith.cmpi ne, %convert_element_type3A, %cond3A : i32
    scf.if %cond3A_2 {
      %eq3A_51 = arith.constant 0 : i32
      %eq3A_52 = arith.cmpi eq, %arg0, %eq3A_51 : i32
      %convert_element_type3A_53 = arith.extui %eq3A_52 : i1 to i32
      %cond3A_54 = arith.constant 0 : i32
      %cond3A_55 = arith.cmpi ne, %convert_element_type3A_53, %cond3A_54 : i32
      scf.if %cond3A_55 {
        %dma_start3A = arith.constant 0 : i32
        %dma_start3A_61 = tpu.memref_slice %arg14[%multiple_of3A, %dma_start3A] : memref<10000x128xf32, #tpu.memory_space<vmem_shared>> -> memref<624x128xf32, #tpu.memory_space<vmem_shared>>
        %dma_start3A_62 = arith.constant 0 : i32
        %dma_start3A_63 = tpu.memref_slice %arg4[%multiple_of3A, %dma_start3A_62] : memref<10000x128xf32, #tpu.memory_space<hbm>> -> memref<624x128xf32, #tpu.memory_space<hbm>>
        tpu.enqueue_dma source(%dma_start3A_63 : memref<624x128xf32, #tpu.memory_space<hbm>>) target(%dma_start3A_61 : memref<624x128xf32, #tpu.memory_space<vmem_shared>>) target_semaphore(%arg15 : memref<!tpu.dma_semaphore, #tpu.memory_space<semaphore_mem>>)
      } else {
      }
      %eq3A_56 = arith.constant 1 : i32
      %eq3A_57 = arith.cmpi eq, %arg0, %eq3A_56 : i32
      %convert_element_type3A_58 = arith.extui %eq3A_57 : i1 to i32
      %cond3A_59 = arith.constant 0 : i32
      %cond3A_60 = arith.cmpi ne, %convert_element_type3A_58, %cond3A_59 : i32
      scf.if %cond3A_60 {
        %dma_start3A = arith.constant 0 : i32
        %dma_start3A_61 = tpu.memref_slice %arg14[%multiple_of3A, %dma_start3A] : memref<10000x128xf32, #tpu.memory_space<vmem_shared>> -> memref<624x128xf32, #tpu.memory_space<vmem_shared>>
        %dma_start3A_62 = arith.constant 0 : i32
        %dma_start3A_63 = tpu.memref_slice %arg5[%multiple_of3A, %dma_start3A_62] : memref<10000x128xf32, #tpu.memory_space<hbm>> -> memref<624x128xf32, #tpu.memory_space<hbm>>
        tpu.enqueue_dma source(%dma_start3A_63 : memref<624x128xf32, #tpu.memory_space<hbm>>) target(%dma_start3A_61 : memref<624x128xf32, #tpu.memory_space<vmem_shared>>) target_semaphore(%arg15 : memref<!tpu.dma_semaphore, #tpu.memory_space<semaphore_mem>>)
      } else {
      }
    } else {
    }
    %eq3A = arith.constant 15 : i32
    %eq3A_3 = arith.cmpi eq, %arg1, %eq3A : i32
    %convert_element_type3A_4 = arith.extui %eq3A_3 : i1 to i32
    %cond3A_5 = arith.constant 0 : i32
    %cond3A_6 = arith.cmpi ne, %convert_element_type3A_4, %cond3A_5 : i32
    scf.if %cond3A_6 {
      %eq3A_51 = arith.constant 0 : i32
      %eq3A_52 = arith.cmpi eq, %arg0, %eq3A_51 : i32
      %convert_element_type3A_53 = arith.extui %eq3A_52 : i1 to i32
      %cond3A_54 = arith.constant 0 : i32
      %cond3A_55 = arith.cmpi ne, %convert_element_type3A_53, %cond3A_54 : i32
      scf.if %cond3A_55 {
        %dma_start3A = arith.constant 9360 : i32
        %dma_start3A_61 = arith.constant 0 : i32
        %dma_start3A_62 = tpu.memref_slice %arg14[%dma_start3A, %dma_start3A_61] : memref<10000x128xf32, #tpu.memory_space<vmem_shared>> -> memref<640x128xf32, #tpu.memory_space<vmem_shared>>
        %dma_start3A_63 = arith.constant 9360 : i32
        %dma_start3A_64 = arith.constant 0 : i32
        %dma_start3A_65 = tpu.memref_slice %arg4[%dma_start3A_63, %dma_start3A_64] : memref<10000x128xf32, #tpu.memory_space<hbm>> -> memref<640x128xf32, #tpu.memory_space<hbm>>
        tpu.enqueue_dma source(%dma_start3A_65 : memref<640x128xf32, #tpu.memory_space<hbm>>) target(%dma_start3A_62 : memref<640x128xf32, #tpu.memory_space<vmem_shared>>) target_semaphore(%arg15 : memref<!tpu.dma_semaphore, #tpu.memory_space<semaphore_mem>>)
      } else {
      }
      %eq3A_56 = arith.constant 1 : i32
      %eq3A_57 = arith.cmpi eq, %arg0, %eq3A_56 : i32
      %convert_element_type3A_58 = arith.extui %eq3A_57 : i1 to i32
      %cond3A_59 = arith.constant 0 : i32
      %cond3A_60 = arith.cmpi ne, %convert_element_type3A_58, %cond3A_59 : i32
      scf.if %cond3A_60 {
        %dma_start3A = arith.constant 9360 : i32
        %dma_start3A_61 = arith.constant 0 : i32
        %dma_start3A_62 = tpu.memref_slice %arg14[%dma_start3A, %dma_start3A_61] : memref<10000x128xf32, #tpu.memory_space<vmem_shared>> -> memref<640x128xf32, #tpu.memory_space<vmem_shared>>
        %dma_start3A_63 = arith.constant 9360 : i32
        %dma_start3A_64 = arith.constant 0 : i32
        %dma_start3A_65 = tpu.memref_slice %arg5[%dma_start3A_63, %dma_start3A_64] : memref<10000x128xf32, #tpu.memory_space<hbm>> -> memref<640x128xf32, #tpu.memory_space<hbm>>
        tpu.enqueue_dma source(%dma_start3A_65 : memref<640x128xf32, #tpu.memory_space<hbm>>) target(%dma_start3A_62 : memref<640x128xf32, #tpu.memory_space<vmem_shared>>) target_semaphore(%arg15 : memref<!tpu.dma_semaphore, #tpu.memory_space<semaphore_mem>>)
      } else {
      }
    } else {
    }
    %run_scoped3A = arith.constant 0 : i32
    "tpu.region"() ({
      %run_scoped3A_51 = tpu.sem_alloc : memref<!tpu.dma_semaphore, #tpu.memory_space<semaphore_mem>>
      %dma_start3A = arith.constant 0 : i32
      %dma_start3A_52 = arith.constant 0 : i32
      %dma_start3A_53 = tpu.memref_slice %arg6[%arg1, %run_scoped3A, %dma_start3A, %dma_start3A_52] : memref<16x2x40x125xi32, #tpu.memory_space<hbm>> -> memref<1x1x40x125xi32, #tpu.memory_space<hbm>>
      %dma_start3A_54 = tpu.memref_squeeze %dma_start3A_53 : memref<1x1x40x125xi32, #tpu.memory_space<hbm>> -> memref<40x125xi32, #tpu.memory_space<hbm>>
      %dma_start3A_55 = arith.constant 0 : i32
      %dma_start3A_56 = arith.constant 0 : i32
      %dma_start3A_57 = tpu.memref_slice %arg6[%arg1, %run_scoped3A, %dma_start3A_55, %dma_start3A_56] : memref<16x2x40x125xi32, #tpu.memory_space<hbm>> -> memref<1x1x40x125xi32, #tpu.memory_space<hbm>>
      %dma_start3A_58 = tpu.memref_squeeze %dma_start3A_57 : memref<1x1x40x125xi32, #tpu.memory_space<hbm>> -> memref<40x125xi32, #tpu.memory_space<hbm>>
      tpu.enqueue_dma source(%dma_start3A_58 : memref<40x125xi32, #tpu.memory_space<hbm>>) target(%arg10 : memref<40x125xi32, #tpu.memory_space<vmem>>) target_semaphore(%run_scoped3A_51 : memref<!tpu.dma_semaphore, #tpu.memory_space<semaphore_mem>>)
      %dma_wait3A = arith.constant 0 : i32
      %dma_wait3A_59 = arith.constant 0 : i32
      %dma_wait3A_60 = tpu.memref_slice %arg6[%arg1, %run_scoped3A, %dma_wait3A, %dma_wait3A_59] : memref<16x2x40x125xi32, #tpu.memory_space<hbm>> -> memref<1x1x40x125xi32, #tpu.memory_space<hbm>>
      %dma_wait3A_61 = tpu.memref_squeeze %dma_wait3A_60 : memref<1x1x40x125xi32, #tpu.memory_space<hbm>> -> memref<40x125xi32, #tpu.memory_space<hbm>>
      %dma_wait3A_62 = arith.constant 0 : i32
      %dma_wait3A_63 = arith.constant 0 : i32
      %dma_wait3A_64 = tpu.memref_slice %arg6[%arg1, %run_scoped3A, %dma_wait3A_62, %dma_wait3A_63] : memref<16x2x40x125xi32, #tpu.memory_space<hbm>> -> memref<1x1x40x125xi32, #tpu.memory_space<hbm>>
      %dma_wait3A_65 = tpu.memref_squeeze %dma_wait3A_64 : memref<1x1x40x125xi32, #tpu.memory_space<hbm>> -> memref<40x125xi32, #tpu.memory_space<hbm>>
      tpu.wait_dma2 semaphore(%run_scoped3A_51 : memref<!tpu.dma_semaphore, #tpu.memory_space<semaphore_mem>>) src(%dma_wait3A_65 : memref<40x125xi32, #tpu.memory_space<hbm>>) dst(%arg10 : memref<40x125xi32, #tpu.memory_space<vmem>>)
      tpu.yield
    }) : () -> ()
    %run_scoped3A_7 = arith.constant 0 : i32
    "tpu.region"() ({
      %run_scoped3A_51 = tpu.sem_alloc : memref<!tpu.dma_semaphore, #tpu.memory_space<semaphore_mem>>
      %dma_start3A = arith.constant 0 : i32
      %dma_start3A_52 = arith.constant 0 : i32
      %dma_start3A_53 = tpu.memref_slice %arg7[%arg1, %run_scoped3A_7, %dma_start3A, %dma_start3A_52] : memref<16x2x40x125xi32, #tpu.memory_space<hbm>> -> memref<1x1x40x125xi32, #tpu.memory_space<hbm>>
      %dma_start3A_54 = tpu.memref_squeeze %dma_start3A_53 : memref<1x1x40x125xi32, #tpu.memory_space<hbm>> -> memref<40x125xi32, #tpu.memory_space<hbm>>
      %dma_start3A_55 = arith.constant 0 : i32
      %dma_start3A_56 = arith.constant 0 : i32
      %dma_start3A_57 = tpu.memref_slice %arg7[%arg1, %run_scoped3A_7, %dma_start3A_55, %dma_start3A_56] : memref<16x2x40x125xi32, #tpu.memory_space<hbm>> -> memref<1x1x40x125xi32, #tpu.memory_space<hbm>>
      %dma_start3A_58 = tpu.memref_squeeze %dma_start3A_57 : memref<1x1x40x125xi32, #tpu.memory_space<hbm>> -> memref<40x125xi32, #tpu.memory_space<hbm>>
      tpu.enqueue_dma source(%dma_start3A_58 : memref<40x125xi32, #tpu.memory_space<hbm>>) target(%arg11 : memref<40x125xi32, #tpu.memory_space<vmem>>) target_semaphore(%run_scoped3A_51 : memref<!tpu.dma_semaphore, #tpu.memory_space<semaphore_mem>>)
      %dma_wait3A = arith.constant 0 : i32
      %dma_wait3A_59 = arith.constant 0 : i32
      %dma_wait3A_60 = tpu.memref_slice %arg7[%arg1, %run_scoped3A_7, %dma_wait3A, %dma_wait3A_59] : memref<16x2x40x125xi32, #tpu.memory_space<hbm>> -> memref<1x1x40x125xi32, #tpu.memory_space<hbm>>
      %dma_wait3A_61 = tpu.memref_squeeze %dma_wait3A_60 : memref<1x1x40x125xi32, #tpu.memory_space<hbm>> -> memref<40x125xi32, #tpu.memory_space<hbm>>
      %dma_wait3A_62 = arith.constant 0 : i32
      %dma_wait3A_63 = arith.constant 0 : i32
      %dma_wait3A_64 = tpu.memref_slice %arg7[%arg1, %run_scoped3A_7, %dma_wait3A_62, %dma_wait3A_63] : memref<16x2x40x125xi32, #tpu.memory_space<hbm>> -> memref<1x1x40x125xi32, #tpu.memory_space<hbm>>
      %dma_wait3A_65 = tpu.memref_squeeze %dma_wait3A_64 : memref<1x1x40x125xi32, #tpu.memory_space<hbm>> -> memref<40x125xi32, #tpu.memory_space<hbm>>
      tpu.wait_dma2 semaphore(%run_scoped3A_51 : memref<!tpu.dma_semaphore, #tpu.memory_space<semaphore_mem>>) src(%dma_wait3A_65 : memref<40x125xi32, #tpu.memory_space<hbm>>) dst(%arg11 : memref<40x125xi32, #tpu.memory_space<vmem>>)
      tpu.yield
    }) : () -> ()
    %lt3A_8 = arith.constant 15 : i32
    %lt3A_9 = arith.cmpi slt, %arg1, %lt3A_8 : i32
    %convert_element_type3A_10 = arith.extui %lt3A_9 : i1 to i32
    %cond3A_11 = arith.constant 0 : i32
    %cond3A_12 = arith.cmpi ne, %convert_element_type3A_10, %cond3A_11 : i32
    scf.if %cond3A_12 {
      %eq3A_51 = arith.constant 0 : i32
      %eq3A_52 = arith.cmpi eq, %arg0, %eq3A_51 : i32
      %convert_element_type3A_53 = arith.extui %eq3A_52 : i1 to i32
      %cond3A_54 = arith.constant 0 : i32
      %cond3A_55 = arith.cmpi ne, %convert_element_type3A_53, %cond3A_54 : i32
      scf.if %cond3A_55 {
        %dma_wait3A = arith.constant 0 : i32
        %dma_wait3A_61 = tpu.memref_slice %arg14[%multiple_of3A, %dma_wait3A] : memref<10000x128xf32, #tpu.memory_space<vmem_shared>> -> memref<624x128xf32, #tpu.memory_space<vmem_shared>>
        %dma_wait3A_62 = arith.constant 0 : i32
        %dma_wait3A_63 = tpu.memref_slice %arg4[%multiple_of3A, %dma_wait3A_62] : memref<10000x128xf32, #tpu.memory_space<hbm>> -> memref<624x128xf32, #tpu.memory_space<hbm>>
        tpu.wait_dma2 semaphore(%arg15 : memref<!tpu.dma_semaphore, #tpu.memory_space<semaphore_mem>>) src(%dma_wait3A_63 : memref<624x128xf32, #tpu.memory_space<hbm>>) dst(%dma_wait3A_61 : memref<624x128xf32, #tpu.memory_space<vmem_shared>>)
      } else {
      }
      %eq3A_56 = arith.constant 1 : i32
      %eq3A_57 = arith.cmpi eq, %arg0, %eq3A_56 : i32
      %convert_element_type3A_58 = arith.extui %eq3A_57 : i1 to i32
      %cond3A_59 = arith.constant 0 : i32
      %cond3A_60 = arith.cmpi ne, %convert_element_type3A_58, %cond3A_59 : i32
      scf.if %cond3A_60 {
        %dma_wait3A = arith.constant 0 : i32
        %dma_wait3A_61 = tpu.memref_slice %arg14[%multiple_of3A, %dma_wait3A] : memref<10000x128xf32, #tpu.memory_space<vmem_shared>> -> memref<624x128xf32, #tpu.memory_space<vmem_shared>>
        %dma_wait3A_62 = arith.constant 0 : i32
        %dma_wait3A_63 = tpu.memref_slice %arg5[%multiple_of3A, %dma_wait3A_62] : memref<10000x128xf32, #tpu.memory_space<hbm>> -> memref<624x128xf32, #tpu.memory_space<hbm>>
        tpu.wait_dma2 semaphore(%arg15 : memref<!tpu.dma_semaphore, #tpu.memory_space<semaphore_mem>>) src(%dma_wait3A_63 : memref<624x128xf32, #tpu.memory_space<hbm>>) dst(%dma_wait3A_61 : memref<624x128xf32, #tpu.memory_space<vmem_shared>>)
      } else {
      }
    } else {
    }
    %eq3A_13 = arith.constant 15 : i32
    %eq3A_14 = arith.cmpi eq, %arg1, %eq3A_13 : i32
    %convert_element_type3A_15 = arith.extui %eq3A_14 : i1 to i32
    %cond3A_16 = arith.constant 0 : i32
    %cond3A_17 = arith.cmpi ne, %convert_element_type3A_15, %cond3A_16 : i32
    scf.if %cond3A_17 {
      %eq3A_51 = arith.constant 0 : i32
      %eq3A_52 = arith.cmpi eq, %arg0, %eq3A_51 : i32
      %convert_element_type3A_53 = arith.extui %eq3A_52 : i1 to i32
      %cond3A_54 = arith.constant 0 : i32
      %cond3A_55 = arith.cmpi ne, %convert_element_type3A_53, %cond3A_54 : i32
      scf.if %cond3A_55 {
        %dma_wait3A = arith.constant 9360 : i32
        %dma_wait3A_61 = arith.constant 0 : i32
        %dma_wait3A_62 = tpu.memref_slice %arg14[%dma_wait3A, %dma_wait3A_61] : memref<10000x128xf32, #tpu.memory_space<vmem_shared>> -> memref<640x128xf32, #tpu.memory_space<vmem_shared>>
        %dma_wait3A_63 = arith.constant 9360 : i32
        %dma_wait3A_64 = arith.constant 0 : i32
        %dma_wait3A_65 = tpu.memref_slice %arg4[%dma_wait3A_63, %dma_wait3A_64] : memref<10000x128xf32, #tpu.memory_space<hbm>> -> memref<640x128xf32, #tpu.memory_space<hbm>>
        tpu.wait_dma2 semaphore(%arg15 : memref<!tpu.dma_semaphore, #tpu.memory_space<semaphore_mem>>) src(%dma_wait3A_65 : memref<640x128xf32, #tpu.memory_space<hbm>>) dst(%dma_wait3A_62 : memref<640x128xf32, #tpu.memory_space<vmem_shared>>)
      } else {
      }
      %eq3A_56 = arith.constant 1 : i32
      %eq3A_57 = arith.cmpi eq, %arg0, %eq3A_56 : i32
      %convert_element_type3A_58 = arith.extui %eq3A_57 : i1 to i32
      %cond3A_59 = arith.constant 0 : i32
      %cond3A_60 = arith.cmpi ne, %convert_element_type3A_58, %cond3A_59 : i32
      scf.if %cond3A_60 {
        %dma_wait3A = arith.constant 9360 : i32
        %dma_wait3A_61 = arith.constant 0 : i32
        %dma_wait3A_62 = tpu.memref_slice %arg14[%dma_wait3A, %dma_wait3A_61] : memref<10000x128xf32, #tpu.memory_space<vmem_shared>> -> memref<640x128xf32, #tpu.memory_space<vmem_shared>>
        %dma_wait3A_63 = arith.constant 9360 : i32
        %dma_wait3A_64 = arith.constant 0 : i32
        %dma_wait3A_65 = tpu.memref_slice %arg5[%dma_wait3A_63, %dma_wait3A_64] : memref<10000x128xf32, #tpu.memory_space<hbm>> -> memref<640x128xf32, #tpu.memory_space<hbm>>
        tpu.wait_dma2 semaphore(%arg15 : memref<!tpu.dma_semaphore, #tpu.memory_space<semaphore_mem>>) src(%dma_wait3A_65 : memref<640x128xf32, #tpu.memory_space<hbm>>) dst(%dma_wait3A_62 : memref<640x128xf32, #tpu.memory_space<vmem_shared>>)
      } else {
      }
    } else {
    }
    %barrier3A = arith.constant 0 : index
    tpu.barrier barrier_id(%barrier3A)
    %eq3A_18 = arith.constant 0 : i32
    %eq3A_19 = arith.cmpi eq, %arg0, %eq3A_18 : i32
    %convert_element_type3A_20 = arith.extui %eq3A_19 : i1 to i32
    %cond3A_21 = arith.constant 0 : i32
    %cond3A_22 = arith.cmpi ne, %convert_element_type3A_20, %cond3A_21 : i32
    scf.if %cond3A_22 {
      %dma_start3A = arith.constant 0 : i32
      %dma_start3A_51 = arith.constant 0 : i32
      %dma_start3A_52 = tpu.memref_slice %arg10[%dma_start3A, %dma_start3A_51] : memref<40x125xi32, #tpu.memory_space<vmem>> -> memref<1x125xi32, #tpu.memory_space<vmem>>
      %dma_start3A_53 = tpu.memref_squeeze %dma_start3A_52 : memref<1x125xi32, #tpu.memory_space<vmem>> -> memref<125xi32, #tpu.memory_space<vmem>>
      %dma_start3A_54 = arith.constant 0 : i32
      %dma_start3A_55 = arith.constant 0 : i32
      %dma_start3A_56 = tpu.memref_slice %arg2[%dma_start3A_54, %dma_start3A_55] : memref<10000x128xf32, #tpu.memory_space<hbm>> -> memref<10000x128xf32, #tpu.memory_space<hbm>>
      tpu.enqueue_indirect_dma source(%dma_start3A_56 : memref<10000x128xf32, #tpu.memory_space<hbm>>) target(%arg12 : memref<125x128xf32, #tpu.memory_space<vmem>>) offsets(%dma_start3A_53 : memref<125xi32, #tpu.memory_space<vmem>>) semaphore(%arg15 : memref<!tpu.dma_semaphore, #tpu.memory_space<semaphore_mem>>)
      %scan3A = arith.constant 0 : i32
      %scan3A_57 = arith.constant 0 : i32
      %scan3A_58 = arith.constant 20 : i32
      %scan3A_59 = arith.addi %scan3A_57, %scan3A_58 : i32
      %scan3A_60 = arith.constant 1 : i32
      scf.for %scan3A_62 = %scan3A_57 to %scan3A_59 step %scan3A_60  : i32 {
        %mul3A_63 = arith.constant 2 : i32
        %mul3A_64 = arith.muli %mul3A_63, %scan3A_62 : i32
        %add3A = arith.constant 1 : i32
        %add3A_65 = arith.addi %mul3A_64, %add3A : i32
        %dma_start3A_66 = arith.constant 0 : i32
        %dma_start3A_67 = tpu.memref_slice %arg10[%add3A_65, %dma_start3A_66] : memref<40x125xi32, #tpu.memory_space<vmem>> -> memref<1x125xi32, #tpu.memory_space<vmem>>
        %dma_start3A_68 = tpu.memref_squeeze %dma_start3A_67 : memref<1x125xi32, #tpu.memory_space<vmem>> -> memref<125xi32, #tpu.memory_space<vmem>>
        %dma_start3A_69 = arith.constant 0 : i32
        %dma_start3A_70 = arith.constant 0 : i32
        %dma_start3A_71 = tpu.memref_slice %arg2[%dma_start3A_69, %dma_start3A_70] : memref<10000x128xf32, #tpu.memory_space<hbm>> -> memref<10000x128xf32, #tpu.memory_space<hbm>>
        tpu.enqueue_indirect_dma source(%dma_start3A_71 : memref<10000x128xf32, #tpu.memory_space<hbm>>) target(%arg13 : memref<125x128xf32, #tpu.memory_space<vmem>>) offsets(%dma_start3A_68 : memref<125xi32, #tpu.memory_space<vmem>>) semaphore(%arg16 : memref<!tpu.dma_semaphore, #tpu.memory_space<semaphore_mem>>)
        %dma_wait3A = arith.constant 0 : i32
        %dma_wait3A_72 = arith.constant 0 : i32
        %dma_wait3A_73 = tpu.memref_slice %arg10[%dma_wait3A, %dma_wait3A_72] : memref<40x125xi32, #tpu.memory_space<vmem>> -> memref<1x125xi32, #tpu.memory_space<vmem>>
        %dma_wait3A_74 = tpu.memref_squeeze %dma_wait3A_73 : memref<1x125xi32, #tpu.memory_space<vmem>> -> memref<125xi32, #tpu.memory_space<vmem>>
        %dma_wait3A_75 = arith.constant 0 : i32
        %dma_wait3A_76 = arith.constant 0 : i32
        %dma_wait3A_77 = tpu.memref_slice %arg2[%dma_wait3A_75, %dma_wait3A_76] : memref<10000x128xf32, #tpu.memory_space<hbm>> -> memref<10000x128xf32, #tpu.memory_space<hbm>>
        tpu.wait_indirect_dma semaphore(%arg15 : memref<!tpu.dma_semaphore, #tpu.memory_space<semaphore_mem>>) src(%dma_wait3A_77 : memref<10000x128xf32, #tpu.memory_space<hbm>>) dst(%arg12 : memref<125x128xf32, #tpu.memory_space<vmem>>)
        "tpu.region"() ({
          %run_scoped3A_92 = tpu.sem_alloc : memref<!tpu.dma_semaphore, #tpu.memory_space<semaphore_mem>>
          %dma_start3A_93 = arith.constant 0 : i32
          %dma_start3A_94 = tpu.memref_slice %arg11[%mul3A_64, %dma_start3A_93] : memref<40x125xi32, #tpu.memory_space<vmem>> -> memref<1x125xi32, #tpu.memory_space<vmem>>
          %dma_start3A_95 = tpu.memref_squeeze %dma_start3A_94 : memref<1x125xi32, #tpu.memory_space<vmem>> -> memref<125xi32, #tpu.memory_space<vmem>>
          %dma_start3A_96 = arith.constant 0 : i32
          %dma_start3A_97 = arith.constant 0 : i32
          %dma_start3A_98 = tpu.memref_slice %arg14[%dma_start3A_96, %dma_start3A_97] : memref<10000x128xf32, #tpu.memory_space<vmem_shared>> -> memref<10000x128xf32, #tpu.memory_space<vmem_shared>>
          tpu.enqueue_indirect_dma source(%arg12 : memref<125x128xf32, #tpu.memory_space<vmem>>) target(%dma_start3A_98 : memref<10000x128xf32, #tpu.memory_space<vmem_shared>>) offsets(%dma_start3A_95 : memref<125xi32, #tpu.memory_space<vmem>>) semaphore(%run_scoped3A_92 : memref<!tpu.dma_semaphore, #tpu.memory_space<semaphore_mem>>) {add = true}
          %dma_wait3A_99 = arith.constant 0 : i32
          %dma_wait3A_100 = tpu.memref_slice %arg11[%mul3A_64, %dma_wait3A_99] : memref<40x125xi32, #tpu.memory_space<vmem>> -> memref<1x125xi32, #tpu.memory_space<vmem>>
          %dma_wait3A_101 = tpu.memref_squeeze %dma_wait3A_100 : memref<1x125xi32, #tpu.memory_space<vmem>> -> memref<125xi32, #tpu.memory_space<vmem>>
          %dma_wait3A_102 = arith.constant 0 : i32
          %dma_wait3A_103 = arith.constant 0 : i32
          %dma_wait3A_104 = tpu.memref_slice %arg14[%dma_wait3A_102, %dma_wait3A_103] : memref<10000x128xf32, #tpu.memory_space<vmem_shared>> -> memref<10000x128xf32, #tpu.memory_space<vmem_shared>>
          tpu.wait_indirect_dma semaphore(%run_scoped3A_92 : memref<!tpu.dma_semaphore, #tpu.memory_space<semaphore_mem>>) src(%arg12 : memref<125x128xf32, #tpu.memory_space<vmem>>) dst(%dma_wait3A_104 : memref<10000x128xf32, #tpu.memory_space<vmem_shared>>)
          tpu.yield
        }) : () -> ()
        %lt3A_78 = arith.constant 19 : i32
        %lt3A_79 = arith.cmpi slt, %scan3A_62, %lt3A_78 : i32
        %convert_element_type3A_80 = arith.extui %lt3A_79 : i1 to i32
        %cond3A_81 = arith.constant 0 : i32
        %cond3A_82 = arith.cmpi ne, %convert_element_type3A_80, %cond3A_81 : i32
        scf.if %cond3A_82 {
          %add3A_92 = arith.constant 2 : i32
          %add3A_93 = arith.addi %mul3A_64, %add3A_92 : i32
          %dma_start3A_94 = arith.constant 0 : i32
          %dma_start3A_95 = tpu.memref_slice %arg10[%add3A_93, %dma_start3A_94] : memref<40x125xi32, #tpu.memory_space<vmem>> -> memref<1x125xi32, #tpu.memory_space<vmem>>
          %dma_start3A_96 = tpu.memref_squeeze %dma_start3A_95 : memref<1x125xi32, #tpu.memory_space<vmem>> -> memref<125xi32, #tpu.memory_space<vmem>>
          %dma_start3A_97 = arith.constant 0 : i32
          %dma_start3A_98 = arith.constant 0 : i32
          %dma_start3A_99 = tpu.memref_slice %arg2[%dma_start3A_97, %dma_start3A_98] : memref<10000x128xf32, #tpu.memory_space<hbm>> -> memref<10000x128xf32, #tpu.memory_space<hbm>>
          tpu.enqueue_indirect_dma source(%dma_start3A_99 : memref<10000x128xf32, #tpu.memory_space<hbm>>) target(%arg12 : memref<125x128xf32, #tpu.memory_space<vmem>>) offsets(%dma_start3A_96 : memref<125xi32, #tpu.memory_space<vmem>>) semaphore(%arg15 : memref<!tpu.dma_semaphore, #tpu.memory_space<semaphore_mem>>)
        } else {
        }
        %dma_wait3A_83 = arith.constant 0 : i32
        %dma_wait3A_84 = arith.constant 0 : i32
        %dma_wait3A_85 = tpu.memref_slice %arg10[%dma_wait3A_83, %dma_wait3A_84] : memref<40x125xi32, #tpu.memory_space<vmem>> -> memref<1x125xi32, #tpu.memory_space<vmem>>
        %dma_wait3A_86 = tpu.memref_squeeze %dma_wait3A_85 : memref<1x125xi32, #tpu.memory_space<vmem>> -> memref<125xi32, #tpu.memory_space<vmem>>
        %dma_wait3A_87 = arith.constant 0 : i32
        %dma_wait3A_88 = arith.constant 0 : i32
        %dma_wait3A_89 = tpu.memref_slice %arg2[%dma_wait3A_87, %dma_wait3A_88] : memref<10000x128xf32, #tpu.memory_space<hbm>> -> memref<10000x128xf32, #tpu.memory_space<hbm>>
        tpu.wait_indirect_dma semaphore(%arg16 : memref<!tpu.dma_semaphore, #tpu.memory_space<semaphore_mem>>) src(%dma_wait3A_89 : memref<10000x128xf32, #tpu.memory_space<hbm>>) dst(%arg13 : memref<125x128xf32, #tpu.memory_space<vmem>>)
        %add3A_90 = arith.constant 1 : i32
        %add3A_91 = arith.addi %mul3A_64, %add3A_90 : i32
        "tpu.region"() ({
          %run_scoped3A_92 = tpu.sem_alloc : memref<!tpu.dma_semaphore, #tpu.memory_space<semaphore_mem>>
          %dma_start3A_93 = arith.constant 0 : i32
          %dma_start3A_94 = tpu.memref_slice %arg11[%add3A_91, %dma_start3A_93] : memref<40x125xi32, #tpu.memory_space<vmem>> -> memref<1x125xi32, #tpu.memory_space<vmem>>
          %dma_start3A_95 = tpu.memref_squeeze %dma_start3A_94 : memref<1x125xi32, #tpu.memory_space<vmem>> -> memref<125xi32, #tpu.memory_space<vmem>>
          %dma_start3A_96 = arith.constant 0 : i32
          %dma_start3A_97 = arith.constant 0 : i32
          %dma_start3A_98 = tpu.memref_slice %arg14[%dma_start3A_96, %dma_start3A_97] : memref<10000x128xf32, #tpu.memory_space<vmem_shared>> -> memref<10000x128xf32, #tpu.memory_space<vmem_shared>>
          tpu.enqueue_indirect_dma source(%arg13 : memref<125x128xf32, #tpu.memory_space<vmem>>) target(%dma_start3A_98 : memref<10000x128xf32, #tpu.memory_space<vmem_shared>>) offsets(%dma_start3A_95 : memref<125xi32, #tpu.memory_space<vmem>>) semaphore(%run_scoped3A_92 : memref<!tpu.dma_semaphore, #tpu.memory_space<semaphore_mem>>) {add = true}
          %dma_wait3A_99 = arith.constant 0 : i32
          %dma_wait3A_100 = tpu.memref_slice %arg11[%add3A_91, %dma_wait3A_99] : memref<40x125xi32, #tpu.memory_space<vmem>> -> memref<1x125xi32, #tpu.memory_space<vmem>>
          %dma_wait3A_101 = tpu.memref_squeeze %dma_wait3A_100 : memref<1x125xi32, #tpu.memory_space<vmem>> -> memref<125xi32, #tpu.memory_space<vmem>>
          %dma_wait3A_102 = arith.constant 0 : i32
          %dma_wait3A_103 = arith.constant 0 : i32
          %dma_wait3A_104 = tpu.memref_slice %arg14[%dma_wait3A_102, %dma_wait3A_103] : memref<10000x128xf32, #tpu.memory_space<vmem_shared>> -> memref<10000x128xf32, #tpu.memory_space<vmem_shared>>
          tpu.wait_indirect_dma semaphore(%run_scoped3A_92 : memref<!tpu.dma_semaphore, #tpu.memory_space<semaphore_mem>>) src(%arg13 : memref<125x128xf32, #tpu.memory_space<vmem>>) dst(%dma_wait3A_104 : memref<10000x128xf32, #tpu.memory_space<vmem_shared>>)
          tpu.yield
        }) : () -> ()
      }
      %scan3A_61 = arith.constant 20 : i32
    } else {
    }
    %eq3A_23 = arith.constant 1 : i32
    %eq3A_24 = arith.cmpi eq, %arg0, %eq3A_23 : i32
    %convert_element_type3A_25 = arith.extui %eq3A_24 : i1 to i32
    %cond3A_26 = arith.constant 0 : i32
    %cond3A_27 = arith.cmpi ne, %convert_element_type3A_25, %cond3A_26 : i32
    scf.if %cond3A_27 {
      %dma_start3A = arith.constant 0 : i32
      %dma_start3A_51 = arith.constant 0 : i32
      %dma_start3A_52 = tpu.memref_slice %arg10[%dma_start3A, %dma_start3A_51] : memref<40x125xi32, #tpu.memory_space<vmem>> -> memref<1x125xi32, #tpu.memory_space<vmem>>
      %dma_start3A_53 = tpu.memref_squeeze %dma_start3A_52 : memref<1x125xi32, #tpu.memory_space<vmem>> -> memref<125xi32, #tpu.memory_space<vmem>>
      %dma_start3A_54 = arith.constant 0 : i32
      %dma_start3A_55 = arith.constant 0 : i32
      %dma_start3A_56 = tpu.memref_slice %arg3[%dma_start3A_54, %dma_start3A_55] : memref<10000x128xf32, #tpu.memory_space<hbm>> -> memref<10000x128xf32, #tpu.memory_space<hbm>>
      tpu.enqueue_indirect_dma source(%dma_start3A_56 : memref<10000x128xf32, #tpu.memory_space<hbm>>) target(%arg12 : memref<125x128xf32, #tpu.memory_space<vmem>>) offsets(%dma_start3A_53 : memref<125xi32, #tpu.memory_space<vmem>>) semaphore(%arg15 : memref<!tpu.dma_semaphore, #tpu.memory_space<semaphore_mem>>)
      %scan3A = arith.constant 0 : i32
      %scan3A_57 = arith.constant 0 : i32
      %scan3A_58 = arith.constant 20 : i32
      %scan3A_59 = arith.addi %scan3A_57, %scan3A_58 : i32
      %scan3A_60 = arith.constant 1 : i32
      scf.for %scan3A_62 = %scan3A_57 to %scan3A_59 step %scan3A_60  : i32 {
        %mul3A_63 = arith.constant 2 : i32
        %mul3A_64 = arith.muli %mul3A_63, %scan3A_62 : i32
        %add3A = arith.constant 1 : i32
        %add3A_65 = arith.addi %mul3A_64, %add3A : i32
        %dma_start3A_66 = arith.constant 0 : i32
        %dma_start3A_67 = tpu.memref_slice %arg10[%add3A_65, %dma_start3A_66] : memref<40x125xi32, #tpu.memory_space<vmem>> -> memref<1x125xi32, #tpu.memory_space<vmem>>
        %dma_start3A_68 = tpu.memref_squeeze %dma_start3A_67 : memref<1x125xi32, #tpu.memory_space<vmem>> -> memref<125xi32, #tpu.memory_space<vmem>>
        %dma_start3A_69 = arith.constant 0 : i32
        %dma_start3A_70 = arith.constant 0 : i32
        %dma_start3A_71 = tpu.memref_slice %arg3[%dma_start3A_69, %dma_start3A_70] : memref<10000x128xf32, #tpu.memory_space<hbm>> -> memref<10000x128xf32, #tpu.memory_space<hbm>>
        tpu.enqueue_indirect_dma source(%dma_start3A_71 : memref<10000x128xf32, #tpu.memory_space<hbm>>) target(%arg13 : memref<125x128xf32, #tpu.memory_space<vmem>>) offsets(%dma_start3A_68 : memref<125xi32, #tpu.memory_space<vmem>>) semaphore(%arg16 : memref<!tpu.dma_semaphore, #tpu.memory_space<semaphore_mem>>)
        %dma_wait3A = arith.constant 0 : i32
        %dma_wait3A_72 = arith.constant 0 : i32
        %dma_wait3A_73 = tpu.memref_slice %arg10[%dma_wait3A, %dma_wait3A_72] : memref<40x125xi32, #tpu.memory_space<vmem>> -> memref<1x125xi32, #tpu.memory_space<vmem>>
        %dma_wait3A_74 = tpu.memref_squeeze %dma_wait3A_73 : memref<1x125xi32, #tpu.memory_space<vmem>> -> memref<125xi32, #tpu.memory_space<vmem>>
        %dma_wait3A_75 = arith.constant 0 : i32
        %dma_wait3A_76 = arith.constant 0 : i32
        %dma_wait3A_77 = tpu.memref_slice %arg3[%dma_wait3A_75, %dma_wait3A_76] : memref<10000x128xf32, #tpu.memory_space<hbm>> -> memref<10000x128xf32, #tpu.memory_space<hbm>>
        tpu.wait_indirect_dma semaphore(%arg15 : memref<!tpu.dma_semaphore, #tpu.memory_space<semaphore_mem>>) src(%dma_wait3A_77 : memref<10000x128xf32, #tpu.memory_space<hbm>>) dst(%arg12 : memref<125x128xf32, #tpu.memory_space<vmem>>)
        "tpu.region"() ({
          %run_scoped3A_92 = tpu.sem_alloc : memref<!tpu.dma_semaphore, #tpu.memory_space<semaphore_mem>>
          %dma_start3A_93 = arith.constant 0 : i32
          %dma_start3A_94 = tpu.memref_slice %arg11[%mul3A_64, %dma_start3A_93] : memref<40x125xi32, #tpu.memory_space<vmem>> -> memref<1x125xi32, #tpu.memory_space<vmem>>
          %dma_start3A_95 = tpu.memref_squeeze %dma_start3A_94 : memref<1x125xi32, #tpu.memory_space<vmem>> -> memref<125xi32, #tpu.memory_space<vmem>>
          %dma_start3A_96 = arith.constant 0 : i32
          %dma_start3A_97 = arith.constant 0 : i32
          %dma_start3A_98 = tpu.memref_slice %arg14[%dma_start3A_96, %dma_start3A_97] : memref<10000x128xf32, #tpu.memory_space<vmem_shared>> -> memref<10000x128xf32, #tpu.memory_space<vmem_shared>>
          tpu.enqueue_indirect_dma source(%arg12 : memref<125x128xf32, #tpu.memory_space<vmem>>) target(%dma_start3A_98 : memref<10000x128xf32, #tpu.memory_space<vmem_shared>>) offsets(%dma_start3A_95 : memref<125xi32, #tpu.memory_space<vmem>>) semaphore(%run_scoped3A_92 : memref<!tpu.dma_semaphore, #tpu.memory_space<semaphore_mem>>) {add = true}
          %dma_wait3A_99 = arith.constant 0 : i32
          %dma_wait3A_100 = tpu.memref_slice %arg11[%mul3A_64, %dma_wait3A_99] : memref<40x125xi32, #tpu.memory_space<vmem>> -> memref<1x125xi32, #tpu.memory_space<vmem>>
          %dma_wait3A_101 = tpu.memref_squeeze %dma_wait3A_100 : memref<1x125xi32, #tpu.memory_space<vmem>> -> memref<125xi32, #tpu.memory_space<vmem>>
          %dma_wait3A_102 = arith.constant 0 : i32
          %dma_wait3A_103 = arith.constant 0 : i32
          %dma_wait3A_104 = tpu.memref_slice %arg14[%dma_wait3A_102, %dma_wait3A_103] : memref<10000x128xf32, #tpu.memory_space<vmem_shared>> -> memref<10000x128xf32, #tpu.memory_space<vmem_shared>>
          tpu.wait_indirect_dma semaphore(%run_scoped3A_92 : memref<!tpu.dma_semaphore, #tpu.memory_space<semaphore_mem>>) src(%arg12 : memref<125x128xf32, #tpu.memory_space<vmem>>) dst(%dma_wait3A_104 : memref<10000x128xf32, #tpu.memory_space<vmem_shared>>)
          tpu.yield
        }) : () -> ()
        %lt3A_78 = arith.constant 19 : i32
        %lt3A_79 = arith.cmpi slt, %scan3A_62, %lt3A_78 : i32
        %convert_element_type3A_80 = arith.extui %lt3A_79 : i1 to i32
        %cond3A_81 = arith.constant 0 : i32
        %cond3A_82 = arith.cmpi ne, %convert_element_type3A_80, %cond3A_81 : i32
        scf.if %cond3A_82 {
          %add3A_92 = arith.constant 2 : i32
          %add3A_93 = arith.addi %mul3A_64, %add3A_92 : i32
          %dma_start3A_94 = arith.constant 0 : i32
          %dma_start3A_95 = tpu.memref_slice %arg10[%add3A_93, %dma_start3A_94] : memref<40x125xi32, #tpu.memory_space<vmem>> -> memref<1x125xi32, #tpu.memory_space<vmem>>
          %dma_start3A_96 = tpu.memref_squeeze %dma_start3A_95 : memref<1x125xi32, #tpu.memory_space<vmem>> -> memref<125xi32, #tpu.memory_space<vmem>>
          %dma_start3A_97 = arith.constant 0 : i32
          %dma_start3A_98 = arith.constant 0 : i32
          %dma_start3A_99 = tpu.memref_slice %arg3[%dma_start3A_97, %dma_start3A_98] : memref<10000x128xf32, #tpu.memory_space<hbm>> -> memref<10000x128xf32, #tpu.memory_space<hbm>>
          tpu.enqueue_indirect_dma source(%dma_start3A_99 : memref<10000x128xf32, #tpu.memory_space<hbm>>) target(%arg12 : memref<125x128xf32, #tpu.memory_space<vmem>>) offsets(%dma_start3A_96 : memref<125xi32, #tpu.memory_space<vmem>>) semaphore(%arg15 : memref<!tpu.dma_semaphore, #tpu.memory_space<semaphore_mem>>)
        } else {
        }
        %dma_wait3A_83 = arith.constant 0 : i32
        %dma_wait3A_84 = arith.constant 0 : i32
        %dma_wait3A_85 = tpu.memref_slice %arg10[%dma_wait3A_83, %dma_wait3A_84] : memref<40x125xi32, #tpu.memory_space<vmem>> -> memref<1x125xi32, #tpu.memory_space<vmem>>
        %dma_wait3A_86 = tpu.memref_squeeze %dma_wait3A_85 : memref<1x125xi32, #tpu.memory_space<vmem>> -> memref<125xi32, #tpu.memory_space<vmem>>
        %dma_wait3A_87 = arith.constant 0 : i32
        %dma_wait3A_88 = arith.constant 0 : i32
        %dma_wait3A_89 = tpu.memref_slice %arg3[%dma_wait3A_87, %dma_wait3A_88] : memref<10000x128xf32, #tpu.memory_space<hbm>> -> memref<10000x128xf32, #tpu.memory_space<hbm>>
        tpu.wait_indirect_dma semaphore(%arg16 : memref<!tpu.dma_semaphore, #tpu.memory_space<semaphore_mem>>) src(%dma_wait3A_89 : memref<10000x128xf32, #tpu.memory_space<hbm>>) dst(%arg13 : memref<125x128xf32, #tpu.memory_space<vmem>>)
        %add3A_90 = arith.constant 1 : i32
        %add3A_91 = arith.addi %mul3A_64, %add3A_90 : i32
        "tpu.region"() ({
          %run_scoped3A_92 = tpu.sem_alloc : memref<!tpu.dma_semaphore, #tpu.memory_space<semaphore_mem>>
          %dma_start3A_93 = arith.constant 0 : i32
          %dma_start3A_94 = tpu.memref_slice %arg11[%add3A_91, %dma_start3A_93] : memref<40x125xi32, #tpu.memory_space<vmem>> -> memref<1x125xi32, #tpu.memory_space<vmem>>
          %dma_start3A_95 = tpu.memref_squeeze %dma_start3A_94 : memref<1x125xi32, #tpu.memory_space<vmem>> -> memref<125xi32, #tpu.memory_space<vmem>>
          %dma_start3A_96 = arith.constant 0 : i32
          %dma_start3A_97 = arith.constant 0 : i32
          %dma_start3A_98 = tpu.memref_slice %arg14[%dma_start3A_96, %dma_start3A_97] : memref<10000x128xf32, #tpu.memory_space<vmem_shared>> -> memref<10000x128xf32, #tpu.memory_space<vmem_shared>>
          tpu.enqueue_indirect_dma source(%arg13 : memref<125x128xf32, #tpu.memory_space<vmem>>) target(%dma_start3A_98 : memref<10000x128xf32, #tpu.memory_space<vmem_shared>>) offsets(%dma_start3A_95 : memref<125xi32, #tpu.memory_space<vmem>>) semaphore(%run_scoped3A_92 : memref<!tpu.dma_semaphore, #tpu.memory_space<semaphore_mem>>) {add = true}
          %dma_wait3A_99 = arith.constant 0 : i32
          %dma_wait3A_100 = tpu.memref_slice %arg11[%add3A_91, %dma_wait3A_99] : memref<40x125xi32, #tpu.memory_space<vmem>> -> memref<1x125xi32, #tpu.memory_space<vmem>>
          %dma_wait3A_101 = tpu.memref_squeeze %dma_wait3A_100 : memref<1x125xi32, #tpu.memory_space<vmem>> -> memref<125xi32, #tpu.memory_space<vmem>>
          %dma_wait3A_102 = arith.constant 0 : i32
          %dma_wait3A_103 = arith.constant 0 : i32
          %dma_wait3A_104 = tpu.memref_slice %arg14[%dma_wait3A_102, %dma_wait3A_103] : memref<10000x128xf32, #tpu.memory_space<vmem_shared>> -> memref<10000x128xf32, #tpu.memory_space<vmem_shared>>
          tpu.wait_indirect_dma semaphore(%run_scoped3A_92 : memref<!tpu.dma_semaphore, #tpu.memory_space<semaphore_mem>>) src(%arg13 : memref<125x128xf32, #tpu.memory_space<vmem>>) dst(%dma_wait3A_104 : memref<10000x128xf32, #tpu.memory_space<vmem_shared>>)
          tpu.yield
        }) : () -> ()
      }
      %scan3A_61 = arith.constant 20 : i32
    } else {
    }
    %run_scoped3A_28 = arith.constant 1 : i32
    "tpu.region"() ({
      %run_scoped3A_51 = tpu.sem_alloc : memref<!tpu.dma_semaphore, #tpu.memory_space<semaphore_mem>>
      %dma_start3A = arith.constant 0 : i32
      %dma_start3A_52 = arith.constant 0 : i32
      %dma_start3A_53 = tpu.memref_slice %arg6[%arg1, %run_scoped3A_28, %dma_start3A, %dma_start3A_52] : memref<16x2x40x125xi32, #tpu.memory_space<hbm>> -> memref<1x1x40x125xi32, #tpu.memory_space<hbm>>
      %dma_start3A_54 = tpu.memref_squeeze %dma_start3A_53 : memref<1x1x40x125xi32, #tpu.memory_space<hbm>> -> memref<40x125xi32, #tpu.memory_space<hbm>>
      %dma_start3A_55 = arith.constant 0 : i32
      %dma_start3A_56 = arith.constant 0 : i32
      %dma_start3A_57 = tpu.memref_slice %arg6[%arg1, %run_scoped3A_28, %dma_start3A_55, %dma_start3A_56] : memref<16x2x40x125xi32, #tpu.memory_space<hbm>> -> memref<1x1x40x125xi32, #tpu.memory_space<hbm>>
      %dma_start3A_58 = tpu.memref_squeeze %dma_start3A_57 : memref<1x1x40x125xi32, #tpu.memory_space<hbm>> -> memref<40x125xi32, #tpu.memory_space<hbm>>
      tpu.enqueue_dma source(%dma_start3A_58 : memref<40x125xi32, #tpu.memory_space<hbm>>) target(%arg10 : memref<40x125xi32, #tpu.memory_space<vmem>>) target_semaphore(%run_scoped3A_51 : memref<!tpu.dma_semaphore, #tpu.memory_space<semaphore_mem>>)
      %dma_wait3A = arith.constant 0 : i32
      %dma_wait3A_59 = arith.constant 0 : i32
      %dma_wait3A_60 = tpu.memref_slice %arg6[%arg1, %run_scoped3A_28, %dma_wait3A, %dma_wait3A_59] : memref<16x2x40x125xi32, #tpu.memory_space<hbm>> -> memref<1x1x40x125xi32, #tpu.memory_space<hbm>>
      %dma_wait3A_61 = tpu.memref_squeeze %dma_wait3A_60 : memref<1x1x40x125xi32, #tpu.memory_space<hbm>> -> memref<40x125xi32, #tpu.memory_space<hbm>>
      %dma_wait3A_62 = arith.constant 0 : i32
      %dma_wait3A_63 = arith.constant 0 : i32
      %dma_wait3A_64 = tpu.memref_slice %arg6[%arg1, %run_scoped3A_28, %dma_wait3A_62, %dma_wait3A_63] : memref<16x2x40x125xi32, #tpu.memory_space<hbm>> -> memref<1x1x40x125xi32, #tpu.memory_space<hbm>>
      %dma_wait3A_65 = tpu.memref_squeeze %dma_wait3A_64 : memref<1x1x40x125xi32, #tpu.memory_space<hbm>> -> memref<40x125xi32, #tpu.memory_space<hbm>>
      tpu.wait_dma2 semaphore(%run_scoped3A_51 : memref<!tpu.dma_semaphore, #tpu.memory_space<semaphore_mem>>) src(%dma_wait3A_65 : memref<40x125xi32, #tpu.memory_space<hbm>>) dst(%arg10 : memref<40x125xi32, #tpu.memory_space<vmem>>)
      tpu.yield
    }) : () -> ()
    %run_scoped3A_29 = arith.constant 1 : i32
    "tpu.region"() ({
      %run_scoped3A_51 = tpu.sem_alloc : memref<!tpu.dma_semaphore, #tpu.memory_space<semaphore_mem>>
      %dma_start3A = arith.constant 0 : i32
      %dma_start3A_52 = arith.constant 0 : i32
      %dma_start3A_53 = tpu.memref_slice %arg7[%arg1, %run_scoped3A_29, %dma_start3A, %dma_start3A_52] : memref<16x2x40x125xi32, #tpu.memory_space<hbm>> -> memref<1x1x40x125xi32, #tpu.memory_space<hbm>>
      %dma_start3A_54 = tpu.memref_squeeze %dma_start3A_53 : memref<1x1x40x125xi32, #tpu.memory_space<hbm>> -> memref<40x125xi32, #tpu.memory_space<hbm>>
      %dma_start3A_55 = arith.constant 0 : i32
      %dma_start3A_56 = arith.constant 0 : i32
      %dma_start3A_57 = tpu.memref_slice %arg7[%arg1, %run_scoped3A_29, %dma_start3A_55, %dma_start3A_56] : memref<16x2x40x125xi32, #tpu.memory_space<hbm>> -> memref<1x1x40x125xi32, #tpu.memory_space<hbm>>
      %dma_start3A_58 = tpu.memref_squeeze %dma_start3A_57 : memref<1x1x40x125xi32, #tpu.memory_space<hbm>> -> memref<40x125xi32, #tpu.memory_space<hbm>>
      tpu.enqueue_dma source(%dma_start3A_58 : memref<40x125xi32, #tpu.memory_space<hbm>>) target(%arg11 : memref<40x125xi32, #tpu.memory_space<vmem>>) target_semaphore(%run_scoped3A_51 : memref<!tpu.dma_semaphore, #tpu.memory_space<semaphore_mem>>)
      %dma_wait3A = arith.constant 0 : i32
      %dma_wait3A_59 = arith.constant 0 : i32
      %dma_wait3A_60 = tpu.memref_slice %arg7[%arg1, %run_scoped3A_29, %dma_wait3A, %dma_wait3A_59] : memref<16x2x40x125xi32, #tpu.memory_space<hbm>> -> memref<1x1x40x125xi32, #tpu.memory_space<hbm>>
      %dma_wait3A_61 = tpu.memref_squeeze %dma_wait3A_60 : memref<1x1x40x125xi32, #tpu.memory_space<hbm>> -> memref<40x125xi32, #tpu.memory_space<hbm>>
      %dma_wait3A_62 = arith.constant 0 : i32
      %dma_wait3A_63 = arith.constant 0 : i32
      %dma_wait3A_64 = tpu.memref_slice %arg7[%arg1, %run_scoped3A_29, %dma_wait3A_62, %dma_wait3A_63] : memref<16x2x40x125xi32, #tpu.memory_space<hbm>> -> memref<1x1x40x125xi32, #tpu.memory_space<hbm>>
      %dma_wait3A_65 = tpu.memref_squeeze %dma_wait3A_64 : memref<1x1x40x125xi32, #tpu.memory_space<hbm>> -> memref<40x125xi32, #tpu.memory_space<hbm>>
      tpu.wait_dma2 semaphore(%run_scoped3A_51 : memref<!tpu.dma_semaphore, #tpu.memory_space<semaphore_mem>>) src(%dma_wait3A_65 : memref<40x125xi32, #tpu.memory_space<hbm>>) dst(%arg11 : memref<40x125xi32, #tpu.memory_space<vmem>>)
      tpu.yield
    }) : () -> ()
    %eq3A_30 = arith.constant 0 : i32
    %eq3A_31 = arith.cmpi eq, %arg0, %eq3A_30 : i32
    %convert_element_type3A_32 = arith.extui %eq3A_31 : i1 to i32
    %cond3A_33 = arith.constant 0 : i32
    %cond3A_34 = arith.cmpi ne, %convert_element_type3A_32, %cond3A_33 : i32
    scf.if %cond3A_34 {
      %dma_start3A = arith.constant 0 : i32
      %dma_start3A_51 = arith.constant 0 : i32
      %dma_start3A_52 = tpu.memref_slice %arg10[%dma_start3A, %dma_start3A_51] : memref<40x125xi32, #tpu.memory_space<vmem>> -> memref<1x125xi32, #tpu.memory_space<vmem>>
      %dma_start3A_53 = tpu.memref_squeeze %dma_start3A_52 : memref<1x125xi32, #tpu.memory_space<vmem>> -> memref<125xi32, #tpu.memory_space<vmem>>
      %dma_start3A_54 = arith.constant 0 : i32
      %dma_start3A_55 = arith.constant 0 : i32
      %dma_start3A_56 = tpu.memref_slice %arg2[%dma_start3A_54, %dma_start3A_55] : memref<10000x128xf32, #tpu.memory_space<hbm>> -> memref<10000x128xf32, #tpu.memory_space<hbm>>
      tpu.enqueue_indirect_dma source(%dma_start3A_56 : memref<10000x128xf32, #tpu.memory_space<hbm>>) target(%arg12 : memref<125x128xf32, #tpu.memory_space<vmem>>) offsets(%dma_start3A_53 : memref<125xi32, #tpu.memory_space<vmem>>) semaphore(%arg15 : memref<!tpu.dma_semaphore, #tpu.memory_space<semaphore_mem>>)
      %scan3A = arith.constant 0 : i32
      %scan3A_57 = arith.constant 0 : i32
      %scan3A_58 = arith.constant 20 : i32
      %scan3A_59 = arith.addi %scan3A_57, %scan3A_58 : i32
      %scan3A_60 = arith.constant 1 : i32
      scf.for %scan3A_62 = %scan3A_57 to %scan3A_59 step %scan3A_60  : i32 {
        %mul3A_63 = arith.constant 2 : i32
        %mul3A_64 = arith.muli %mul3A_63, %scan3A_62 : i32
        %add3A = arith.constant 1 : i32
        %add3A_65 = arith.addi %mul3A_64, %add3A : i32
        %dma_start3A_66 = arith.constant 0 : i32
        %dma_start3A_67 = tpu.memref_slice %arg10[%add3A_65, %dma_start3A_66] : memref<40x125xi32, #tpu.memory_space<vmem>> -> memref<1x125xi32, #tpu.memory_space<vmem>>
        %dma_start3A_68 = tpu.memref_squeeze %dma_start3A_67 : memref<1x125xi32, #tpu.memory_space<vmem>> -> memref<125xi32, #tpu.memory_space<vmem>>
        %dma_start3A_69 = arith.constant 0 : i32
        %dma_start3A_70 = arith.constant 0 : i32
        %dma_start3A_71 = tpu.memref_slice %arg2[%dma_start3A_69, %dma_start3A_70] : memref<10000x128xf32, #tpu.memory_space<hbm>> -> memref<10000x128xf32, #tpu.memory_space<hbm>>
        tpu.enqueue_indirect_dma source(%dma_start3A_71 : memref<10000x128xf32, #tpu.memory_space<hbm>>) target(%arg13 : memref<125x128xf32, #tpu.memory_space<vmem>>) offsets(%dma_start3A_68 : memref<125xi32, #tpu.memory_space<vmem>>) semaphore(%arg16 : memref<!tpu.dma_semaphore, #tpu.memory_space<semaphore_mem>>)
        %dma_wait3A = arith.constant 0 : i32
        %dma_wait3A_72 = arith.constant 0 : i32
        %dma_wait3A_73 = tpu.memref_slice %arg10[%dma_wait3A, %dma_wait3A_72] : memref<40x125xi32, #tpu.memory_space<vmem>> -> memref<1x125xi32, #tpu.memory_space<vmem>>
        %dma_wait3A_74 = tpu.memref_squeeze %dma_wait3A_73 : memref<1x125xi32, #tpu.memory_space<vmem>> -> memref<125xi32, #tpu.memory_space<vmem>>
        %dma_wait3A_75 = arith.constant 0 : i32
        %dma_wait3A_76 = arith.constant 0 : i32
        %dma_wait3A_77 = tpu.memref_slice %arg2[%dma_wait3A_75, %dma_wait3A_76] : memref<10000x128xf32, #tpu.memory_space<hbm>> -> memref<10000x128xf32, #tpu.memory_space<hbm>>
        tpu.wait_indirect_dma semaphore(%arg15 : memref<!tpu.dma_semaphore, #tpu.memory_space<semaphore_mem>>) src(%dma_wait3A_77 : memref<10000x128xf32, #tpu.memory_space<hbm>>) dst(%arg12 : memref<125x128xf32, #tpu.memory_space<vmem>>)
        "tpu.region"() ({
          %run_scoped3A_92 = tpu.sem_alloc : memref<!tpu.dma_semaphore, #tpu.memory_space<semaphore_mem>>
          %dma_start3A_93 = arith.constant 0 : i32
          %dma_start3A_94 = tpu.memref_slice %arg11[%mul3A_64, %dma_start3A_93] : memref<40x125xi32, #tpu.memory_space<vmem>> -> memref<1x125xi32, #tpu.memory_space<vmem>>
          %dma_start3A_95 = tpu.memref_squeeze %dma_start3A_94 : memref<1x125xi32, #tpu.memory_space<vmem>> -> memref<125xi32, #tpu.memory_space<vmem>>
          %dma_start3A_96 = arith.constant 0 : i32
          %dma_start3A_97 = arith.constant 0 : i32
          %dma_start3A_98 = tpu.memref_slice %arg14[%dma_start3A_96, %dma_start3A_97] : memref<10000x128xf32, #tpu.memory_space<vmem_shared>> -> memref<10000x128xf32, #tpu.memory_space<vmem_shared>>
          tpu.enqueue_indirect_dma source(%arg12 : memref<125x128xf32, #tpu.memory_space<vmem>>) target(%dma_start3A_98 : memref<10000x128xf32, #tpu.memory_space<vmem_shared>>) offsets(%dma_start3A_95 : memref<125xi32, #tpu.memory_space<vmem>>) semaphore(%run_scoped3A_92 : memref<!tpu.dma_semaphore, #tpu.memory_space<semaphore_mem>>) {add = true}
          %dma_wait3A_99 = arith.constant 0 : i32
          %dma_wait3A_100 = tpu.memref_slice %arg11[%mul3A_64, %dma_wait3A_99] : memref<40x125xi32, #tpu.memory_space<vmem>> -> memref<1x125xi32, #tpu.memory_space<vmem>>
          %dma_wait3A_101 = tpu.memref_squeeze %dma_wait3A_100 : memref<1x125xi32, #tpu.memory_space<vmem>> -> memref<125xi32, #tpu.memory_space<vmem>>
          %dma_wait3A_102 = arith.constant 0 : i32
          %dma_wait3A_103 = arith.constant 0 : i32
          %dma_wait3A_104 = tpu.memref_slice %arg14[%dma_wait3A_102, %dma_wait3A_103] : memref<10000x128xf32, #tpu.memory_space<vmem_shared>> -> memref<10000x128xf32, #tpu.memory_space<vmem_shared>>
          tpu.wait_indirect_dma semaphore(%run_scoped3A_92 : memref<!tpu.dma_semaphore, #tpu.memory_space<semaphore_mem>>) src(%arg12 : memref<125x128xf32, #tpu.memory_space<vmem>>) dst(%dma_wait3A_104 : memref<10000x128xf32, #tpu.memory_space<vmem_shared>>)
          tpu.yield
        }) : () -> ()
        %lt3A_78 = arith.constant 19 : i32
        %lt3A_79 = arith.cmpi slt, %scan3A_62, %lt3A_78 : i32
        %convert_element_type3A_80 = arith.extui %lt3A_79 : i1 to i32
        %cond3A_81 = arith.constant 0 : i32
        %cond3A_82 = arith.cmpi ne, %convert_element_type3A_80, %cond3A_81 : i32
        scf.if %cond3A_82 {
          %add3A_92 = arith.constant 2 : i32
          %add3A_93 = arith.addi %mul3A_64, %add3A_92 : i32
          %dma_start3A_94 = arith.constant 0 : i32
          %dma_start3A_95 = tpu.memref_slice %arg10[%add3A_93, %dma_start3A_94] : memref<40x125xi32, #tpu.memory_space<vmem>> -> memref<1x125xi32, #tpu.memory_space<vmem>>
          %dma_start3A_96 = tpu.memref_squeeze %dma_start3A_95 : memref<1x125xi32, #tpu.memory_space<vmem>> -> memref<125xi32, #tpu.memory_space<vmem>>
          %dma_start3A_97 = arith.constant 0 : i32
          %dma_start3A_98 = arith.constant 0 : i32
          %dma_start3A_99 = tpu.memref_slice %arg2[%dma_start3A_97, %dma_start3A_98] : memref<10000x128xf32, #tpu.memory_space<hbm>> -> memref<10000x128xf32, #tpu.memory_space<hbm>>
          tpu.enqueue_indirect_dma source(%dma_start3A_99 : memref<10000x128xf32, #tpu.memory_space<hbm>>) target(%arg12 : memref<125x128xf32, #tpu.memory_space<vmem>>) offsets(%dma_start3A_96 : memref<125xi32, #tpu.memory_space<vmem>>) semaphore(%arg15 : memref<!tpu.dma_semaphore, #tpu.memory_space<semaphore_mem>>)
        } else {
        }
        %dma_wait3A_83 = arith.constant 0 : i32
        %dma_wait3A_84 = arith.constant 0 : i32
        %dma_wait3A_85 = tpu.memref_slice %arg10[%dma_wait3A_83, %dma_wait3A_84] : memref<40x125xi32, #tpu.memory_space<vmem>> -> memref<1x125xi32, #tpu.memory_space<vmem>>
        %dma_wait3A_86 = tpu.memref_squeeze %dma_wait3A_85 : memref<1x125xi32, #tpu.memory_space<vmem>> -> memref<125xi32, #tpu.memory_space<vmem>>
        %dma_wait3A_87 = arith.constant 0 : i32
        %dma_wait3A_88 = arith.constant 0 : i32
        %dma_wait3A_89 = tpu.memref_slice %arg2[%dma_wait3A_87, %dma_wait3A_88] : memref<10000x128xf32, #tpu.memory_space<hbm>> -> memref<10000x128xf32, #tpu.memory_space<hbm>>
        tpu.wait_indirect_dma semaphore(%arg16 : memref<!tpu.dma_semaphore, #tpu.memory_space<semaphore_mem>>) src(%dma_wait3A_89 : memref<10000x128xf32, #tpu.memory_space<hbm>>) dst(%arg13 : memref<125x128xf32, #tpu.memory_space<vmem>>)
        %add3A_90 = arith.constant 1 : i32
        %add3A_91 = arith.addi %mul3A_64, %add3A_90 : i32
        "tpu.region"() ({
          %run_scoped3A_92 = tpu.sem_alloc : memref<!tpu.dma_semaphore, #tpu.memory_space<semaphore_mem>>
          %dma_start3A_93 = arith.constant 0 : i32
          %dma_start3A_94 = tpu.memref_slice %arg11[%add3A_91, %dma_start3A_93] : memref<40x125xi32, #tpu.memory_space<vmem>> -> memref<1x125xi32, #tpu.memory_space<vmem>>
          %dma_start3A_95 = tpu.memref_squeeze %dma_start3A_94 : memref<1x125xi32, #tpu.memory_space<vmem>> -> memref<125xi32, #tpu.memory_space<vmem>>
          %dma_start3A_96 = arith.constant 0 : i32
          %dma_start3A_97 = arith.constant 0 : i32
          %dma_start3A_98 = tpu.memref_slice %arg14[%dma_start3A_96, %dma_start3A_97] : memref<10000x128xf32, #tpu.memory_space<vmem_shared>> -> memref<10000x128xf32, #tpu.memory_space<vmem_shared>>
          tpu.enqueue_indirect_dma source(%arg13 : memref<125x128xf32, #tpu.memory_space<vmem>>) target(%dma_start3A_98 : memref<10000x128xf32, #tpu.memory_space<vmem_shared>>) offsets(%dma_start3A_95 : memref<125xi32, #tpu.memory_space<vmem>>) semaphore(%run_scoped3A_92 : memref<!tpu.dma_semaphore, #tpu.memory_space<semaphore_mem>>) {add = true}
          %dma_wait3A_99 = arith.constant 0 : i32
          %dma_wait3A_100 = tpu.memref_slice %arg11[%add3A_91, %dma_wait3A_99] : memref<40x125xi32, #tpu.memory_space<vmem>> -> memref<1x125xi32, #tpu.memory_space<vmem>>
          %dma_wait3A_101 = tpu.memref_squeeze %dma_wait3A_100 : memref<1x125xi32, #tpu.memory_space<vmem>> -> memref<125xi32, #tpu.memory_space<vmem>>
          %dma_wait3A_102 = arith.constant 0 : i32
          %dma_wait3A_103 = arith.constant 0 : i32
          %dma_wait3A_104 = tpu.memref_slice %arg14[%dma_wait3A_102, %dma_wait3A_103] : memref<10000x128xf32, #tpu.memory_space<vmem_shared>> -> memref<10000x128xf32, #tpu.memory_space<vmem_shared>>
          tpu.wait_indirect_dma semaphore(%run_scoped3A_92 : memref<!tpu.dma_semaphore, #tpu.memory_space<semaphore_mem>>) src(%arg13 : memref<125x128xf32, #tpu.memory_space<vmem>>) dst(%dma_wait3A_104 : memref<10000x128xf32, #tpu.memory_space<vmem_shared>>)
          tpu.yield
        }) : () -> ()
      }
      %scan3A_61 = arith.constant 20 : i32
    } else {
    }
    %eq3A_35 = arith.constant 1 : i32
    %eq3A_36 = arith.cmpi eq, %arg0, %eq3A_35 : i32
    %convert_element_type3A_37 = arith.extui %eq3A_36 : i1 to i32
    %cond3A_38 = arith.constant 0 : i32
    %cond3A_39 = arith.cmpi ne, %convert_element_type3A_37, %cond3A_38 : i32
    scf.if %cond3A_39 {
      %dma_start3A = arith.constant 0 : i32
      %dma_start3A_51 = arith.constant 0 : i32
      %dma_start3A_52 = tpu.memref_slice %arg10[%dma_start3A, %dma_start3A_51] : memref<40x125xi32, #tpu.memory_space<vmem>> -> memref<1x125xi32, #tpu.memory_space<vmem>>
      %dma_start3A_53 = tpu.memref_squeeze %dma_start3A_52 : memref<1x125xi32, #tpu.memory_space<vmem>> -> memref<125xi32, #tpu.memory_space<vmem>>
      %dma_start3A_54 = arith.constant 0 : i32
      %dma_start3A_55 = arith.constant 0 : i32
      %dma_start3A_56 = tpu.memref_slice %arg3[%dma_start3A_54, %dma_start3A_55] : memref<10000x128xf32, #tpu.memory_space<hbm>> -> memref<10000x128xf32, #tpu.memory_space<hbm>>
      tpu.enqueue_indirect_dma source(%dma_start3A_56 : memref<10000x128xf32, #tpu.memory_space<hbm>>) target(%arg12 : memref<125x128xf32, #tpu.memory_space<vmem>>) offsets(%dma_start3A_53 : memref<125xi32, #tpu.memory_space<vmem>>) semaphore(%arg15 : memref<!tpu.dma_semaphore, #tpu.memory_space<semaphore_mem>>)
      %scan3A = arith.constant 0 : i32
      %scan3A_57 = arith.constant 0 : i32
      %scan3A_58 = arith.constant 20 : i32
      %scan3A_59 = arith.addi %scan3A_57, %scan3A_58 : i32
      %scan3A_60 = arith.constant 1 : i32
      scf.for %scan3A_62 = %scan3A_57 to %scan3A_59 step %scan3A_60  : i32 {
        %mul3A_63 = arith.constant 2 : i32
        %mul3A_64 = arith.muli %mul3A_63, %scan3A_62 : i32
        %add3A = arith.constant 1 : i32
        %add3A_65 = arith.addi %mul3A_64, %add3A : i32
        %dma_start3A_66 = arith.constant 0 : i32
        %dma_start3A_67 = tpu.memref_slice %arg10[%add3A_65, %dma_start3A_66] : memref<40x125xi32, #tpu.memory_space<vmem>> -> memref<1x125xi32, #tpu.memory_space<vmem>>
        %dma_start3A_68 = tpu.memref_squeeze %dma_start3A_67 : memref<1x125xi32, #tpu.memory_space<vmem>> -> memref<125xi32, #tpu.memory_space<vmem>>
        %dma_start3A_69 = arith.constant 0 : i32
        %dma_start3A_70 = arith.constant 0 : i32
        %dma_start3A_71 = tpu.memref_slice %arg3[%dma_start3A_69, %dma_start3A_70] : memref<10000x128xf32, #tpu.memory_space<hbm>> -> memref<10000x128xf32, #tpu.memory_space<hbm>>
        tpu.enqueue_indirect_dma source(%dma_start3A_71 : memref<10000x128xf32, #tpu.memory_space<hbm>>) target(%arg13 : memref<125x128xf32, #tpu.memory_space<vmem>>) offsets(%dma_start3A_68 : memref<125xi32, #tpu.memory_space<vmem>>) semaphore(%arg16 : memref<!tpu.dma_semaphore, #tpu.memory_space<semaphore_mem>>)
        %dma_wait3A = arith.constant 0 : i32
        %dma_wait3A_72 = arith.constant 0 : i32
        %dma_wait3A_73 = tpu.memref_slice %arg10[%dma_wait3A, %dma_wait3A_72] : memref<40x125xi32, #tpu.memory_space<vmem>> -> memref<1x125xi32, #tpu.memory_space<vmem>>
        %dma_wait3A_74 = tpu.memref_squeeze %dma_wait3A_73 : memref<1x125xi32, #tpu.memory_space<vmem>> -> memref<125xi32, #tpu.memory_space<vmem>>
        %dma_wait3A_75 = arith.constant 0 : i32
        %dma_wait3A_76 = arith.constant 0 : i32
        %dma_wait3A_77 = tpu.memref_slice %arg3[%dma_wait3A_75, %dma_wait3A_76] : memref<10000x128xf32, #tpu.memory_space<hbm>> -> memref<10000x128xf32, #tpu.memory_space<hbm>>
        tpu.wait_indirect_dma semaphore(%arg15 : memref<!tpu.dma_semaphore, #tpu.memory_space<semaphore_mem>>) src(%dma_wait3A_77 : memref<10000x128xf32, #tpu.memory_space<hbm>>) dst(%arg12 : memref<125x128xf32, #tpu.memory_space<vmem>>)
        "tpu.region"() ({
          %run_scoped3A_92 = tpu.sem_alloc : memref<!tpu.dma_semaphore, #tpu.memory_space<semaphore_mem>>
          %dma_start3A_93 = arith.constant 0 : i32
          %dma_start3A_94 = tpu.memref_slice %arg11[%mul3A_64, %dma_start3A_93] : memref<40x125xi32, #tpu.memory_space<vmem>> -> memref<1x125xi32, #tpu.memory_space<vmem>>
          %dma_start3A_95 = tpu.memref_squeeze %dma_start3A_94 : memref<1x125xi32, #tpu.memory_space<vmem>> -> memref<125xi32, #tpu.memory_space<vmem>>
          %dma_start3A_96 = arith.constant 0 : i32
          %dma_start3A_97 = arith.constant 0 : i32
          %dma_start3A_98 = tpu.memref_slice %arg14[%dma_start3A_96, %dma_start3A_97] : memref<10000x128xf32, #tpu.memory_space<vmem_shared>> -> memref<10000x128xf32, #tpu.memory_space<vmem_shared>>
          tpu.enqueue_indirect_dma source(%arg12 : memref<125x128xf32, #tpu.memory_space<vmem>>) target(%dma_start3A_98 : memref<10000x128xf32, #tpu.memory_space<vmem_shared>>) offsets(%dma_start3A_95 : memref<125xi32, #tpu.memory_space<vmem>>) semaphore(%run_scoped3A_92 : memref<!tpu.dma_semaphore, #tpu.memory_space<semaphore_mem>>) {add = true}
          %dma_wait3A_99 = arith.constant 0 : i32
          %dma_wait3A_100 = tpu.memref_slice %arg11[%mul3A_64, %dma_wait3A_99] : memref<40x125xi32, #tpu.memory_space<vmem>> -> memref<1x125xi32, #tpu.memory_space<vmem>>
          %dma_wait3A_101 = tpu.memref_squeeze %dma_wait3A_100 : memref<1x125xi32, #tpu.memory_space<vmem>> -> memref<125xi32, #tpu.memory_space<vmem>>
          %dma_wait3A_102 = arith.constant 0 : i32
          %dma_wait3A_103 = arith.constant 0 : i32
          %dma_wait3A_104 = tpu.memref_slice %arg14[%dma_wait3A_102, %dma_wait3A_103] : memref<10000x128xf32, #tpu.memory_space<vmem_shared>> -> memref<10000x128xf32, #tpu.memory_space<vmem_shared>>
          tpu.wait_indirect_dma semaphore(%run_scoped3A_92 : memref<!tpu.dma_semaphore, #tpu.memory_space<semaphore_mem>>) src(%arg12 : memref<125x128xf32, #tpu.memory_space<vmem>>) dst(%dma_wait3A_104 : memref<10000x128xf32, #tpu.memory_space<vmem_shared>>)
          tpu.yield
        }) : () -> ()
        %lt3A_78 = arith.constant 19 : i32
        %lt3A_79 = arith.cmpi slt, %scan3A_62, %lt3A_78 : i32
        %convert_element_type3A_80 = arith.extui %lt3A_79 : i1 to i32
        %cond3A_81 = arith.constant 0 : i32
        %cond3A_82 = arith.cmpi ne, %convert_element_type3A_80, %cond3A_81 : i32
        scf.if %cond3A_82 {
          %add3A_92 = arith.constant 2 : i32
          %add3A_93 = arith.addi %mul3A_64, %add3A_92 : i32
          %dma_start3A_94 = arith.constant 0 : i32
          %dma_start3A_95 = tpu.memref_slice %arg10[%add3A_93, %dma_start3A_94] : memref<40x125xi32, #tpu.memory_space<vmem>> -> memref<1x125xi32, #tpu.memory_space<vmem>>
          %dma_start3A_96 = tpu.memref_squeeze %dma_start3A_95 : memref<1x125xi32, #tpu.memory_space<vmem>> -> memref<125xi32, #tpu.memory_space<vmem>>
          %dma_start3A_97 = arith.constant 0 : i32
          %dma_start3A_98 = arith.constant 0 : i32
          %dma_start3A_99 = tpu.memref_slice %arg3[%dma_start3A_97, %dma_start3A_98] : memref<10000x128xf32, #tpu.memory_space<hbm>> -> memref<10000x128xf32, #tpu.memory_space<hbm>>
          tpu.enqueue_indirect_dma source(%dma_start3A_99 : memref<10000x128xf32, #tpu.memory_space<hbm>>) target(%arg12 : memref<125x128xf32, #tpu.memory_space<vmem>>) offsets(%dma_start3A_96 : memref<125xi32, #tpu.memory_space<vmem>>) semaphore(%arg15 : memref<!tpu.dma_semaphore, #tpu.memory_space<semaphore_mem>>)
        } else {
        }
        %dma_wait3A_83 = arith.constant 0 : i32
        %dma_wait3A_84 = arith.constant 0 : i32
        %dma_wait3A_85 = tpu.memref_slice %arg10[%dma_wait3A_83, %dma_wait3A_84] : memref<40x125xi32, #tpu.memory_space<vmem>> -> memref<1x125xi32, #tpu.memory_space<vmem>>
        %dma_wait3A_86 = tpu.memref_squeeze %dma_wait3A_85 : memref<1x125xi32, #tpu.memory_space<vmem>> -> memref<125xi32, #tpu.memory_space<vmem>>
        %dma_wait3A_87 = arith.constant 0 : i32
        %dma_wait3A_88 = arith.constant 0 : i32
        %dma_wait3A_89 = tpu.memref_slice %arg3[%dma_wait3A_87, %dma_wait3A_88] : memref<10000x128xf32, #tpu.memory_space<hbm>> -> memref<10000x128xf32, #tpu.memory_space<hbm>>
        tpu.wait_indirect_dma semaphore(%arg16 : memref<!tpu.dma_semaphore, #tpu.memory_space<semaphore_mem>>) src(%dma_wait3A_89 : memref<10000x128xf32, #tpu.memory_space<hbm>>) dst(%arg13 : memref<125x128xf32, #tpu.memory_space<vmem>>)
        %add3A_90 = arith.constant 1 : i32
        %add3A_91 = arith.addi %mul3A_64, %add3A_90 : i32
        "tpu.region"() ({
          %run_scoped3A_92 = tpu.sem_alloc : memref<!tpu.dma_semaphore, #tpu.memory_space<semaphore_mem>>
          %dma_start3A_93 = arith.constant 0 : i32
          %dma_start3A_94 = tpu.memref_slice %arg11[%add3A_91, %dma_start3A_93] : memref<40x125xi32, #tpu.memory_space<vmem>> -> memref<1x125xi32, #tpu.memory_space<vmem>>
          %dma_start3A_95 = tpu.memref_squeeze %dma_start3A_94 : memref<1x125xi32, #tpu.memory_space<vmem>> -> memref<125xi32, #tpu.memory_space<vmem>>
          %dma_start3A_96 = arith.constant 0 : i32
          %dma_start3A_97 = arith.constant 0 : i32
          %dma_start3A_98 = tpu.memref_slice %arg14[%dma_start3A_96, %dma_start3A_97] : memref<10000x128xf32, #tpu.memory_space<vmem_shared>> -> memref<10000x128xf32, #tpu.memory_space<vmem_shared>>
          tpu.enqueue_indirect_dma source(%arg13 : memref<125x128xf32, #tpu.memory_space<vmem>>) target(%dma_start3A_98 : memref<10000x128xf32, #tpu.memory_space<vmem_shared>>) offsets(%dma_start3A_95 : memref<125xi32, #tpu.memory_space<vmem>>) semaphore(%run_scoped3A_92 : memref<!tpu.dma_semaphore, #tpu.memory_space<semaphore_mem>>) {add = true}
          %dma_wait3A_99 = arith.constant 0 : i32
          %dma_wait3A_100 = tpu.memref_slice %arg11[%add3A_91, %dma_wait3A_99] : memref<40x125xi32, #tpu.memory_space<vmem>> -> memref<1x125xi32, #tpu.memory_space<vmem>>
          %dma_wait3A_101 = tpu.memref_squeeze %dma_wait3A_100 : memref<1x125xi32, #tpu.memory_space<vmem>> -> memref<125xi32, #tpu.memory_space<vmem>>
          %dma_wait3A_102 = arith.constant 0 : i32
          %dma_wait3A_103 = arith.constant 0 : i32
          %dma_wait3A_104 = tpu.memref_slice %arg14[%dma_wait3A_102, %dma_wait3A_103] : memref<10000x128xf32, #tpu.memory_space<vmem_shared>> -> memref<10000x128xf32, #tpu.memory_space<vmem_shared>>
          tpu.wait_indirect_dma semaphore(%run_scoped3A_92 : memref<!tpu.dma_semaphore, #tpu.memory_space<semaphore_mem>>) src(%arg13 : memref<125x128xf32, #tpu.memory_space<vmem>>) dst(%dma_wait3A_104 : memref<10000x128xf32, #tpu.memory_space<vmem_shared>>)
          tpu.yield
        }) : () -> ()
      }
      %scan3A_61 = arith.constant 20 : i32
    } else {
    }
    %barrier3A_40 = arith.constant 0 : index
    tpu.barrier barrier_id(%barrier3A_40)
    %lt3A_41 = arith.constant 15 : i32
    %lt3A_42 = arith.cmpi slt, %arg1, %lt3A_41 : i32
    %convert_element_type3A_43 = arith.extui %lt3A_42 : i1 to i32
    %cond3A_44 = arith.constant 0 : i32
    %cond3A_45 = arith.cmpi ne, %convert_element_type3A_43, %cond3A_44 : i32
    scf.if %cond3A_45 {
      %eq3A_51 = arith.constant 0 : i32
      %eq3A_52 = arith.cmpi eq, %arg0, %eq3A_51 : i32
      %convert_element_type3A_53 = arith.extui %eq3A_52 : i1 to i32
      %cond3A_54 = arith.constant 0 : i32
      %cond3A_55 = arith.cmpi ne, %convert_element_type3A_53, %cond3A_54 : i32
      scf.if %cond3A_55 {
        "tpu.region"() ({
          %run_scoped3A_61 = tpu.sem_alloc : memref<!tpu.dma_semaphore, #tpu.memory_space<semaphore_mem>>
          %dma_start3A = arith.constant 0 : i32
          %dma_start3A_62 = tpu.memref_slice %arg8[%multiple_of3A, %dma_start3A] : memref<10000x128xf32, #tpu.memory_space<hbm>> -> memref<624x128xf32, #tpu.memory_space<hbm>>
          %dma_start3A_63 = arith.constant 0 : i32
          %dma_start3A_64 = tpu.memref_slice %arg14[%multiple_of3A, %dma_start3A_63] : memref<10000x128xf32, #tpu.memory_space<vmem_shared>> -> memref<624x128xf32, #tpu.memory_space<vmem_shared>>
          tpu.enqueue_dma source(%dma_start3A_64 : memref<624x128xf32, #tpu.memory_space<vmem_shared>>) target(%dma_start3A_62 : memref<624x128xf32, #tpu.memory_space<hbm>>) target_semaphore(%run_scoped3A_61 : memref<!tpu.dma_semaphore, #tpu.memory_space<semaphore_mem>>)
          %dma_wait3A = arith.constant 0 : i32
          %dma_wait3A_65 = tpu.memref_slice %arg8[%multiple_of3A, %dma_wait3A] : memref<10000x128xf32, #tpu.memory_space<hbm>> -> memref<624x128xf32, #tpu.memory_space<hbm>>
          %dma_wait3A_66 = arith.constant 0 : i32
          %dma_wait3A_67 = tpu.memref_slice %arg14[%multiple_of3A, %dma_wait3A_66] : memref<10000x128xf32, #tpu.memory_space<vmem_shared>> -> memref<624x128xf32, #tpu.memory_space<vmem_shared>>
          tpu.wait_dma2 semaphore(%run_scoped3A_61 : memref<!tpu.dma_semaphore, #tpu.memory_space<semaphore_mem>>) src(%dma_wait3A_67 : memref<624x128xf32, #tpu.memory_space<vmem_shared>>) dst(%dma_wait3A_65 : memref<624x128xf32, #tpu.memory_space<hbm>>)
          tpu.yield
        }) : () -> ()
      } else {
      }
      %eq3A_56 = arith.constant 1 : i32
      %eq3A_57 = arith.cmpi eq, %arg0, %eq3A_56 : i32
      %convert_element_type3A_58 = arith.extui %eq3A_57 : i1 to i32
      %cond3A_59 = arith.constant 0 : i32
      %cond3A_60 = arith.cmpi ne, %convert_element_type3A_58, %cond3A_59 : i32
      scf.if %cond3A_60 {
        "tpu.region"() ({
          %run_scoped3A_61 = tpu.sem_alloc : memref<!tpu.dma_semaphore, #tpu.memory_space<semaphore_mem>>
          %dma_start3A = arith.constant 0 : i32
          %dma_start3A_62 = tpu.memref_slice %arg9[%multiple_of3A, %dma_start3A] : memref<10000x128xf32, #tpu.memory_space<hbm>> -> memref<624x128xf32, #tpu.memory_space<hbm>>
          %dma_start3A_63 = arith.constant 0 : i32
          %dma_start3A_64 = tpu.memref_slice %arg14[%multiple_of3A, %dma_start3A_63] : memref<10000x128xf32, #tpu.memory_space<vmem_shared>> -> memref<624x128xf32, #tpu.memory_space<vmem_shared>>
          tpu.enqueue_dma source(%dma_start3A_64 : memref<624x128xf32, #tpu.memory_space<vmem_shared>>) target(%dma_start3A_62 : memref<624x128xf32, #tpu.memory_space<hbm>>) target_semaphore(%run_scoped3A_61 : memref<!tpu.dma_semaphore, #tpu.memory_space<semaphore_mem>>)
          %dma_wait3A = arith.constant 0 : i32
          %dma_wait3A_65 = tpu.memref_slice %arg9[%multiple_of3A, %dma_wait3A] : memref<10000x128xf32, #tpu.memory_space<hbm>> -> memref<624x128xf32, #tpu.memory_space<hbm>>
          %dma_wait3A_66 = arith.constant 0 : i32
          %dma_wait3A_67 = tpu.memref_slice %arg14[%multiple_of3A, %dma_wait3A_66] : memref<10000x128xf32, #tpu.memory_space<vmem_shared>> -> memref<624x128xf32, #tpu.memory_space<vmem_shared>>
          tpu.wait_dma2 semaphore(%run_scoped3A_61 : memref<!tpu.dma_semaphore, #tpu.memory_space<semaphore_mem>>) src(%dma_wait3A_67 : memref<624x128xf32, #tpu.memory_space<vmem_shared>>) dst(%dma_wait3A_65 : memref<624x128xf32, #tpu.memory_space<hbm>>)
          tpu.yield
        }) : () -> ()
      } else {
      }
    } else {
    }
    %eq3A_46 = arith.constant 15 : i32
    %eq3A_47 = arith.cmpi eq, %arg1, %eq3A_46 : i32
    %convert_element_type3A_48 = arith.extui %eq3A_47 : i1 to i32
    %cond3A_49 = arith.constant 0 : i32
    %cond3A_50 = arith.cmpi ne, %convert_element_type3A_48, %cond3A_49 : i32
    scf.if %cond3A_50 {
      %eq3A_51 = arith.constant 0 : i32
      %eq3A_52 = arith.cmpi eq, %arg0, %eq3A_51 : i32
      %convert_element_type3A_53 = arith.extui %eq3A_52 : i1 to i32
      %cond3A_54 = arith.constant 0 : i32
      %cond3A_55 = arith.cmpi ne, %convert_element_type3A_53, %cond3A_54 : i32
      scf.if %cond3A_55 {
        "tpu.region"() ({
          %run_scoped3A_61 = tpu.sem_alloc : memref<!tpu.dma_semaphore, #tpu.memory_space<semaphore_mem>>
          %dma_start3A = arith.constant 9360 : i32
          %dma_start3A_62 = arith.constant 0 : i32
          %dma_start3A_63 = tpu.memref_slice %arg8[%dma_start3A, %dma_start3A_62] : memref<10000x128xf32, #tpu.memory_space<hbm>> -> memref<640x128xf32, #tpu.memory_space<hbm>>
          %dma_start3A_64 = arith.constant 9360 : i32
          %dma_start3A_65 = arith.constant 0 : i32
          %dma_start3A_66 = tpu.memref_slice %arg14[%dma_start3A_64, %dma_start3A_65] : memref<10000x128xf32, #tpu.memory_space<vmem_shared>> -> memref<640x128xf32, #tpu.memory_space<vmem_shared>>
          tpu.enqueue_dma source(%dma_start3A_66 : memref<640x128xf32, #tpu.memory_space<vmem_shared>>) target(%dma_start3A_63 : memref<640x128xf32, #tpu.memory_space<hbm>>) target_semaphore(%run_scoped3A_61 : memref<!tpu.dma_semaphore, #tpu.memory_space<semaphore_mem>>)
          %dma_wait3A = arith.constant 9360 : i32
          %dma_wait3A_67 = arith.constant 0 : i32
          %dma_wait3A_68 = tpu.memref_slice %arg8[%dma_wait3A, %dma_wait3A_67] : memref<10000x128xf32, #tpu.memory_space<hbm>> -> memref<640x128xf32, #tpu.memory_space<hbm>>
          %dma_wait3A_69 = arith.constant 9360 : i32
          %dma_wait3A_70 = arith.constant 0 : i32
          %dma_wait3A_71 = tpu.memref_slice %arg14[%dma_wait3A_69, %dma_wait3A_70] : memref<10000x128xf32, #tpu.memory_space<vmem_shared>> -> memref<640x128xf32, #tpu.memory_space<vmem_shared>>
          tpu.wait_dma2 semaphore(%run_scoped3A_61 : memref<!tpu.dma_semaphore, #tpu.memory_space<semaphore_mem>>) src(%dma_wait3A_71 : memref<640x128xf32, #tpu.memory_space<vmem_shared>>) dst(%dma_wait3A_68 : memref<640x128xf32, #tpu.memory_space<hbm>>)
          tpu.yield
        }) : () -> ()
      } else {
      }
      %eq3A_56 = arith.constant 1 : i32
      %eq3A_57 = arith.cmpi eq, %arg0, %eq3A_56 : i32
      %convert_element_type3A_58 = arith.extui %eq3A_57 : i1 to i32
      %cond3A_59 = arith.constant 0 : i32
      %cond3A_60 = arith.cmpi ne, %convert_element_type3A_58, %cond3A_59 : i32
      scf.if %cond3A_60 {
        "tpu.region"() ({
          %run_scoped3A_61 = tpu.sem_alloc : memref<!tpu.dma_semaphore, #tpu.memory_space<semaphore_mem>>
          %dma_start3A = arith.constant 9360 : i32
          %dma_start3A_62 = arith.constant 0 : i32
          %dma_start3A_63 = tpu.memref_slice %arg9[%dma_start3A, %dma_start3A_62] : memref<10000x128xf32, #tpu.memory_space<hbm>> -> memref<640x128xf32, #tpu.memory_space<hbm>>
          %dma_start3A_64 = arith.constant 9360 : i32
          %dma_start3A_65 = arith.constant 0 : i32
          %dma_start3A_66 = tpu.memref_slice %arg14[%dma_start3A_64, %dma_start3A_65] : memref<10000x128xf32, #tpu.memory_space<vmem_shared>> -> memref<640x128xf32, #tpu.memory_space<vmem_shared>>
          tpu.enqueue_dma source(%dma_start3A_66 : memref<640x128xf32, #tpu.memory_space<vmem_shared>>) target(%dma_start3A_63 : memref<640x128xf32, #tpu.memory_space<hbm>>) target_semaphore(%run_scoped3A_61 : memref<!tpu.dma_semaphore, #tpu.memory_space<semaphore_mem>>)
          %dma_wait3A = arith.constant 9360 : i32
          %dma_wait3A_67 = arith.constant 0 : i32
          %dma_wait3A_68 = tpu.memref_slice %arg9[%dma_wait3A, %dma_wait3A_67] : memref<10000x128xf32, #tpu.memory_space<hbm>> -> memref<640x128xf32, #tpu.memory_space<hbm>>
          %dma_wait3A_69 = arith.constant 9360 : i32
          %dma_wait3A_70 = arith.constant 0 : i32
          %dma_wait3A_71 = tpu.memref_slice %arg14[%dma_wait3A_69, %dma_wait3A_70] : memref<10000x128xf32, #tpu.memory_space<vmem_shared>> -> memref<640x128xf32, #tpu.memory_space<vmem_shared>>
          tpu.wait_dma2 semaphore(%run_scoped3A_61 : memref<!tpu.dma_semaphore, #tpu.memory_space<semaphore_mem>>) src(%dma_wait3A_71 : memref<640x128xf32, #tpu.memory_space<vmem_shared>>) dst(%dma_wait3A_68 : memref<640x128xf32, #tpu.memory_space<hbm>>)
          tpu.yield
        }) : () -> ()
      } else {
      }
    } else {
    }
    return
  }
}

#map = affine_map<(d0, d1) -> (0, 0)>
#map1 = affine_map<(d0, d1) -> (0, 0, 0, 0)>
module attributes {stable_mosaic.version = 14 : i64} {
  func.func @sc(%arg0: i32, %arg1: i32, %arg2: memref<10000x128xf32, #tpu.memory_space<hbm>>, %arg3: memref<10000x128xf32, #tpu.memory_space<hbm>>, %arg4: memref<10000x128xf32, #tpu.memory_space<hbm>>, %arg5: memref<10000x128xf32, #tpu.memory_space<hbm>>, %arg6: memref<16x2x40x125xi32, #tpu.memory_space<hbm>>, %arg7: memref<16x2x40x125xi32, #tpu.memory_space<hbm>>, %arg8: memref<10000x128xf32, #tpu.memory_space<hbm>>, %arg9: memref<10000x128xf32, #tpu.memory_space<hbm>>, %arg10: memref<40x125xi32, #tpu.memory_space<vmem>>, %arg11: memref<40x125xi32, #tpu.memory_space<vmem>>, %arg12: memref<125x128xf32, #tpu.memory_space<vmem>>, %arg13: memref<125x128xf32, #tpu.memory_space<vmem>>, %arg14: memref<10000x128xf32, #tpu.memory_space<vmem_shared>>, %arg15: memref<!tpu.dma_semaphore, #tpu.memory_space<semaphore_mem>>, %arg16: memref<!tpu.dma_semaphore, #tpu.memory_space<semaphore_mem>>) attributes {dimension_semantics = [#tpu.dimension_semantics<core_parallel>, #tpu.dimension_semantics<subcore_parallel>], iteration_bounds = array<i64: 2, 16>, scalar_prefetch = 0 : i64, scratch_operands = 7 : i64, tpu.core_type = #tpu.core_type<sc_vector_subcore>, window_params = [{transform_indices = #map}, {transform_indices = #map}, {transform_indices = #map}, {transform_indices = #map}, {transform_indices = #map1}, {transform_indices = #map1}, {transform_indices = #map}, {transform_indices = #map}]} {
    %mul3A = arith.constant 624 : i32
    %mul3A_0 = arith.muli %arg1, %mul3A : i32
    %multiple_of3A = tpu.assume_multiple %mul3A_0, 8 : i32
    %lt3A = arith.constant 15 : i32
    %lt3A_1 = arith.cmpi slt, %arg1, %lt3A : i32
    %convert_element_type3A = arith.extui %lt3A_1 : i1 to i32
    %cond3A = arith.constant 0 : i32
    %cond3A_2 = arith.cmpi ne, %convert_element_type3A, %cond3A : i32
    scf.if %cond3A_2 {
      %eq3A_51 = arith.constant 0 : i32
      %eq3A_52 = arith.cmpi eq, %arg0, %eq3A_51 : i32
      %convert_element_type3A_53 = arith.extui %eq3A_52 : i1 to i32
      %cond3A_54 = arith.constant 0 : i32
      %cond3A_55 = arith.cmpi ne, %convert_element_type3A_53, %cond3A_54 : i32
      scf.if %cond3A_55 {
        %dma_start3A = arith.constant 0 : i32
        %dma_start3A_61 = tpu.memref_slice %arg14[%multiple_of3A, %dma_start3A] : memref<10000x128xf32, #tpu.memory_space<vmem_shared>> -> memref<624x128xf32, #tpu.memory_space<vmem_shared>>
        %dma_start3A_62 = arith.constant 0 : i32
        %dma_start3A_63 = tpu.memref_slice %arg4[%multiple_of3A, %dma_start3A_62] : memref<10000x128xf32, #tpu.memory_space<hbm>> -> memref<624x128xf32, #tpu.memory_space<hbm>>
        tpu.enqueue_dma source(%dma_start3A_63 : memref<624x128xf32, #tpu.memory_space<hbm>>) target(%dma_start3A_61 : memref<624x128xf32, #tpu.memory_space<vmem_shared>>) target_semaphore(%arg15 : memref<!tpu.dma_semaphore, #tpu.memory_space<semaphore_mem>>)
      } else {
      }
      %eq3A_56 = arith.constant 1 : i32
      %eq3A_57 = arith.cmpi eq, %arg0, %eq3A_56 : i32
      %convert_element_type3A_58 = arith.extui %eq3A_57 : i1 to i32
      %cond3A_59 = arith.constant 0 : i32
      %cond3A_60 = arith.cmpi ne, %convert_element_type3A_58, %cond3A_59 : i32
      scf.if %cond3A_60 {
        %dma_start3A = arith.constant 0 : i32
        %dma_start3A_61 = tpu.memref_slice %arg14[%multiple_of3A, %dma_start3A] : memref<10000x128xf32, #tpu.memory_space<vmem_shared>> -> memref<624x128xf32, #tpu.memory_space<vmem_shared>>
        %dma_start3A_62 = arith.constant 0 : i32
        %dma_start3A_63 = tpu.memref_slice %arg5[%multiple_of3A, %dma_start3A_62] : memref<10000x128xf32, #tpu.memory_space<hbm>> -> memref<624x128xf32, #tpu.memory_space<hbm>>
        tpu.enqueue_dma source(%dma_start3A_63 : memref<624x128xf32, #tpu.memory_space<hbm>>) target(%dma_start3A_61 : memref<624x128xf32, #tpu.memory_space<vmem_shared>>) target_semaphore(%arg15 : memref<!tpu.dma_semaphore, #tpu.memory_space<semaphore_mem>>)
      } else {
      }
    } else {
    }
    %eq3A = arith.constant 15 : i32
    %eq3A_3 = arith.cmpi eq, %arg1, %eq3A : i32
    %convert_element_type3A_4 = arith.extui %eq3A_3 : i1 to i32
    %cond3A_5 = arith.constant 0 : i32
    %cond3A_6 = arith.cmpi ne, %convert_element_type3A_4, %cond3A_5 : i32
    scf.if %cond3A_6 {
      %eq3A_51 = arith.constant 0 : i32
      %eq3A_52 = arith.cmpi eq, %arg0, %eq3A_51 : i32
      %convert_element_type3A_53 = arith.extui %eq3A_52 : i1 to i32
      %cond3A_54 = arith.constant 0 : i32
      %cond3A_55 = arith.cmpi ne, %convert_element_type3A_53, %cond3A_54 : i32
      scf.if %cond3A_55 {
        %dma_start3A = arith.constant 9360 : i32
        %dma_start3A_61 = arith.constant 0 : i32
        %dma_start3A_62 = tpu.memref_slice %arg14[%dma_start3A, %dma_start3A_61] : memref<10000x128xf32, #tpu.memory_space<vmem_shared>> -> memref<640x128xf32, #tpu.memory_space<vmem_shared>>
        %dma_start3A_63 = arith.constant 9360 : i32
        %dma_start3A_64 = arith.constant 0 : i32
        %dma_start3A_65 = tpu.memref_slice %arg4[%dma_start3A_63, %dma_start3A_64] : memref<10000x128xf32, #tpu.memory_space<hbm>> -> memref<640x128xf32, #tpu.memory_space<hbm>>
        tpu.enqueue_dma source(%dma_start3A_65 : memref<640x128xf32, #tpu.memory_space<hbm>>) target(%dma_start3A_62 : memref<640x128xf32, #tpu.memory_space<vmem_shared>>) target_semaphore(%arg15 : memref<!tpu.dma_semaphore, #tpu.memory_space<semaphore_mem>>)
      } else {
      }
      %eq3A_56 = arith.constant 1 : i32
      %eq3A_57 = arith.cmpi eq, %arg0, %eq3A_56 : i32
      %convert_element_type3A_58 = arith.extui %eq3A_57 : i1 to i32
      %cond3A_59 = arith.constant 0 : i32
      %cond3A_60 = arith.cmpi ne, %convert_element_type3A_58, %cond3A_59 : i32
      scf.if %cond3A_60 {
        %dma_start3A = arith.constant 9360 : i32
        %dma_start3A_61 = arith.constant 0 : i32
        %dma_start3A_62 = tpu.memref_slice %arg14[%dma_start3A, %dma_start3A_61] : memref<10000x128xf32, #tpu.memory_space<vmem_shared>> -> memref<640x128xf32, #tpu.memory_space<vmem_shared>>
        %dma_start3A_63 = arith.constant 9360 : i32
        %dma_start3A_64 = arith.constant 0 : i32
        %dma_start3A_65 = tpu.memref_slice %arg5[%dma_start3A_63, %dma_start3A_64] : memref<10000x128xf32, #tpu.memory_space<hbm>> -> memref<640x128xf32, #tpu.memory_space<hbm>>
        tpu.enqueue_dma source(%dma_start3A_65 : memref<640x128xf32, #tpu.memory_space<hbm>>) target(%dma_start3A_62 : memref<640x128xf32, #tpu.memory_space<vmem_shared>>) target_semaphore(%arg15 : memref<!tpu.dma_semaphore, #tpu.memory_space<semaphore_mem>>)
      } else {
      }
    } else {
    }
    %run_scoped3A = arith.constant 0 : i32
    "tpu.region"() ({
      %run_scoped3A_51 = tpu.sem_alloc : memref<!tpu.dma_semaphore, #tpu.memory_space<semaphore_mem>>
      %dma_start3A = arith.constant 0 : i32
      %dma_start3A_52 = arith.constant 0 : i32
      %dma_start3A_53 = tpu.memref_slice %arg6[%arg1, %run_scoped3A, %dma_start3A, %dma_start3A_52] : memref<16x2x40x125xi32, #tpu.memory_space<hbm>> -> memref<1x1x40x125xi32, #tpu.memory_space<hbm>>
      %dma_start3A_54 = tpu.memref_squeeze %dma_start3A_53 : memref<1x1x40x125xi32, #tpu.memory_space<hbm>> -> memref<40x125xi32, #tpu.memory_space<hbm>>
      %dma_start3A_55 = arith.constant 0 : i32
      %dma_start3A_56 = arith.constant 0 : i32
      %dma_start3A_57 = tpu.memref_slice %arg6[%arg1, %run_scoped3A, %dma_start3A_55, %dma_start3A_56] : memref<16x2x40x125xi32, #tpu.memory_space<hbm>> -> memref<1x1x40x125xi32, #tpu.memory_space<hbm>>
      %dma_start3A_58 = tpu.memref_squeeze %dma_start3A_57 : memref<1x1x40x125xi32, #tpu.memory_space<hbm>> -> memref<40x125xi32, #tpu.memory_space<hbm>>
      tpu.enqueue_dma source(%dma_start3A_58 : memref<40x125xi32, #tpu.memory_space<hbm>>) target(%arg10 : memref<40x125xi32, #tpu.memory_space<vmem>>) target_semaphore(%run_scoped3A_51 : memref<!tpu.dma_semaphore, #tpu.memory_space<semaphore_mem>>)
      %dma_wait3A = arith.constant 0 : i32
      %dma_wait3A_59 = arith.constant 0 : i32
      %dma_wait3A_60 = tpu.memref_slice %arg6[%arg1, %run_scoped3A, %dma_wait3A, %dma_wait3A_59] : memref<16x2x40x125xi32, #tpu.memory_space<hbm>> -> memref<1x1x40x125xi32, #tpu.memory_space<hbm>>
      %dma_wait3A_61 = tpu.memref_squeeze %dma_wait3A_60 : memref<1x1x40x125xi32, #tpu.memory_space<hbm>> -> memref<40x125xi32, #tpu.memory_space<hbm>>
      %dma_wait3A_62 = arith.constant 0 : i32
      %dma_wait3A_63 = arith.constant 0 : i32
      %dma_wait3A_64 = tpu.memref_slice %arg6[%arg1, %run_scoped3A, %dma_wait3A_62, %dma_wait3A_63] : memref<16x2x40x125xi32, #tpu.memory_space<hbm>> -> memref<1x1x40x125xi32, #tpu.memory_space<hbm>>
      %dma_wait3A_65 = tpu.memref_squeeze %dma_wait3A_64 : memref<1x1x40x125xi32, #tpu.memory_space<hbm>> -> memref<40x125xi32, #tpu.memory_space<hbm>>
      tpu.wait_dma2 semaphore(%run_scoped3A_51 : memref<!tpu.dma_semaphore, #tpu.memory_space<semaphore_mem>>) src(%dma_wait3A_65 : memref<40x125xi32, #tpu.memory_space<hbm>>) dst(%arg10 : memref<40x125xi32, #tpu.memory_space<vmem>>)
      tpu.yield
    }) : () -> ()
    %run_scoped3A_7 = arith.constant 0 : i32
    "tpu.region"() ({
      %run_scoped3A_51 = tpu.sem_alloc : memref<!tpu.dma_semaphore, #tpu.memory_space<semaphore_mem>>
      %dma_start3A = arith.constant 0 : i32
      %dma_start3A_52 = arith.constant 0 : i32
      %dma_start3A_53 = tpu.memref_slice %arg7[%arg1, %run_scoped3A_7, %dma_start3A, %dma_start3A_52] : memref<16x2x40x125xi32, #tpu.memory_space<hbm>> -> memref<1x1x40x125xi32, #tpu.memory_space<hbm>>
      %dma_start3A_54 = tpu.memref_squeeze %dma_start3A_53 : memref<1x1x40x125xi32, #tpu.memory_space<hbm>> -> memref<40x125xi32, #tpu.memory_space<hbm>>
      %dma_start3A_55 = arith.constant 0 : i32
      %dma_start3A_56 = arith.constant 0 : i32
      %dma_start3A_57 = tpu.memref_slice %arg7[%arg1, %run_scoped3A_7, %dma_start3A_55, %dma_start3A_56] : memref<16x2x40x125xi32, #tpu.memory_space<hbm>> -> memref<1x1x40x125xi32, #tpu.memory_space<hbm>>
      %dma_start3A_58 = tpu.memref_squeeze %dma_start3A_57 : memref<1x1x40x125xi32, #tpu.memory_space<hbm>> -> memref<40x125xi32, #tpu.memory_space<hbm>>
      tpu.enqueue_dma source(%dma_start3A_58 : memref<40x125xi32, #tpu.memory_space<hbm>>) target(%arg11 : memref<40x125xi32, #tpu.memory_space<vmem>>) target_semaphore(%run_scoped3A_51 : memref<!tpu.dma_semaphore, #tpu.memory_space<semaphore_mem>>)
      %dma_wait3A = arith.constant 0 : i32
      %dma_wait3A_59 = arith.constant 0 : i32
      %dma_wait3A_60 = tpu.memref_slice %arg7[%arg1, %run_scoped3A_7, %dma_wait3A, %dma_wait3A_59] : memref<16x2x40x125xi32, #tpu.memory_space<hbm>> -> memref<1x1x40x125xi32, #tpu.memory_space<hbm>>
      %dma_wait3A_61 = tpu.memref_squeeze %dma_wait3A_60 : memref<1x1x40x125xi32, #tpu.memory_space<hbm>> -> memref<40x125xi32, #tpu.memory_space<hbm>>
      %dma_wait3A_62 = arith.constant 0 : i32
      %dma_wait3A_63 = arith.constant 0 : i32
      %dma_wait3A_64 = tpu.memref_slice %arg7[%arg1, %run_scoped3A_7, %dma_wait3A_62, %dma_wait3A_63] : memref<16x2x40x125xi32, #tpu.memory_space<hbm>> -> memref<1x1x40x125xi32, #tpu.memory_space<hbm>>
      %dma_wait3A_65 = tpu.memref_squeeze %dma_wait3A_64 : memref<1x1x40x125xi32, #tpu.memory_space<hbm>> -> memref<40x125xi32, #tpu.memory_space<hbm>>
      tpu.wait_dma2 semaphore(%run_scoped3A_51 : memref<!tpu.dma_semaphore, #tpu.memory_space<semaphore_mem>>) src(%dma_wait3A_65 : memref<40x125xi32, #tpu.memory_space<hbm>>) dst(%arg11 : memref<40x125xi32, #tpu.memory_space<vmem>>)
      tpu.yield
    }) : () -> ()
    %lt3A_8 = arith.constant 15 : i32
    %lt3A_9 = arith.cmpi slt, %arg1, %lt3A_8 : i32
    %convert_element_type3A_10 = arith.extui %lt3A_9 : i1 to i32
    %cond3A_11 = arith.constant 0 : i32
    %cond3A_12 = arith.cmpi ne, %convert_element_type3A_10, %cond3A_11 : i32
    scf.if %cond3A_12 {
      %eq3A_51 = arith.constant 0 : i32
      %eq3A_52 = arith.cmpi eq, %arg0, %eq3A_51 : i32
      %convert_element_type3A_53 = arith.extui %eq3A_52 : i1 to i32
      %cond3A_54 = arith.constant 0 : i32
      %cond3A_55 = arith.cmpi ne, %convert_element_type3A_53, %cond3A_54 : i32
      scf.if %cond3A_55 {
        %dma_wait3A = arith.constant 0 : i32
        %dma_wait3A_61 = tpu.memref_slice %arg14[%multiple_of3A, %dma_wait3A] : memref<10000x128xf32, #tpu.memory_space<vmem_shared>> -> memref<624x128xf32, #tpu.memory_space<vmem_shared>>
        %dma_wait3A_62 = arith.constant 0 : i32
        %dma_wait3A_63 = tpu.memref_slice %arg4[%multiple_of3A, %dma_wait3A_62] : memref<10000x128xf32, #tpu.memory_space<hbm>> -> memref<624x128xf32, #tpu.memory_space<hbm>>
        tpu.wait_dma2 semaphore(%arg15 : memref<!tpu.dma_semaphore, #tpu.memory_space<semaphore_mem>>) src(%dma_wait3A_63 : memref<624x128xf32, #tpu.memory_space<hbm>>) dst(%dma_wait3A_61 : memref<624x128xf32, #tpu.memory_space<vmem_shared>>)
      } else {
      }
      %eq3A_56 = arith.constant 1 : i32
      %eq3A_57 = arith.cmpi eq, %arg0, %eq3A_56 : i32
      %convert_element_type3A_58 = arith.extui %eq3A_57 : i1 to i32
      %cond3A_59 = arith.constant 0 : i32
      %cond3A_60 = arith.cmpi ne, %convert_element_type3A_58, %cond3A_59 : i32
      scf.if %cond3A_60 {
        %dma_wait3A = arith.constant 0 : i32
        %dma_wait3A_61 = tpu.memref_slice %arg14[%multiple_of3A, %dma_wait3A] : memref<10000x128xf32, #tpu.memory_space<vmem_shared>> -> memref<624x128xf32, #tpu.memory_space<vmem_shared>>
        %dma_wait3A_62 = arith.constant 0 : i32
        %dma_wait3A_63 = tpu.memref_slice %arg5[%multiple_of3A, %dma_wait3A_62] : memref<10000x128xf32, #tpu.memory_space<hbm>> -> memref<624x128xf32, #tpu.memory_space<hbm>>
        tpu.wait_dma2 semaphore(%arg15 : memref<!tpu.dma_semaphore, #tpu.memory_space<semaphore_mem>>) src(%dma_wait3A_63 : memref<624x128xf32, #tpu.memory_space<hbm>>) dst(%dma_wait3A_61 : memref<624x128xf32, #tpu.memory_space<vmem_shared>>)
      } else {
      }
    } else {
    }
    %eq3A_13 = arith.constant 15 : i32
    %eq3A_14 = arith.cmpi eq, %arg1, %eq3A_13 : i32
    %convert_element_type3A_15 = arith.extui %eq3A_14 : i1 to i32
    %cond3A_16 = arith.constant 0 : i32
    %cond3A_17 = arith.cmpi ne, %convert_element_type3A_15, %cond3A_16 : i32
    scf.if %cond3A_17 {
      %eq3A_51 = arith.constant 0 : i32
      %eq3A_52 = arith.cmpi eq, %arg0, %eq3A_51 : i32
      %convert_element_type3A_53 = arith.extui %eq3A_52 : i1 to i32
      %cond3A_54 = arith.constant 0 : i32
      %cond3A_55 = arith.cmpi ne, %convert_element_type3A_53, %cond3A_54 : i32
      scf.if %cond3A_55 {
        %dma_wait3A = arith.constant 9360 : i32
        %dma_wait3A_61 = arith.constant 0 : i32
        %dma_wait3A_62 = tpu.memref_slice %arg14[%dma_wait3A, %dma_wait3A_61] : memref<10000x128xf32, #tpu.memory_space<vmem_shared>> -> memref<640x128xf32, #tpu.memory_space<vmem_shared>>
        %dma_wait3A_63 = arith.constant 9360 : i32
        %dma_wait3A_64 = arith.constant 0 : i32
        %dma_wait3A_65 = tpu.memref_slice %arg4[%dma_wait3A_63, %dma_wait3A_64] : memref<10000x128xf32, #tpu.memory_space<hbm>> -> memref<640x128xf32, #tpu.memory_space<hbm>>
        tpu.wait_dma2 semaphore(%arg15 : memref<!tpu.dma_semaphore, #tpu.memory_space<semaphore_mem>>) src(%dma_wait3A_65 : memref<640x128xf32, #tpu.memory_space<hbm>>) dst(%dma_wait3A_62 : memref<640x128xf32, #tpu.memory_space<vmem_shared>>)
      } else {
      }
      %eq3A_56 = arith.constant 1 : i32
      %eq3A_57 = arith.cmpi eq, %arg0, %eq3A_56 : i32
      %convert_element_type3A_58 = arith.extui %eq3A_57 : i1 to i32
      %cond3A_59 = arith.constant 0 : i32
      %cond3A_60 = arith.cmpi ne, %convert_element_type3A_58, %cond3A_59 : i32
      scf.if %cond3A_60 {
        %dma_wait3A = arith.constant 9360 : i32
        %dma_wait3A_61 = arith.constant 0 : i32
        %dma_wait3A_62 = tpu.memref_slice %arg14[%dma_wait3A, %dma_wait3A_61] : memref<10000x128xf32, #tpu.memory_space<vmem_shared>> -> memref<640x128xf32, #tpu.memory_space<vmem_shared>>
        %dma_wait3A_63 = arith.constant 9360 : i32
        %dma_wait3A_64 = arith.constant 0 : i32
        %dma_wait3A_65 = tpu.memref_slice %arg5[%dma_wait3A_63, %dma_wait3A_64] : memref<10000x128xf32, #tpu.memory_space<hbm>> -> memref<640x128xf32, #tpu.memory_space<hbm>>
        tpu.wait_dma2 semaphore(%arg15 : memref<!tpu.dma_semaphore, #tpu.memory_space<semaphore_mem>>) src(%dma_wait3A_65 : memref<640x128xf32, #tpu.memory_space<hbm>>) dst(%dma_wait3A_62 : memref<640x128xf32, #tpu.memory_space<vmem_shared>>)
      } else {
      }
    } else {
    }
    %barrier3A = arith.constant 0 : index
    tpu.barrier barrier_id(%barrier3A)
    %eq3A_18 = arith.constant 0 : i32
    %eq3A_19 = arith.cmpi eq, %arg0, %eq3A_18 : i32
    %convert_element_type3A_20 = arith.extui %eq3A_19 : i1 to i32
    %cond3A_21 = arith.constant 0 : i32
    %cond3A_22 = arith.cmpi ne, %convert_element_type3A_20, %cond3A_21 : i32
    scf.if %cond3A_22 {
      %dma_start3A = arith.constant 0 : i32
      %dma_start3A_51 = arith.constant 0 : i32
      %dma_start3A_52 = tpu.memref_slice %arg10[%dma_start3A, %dma_start3A_51] : memref<40x125xi32, #tpu.memory_space<vmem>> -> memref<1x125xi32, #tpu.memory_space<vmem>>
      %dma_start3A_53 = tpu.memref_squeeze %dma_start3A_52 : memref<1x125xi32, #tpu.memory_space<vmem>> -> memref<125xi32, #tpu.memory_space<vmem>>
      %dma_start3A_54 = arith.constant 0 : i32
      %dma_start3A_55 = arith.constant 0 : i32
      %dma_start3A_56 = tpu.memref_slice %arg2[%dma_start3A_54, %dma_start3A_55] : memref<10000x128xf32, #tpu.memory_space<hbm>> -> memref<10000x128xf32, #tpu.memory_space<hbm>>
      tpu.enqueue_indirect_dma source(%dma_start3A_56 : memref<10000x128xf32, #tpu.memory_space<hbm>>) target(%arg12 : memref<125x128xf32, #tpu.memory_space<vmem>>) offsets(%dma_start3A_53 : memref<125xi32, #tpu.memory_space<vmem>>) semaphore(%arg15 : memref<!tpu.dma_semaphore, #tpu.memory_space<semaphore_mem>>)
      %scan3A = arith.constant 0 : i32
      %scan3A_57 = arith.constant 0 : i32
      %scan3A_58 = arith.constant 20 : i32
      %scan3A_59 = arith.addi %scan3A_57, %scan3A_58 : i32
      %scan3A_60 = arith.constant 1 : i32
      scf.for %scan3A_62 = %scan3A_57 to %scan3A_59 step %scan3A_60  : i32 {
        %mul3A_63 = arith.constant 2 : i32
        %mul3A_64 = arith.muli %mul3A_63, %scan3A_62 : i32
        %add3A = arith.constant 1 : i32
        %add3A_65 = arith.addi %mul3A_64, %add3A : i32
        %dma_start3A_66 = arith.constant 0 : i32
        %dma_start3A_67 = tpu.memref_slice %arg10[%add3A_65, %dma_start3A_66] : memref<40x125xi32, #tpu.memory_space<vmem>> -> memref<1x125xi32, #tpu.memory_space<vmem>>
        %dma_start3A_68 = tpu.memref_squeeze %dma_start3A_67 : memref<1x125xi32, #tpu.memory_space<vmem>> -> memref<125xi32, #tpu.memory_space<vmem>>
        %dma_start3A_69 = arith.constant 0 : i32
        %dma_start3A_70 = arith.constant 0 : i32
        %dma_start3A_71 = tpu.memref_slice %arg2[%dma_start3A_69, %dma_start3A_70] : memref<10000x128xf32, #tpu.memory_space<hbm>> -> memref<10000x128xf32, #tpu.memory_space<hbm>>
        tpu.enqueue_indirect_dma source(%dma_start3A_71 : memref<10000x128xf32, #tpu.memory_space<hbm>>) target(%arg13 : memref<125x128xf32, #tpu.memory_space<vmem>>) offsets(%dma_start3A_68 : memref<125xi32, #tpu.memory_space<vmem>>) semaphore(%arg16 : memref<!tpu.dma_semaphore, #tpu.memory_space<semaphore_mem>>)
        %dma_wait3A = arith.constant 0 : i32
        %dma_wait3A_72 = arith.constant 0 : i32
        %dma_wait3A_73 = tpu.memref_slice %arg10[%dma_wait3A, %dma_wait3A_72] : memref<40x125xi32, #tpu.memory_space<vmem>> -> memref<1x125xi32, #tpu.memory_space<vmem>>
        %dma_wait3A_74 = tpu.memref_squeeze %dma_wait3A_73 : memref<1x125xi32, #tpu.memory_space<vmem>> -> memref<125xi32, #tpu.memory_space<vmem>>
        %dma_wait3A_75 = arith.constant 0 : i32
        %dma_wait3A_76 = arith.constant 0 : i32
        %dma_wait3A_77 = tpu.memref_slice %arg2[%dma_wait3A_75, %dma_wait3A_76] : memref<10000x128xf32, #tpu.memory_space<hbm>> -> memref<10000x128xf32, #tpu.memory_space<hbm>>
        tpu.wait_indirect_dma semaphore(%arg15 : memref<!tpu.dma_semaphore, #tpu.memory_space<semaphore_mem>>) src(%dma_wait3A_77 : memref<10000x128xf32, #tpu.memory_space<hbm>>) dst(%arg12 : memref<125x128xf32, #tpu.memory_space<vmem>>)
        "tpu.region"() ({
          %run_scoped3A_92 = tpu.sem_alloc : memref<!tpu.dma_semaphore, #tpu.memory_space<semaphore_mem>>
          %dma_start3A_93 = arith.constant 0 : i32
          %dma_start3A_94 = tpu.memref_slice %arg11[%mul3A_64, %dma_start3A_93] : memref<40x125xi32, #tpu.memory_space<vmem>> -> memref<1x125xi32, #tpu.memory_space<vmem>>
          %dma_start3A_95 = tpu.memref_squeeze %dma_start3A_94 : memref<1x125xi32, #tpu.memory_space<vmem>> -> memref<125xi32, #tpu.memory_space<vmem>>
          %dma_start3A_96 = arith.constant 0 : i32
          %dma_start3A_97 = arith.constant 0 : i32
          %dma_start3A_98 = tpu.memref_slice %arg14[%dma_start3A_96, %dma_start3A_97] : memref<10000x128xf32, #tpu.memory_space<vmem_shared>> -> memref<10000x128xf32, #tpu.memory_space<vmem_shared>>
          tpu.enqueue_indirect_dma source(%arg12 : memref<125x128xf32, #tpu.memory_space<vmem>>) target(%dma_start3A_98 : memref<10000x128xf32, #tpu.memory_space<vmem_shared>>) offsets(%dma_start3A_95 : memref<125xi32, #tpu.memory_space<vmem>>) semaphore(%run_scoped3A_92 : memref<!tpu.dma_semaphore, #tpu.memory_space<semaphore_mem>>) {add = true}
          %dma_wait3A_99 = arith.constant 0 : i32
          %dma_wait3A_100 = tpu.memref_slice %arg11[%mul3A_64, %dma_wait3A_99] : memref<40x125xi32, #tpu.memory_space<vmem>> -> memref<1x125xi32, #tpu.memory_space<vmem>>
          %dma_wait3A_101 = tpu.memref_squeeze %dma_wait3A_100 : memref<1x125xi32, #tpu.memory_space<vmem>> -> memref<125xi32, #tpu.memory_space<vmem>>
          %dma_wait3A_102 = arith.constant 0 : i32
          %dma_wait3A_103 = arith.constant 0 : i32
          %dma_wait3A_104 = tpu.memref_slice %arg14[%dma_wait3A_102, %dma_wait3A_103] : memref<10000x128xf32, #tpu.memory_space<vmem_shared>> -> memref<10000x128xf32, #tpu.memory_space<vmem_shared>>
          tpu.wait_indirect_dma semaphore(%run_scoped3A_92 : memref<!tpu.dma_semaphore, #tpu.memory_space<semaphore_mem>>) src(%arg12 : memref<125x128xf32, #tpu.memory_space<vmem>>) dst(%dma_wait3A_104 : memref<10000x128xf32, #tpu.memory_space<vmem_shared>>)
          tpu.yield
        }) : () -> ()
        %lt3A_78 = arith.constant 19 : i32
        %lt3A_79 = arith.cmpi slt, %scan3A_62, %lt3A_78 : i32
        %convert_element_type3A_80 = arith.extui %lt3A_79 : i1 to i32
        %cond3A_81 = arith.constant 0 : i32
        %cond3A_82 = arith.cmpi ne, %convert_element_type3A_80, %cond3A_81 : i32
        scf.if %cond3A_82 {
          %add3A_92 = arith.constant 2 : i32
          %add3A_93 = arith.addi %mul3A_64, %add3A_92 : i32
          %dma_start3A_94 = arith.constant 0 : i32
          %dma_start3A_95 = tpu.memref_slice %arg10[%add3A_93, %dma_start3A_94] : memref<40x125xi32, #tpu.memory_space<vmem>> -> memref<1x125xi32, #tpu.memory_space<vmem>>
          %dma_start3A_96 = tpu.memref_squeeze %dma_start3A_95 : memref<1x125xi32, #tpu.memory_space<vmem>> -> memref<125xi32, #tpu.memory_space<vmem>>
          %dma_start3A_97 = arith.constant 0 : i32
          %dma_start3A_98 = arith.constant 0 : i32
          %dma_start3A_99 = tpu.memref_slice %arg2[%dma_start3A_97, %dma_start3A_98] : memref<10000x128xf32, #tpu.memory_space<hbm>> -> memref<10000x128xf32, #tpu.memory_space<hbm>>
          tpu.enqueue_indirect_dma source(%dma_start3A_99 : memref<10000x128xf32, #tpu.memory_space<hbm>>) target(%arg12 : memref<125x128xf32, #tpu.memory_space<vmem>>) offsets(%dma_start3A_96 : memref<125xi32, #tpu.memory_space<vmem>>) semaphore(%arg15 : memref<!tpu.dma_semaphore, #tpu.memory_space<semaphore_mem>>)
        } else {
        }
        %dma_wait3A_83 = arith.constant 0 : i32
        %dma_wait3A_84 = arith.constant 0 : i32
        %dma_wait3A_85 = tpu.memref_slice %arg10[%dma_wait3A_83, %dma_wait3A_84] : memref<40x125xi32, #tpu.memory_space<vmem>> -> memref<1x125xi32, #tpu.memory_space<vmem>>
        %dma_wait3A_86 = tpu.memref_squeeze %dma_wait3A_85 : memref<1x125xi32, #tpu.memory_space<vmem>> -> memref<125xi32, #tpu.memory_space<vmem>>
        %dma_wait3A_87 = arith.constant 0 : i32
        %dma_wait3A_88 = arith.constant 0 : i32
        %dma_wait3A_89 = tpu.memref_slice %arg2[%dma_wait3A_87, %dma_wait3A_88] : memref<10000x128xf32, #tpu.memory_space<hbm>> -> memref<10000x128xf32, #tpu.memory_space<hbm>>
        tpu.wait_indirect_dma semaphore(%arg16 : memref<!tpu.dma_semaphore, #tpu.memory_space<semaphore_mem>>) src(%dma_wait3A_89 : memref<10000x128xf32, #tpu.memory_space<hbm>>) dst(%arg13 : memref<125x128xf32, #tpu.memory_space<vmem>>)
        %add3A_90 = arith.constant 1 : i32
        %add3A_91 = arith.addi %mul3A_64, %add3A_90 : i32
        "tpu.region"() ({
          %run_scoped3A_92 = tpu.sem_alloc : memref<!tpu.dma_semaphore, #tpu.memory_space<semaphore_mem>>
          %dma_start3A_93 = arith.constant 0 : i32
          %dma_start3A_94 = tpu.memref_slice %arg11[%add3A_91, %dma_start3A_93] : memref<40x125xi32, #tpu.memory_space<vmem>> -> memref<1x125xi32, #tpu.memory_space<vmem>>
          %dma_start3A_95 = tpu.memref_squeeze %dma_start3A_94 : memref<1x125xi32, #tpu.memory_space<vmem>> -> memref<125xi32, #tpu.memory_space<vmem>>
          %dma_start3A_96 = arith.constant 0 : i32
          %dma_start3A_97 = arith.constant 0 : i32
          %dma_start3A_98 = tpu.memref_slice %arg14[%dma_start3A_96, %dma_start3A_97] : memref<10000x128xf32, #tpu.memory_space<vmem_shared>> -> memref<10000x128xf32, #tpu.memory_space<vmem_shared>>
          tpu.enqueue_indirect_dma source(%arg13 : memref<125x128xf32, #tpu.memory_space<vmem>>) target(%dma_start3A_98 : memref<10000x128xf32, #tpu.memory_space<vmem_shared>>) offsets(%dma_start3A_95 : memref<125xi32, #tpu.memory_space<vmem>>) semaphore(%run_scoped3A_92 : memref<!tpu.dma_semaphore, #tpu.memory_space<semaphore_mem>>) {add = true}
          %dma_wait3A_99 = arith.constant 0 : i32
          %dma_wait3A_100 = tpu.memref_slice %arg11[%add3A_91, %dma_wait3A_99] : memref<40x125xi32, #tpu.memory_space<vmem>> -> memref<1x125xi32, #tpu.memory_space<vmem>>
          %dma_wait3A_101 = tpu.memref_squeeze %dma_wait3A_100 : memref<1x125xi32, #tpu.memory_space<vmem>> -> memref<125xi32, #tpu.memory_space<vmem>>
          %dma_wait3A_102 = arith.constant 0 : i32
          %dma_wait3A_103 = arith.constant 0 : i32
          %dma_wait3A_104 = tpu.memref_slice %arg14[%dma_wait3A_102, %dma_wait3A_103] : memref<10000x128xf32, #tpu.memory_space<vmem_shared>> -> memref<10000x128xf32, #tpu.memory_space<vmem_shared>>
          tpu.wait_indirect_dma semaphore(%run_scoped3A_92 : memref<!tpu.dma_semaphore, #tpu.memory_space<semaphore_mem>>) src(%arg13 : memref<125x128xf32, #tpu.memory_space<vmem>>) dst(%dma_wait3A_104 : memref<10000x128xf32, #tpu.memory_space<vmem_shared>>)
          tpu.yield
        }) : () -> ()
      }
      %scan3A_61 = arith.constant 20 : i32
    } else {
    }
    %eq3A_23 = arith.constant 1 : i32
    %eq3A_24 = arith.cmpi eq, %arg0, %eq3A_23 : i32
    %convert_element_type3A_25 = arith.extui %eq3A_24 : i1 to i32
    %cond3A_26 = arith.constant 0 : i32
    %cond3A_27 = arith.cmpi ne, %convert_element_type3A_25, %cond3A_26 : i32
    scf.if %cond3A_27 {
      %dma_start3A = arith.constant 0 : i32
      %dma_start3A_51 = arith.constant 0 : i32
      %dma_start3A_52 = tpu.memref_slice %arg10[%dma_start3A, %dma_start3A_51] : memref<40x125xi32, #tpu.memory_space<vmem>> -> memref<1x125xi32, #tpu.memory_space<vmem>>
      %dma_start3A_53 = tpu.memref_squeeze %dma_start3A_52 : memref<1x125xi32, #tpu.memory_space<vmem>> -> memref<125xi32, #tpu.memory_space<vmem>>
      %dma_start3A_54 = arith.constant 0 : i32
      %dma_start3A_55 = arith.constant 0 : i32
      %dma_start3A_56 = tpu.memref_slice %arg3[%dma_start3A_54, %dma_start3A_55] : memref<10000x128xf32, #tpu.memory_space<hbm>> -> memref<10000x128xf32, #tpu.memory_space<hbm>>
      tpu.enqueue_indirect_dma source(%dma_start3A_56 : memref<10000x128xf32, #tpu.memory_space<hbm>>) target(%arg12 : memref<125x128xf32, #tpu.memory_space<vmem>>) offsets(%dma_start3A_53 : memref<125xi32, #tpu.memory_space<vmem>>) semaphore(%arg15 : memref<!tpu.dma_semaphore, #tpu.memory_space<semaphore_mem>>)
      %scan3A = arith.constant 0 : i32
      %scan3A_57 = arith.constant 0 : i32
      %scan3A_58 = arith.constant 20 : i32
      %scan3A_59 = arith.addi %scan3A_57, %scan3A_58 : i32
      %scan3A_60 = arith.constant 1 : i32
      scf.for %scan3A_62 = %scan3A_57 to %scan3A_59 step %scan3A_60  : i32 {
        %mul3A_63 = arith.constant 2 : i32
        %mul3A_64 = arith.muli %mul3A_63, %scan3A_62 : i32
        %add3A = arith.constant 1 : i32
        %add3A_65 = arith.addi %mul3A_64, %add3A : i32
        %dma_start3A_66 = arith.constant 0 : i32
        %dma_start3A_67 = tpu.memref_slice %arg10[%add3A_65, %dma_start3A_66] : memref<40x125xi32, #tpu.memory_space<vmem>> -> memref<1x125xi32, #tpu.memory_space<vmem>>
        %dma_start3A_68 = tpu.memref_squeeze %dma_start3A_67 : memref<1x125xi32, #tpu.memory_space<vmem>> -> memref<125xi32, #tpu.memory_space<vmem>>
        %dma_start3A_69 = arith.constant 0 : i32
        %dma_start3A_70 = arith.constant 0 : i32
        %dma_start3A_71 = tpu.memref_slice %arg3[%dma_start3A_69, %dma_start3A_70] : memref<10000x128xf32, #tpu.memory_space<hbm>> -> memref<10000x128xf32, #tpu.memory_space<hbm>>
        tpu.enqueue_indirect_dma source(%dma_start3A_71 : memref<10000x128xf32, #tpu.memory_space<hbm>>) target(%arg13 : memref<125x128xf32, #tpu.memory_space<vmem>>) offsets(%dma_start3A_68 : memref<125xi32, #tpu.memory_space<vmem>>) semaphore(%arg16 : memref<!tpu.dma_semaphore, #tpu.memory_space<semaphore_mem>>)
        %dma_wait3A = arith.constant 0 : i32
        %dma_wait3A_72 = arith.constant 0 : i32
        %dma_wait3A_73 = tpu.memref_slice %arg10[%dma_wait3A, %dma_wait3A_72] : memref<40x125xi32, #tpu.memory_space<vmem>> -> memref<1x125xi32, #tpu.memory_space<vmem>>
        %dma_wait3A_74 = tpu.memref_squeeze %dma_wait3A_73 : memref<1x125xi32, #tpu.memory_space<vmem>> -> memref<125xi32, #tpu.memory_space<vmem>>
        %dma_wait3A_75 = arith.constant 0 : i32
        %dma_wait3A_76 = arith.constant 0 : i32
        %dma_wait3A_77 = tpu.memref_slice %arg3[%dma_wait3A_75, %dma_wait3A_76] : memref<10000x128xf32, #tpu.memory_space<hbm>> -> memref<10000x128xf32, #tpu.memory_space<hbm>>
        tpu.wait_indirect_dma semaphore(%arg15 : memref<!tpu.dma_semaphore, #tpu.memory_space<semaphore_mem>>) src(%dma_wait3A_77 : memref<10000x128xf32, #tpu.memory_space<hbm>>) dst(%arg12 : memref<125x128xf32, #tpu.memory_space<vmem>>)
        "tpu.region"() ({
          %run_scoped3A_92 = tpu.sem_alloc : memref<!tpu.dma_semaphore, #tpu.memory_space<semaphore_mem>>
          %dma_start3A_93 = arith.constant 0 : i32
          %dma_start3A_94 = tpu.memref_slice %arg11[%mul3A_64, %dma_start3A_93] : memref<40x125xi32, #tpu.memory_space<vmem>> -> memref<1x125xi32, #tpu.memory_space<vmem>>
          %dma_start3A_95 = tpu.memref_squeeze %dma_start3A_94 : memref<1x125xi32, #tpu.memory_space<vmem>> -> memref<125xi32, #tpu.memory_space<vmem>>
          %dma_start3A_96 = arith.constant 0 : i32
          %dma_start3A_97 = arith.constant 0 : i32
          %dma_start3A_98 = tpu.memref_slice %arg14[%dma_start3A_96, %dma_start3A_97] : memref<10000x128xf32, #tpu.memory_space<vmem_shared>> -> memref<10000x128xf32, #tpu.memory_space<vmem_shared>>
          tpu.enqueue_indirect_dma source(%arg12 : memref<125x128xf32, #tpu.memory_space<vmem>>) target(%dma_start3A_98 : memref<10000x128xf32, #tpu.memory_space<vmem_shared>>) offsets(%dma_start3A_95 : memref<125xi32, #tpu.memory_space<vmem>>) semaphore(%run_scoped3A_92 : memref<!tpu.dma_semaphore, #tpu.memory_space<semaphore_mem>>) {add = true}
          %dma_wait3A_99 = arith.constant 0 : i32
          %dma_wait3A_100 = tpu.memref_slice %arg11[%mul3A_64, %dma_wait3A_99] : memref<40x125xi32, #tpu.memory_space<vmem>> -> memref<1x125xi32, #tpu.memory_space<vmem>>
          %dma_wait3A_101 = tpu.memref_squeeze %dma_wait3A_100 : memref<1x125xi32, #tpu.memory_space<vmem>> -> memref<125xi32, #tpu.memory_space<vmem>>
          %dma_wait3A_102 = arith.constant 0 : i32
          %dma_wait3A_103 = arith.constant 0 : i32
          %dma_wait3A_104 = tpu.memref_slice %arg14[%dma_wait3A_102, %dma_wait3A_103] : memref<10000x128xf32, #tpu.memory_space<vmem_shared>> -> memref<10000x128xf32, #tpu.memory_space<vmem_shared>>
          tpu.wait_indirect_dma semaphore(%run_scoped3A_92 : memref<!tpu.dma_semaphore, #tpu.memory_space<semaphore_mem>>) src(%arg12 : memref<125x128xf32, #tpu.memory_space<vmem>>) dst(%dma_wait3A_104 : memref<10000x128xf32, #tpu.memory_space<vmem_shared>>)
          tpu.yield
        }) : () -> ()
        %lt3A_78 = arith.constant 19 : i32
        %lt3A_79 = arith.cmpi slt, %scan3A_62, %lt3A_78 : i32
        %convert_element_type3A_80 = arith.extui %lt3A_79 : i1 to i32
        %cond3A_81 = arith.constant 0 : i32
        %cond3A_82 = arith.cmpi ne, %convert_element_type3A_80, %cond3A_81 : i32
        scf.if %cond3A_82 {
          %add3A_92 = arith.constant 2 : i32
          %add3A_93 = arith.addi %mul3A_64, %add3A_92 : i32
          %dma_start3A_94 = arith.constant 0 : i32
          %dma_start3A_95 = tpu.memref_slice %arg10[%add3A_93, %dma_start3A_94] : memref<40x125xi32, #tpu.memory_space<vmem>> -> memref<1x125xi32, #tpu.memory_space<vmem>>
          %dma_start3A_96 = tpu.memref_squeeze %dma_start3A_95 : memref<1x125xi32, #tpu.memory_space<vmem>> -> memref<125xi32, #tpu.memory_space<vmem>>
          %dma_start3A_97 = arith.constant 0 : i32
          %dma_start3A_98 = arith.constant 0 : i32
          %dma_start3A_99 = tpu.memref_slice %arg3[%dma_start3A_97, %dma_start3A_98] : memref<10000x128xf32, #tpu.memory_space<hbm>> -> memref<10000x128xf32, #tpu.memory_space<hbm>>
          tpu.enqueue_indirect_dma source(%dma_start3A_99 : memref<10000x128xf32, #tpu.memory_space<hbm>>) target(%arg12 : memref<125x128xf32, #tpu.memory_space<vmem>>) offsets(%dma_start3A_96 : memref<125xi32, #tpu.memory_space<vmem>>) semaphore(%arg15 : memref<!tpu.dma_semaphore, #tpu.memory_space<semaphore_mem>>)
        } else {
        }
        %dma_wait3A_83 = arith.constant 0 : i32
        %dma_wait3A_84 = arith.constant 0 : i32
        %dma_wait3A_85 = tpu.memref_slice %arg10[%dma_wait3A_83, %dma_wait3A_84] : memref<40x125xi32, #tpu.memory_space<vmem>> -> memref<1x125xi32, #tpu.memory_space<vmem>>
        %dma_wait3A_86 = tpu.memref_squeeze %dma_wait3A_85 : memref<1x125xi32, #tpu.memory_space<vmem>> -> memref<125xi32, #tpu.memory_space<vmem>>
        %dma_wait3A_87 = arith.constant 0 : i32
        %dma_wait3A_88 = arith.constant 0 : i32
        %dma_wait3A_89 = tpu.memref_slice %arg3[%dma_wait3A_87, %dma_wait3A_88] : memref<10000x128xf32, #tpu.memory_space<hbm>> -> memref<10000x128xf32, #tpu.memory_space<hbm>>
        tpu.wait_indirect_dma semaphore(%arg16 : memref<!tpu.dma_semaphore, #tpu.memory_space<semaphore_mem>>) src(%dma_wait3A_89 : memref<10000x128xf32, #tpu.memory_space<hbm>>) dst(%arg13 : memref<125x128xf32, #tpu.memory_space<vmem>>)
        %add3A_90 = arith.constant 1 : i32
        %add3A_91 = arith.addi %mul3A_64, %add3A_90 : i32
        "tpu.region"() ({
          %run_scoped3A_92 = tpu.sem_alloc : memref<!tpu.dma_semaphore, #tpu.memory_space<semaphore_mem>>
          %dma_start3A_93 = arith.constant 0 : i32
          %dma_start3A_94 = tpu.memref_slice %arg11[%add3A_91, %dma_start3A_93] : memref<40x125xi32, #tpu.memory_space<vmem>> -> memref<1x125xi32, #tpu.memory_space<vmem>>
          %dma_start3A_95 = tpu.memref_squeeze %dma_start3A_94 : memref<1x125xi32, #tpu.memory_space<vmem>> -> memref<125xi32, #tpu.memory_space<vmem>>
          %dma_start3A_96 = arith.constant 0 : i32
          %dma_start3A_97 = arith.constant 0 : i32
          %dma_start3A_98 = tpu.memref_slice %arg14[%dma_start3A_96, %dma_start3A_97] : memref<10000x128xf32, #tpu.memory_space<vmem_shared>> -> memref<10000x128xf32, #tpu.memory_space<vmem_shared>>
          tpu.enqueue_indirect_dma source(%arg13 : memref<125x128xf32, #tpu.memory_space<vmem>>) target(%dma_start3A_98 : memref<10000x128xf32, #tpu.memory_space<vmem_shared>>) offsets(%dma_start3A_95 : memref<125xi32, #tpu.memory_space<vmem>>) semaphore(%run_scoped3A_92 : memref<!tpu.dma_semaphore, #tpu.memory_space<semaphore_mem>>) {add = true}
          %dma_wait3A_99 = arith.constant 0 : i32
          %dma_wait3A_100 = tpu.memref_slice %arg11[%add3A_91, %dma_wait3A_99] : memref<40x125xi32, #tpu.memory_space<vmem>> -> memref<1x125xi32, #tpu.memory_space<vmem>>
          %dma_wait3A_101 = tpu.memref_squeeze %dma_wait3A_100 : memref<1x125xi32, #tpu.memory_space<vmem>> -> memref<125xi32, #tpu.memory_space<vmem>>
          %dma_wait3A_102 = arith.constant 0 : i32
          %dma_wait3A_103 = arith.constant 0 : i32
          %dma_wait3A_104 = tpu.memref_slice %arg14[%dma_wait3A_102, %dma_wait3A_103] : memref<10000x128xf32, #tpu.memory_space<vmem_shared>> -> memref<10000x128xf32, #tpu.memory_space<vmem_shared>>
          tpu.wait_indirect_dma semaphore(%run_scoped3A_92 : memref<!tpu.dma_semaphore, #tpu.memory_space<semaphore_mem>>) src(%arg13 : memref<125x128xf32, #tpu.memory_space<vmem>>) dst(%dma_wait3A_104 : memref<10000x128xf32, #tpu.memory_space<vmem_shared>>)
          tpu.yield
        }) : () -> ()
      }
      %scan3A_61 = arith.constant 20 : i32
    } else {
    }
    %run_scoped3A_28 = arith.constant 1 : i32
    "tpu.region"() ({
      %run_scoped3A_51 = tpu.sem_alloc : memref<!tpu.dma_semaphore, #tpu.memory_space<semaphore_mem>>
      %dma_start3A = arith.constant 0 : i32
      %dma_start3A_52 = arith.constant 0 : i32
      %dma_start3A_53 = tpu.memref_slice %arg6[%arg1, %run_scoped3A_28, %dma_start3A, %dma_start3A_52] : memref<16x2x40x125xi32, #tpu.memory_space<hbm>> -> memref<1x1x40x125xi32, #tpu.memory_space<hbm>>
      %dma_start3A_54 = tpu.memref_squeeze %dma_start3A_53 : memref<1x1x40x125xi32, #tpu.memory_space<hbm>> -> memref<40x125xi32, #tpu.memory_space<hbm>>
      %dma_start3A_55 = arith.constant 0 : i32
      %dma_start3A_56 = arith.constant 0 : i32
      %dma_start3A_57 = tpu.memref_slice %arg6[%arg1, %run_scoped3A_28, %dma_start3A_55, %dma_start3A_56] : memref<16x2x40x125xi32, #tpu.memory_space<hbm>> -> memref<1x1x40x125xi32, #tpu.memory_space<hbm>>
      %dma_start3A_58 = tpu.memref_squeeze %dma_start3A_57 : memref<1x1x40x125xi32, #tpu.memory_space<hbm>> -> memref<40x125xi32, #tpu.memory_space<hbm>>
      tpu.enqueue_dma source(%dma_start3A_58 : memref<40x125xi32, #tpu.memory_space<hbm>>) target(%arg10 : memref<40x125xi32, #tpu.memory_space<vmem>>) target_semaphore(%run_scoped3A_51 : memref<!tpu.dma_semaphore, #tpu.memory_space<semaphore_mem>>)
      %dma_wait3A = arith.constant 0 : i32
      %dma_wait3A_59 = arith.constant 0 : i32
      %dma_wait3A_60 = tpu.memref_slice %arg6[%arg1, %run_scoped3A_28, %dma_wait3A, %dma_wait3A_59] : memref<16x2x40x125xi32, #tpu.memory_space<hbm>> -> memref<1x1x40x125xi32, #tpu.memory_space<hbm>>
      %dma_wait3A_61 = tpu.memref_squeeze %dma_wait3A_60 : memref<1x1x40x125xi32, #tpu.memory_space<hbm>> -> memref<40x125xi32, #tpu.memory_space<hbm>>
      %dma_wait3A_62 = arith.constant 0 : i32
      %dma_wait3A_63 = arith.constant 0 : i32
      %dma_wait3A_64 = tpu.memref_slice %arg6[%arg1, %run_scoped3A_28, %dma_wait3A_62, %dma_wait3A_63] : memref<16x2x40x125xi32, #tpu.memory_space<hbm>> -> memref<1x1x40x125xi32, #tpu.memory_space<hbm>>
      %dma_wait3A_65 = tpu.memref_squeeze %dma_wait3A_64 : memref<1x1x40x125xi32, #tpu.memory_space<hbm>> -> memref<40x125xi32, #tpu.memory_space<hbm>>
      tpu.wait_dma2 semaphore(%run_scoped3A_51 : memref<!tpu.dma_semaphore, #tpu.memory_space<semaphore_mem>>) src(%dma_wait3A_65 : memref<40x125xi32, #tpu.memory_space<hbm>>) dst(%arg10 : memref<40x125xi32, #tpu.memory_space<vmem>>)
      tpu.yield
    }) : () -> ()
    %run_scoped3A_29 = arith.constant 1 : i32
    "tpu.region"() ({
      %run_scoped3A_51 = tpu.sem_alloc : memref<!tpu.dma_semaphore, #tpu.memory_space<semaphore_mem>>
      %dma_start3A = arith.constant 0 : i32
      %dma_start3A_52 = arith.constant 0 : i32
      %dma_start3A_53 = tpu.memref_slice %arg7[%arg1, %run_scoped3A_29, %dma_start3A, %dma_start3A_52] : memref<16x2x40x125xi32, #tpu.memory_space<hbm>> -> memref<1x1x40x125xi32, #tpu.memory_space<hbm>>
      %dma_start3A_54 = tpu.memref_squeeze %dma_start3A_53 : memref<1x1x40x125xi32, #tpu.memory_space<hbm>> -> memref<40x125xi32, #tpu.memory_space<hbm>>
      %dma_start3A_55 = arith.constant 0 : i32
      %dma_start3A_56 = arith.constant 0 : i32
      %dma_start3A_57 = tpu.memref_slice %arg7[%arg1, %run_scoped3A_29, %dma_start3A_55, %dma_start3A_56] : memref<16x2x40x125xi32, #tpu.memory_space<hbm>> -> memref<1x1x40x125xi32, #tpu.memory_space<hbm>>
      %dma_start3A_58 = tpu.memref_squeeze %dma_start3A_57 : memref<1x1x40x125xi32, #tpu.memory_space<hbm>> -> memref<40x125xi32, #tpu.memory_space<hbm>>
      tpu.enqueue_dma source(%dma_start3A_58 : memref<40x125xi32, #tpu.memory_space<hbm>>) target(%arg11 : memref<40x125xi32, #tpu.memory_space<vmem>>) target_semaphore(%run_scoped3A_51 : memref<!tpu.dma_semaphore, #tpu.memory_space<semaphore_mem>>)
      %dma_wait3A = arith.constant 0 : i32
      %dma_wait3A_59 = arith.constant 0 : i32
      %dma_wait3A_60 = tpu.memref_slice %arg7[%arg1, %run_scoped3A_29, %dma_wait3A, %dma_wait3A_59] : memref<16x2x40x125xi32, #tpu.memory_space<hbm>> -> memref<1x1x40x125xi32, #tpu.memory_space<hbm>>
      %dma_wait3A_61 = tpu.memref_squeeze %dma_wait3A_60 : memref<1x1x40x125xi32, #tpu.memory_space<hbm>> -> memref<40x125xi32, #tpu.memory_space<hbm>>
      %dma_wait3A_62 = arith.constant 0 : i32
      %dma_wait3A_63 = arith.constant 0 : i32
      %dma_wait3A_64 = tpu.memref_slice %arg7[%arg1, %run_scoped3A_29, %dma_wait3A_62, %dma_wait3A_63] : memref<16x2x40x125xi32, #tpu.memory_space<hbm>> -> memref<1x1x40x125xi32, #tpu.memory_space<hbm>>
      %dma_wait3A_65 = tpu.memref_squeeze %dma_wait3A_64 : memref<1x1x40x125xi32, #tpu.memory_space<hbm>> -> memref<40x125xi32, #tpu.memory_space<hbm>>
      tpu.wait_dma2 semaphore(%run_scoped3A_51 : memref<!tpu.dma_semaphore, #tpu.memory_space<semaphore_mem>>) src(%dma_wait3A_65 : memref<40x125xi32, #tpu.memory_space<hbm>>) dst(%arg11 : memref<40x125xi32, #tpu.memory_space<vmem>>)
      tpu.yield
    }) : () -> ()
    %eq3A_30 = arith.constant 0 : i32
    %eq3A_31 = arith.cmpi eq, %arg0, %eq3A_30 : i32
    %convert_element_type3A_32 = arith.extui %eq3A_31 : i1 to i32
    %cond3A_33 = arith.constant 0 : i32
    %cond3A_34 = arith.cmpi ne, %convert_element_type3A_32, %cond3A_33 : i32
    scf.if %cond3A_34 {
      %dma_start3A = arith.constant 0 : i32
      %dma_start3A_51 = arith.constant 0 : i32
      %dma_start3A_52 = tpu.memref_slice %arg10[%dma_start3A, %dma_start3A_51] : memref<40x125xi32, #tpu.memory_space<vmem>> -> memref<1x125xi32, #tpu.memory_space<vmem>>
      %dma_start3A_53 = tpu.memref_squeeze %dma_start3A_52 : memref<1x125xi32, #tpu.memory_space<vmem>> -> memref<125xi32, #tpu.memory_space<vmem>>
      %dma_start3A_54 = arith.constant 0 : i32
      %dma_start3A_55 = arith.constant 0 : i32
      %dma_start3A_56 = tpu.memref_slice %arg2[%dma_start3A_54, %dma_start3A_55] : memref<10000x128xf32, #tpu.memory_space<hbm>> -> memref<10000x128xf32, #tpu.memory_space<hbm>>
      tpu.enqueue_indirect_dma source(%dma_start3A_56 : memref<10000x128xf32, #tpu.memory_space<hbm>>) target(%arg12 : memref<125x128xf32, #tpu.memory_space<vmem>>) offsets(%dma_start3A_53 : memref<125xi32, #tpu.memory_space<vmem>>) semaphore(%arg15 : memref<!tpu.dma_semaphore, #tpu.memory_space<semaphore_mem>>)
      %scan3A = arith.constant 0 : i32
      %scan3A_57 = arith.constant 0 : i32
      %scan3A_58 = arith.constant 20 : i32
      %scan3A_59 = arith.addi %scan3A_57, %scan3A_58 : i32
      %scan3A_60 = arith.constant 1 : i32
      scf.for %scan3A_62 = %scan3A_57 to %scan3A_59 step %scan3A_60  : i32 {
        %mul3A_63 = arith.constant 2 : i32
        %mul3A_64 = arith.muli %mul3A_63, %scan3A_62 : i32
        %add3A = arith.constant 1 : i32
        %add3A_65 = arith.addi %mul3A_64, %add3A : i32
        %dma_start3A_66 = arith.constant 0 : i32
        %dma_start3A_67 = tpu.memref_slice %arg10[%add3A_65, %dma_start3A_66] : memref<40x125xi32, #tpu.memory_space<vmem>> -> memref<1x125xi32, #tpu.memory_space<vmem>>
        %dma_start3A_68 = tpu.memref_squeeze %dma_start3A_67 : memref<1x125xi32, #tpu.memory_space<vmem>> -> memref<125xi32, #tpu.memory_space<vmem>>
        %dma_start3A_69 = arith.constant 0 : i32
        %dma_start3A_70 = arith.constant 0 : i32
        %dma_start3A_71 = tpu.memref_slice %arg2[%dma_start3A_69, %dma_start3A_70] : memref<10000x128xf32, #tpu.memory_space<hbm>> -> memref<10000x128xf32, #tpu.memory_space<hbm>>
        tpu.enqueue_indirect_dma source(%dma_start3A_71 : memref<10000x128xf32, #tpu.memory_space<hbm>>) target(%arg13 : memref<125x128xf32, #tpu.memory_space<vmem>>) offsets(%dma_start3A_68 : memref<125xi32, #tpu.memory_space<vmem>>) semaphore(%arg16 : memref<!tpu.dma_semaphore, #tpu.memory_space<semaphore_mem>>)
        %dma_wait3A = arith.constant 0 : i32
        %dma_wait3A_72 = arith.constant 0 : i32
        %dma_wait3A_73 = tpu.memref_slice %arg10[%dma_wait3A, %dma_wait3A_72] : memref<40x125xi32, #tpu.memory_space<vmem>> -> memref<1x125xi32, #tpu.memory_space<vmem>>
        %dma_wait3A_74 = tpu.memref_squeeze %dma_wait3A_73 : memref<1x125xi32, #tpu.memory_space<vmem>> -> memref<125xi32, #tpu.memory_space<vmem>>
        %dma_wait3A_75 = arith.constant 0 : i32
        %dma_wait3A_76 = arith.constant 0 : i32
        %dma_wait3A_77 = tpu.memref_slice %arg2[%dma_wait3A_75, %dma_wait3A_76] : memref<10000x128xf32, #tpu.memory_space<hbm>> -> memref<10000x128xf32, #tpu.memory_space<hbm>>
        tpu.wait_indirect_dma semaphore(%arg15 : memref<!tpu.dma_semaphore, #tpu.memory_space<semaphore_mem>>) src(%dma_wait3A_77 : memref<10000x128xf32, #tpu.memory_space<hbm>>) dst(%arg12 : memref<125x128xf32, #tpu.memory_space<vmem>>)
        "tpu.region"() ({
          %run_scoped3A_92 = tpu.sem_alloc : memref<!tpu.dma_semaphore, #tpu.memory_space<semaphore_mem>>
          %dma_start3A_93 = arith.constant 0 : i32
          %dma_start3A_94 = tpu.memref_slice %arg11[%mul3A_64, %dma_start3A_93] : memref<40x125xi32, #tpu.memory_space<vmem>> -> memref<1x125xi32, #tpu.memory_space<vmem>>
          %dma_start3A_95 = tpu.memref_squeeze %dma_start3A_94 : memref<1x125xi32, #tpu.memory_space<vmem>> -> memref<125xi32, #tpu.memory_space<vmem>>
          %dma_start3A_96 = arith.constant 0 : i32
          %dma_start3A_97 = arith.constant 0 : i32
          %dma_start3A_98 = tpu.memref_slice %arg14[%dma_start3A_96, %dma_start3A_97] : memref<10000x128xf32, #tpu.memory_space<vmem_shared>> -> memref<10000x128xf32, #tpu.memory_space<vmem_shared>>
          tpu.enqueue_indirect_dma source(%arg12 : memref<125x128xf32, #tpu.memory_space<vmem>>) target(%dma_start3A_98 : memref<10000x128xf32, #tpu.memory_space<vmem_shared>>) offsets(%dma_start3A_95 : memref<125xi32, #tpu.memory_space<vmem>>) semaphore(%run_scoped3A_92 : memref<!tpu.dma_semaphore, #tpu.memory_space<semaphore_mem>>) {add = true}
          %dma_wait3A_99 = arith.constant 0 : i32
          %dma_wait3A_100 = tpu.memref_slice %arg11[%mul3A_64, %dma_wait3A_99] : memref<40x125xi32, #tpu.memory_space<vmem>> -> memref<1x125xi32, #tpu.memory_space<vmem>>
          %dma_wait3A_101 = tpu.memref_squeeze %dma_wait3A_100 : memref<1x125xi32, #tpu.memory_space<vmem>> -> memref<125xi32, #tpu.memory_space<vmem>>
          %dma_wait3A_102 = arith.constant 0 : i32
          %dma_wait3A_103 = arith.constant 0 : i32
          %dma_wait3A_104 = tpu.memref_slice %arg14[%dma_wait3A_102, %dma_wait3A_103] : memref<10000x128xf32, #tpu.memory_space<vmem_shared>> -> memref<10000x128xf32, #tpu.memory_space<vmem_shared>>
          tpu.wait_indirect_dma semaphore(%run_scoped3A_92 : memref<!tpu.dma_semaphore, #tpu.memory_space<semaphore_mem>>) src(%arg12 : memref<125x128xf32, #tpu.memory_space<vmem>>) dst(%dma_wait3A_104 : memref<10000x128xf32, #tpu.memory_space<vmem_shared>>)
          tpu.yield
        }) : () -> ()
        %lt3A_78 = arith.constant 19 : i32
        %lt3A_79 = arith.cmpi slt, %scan3A_62, %lt3A_78 : i32
        %convert_element_type3A_80 = arith.extui %lt3A_79 : i1 to i32
        %cond3A_81 = arith.constant 0 : i32
        %cond3A_82 = arith.cmpi ne, %convert_element_type3A_80, %cond3A_81 : i32
        scf.if %cond3A_82 {
          %add3A_92 = arith.constant 2 : i32
          %add3A_93 = arith.addi %mul3A_64, %add3A_92 : i32
          %dma_start3A_94 = arith.constant 0 : i32
          %dma_start3A_95 = tpu.memref_slice %arg10[%add3A_93, %dma_start3A_94] : memref<40x125xi32, #tpu.memory_space<vmem>> -> memref<1x125xi32, #tpu.memory_space<vmem>>
          %dma_start3A_96 = tpu.memref_squeeze %dma_start3A_95 : memref<1x125xi32, #tpu.memory_space<vmem>> -> memref<125xi32, #tpu.memory_space<vmem>>
          %dma_start3A_97 = arith.constant 0 : i32
          %dma_start3A_98 = arith.constant 0 : i32
          %dma_start3A_99 = tpu.memref_slice %arg2[%dma_start3A_97, %dma_start3A_98] : memref<10000x128xf32, #tpu.memory_space<hbm>> -> memref<10000x128xf32, #tpu.memory_space<hbm>>
          tpu.enqueue_indirect_dma source(%dma_start3A_99 : memref<10000x128xf32, #tpu.memory_space<hbm>>) target(%arg12 : memref<125x128xf32, #tpu.memory_space<vmem>>) offsets(%dma_start3A_96 : memref<125xi32, #tpu.memory_space<vmem>>) semaphore(%arg15 : memref<!tpu.dma_semaphore, #tpu.memory_space<semaphore_mem>>)
        } else {
        }
        %dma_wait3A_83 = arith.constant 0 : i32
        %dma_wait3A_84 = arith.constant 0 : i32
        %dma_wait3A_85 = tpu.memref_slice %arg10[%dma_wait3A_83, %dma_wait3A_84] : memref<40x125xi32, #tpu.memory_space<vmem>> -> memref<1x125xi32, #tpu.memory_space<vmem>>
        %dma_wait3A_86 = tpu.memref_squeeze %dma_wait3A_85 : memref<1x125xi32, #tpu.memory_space<vmem>> -> memref<125xi32, #tpu.memory_space<vmem>>
        %dma_wait3A_87 = arith.constant 0 : i32
        %dma_wait3A_88 = arith.constant 0 : i32
        %dma_wait3A_89 = tpu.memref_slice %arg2[%dma_wait3A_87, %dma_wait3A_88] : memref<10000x128xf32, #tpu.memory_space<hbm>> -> memref<10000x128xf32, #tpu.memory_space<hbm>>
        tpu.wait_indirect_dma semaphore(%arg16 : memref<!tpu.dma_semaphore, #tpu.memory_space<semaphore_mem>>) src(%dma_wait3A_89 : memref<10000x128xf32, #tpu.memory_space<hbm>>) dst(%arg13 : memref<125x128xf32, #tpu.memory_space<vmem>>)
        %add3A_90 = arith.constant 1 : i32
        %add3A_91 = arith.addi %mul3A_64, %add3A_90 : i32
        "tpu.region"() ({
          %run_scoped3A_92 = tpu.sem_alloc : memref<!tpu.dma_semaphore, #tpu.memory_space<semaphore_mem>>
          %dma_start3A_93 = arith.constant 0 : i32
          %dma_start3A_94 = tpu.memref_slice %arg11[%add3A_91, %dma_start3A_93] : memref<40x125xi32, #tpu.memory_space<vmem>> -> memref<1x125xi32, #tpu.memory_space<vmem>>
          %dma_start3A_95 = tpu.memref_squeeze %dma_start3A_94 : memref<1x125xi32, #tpu.memory_space<vmem>> -> memref<125xi32, #tpu.memory_space<vmem>>
          %dma_start3A_96 = arith.constant 0 : i32
          %dma_start3A_97 = arith.constant 0 : i32
          %dma_start3A_98 = tpu.memref_slice %arg14[%dma_start3A_96, %dma_start3A_97] : memref<10000x128xf32, #tpu.memory_space<vmem_shared>> -> memref<10000x128xf32, #tpu.memory_space<vmem_shared>>
          tpu.enqueue_indirect_dma source(%arg13 : memref<125x128xf32, #tpu.memory_space<vmem>>) target(%dma_start3A_98 : memref<10000x128xf32, #tpu.memory_space<vmem_shared>>) offsets(%dma_start3A_95 : memref<125xi32, #tpu.memory_space<vmem>>) semaphore(%run_scoped3A_92 : memref<!tpu.dma_semaphore, #tpu.memory_space<semaphore_mem>>) {add = true}
          %dma_wait3A_99 = arith.constant 0 : i32
          %dma_wait3A_100 = tpu.memref_slice %arg11[%add3A_91, %dma_wait3A_99] : memref<40x125xi32, #tpu.memory_space<vmem>> -> memref<1x125xi32, #tpu.memory_space<vmem>>
          %dma_wait3A_101 = tpu.memref_squeeze %dma_wait3A_100 : memref<1x125xi32, #tpu.memory_space<vmem>> -> memref<125xi32, #tpu.memory_space<vmem>>
          %dma_wait3A_102 = arith.constant 0 : i32
          %dma_wait3A_103 = arith.constant 0 : i32
          %dma_wait3A_104 = tpu.memref_slice %arg14[%dma_wait3A_102, %dma_wait3A_103] : memref<10000x128xf32, #tpu.memory_space<vmem_shared>> -> memref<10000x128xf32, #tpu.memory_space<vmem_shared>>
          tpu.wait_indirect_dma semaphore(%run_scoped3A_92 : memref<!tpu.dma_semaphore, #tpu.memory_space<semaphore_mem>>) src(%arg13 : memref<125x128xf32, #tpu.memory_space<vmem>>) dst(%dma_wait3A_104 : memref<10000x128xf32, #tpu.memory_space<vmem_shared>>)
          tpu.yield
        }) : () -> ()
      }
      %scan3A_61 = arith.constant 20 : i32
    } else {
    }
    %eq3A_35 = arith.constant 1 : i32
    %eq3A_36 = arith.cmpi eq, %arg0, %eq3A_35 : i32
    %convert_element_type3A_37 = arith.extui %eq3A_36 : i1 to i32
    %cond3A_38 = arith.constant 0 : i32
    %cond3A_39 = arith.cmpi ne, %convert_element_type3A_37, %cond3A_38 : i32
    scf.if %cond3A_39 {
      %dma_start3A = arith.constant 0 : i32
      %dma_start3A_51 = arith.constant 0 : i32
      %dma_start3A_52 = tpu.memref_slice %arg10[%dma_start3A, %dma_start3A_51] : memref<40x125xi32, #tpu.memory_space<vmem>> -> memref<1x125xi32, #tpu.memory_space<vmem>>
      %dma_start3A_53 = tpu.memref_squeeze %dma_start3A_52 : memref<1x125xi32, #tpu.memory_space<vmem>> -> memref<125xi32, #tpu.memory_space<vmem>>
      %dma_start3A_54 = arith.constant 0 : i32
      %dma_start3A_55 = arith.constant 0 : i32
      %dma_start3A_56 = tpu.memref_slice %arg3[%dma_start3A_54, %dma_start3A_55] : memref<10000x128xf32, #tpu.memory_space<hbm>> -> memref<10000x128xf32, #tpu.memory_space<hbm>>
      tpu.enqueue_indirect_dma source(%dma_start3A_56 : memref<10000x128xf32, #tpu.memory_space<hbm>>) target(%arg12 : memref<125x128xf32, #tpu.memory_space<vmem>>) offsets(%dma_start3A_53 : memref<125xi32, #tpu.memory_space<vmem>>) semaphore(%arg15 : memref<!tpu.dma_semaphore, #tpu.memory_space<semaphore_mem>>)
      %scan3A = arith.constant 0 : i32
      %scan3A_57 = arith.constant 0 : i32
      %scan3A_58 = arith.constant 20 : i32
      %scan3A_59 = arith.addi %scan3A_57, %scan3A_58 : i32
      %scan3A_60 = arith.constant 1 : i32
      scf.for %scan3A_62 = %scan3A_57 to %scan3A_59 step %scan3A_60  : i32 {
        %mul3A_63 = arith.constant 2 : i32
        %mul3A_64 = arith.muli %mul3A_63, %scan3A_62 : i32
        %add3A = arith.constant 1 : i32
        %add3A_65 = arith.addi %mul3A_64, %add3A : i32
        %dma_start3A_66 = arith.constant 0 : i32
        %dma_start3A_67 = tpu.memref_slice %arg10[%add3A_65, %dma_start3A_66] : memref<40x125xi32, #tpu.memory_space<vmem>> -> memref<1x125xi32, #tpu.memory_space<vmem>>
        %dma_start3A_68 = tpu.memref_squeeze %dma_start3A_67 : memref<1x125xi32, #tpu.memory_space<vmem>> -> memref<125xi32, #tpu.memory_space<vmem>>
        %dma_start3A_69 = arith.constant 0 : i32
        %dma_start3A_70 = arith.constant 0 : i32
        %dma_start3A_71 = tpu.memref_slice %arg3[%dma_start3A_69, %dma_start3A_70] : memref<10000x128xf32, #tpu.memory_space<hbm>> -> memref<10000x128xf32, #tpu.memory_space<hbm>>
        tpu.enqueue_indirect_dma source(%dma_start3A_71 : memref<10000x128xf32, #tpu.memory_space<hbm>>) target(%arg13 : memref<125x128xf32, #tpu.memory_space<vmem>>) offsets(%dma_start3A_68 : memref<125xi32, #tpu.memory_space<vmem>>) semaphore(%arg16 : memref<!tpu.dma_semaphore, #tpu.memory_space<semaphore_mem>>)
        %dma_wait3A = arith.constant 0 : i32
        %dma_wait3A_72 = arith.constant 0 : i32
        %dma_wait3A_73 = tpu.memref_slice %arg10[%dma_wait3A, %dma_wait3A_72] : memref<40x125xi32, #tpu.memory_space<vmem>> -> memref<1x125xi32, #tpu.memory_space<vmem>>
        %dma_wait3A_74 = tpu.memref_squeeze %dma_wait3A_73 : memref<1x125xi32, #tpu.memory_space<vmem>> -> memref<125xi32, #tpu.memory_space<vmem>>
        %dma_wait3A_75 = arith.constant 0 : i32
        %dma_wait3A_76 = arith.constant 0 : i32
        %dma_wait3A_77 = tpu.memref_slice %arg3[%dma_wait3A_75, %dma_wait3A_76] : memref<10000x128xf32, #tpu.memory_space<hbm>> -> memref<10000x128xf32, #tpu.memory_space<hbm>>
        tpu.wait_indirect_dma semaphore(%arg15 : memref<!tpu.dma_semaphore, #tpu.memory_space<semaphore_mem>>) src(%dma_wait3A_77 : memref<10000x128xf32, #tpu.memory_space<hbm>>) dst(%arg12 : memref<125x128xf32, #tpu.memory_space<vmem>>)
        "tpu.region"() ({
          %run_scoped3A_92 = tpu.sem_alloc : memref<!tpu.dma_semaphore, #tpu.memory_space<semaphore_mem>>
          %dma_start3A_93 = arith.constant 0 : i32
          %dma_start3A_94 = tpu.memref_slice %arg11[%mul3A_64, %dma_start3A_93] : memref<40x125xi32, #tpu.memory_space<vmem>> -> memref<1x125xi32, #tpu.memory_space<vmem>>
          %dma_start3A_95 = tpu.memref_squeeze %dma_start3A_94 : memref<1x125xi32, #tpu.memory_space<vmem>> -> memref<125xi32, #tpu.memory_space<vmem>>
          %dma_start3A_96 = arith.constant 0 : i32
          %dma_start3A_97 = arith.constant 0 : i32
          %dma_start3A_98 = tpu.memref_slice %arg14[%dma_start3A_96, %dma_start3A_97] : memref<10000x128xf32, #tpu.memory_space<vmem_shared>> -> memref<10000x128xf32, #tpu.memory_space<vmem_shared>>
          tpu.enqueue_indirect_dma source(%arg12 : memref<125x128xf32, #tpu.memory_space<vmem>>) target(%dma_start3A_98 : memref<10000x128xf32, #tpu.memory_space<vmem_shared>>) offsets(%dma_start3A_95 : memref<125xi32, #tpu.memory_space<vmem>>) semaphore(%run_scoped3A_92 : memref<!tpu.dma_semaphore, #tpu.memory_space<semaphore_mem>>) {add = true}
          %dma_wait3A_99 = arith.constant 0 : i32
          %dma_wait3A_100 = tpu.memref_slice %arg11[%mul3A_64, %dma_wait3A_99] : memref<40x125xi32, #tpu.memory_space<vmem>> -> memref<1x125xi32, #tpu.memory_space<vmem>>
          %dma_wait3A_101 = tpu.memref_squeeze %dma_wait3A_100 : memref<1x125xi32, #tpu.memory_space<vmem>> -> memref<125xi32, #tpu.memory_space<vmem>>
          %dma_wait3A_102 = arith.constant 0 : i32
          %dma_wait3A_103 = arith.constant 0 : i32
          %dma_wait3A_104 = tpu.memref_slice %arg14[%dma_wait3A_102, %dma_wait3A_103] : memref<10000x128xf32, #tpu.memory_space<vmem_shared>> -> memref<10000x128xf32, #tpu.memory_space<vmem_shared>>
          tpu.wait_indirect_dma semaphore(%run_scoped3A_92 : memref<!tpu.dma_semaphore, #tpu.memory_space<semaphore_mem>>) src(%arg12 : memref<125x128xf32, #tpu.memory_space<vmem>>) dst(%dma_wait3A_104 : memref<10000x128xf32, #tpu.memory_space<vmem_shared>>)
          tpu.yield
        }) : () -> ()
        %lt3A_78 = arith.constant 19 : i32
        %lt3A_79 = arith.cmpi slt, %scan3A_62, %lt3A_78 : i32
        %convert_element_type3A_80 = arith.extui %lt3A_79 : i1 to i32
        %cond3A_81 = arith.constant 0 : i32
        %cond3A_82 = arith.cmpi ne, %convert_element_type3A_80, %cond3A_81 : i32
        scf.if %cond3A_82 {
          %add3A_92 = arith.constant 2 : i32
          %add3A_93 = arith.addi %mul3A_64, %add3A_92 : i32
          %dma_start3A_94 = arith.constant 0 : i32
          %dma_start3A_95 = tpu.memref_slice %arg10[%add3A_93, %dma_start3A_94] : memref<40x125xi32, #tpu.memory_space<vmem>> -> memref<1x125xi32, #tpu.memory_space<vmem>>
          %dma_start3A_96 = tpu.memref_squeeze %dma_start3A_95 : memref<1x125xi32, #tpu.memory_space<vmem>> -> memref<125xi32, #tpu.memory_space<vmem>>
          %dma_start3A_97 = arith.constant 0 : i32
          %dma_start3A_98 = arith.constant 0 : i32
          %dma_start3A_99 = tpu.memref_slice %arg3[%dma_start3A_97, %dma_start3A_98] : memref<10000x128xf32, #tpu.memory_space<hbm>> -> memref<10000x128xf32, #tpu.memory_space<hbm>>
          tpu.enqueue_indirect_dma source(%dma_start3A_99 : memref<10000x128xf32, #tpu.memory_space<hbm>>) target(%arg12 : memref<125x128xf32, #tpu.memory_space<vmem>>) offsets(%dma_start3A_96 : memref<125xi32, #tpu.memory_space<vmem>>) semaphore(%arg15 : memref<!tpu.dma_semaphore, #tpu.memory_space<semaphore_mem>>)
        } else {
        }
        %dma_wait3A_83 = arith.constant 0 : i32
        %dma_wait3A_84 = arith.constant 0 : i32
        %dma_wait3A_85 = tpu.memref_slice %arg10[%dma_wait3A_83, %dma_wait3A_84] : memref<40x125xi32, #tpu.memory_space<vmem>> -> memref<1x125xi32, #tpu.memory_space<vmem>>
        %dma_wait3A_86 = tpu.memref_squeeze %dma_wait3A_85 : memref<1x125xi32, #tpu.memory_space<vmem>> -> memref<125xi32, #tpu.memory_space<vmem>>
        %dma_wait3A_87 = arith.constant 0 : i32
        %dma_wait3A_88 = arith.constant 0 : i32
        %dma_wait3A_89 = tpu.memref_slice %arg3[%dma_wait3A_87, %dma_wait3A_88] : memref<10000x128xf32, #tpu.memory_space<hbm>> -> memref<10000x128xf32, #tpu.memory_space<hbm>>
        tpu.wait_indirect_dma semaphore(%arg16 : memref<!tpu.dma_semaphore, #tpu.memory_space<semaphore_mem>>) src(%dma_wait3A_89 : memref<10000x128xf32, #tpu.memory_space<hbm>>) dst(%arg13 : memref<125x128xf32, #tpu.memory_space<vmem>>)
        %add3A_90 = arith.constant 1 : i32
        %add3A_91 = arith.addi %mul3A_64, %add3A_90 : i32
        "tpu.region"() ({
          %run_scoped3A_92 = tpu.sem_alloc : memref<!tpu.dma_semaphore, #tpu.memory_space<semaphore_mem>>
          %dma_start3A_93 = arith.constant 0 : i32
          %dma_start3A_94 = tpu.memref_slice %arg11[%add3A_91, %dma_start3A_93] : memref<40x125xi32, #tpu.memory_space<vmem>> -> memref<1x125xi32, #tpu.memory_space<vmem>>
          %dma_start3A_95 = tpu.memref_squeeze %dma_start3A_94 : memref<1x125xi32, #tpu.memory_space<vmem>> -> memref<125xi32, #tpu.memory_space<vmem>>
          %dma_start3A_96 = arith.constant 0 : i32
          %dma_start3A_97 = arith.constant 0 : i32
          %dma_start3A_98 = tpu.memref_slice %arg14[%dma_start3A_96, %dma_start3A_97] : memref<10000x128xf32, #tpu.memory_space<vmem_shared>> -> memref<10000x128xf32, #tpu.memory_space<vmem_shared>>
          tpu.enqueue_indirect_dma source(%arg13 : memref<125x128xf32, #tpu.memory_space<vmem>>) target(%dma_start3A_98 : memref<10000x128xf32, #tpu.memory_space<vmem_shared>>) offsets(%dma_start3A_95 : memref<125xi32, #tpu.memory_space<vmem>>) semaphore(%run_scoped3A_92 : memref<!tpu.dma_semaphore, #tpu.memory_space<semaphore_mem>>) {add = true}
          %dma_wait3A_99 = arith.constant 0 : i32
          %dma_wait3A_100 = tpu.memref_slice %arg11[%add3A_91, %dma_wait3A_99] : memref<40x125xi32, #tpu.memory_space<vmem>> -> memref<1x125xi32, #tpu.memory_space<vmem>>
          %dma_wait3A_101 = tpu.memref_squeeze %dma_wait3A_100 : memref<1x125xi32, #tpu.memory_space<vmem>> -> memref<125xi32, #tpu.memory_space<vmem>>
          %dma_wait3A_102 = arith.constant 0 : i32
          %dma_wait3A_103 = arith.constant 0 : i32
          %dma_wait3A_104 = tpu.memref_slice %arg14[%dma_wait3A_102, %dma_wait3A_103] : memref<10000x128xf32, #tpu.memory_space<vmem_shared>> -> memref<10000x128xf32, #tpu.memory_space<vmem_shared>>
          tpu.wait_indirect_dma semaphore(%run_scoped3A_92 : memref<!tpu.dma_semaphore, #tpu.memory_space<semaphore_mem>>) src(%arg13 : memref<125x128xf32, #tpu.memory_space<vmem>>) dst(%dma_wait3A_104 : memref<10000x128xf32, #tpu.memory_space<vmem_shared>>)
          tpu.yield
        }) : () -> ()
      }
      %scan3A_61 = arith.constant 20 : i32
    } else {
    }
    %barrier3A_40 = arith.constant 0 : index
    tpu.barrier barrier_id(%barrier3A_40)
    %lt3A_41 = arith.constant 15 : i32
    %lt3A_42 = arith.cmpi slt, %arg1, %lt3A_41 : i32
    %convert_element_type3A_43 = arith.extui %lt3A_42 : i1 to i32
    %cond3A_44 = arith.constant 0 : i32
    %cond3A_45 = arith.cmpi ne, %convert_element_type3A_43, %cond3A_44 : i32
    scf.if %cond3A_45 {
      %eq3A_51 = arith.constant 0 : i32
      %eq3A_52 = arith.cmpi eq, %arg0, %eq3A_51 : i32
      %convert_element_type3A_53 = arith.extui %eq3A_52 : i1 to i32
      %cond3A_54 = arith.constant 0 : i32
      %cond3A_55 = arith.cmpi ne, %convert_element_type3A_53, %cond3A_54 : i32
      scf.if %cond3A_55 {
        "tpu.region"() ({
          %run_scoped3A_61 = tpu.sem_alloc : memref<!tpu.dma_semaphore, #tpu.memory_space<semaphore_mem>>
          %dma_start3A = arith.constant 0 : i32
          %dma_start3A_62 = tpu.memref_slice %arg8[%multiple_of3A, %dma_start3A] : memref<10000x128xf32, #tpu.memory_space<hbm>> -> memref<624x128xf32, #tpu.memory_space<hbm>>
          %dma_start3A_63 = arith.constant 0 : i32
          %dma_start3A_64 = tpu.memref_slice %arg14[%multiple_of3A, %dma_start3A_63] : memref<10000x128xf32, #tpu.memory_space<vmem_shared>> -> memref<624x128xf32, #tpu.memory_space<vmem_shared>>
          tpu.enqueue_dma source(%dma_start3A_64 : memref<624x128xf32, #tpu.memory_space<vmem_shared>>) target(%dma_start3A_62 : memref<624x128xf32, #tpu.memory_space<hbm>>) target_semaphore(%run_scoped3A_61 : memref<!tpu.dma_semaphore, #tpu.memory_space<semaphore_mem>>)
          %dma_wait3A = arith.constant 0 : i32
          %dma_wait3A_65 = tpu.memref_slice %arg8[%multiple_of3A, %dma_wait3A] : memref<10000x128xf32, #tpu.memory_space<hbm>> -> memref<624x128xf32, #tpu.memory_space<hbm>>
          %dma_wait3A_66 = arith.constant 0 : i32
          %dma_wait3A_67 = tpu.memref_slice %arg14[%multiple_of3A, %dma_wait3A_66] : memref<10000x128xf32, #tpu.memory_space<vmem_shared>> -> memref<624x128xf32, #tpu.memory_space<vmem_shared>>
          tpu.wait_dma2 semaphore(%run_scoped3A_61 : memref<!tpu.dma_semaphore, #tpu.memory_space<semaphore_mem>>) src(%dma_wait3A_67 : memref<624x128xf32, #tpu.memory_space<vmem_shared>>) dst(%dma_wait3A_65 : memref<624x128xf32, #tpu.memory_space<hbm>>)
          tpu.yield
        }) : () -> ()
      } else {
      }
      %eq3A_56 = arith.constant 1 : i32
      %eq3A_57 = arith.cmpi eq, %arg0, %eq3A_56 : i32
      %convert_element_type3A_58 = arith.extui %eq3A_57 : i1 to i32
      %cond3A_59 = arith.constant 0 : i32
      %cond3A_60 = arith.cmpi ne, %convert_element_type3A_58, %cond3A_59 : i32
      scf.if %cond3A_60 {
        "tpu.region"() ({
          %run_scoped3A_61 = tpu.sem_alloc : memref<!tpu.dma_semaphore, #tpu.memory_space<semaphore_mem>>
          %dma_start3A = arith.constant 0 : i32
          %dma_start3A_62 = tpu.memref_slice %arg9[%multiple_of3A, %dma_start3A] : memref<10000x128xf32, #tpu.memory_space<hbm>> -> memref<624x128xf32, #tpu.memory_space<hbm>>
          %dma_start3A_63 = arith.constant 0 : i32
          %dma_start3A_64 = tpu.memref_slice %arg14[%multiple_of3A, %dma_start3A_63] : memref<10000x128xf32, #tpu.memory_space<vmem_shared>> -> memref<624x128xf32, #tpu.memory_space<vmem_shared>>
          tpu.enqueue_dma source(%dma_start3A_64 : memref<624x128xf32, #tpu.memory_space<vmem_shared>>) target(%dma_start3A_62 : memref<624x128xf32, #tpu.memory_space<hbm>>) target_semaphore(%run_scoped3A_61 : memref<!tpu.dma_semaphore, #tpu.memory_space<semaphore_mem>>)
          %dma_wait3A = arith.constant 0 : i32
          %dma_wait3A_65 = tpu.memref_slice %arg9[%multiple_of3A, %dma_wait3A] : memref<10000x128xf32, #tpu.memory_space<hbm>> -> memref<624x128xf32, #tpu.memory_space<hbm>>
          %dma_wait3A_66 = arith.constant 0 : i32
          %dma_wait3A_67 = tpu.memref_slice %arg14[%multiple_of3A, %dma_wait3A_66] : memref<10000x128xf32, #tpu.memory_space<vmem_shared>> -> memref<624x128xf32, #tpu.memory_space<vmem_shared>>
          tpu.wait_dma2 semaphore(%run_scoped3A_61 : memref<!tpu.dma_semaphore, #tpu.memory_space<semaphore_mem>>) src(%dma_wait3A_67 : memref<624x128xf32, #tpu.memory_space<vmem_shared>>) dst(%dma_wait3A_65 : memref<624x128xf32, #tpu.memory_space<hbm>>)
          tpu.yield
        }) : () -> ()
      } else {
      }
    } else {
    }
    %eq3A_46 = arith.constant 15 : i32
    %eq3A_47 = arith.cmpi eq, %arg1, %eq3A_46 : i32
    %convert_element_type3A_48 = arith.extui %eq3A_47 : i1 to i32
    %cond3A_49 = arith.constant 0 : i32
    %cond3A_50 = arith.cmpi ne, %convert_element_type3A_48, %cond3A_49 : i32
    scf.if %cond3A_50 {
      %eq3A_51 = arith.constant 0 : i32
      %eq3A_52 = arith.cmpi eq, %arg0, %eq3A_51 : i32
      %convert_element_type3A_53 = arith.extui %eq3A_52 : i1 to i32
      %cond3A_54 = arith.constant 0 : i32
      %cond3A_55 = arith.cmpi ne, %convert_element_type3A_53, %cond3A_54 : i32
      scf.if %cond3A_55 {
        "tpu.region"() ({
          %run_scoped3A_61 = tpu.sem_alloc : memref<!tpu.dma_semaphore, #tpu.memory_space<semaphore_mem>>
          %dma_start3A = arith.constant 9360 : i32
          %dma_start3A_62 = arith.constant 0 : i32
          %dma_start3A_63 = tpu.memref_slice %arg8[%dma_start3A, %dma_start3A_62] : memref<10000x128xf32, #tpu.memory_space<hbm>> -> memref<640x128xf32, #tpu.memory_space<hbm>>
          %dma_start3A_64 = arith.constant 9360 : i32
          %dma_start3A_65 = arith.constant 0 : i32
          %dma_start3A_66 = tpu.memref_slice %arg14[%dma_start3A_64, %dma_start3A_65] : memref<10000x128xf32, #tpu.memory_space<vmem_shared>> -> memref<640x128xf32, #tpu.memory_space<vmem_shared>>
          tpu.enqueue_dma source(%dma_start3A_66 : memref<640x128xf32, #tpu.memory_space<vmem_shared>>) target(%dma_start3A_63 : memref<640x128xf32, #tpu.memory_space<hbm>>) target_semaphore(%run_scoped3A_61 : memref<!tpu.dma_semaphore, #tpu.memory_space<semaphore_mem>>)
          %dma_wait3A = arith.constant 9360 : i32
          %dma_wait3A_67 = arith.constant 0 : i32
          %dma_wait3A_68 = tpu.memref_slice %arg8[%dma_wait3A, %dma_wait3A_67] : memref<10000x128xf32, #tpu.memory_space<hbm>> -> memref<640x128xf32, #tpu.memory_space<hbm>>
          %dma_wait3A_69 = arith.constant 9360 : i32
          %dma_wait3A_70 = arith.constant 0 : i32
          %dma_wait3A_71 = tpu.memref_slice %arg14[%dma_wait3A_69, %dma_wait3A_70] : memref<10000x128xf32, #tpu.memory_space<vmem_shared>> -> memref<640x128xf32, #tpu.memory_space<vmem_shared>>
          tpu.wait_dma2 semaphore(%run_scoped3A_61 : memref<!tpu.dma_semaphore, #tpu.memory_space<semaphore_mem>>) src(%dma_wait3A_71 : memref<640x128xf32, #tpu.memory_space<vmem_shared>>) dst(%dma_wait3A_68 : memref<640x128xf32, #tpu.memory_space<hbm>>)
          tpu.yield
        }) : () -> ()
      } else {
      }
      %eq3A_56 = arith.constant 1 : i32
      %eq3A_57 = arith.cmpi eq, %arg0, %eq3A_56 : i32
      %convert_element_type3A_58 = arith.extui %eq3A_57 : i1 to i32
      %cond3A_59 = arith.constant 0 : i32
      %cond3A_60 = arith.cmpi ne, %convert_element_type3A_58, %cond3A_59 : i32
      scf.if %cond3A_60 {
        "tpu.region"() ({
          %run_scoped3A_61 = tpu.sem_alloc : memref<!tpu.dma_semaphore, #tpu.memory_space<semaphore_mem>>
          %dma_start3A = arith.constant 9360 : i32
          %dma_start3A_62 = arith.constant 0 : i32
          %dma_start3A_63 = tpu.memref_slice %arg9[%dma_start3A, %dma_start3A_62] : memref<10000x128xf32, #tpu.memory_space<hbm>> -> memref<640x128xf32, #tpu.memory_space<hbm>>
          %dma_start3A_64 = arith.constant 9360 : i32
          %dma_start3A_65 = arith.constant 0 : i32
          %dma_start3A_66 = tpu.memref_slice %arg14[%dma_start3A_64, %dma_start3A_65] : memref<10000x128xf32, #tpu.memory_space<vmem_shared>> -> memref<640x128xf32, #tpu.memory_space<vmem_shared>>
          tpu.enqueue_dma source(%dma_start3A_66 : memref<640x128xf32, #tpu.memory_space<vmem_shared>>) target(%dma_start3A_63 : memref<640x128xf32, #tpu.memory_space<hbm>>) target_semaphore(%run_scoped3A_61 : memref<!tpu.dma_semaphore, #tpu.memory_space<semaphore_mem>>)
          %dma_wait3A = arith.constant 9360 : i32
          %dma_wait3A_67 = arith.constant 0 : i32
          %dma_wait3A_68 = tpu.memref_slice %arg9[%dma_wait3A, %dma_wait3A_67] : memref<10000x128xf32, #tpu.memory_space<hbm>> -> memref<640x128xf32, #tpu.memory_space<hbm>>
          %dma_wait3A_69 = arith.constant 9360 : i32
          %dma_wait3A_70 = arith.constant 0 : i32
          %dma_wait3A_71 = tpu.memref_slice %arg14[%dma_wait3A_69, %dma_wait3A_70] : memref<10000x128xf32, #tpu.memory_space<vmem_shared>> -> memref<640x128xf32, #tpu.memory_space<vmem_shared>>
          tpu.wait_dma2 semaphore(%run_scoped3A_61 : memref<!tpu.dma_semaphore, #tpu.memory_space<semaphore_mem>>) src(%dma_wait3A_71 : memref<640x128xf32, #tpu.memory_space<vmem_shared>>) dst(%dma_wait3A_68 : memref<640x128xf32, #tpu.memory_space<hbm>>)
          tpu.yield
        }) : () -> ()
      } else {
      }
    } else {
    }
    return
  }
}

#map = affine_map<(d0, d1) -> (0, 0)>
#map1 = affine_map<(d0, d1) -> (0, 0, 0, 0)>
module attributes {stable_mosaic.version = 14 : i64} {
  func.func @sc(%arg0: i32, %arg1: i32, %arg2: memref<10000x128xf32, #tpu.memory_space<hbm>>, %arg3: memref<10000x128xf32, #tpu.memory_space<hbm>>, %arg4: memref<10000x128xf32, #tpu.memory_space<hbm>>, %arg5: memref<10000x128xf32, #tpu.memory_space<hbm>>, %arg6: memref<16x2x40x125xi32, #tpu.memory_space<hbm>>, %arg7: memref<16x2x40x125xi32, #tpu.memory_space<hbm>>, %arg8: memref<10000x128xf32, #tpu.memory_space<hbm>>, %arg9: memref<10000x128xf32, #tpu.memory_space<hbm>>, %arg10: memref<40x125xi32, #tpu.memory_space<vmem>>, %arg11: memref<40x125xi32, #tpu.memory_space<vmem>>, %arg12: memref<125x128xf32, #tpu.memory_space<vmem>>, %arg13: memref<125x128xf32, #tpu.memory_space<vmem>>, %arg14: memref<10000x128xf32, #tpu.memory_space<vmem_shared>>, %arg15: memref<!tpu.dma_semaphore, #tpu.memory_space<semaphore_mem>>, %arg16: memref<!tpu.dma_semaphore, #tpu.memory_space<semaphore_mem>>) attributes {dimension_semantics = [#tpu.dimension_semantics<core_parallel>, #tpu.dimension_semantics<subcore_parallel>], iteration_bounds = array<i64: 2, 16>, scalar_prefetch = 0 : i64, scratch_operands = 7 : i64, tpu.core_type = #tpu.core_type<sc_vector_subcore>, window_params = [{transform_indices = #map}, {transform_indices = #map}, {transform_indices = #map}, {transform_indices = #map}, {transform_indices = #map1}, {transform_indices = #map1}, {transform_indices = #map}, {transform_indices = #map}]} {
    %mul3A = arith.constant 624 : i32
    %mul3A_0 = arith.muli %arg1, %mul3A : i32
    %multiple_of3A = tpu.assume_multiple %mul3A_0, 8 : i32
    %lt3A = arith.constant 15 : i32
    %lt3A_1 = arith.cmpi slt, %arg1, %lt3A : i32
    %convert_element_type3A = arith.extui %lt3A_1 : i1 to i32
    %cond3A = arith.constant 0 : i32
    %cond3A_2 = arith.cmpi ne, %convert_element_type3A, %cond3A : i32
    scf.if %cond3A_2 {
      %eq3A_51 = arith.constant 0 : i32
      %eq3A_52 = arith.cmpi eq, %arg0, %eq3A_51 : i32
      %convert_element_type3A_53 = arith.extui %eq3A_52 : i1 to i32
      %cond3A_54 = arith.constant 0 : i32
      %cond3A_55 = arith.cmpi ne, %convert_element_type3A_53, %cond3A_54 : i32
      scf.if %cond3A_55 {
        %dma_start3A = arith.constant 0 : i32
        %dma_start3A_61 = tpu.memref_slice %arg14[%multiple_of3A, %dma_start3A] : memref<10000x128xf32, #tpu.memory_space<vmem_shared>> -> memref<624x128xf32, #tpu.memory_space<vmem_shared>>
        %dma_start3A_62 = arith.constant 0 : i32
        %dma_start3A_63 = tpu.memref_slice %arg4[%multiple_of3A, %dma_start3A_62] : memref<10000x128xf32, #tpu.memory_space<hbm>> -> memref<624x128xf32, #tpu.memory_space<hbm>>
        tpu.enqueue_dma source(%dma_start3A_63 : memref<624x128xf32, #tpu.memory_space<hbm>>) target(%dma_start3A_61 : memref<624x128xf32, #tpu.memory_space<vmem_shared>>) target_semaphore(%arg15 : memref<!tpu.dma_semaphore, #tpu.memory_space<semaphore_mem>>)
      } else {
      }
      %eq3A_56 = arith.constant 1 : i32
      %eq3A_57 = arith.cmpi eq, %arg0, %eq3A_56 : i32
      %convert_element_type3A_58 = arith.extui %eq3A_57 : i1 to i32
      %cond3A_59 = arith.constant 0 : i32
      %cond3A_60 = arith.cmpi ne, %convert_element_type3A_58, %cond3A_59 : i32
      scf.if %cond3A_60 {
        %dma_start3A = arith.constant 0 : i32
        %dma_start3A_61 = tpu.memref_slice %arg14[%multiple_of3A, %dma_start3A] : memref<10000x128xf32, #tpu.memory_space<vmem_shared>> -> memref<624x128xf32, #tpu.memory_space<vmem_shared>>
        %dma_start3A_62 = arith.constant 0 : i32
        %dma_start3A_63 = tpu.memref_slice %arg5[%multiple_of3A, %dma_start3A_62] : memref<10000x128xf32, #tpu.memory_space<hbm>> -> memref<624x128xf32, #tpu.memory_space<hbm>>
        tpu.enqueue_dma source(%dma_start3A_63 : memref<624x128xf32, #tpu.memory_space<hbm>>) target(%dma_start3A_61 : memref<624x128xf32, #tpu.memory_space<vmem_shared>>) target_semaphore(%arg15 : memref<!tpu.dma_semaphore, #tpu.memory_space<semaphore_mem>>)
      } else {
      }
    } else {
    }
    %eq3A = arith.constant 15 : i32
    %eq3A_3 = arith.cmpi eq, %arg1, %eq3A : i32
    %convert_element_type3A_4 = arith.extui %eq3A_3 : i1 to i32
    %cond3A_5 = arith.constant 0 : i32
    %cond3A_6 = arith.cmpi ne, %convert_element_type3A_4, %cond3A_5 : i32
    scf.if %cond3A_6 {
      %eq3A_51 = arith.constant 0 : i32
      %eq3A_52 = arith.cmpi eq, %arg0, %eq3A_51 : i32
      %convert_element_type3A_53 = arith.extui %eq3A_52 : i1 to i32
      %cond3A_54 = arith.constant 0 : i32
      %cond3A_55 = arith.cmpi ne, %convert_element_type3A_53, %cond3A_54 : i32
      scf.if %cond3A_55 {
        %dma_start3A = arith.constant 9360 : i32
        %dma_start3A_61 = arith.constant 0 : i32
        %dma_start3A_62 = tpu.memref_slice %arg14[%dma_start3A, %dma_start3A_61] : memref<10000x128xf32, #tpu.memory_space<vmem_shared>> -> memref<640x128xf32, #tpu.memory_space<vmem_shared>>
        %dma_start3A_63 = arith.constant 9360 : i32
        %dma_start3A_64 = arith.constant 0 : i32
        %dma_start3A_65 = tpu.memref_slice %arg4[%dma_start3A_63, %dma_start3A_64] : memref<10000x128xf32, #tpu.memory_space<hbm>> -> memref<640x128xf32, #tpu.memory_space<hbm>>
        tpu.enqueue_dma source(%dma_start3A_65 : memref<640x128xf32, #tpu.memory_space<hbm>>) target(%dma_start3A_62 : memref<640x128xf32, #tpu.memory_space<vmem_shared>>) target_semaphore(%arg15 : memref<!tpu.dma_semaphore, #tpu.memory_space<semaphore_mem>>)
      } else {
      }
      %eq3A_56 = arith.constant 1 : i32
      %eq3A_57 = arith.cmpi eq, %arg0, %eq3A_56 : i32
      %convert_element_type3A_58 = arith.extui %eq3A_57 : i1 to i32
      %cond3A_59 = arith.constant 0 : i32
      %cond3A_60 = arith.cmpi ne, %convert_element_type3A_58, %cond3A_59 : i32
      scf.if %cond3A_60 {
        %dma_start3A = arith.constant 9360 : i32
        %dma_start3A_61 = arith.constant 0 : i32
        %dma_start3A_62 = tpu.memref_slice %arg14[%dma_start3A, %dma_start3A_61] : memref<10000x128xf32, #tpu.memory_space<vmem_shared>> -> memref<640x128xf32, #tpu.memory_space<vmem_shared>>
        %dma_start3A_63 = arith.constant 9360 : i32
        %dma_start3A_64 = arith.constant 0 : i32
        %dma_start3A_65 = tpu.memref_slice %arg5[%dma_start3A_63, %dma_start3A_64] : memref<10000x128xf32, #tpu.memory_space<hbm>> -> memref<640x128xf32, #tpu.memory_space<hbm>>
        tpu.enqueue_dma source(%dma_start3A_65 : memref<640x128xf32, #tpu.memory_space<hbm>>) target(%dma_start3A_62 : memref<640x128xf32, #tpu.memory_space<vmem_shared>>) target_semaphore(%arg15 : memref<!tpu.dma_semaphore, #tpu.memory_space<semaphore_mem>>)
      } else {
      }
    } else {
    }
    %run_scoped3A = arith.constant 0 : i32
    "tpu.region"() ({
      %run_scoped3A_51 = tpu.sem_alloc : memref<!tpu.dma_semaphore, #tpu.memory_space<semaphore_mem>>
      %dma_start3A = arith.constant 0 : i32
      %dma_start3A_52 = arith.constant 0 : i32
      %dma_start3A_53 = tpu.memref_slice %arg6[%arg1, %run_scoped3A, %dma_start3A, %dma_start3A_52] : memref<16x2x40x125xi32, #tpu.memory_space<hbm>> -> memref<1x1x40x125xi32, #tpu.memory_space<hbm>>
      %dma_start3A_54 = tpu.memref_squeeze %dma_start3A_53 : memref<1x1x40x125xi32, #tpu.memory_space<hbm>> -> memref<40x125xi32, #tpu.memory_space<hbm>>
      %dma_start3A_55 = arith.constant 0 : i32
      %dma_start3A_56 = arith.constant 0 : i32
      %dma_start3A_57 = tpu.memref_slice %arg6[%arg1, %run_scoped3A, %dma_start3A_55, %dma_start3A_56] : memref<16x2x40x125xi32, #tpu.memory_space<hbm>> -> memref<1x1x40x125xi32, #tpu.memory_space<hbm>>
      %dma_start3A_58 = tpu.memref_squeeze %dma_start3A_57 : memref<1x1x40x125xi32, #tpu.memory_space<hbm>> -> memref<40x125xi32, #tpu.memory_space<hbm>>
      tpu.enqueue_dma source(%dma_start3A_58 : memref<40x125xi32, #tpu.memory_space<hbm>>) target(%arg10 : memref<40x125xi32, #tpu.memory_space<vmem>>) target_semaphore(%run_scoped3A_51 : memref<!tpu.dma_semaphore, #tpu.memory_space<semaphore_mem>>)
      %dma_wait3A = arith.constant 0 : i32
      %dma_wait3A_59 = arith.constant 0 : i32
      %dma_wait3A_60 = tpu.memref_slice %arg6[%arg1, %run_scoped3A, %dma_wait3A, %dma_wait3A_59] : memref<16x2x40x125xi32, #tpu.memory_space<hbm>> -> memref<1x1x40x125xi32, #tpu.memory_space<hbm>>
      %dma_wait3A_61 = tpu.memref_squeeze %dma_wait3A_60 : memref<1x1x40x125xi32, #tpu.memory_space<hbm>> -> memref<40x125xi32, #tpu.memory_space<hbm>>
      %dma_wait3A_62 = arith.constant 0 : i32
      %dma_wait3A_63 = arith.constant 0 : i32
      %dma_wait3A_64 = tpu.memref_slice %arg6[%arg1, %run_scoped3A, %dma_wait3A_62, %dma_wait3A_63] : memref<16x2x40x125xi32, #tpu.memory_space<hbm>> -> memref<1x1x40x125xi32, #tpu.memory_space<hbm>>
      %dma_wait3A_65 = tpu.memref_squeeze %dma_wait3A_64 : memref<1x1x40x125xi32, #tpu.memory_space<hbm>> -> memref<40x125xi32, #tpu.memory_space<hbm>>
      tpu.wait_dma2 semaphore(%run_scoped3A_51 : memref<!tpu.dma_semaphore, #tpu.memory_space<semaphore_mem>>) src(%dma_wait3A_65 : memref<40x125xi32, #tpu.memory_space<hbm>>) dst(%arg10 : memref<40x125xi32, #tpu.memory_space<vmem>>)
      tpu.yield
    }) : () -> ()
    %run_scoped3A_7 = arith.constant 0 : i32
    "tpu.region"() ({
      %run_scoped3A_51 = tpu.sem_alloc : memref<!tpu.dma_semaphore, #tpu.memory_space<semaphore_mem>>
      %dma_start3A = arith.constant 0 : i32
      %dma_start3A_52 = arith.constant 0 : i32
      %dma_start3A_53 = tpu.memref_slice %arg7[%arg1, %run_scoped3A_7, %dma_start3A, %dma_start3A_52] : memref<16x2x40x125xi32, #tpu.memory_space<hbm>> -> memref<1x1x40x125xi32, #tpu.memory_space<hbm>>
      %dma_start3A_54 = tpu.memref_squeeze %dma_start3A_53 : memref<1x1x40x125xi32, #tpu.memory_space<hbm>> -> memref<40x125xi32, #tpu.memory_space<hbm>>
      %dma_start3A_55 = arith.constant 0 : i32
      %dma_start3A_56 = arith.constant 0 : i32
      %dma_start3A_57 = tpu.memref_slice %arg7[%arg1, %run_scoped3A_7, %dma_start3A_55, %dma_start3A_56] : memref<16x2x40x125xi32, #tpu.memory_space<hbm>> -> memref<1x1x40x125xi32, #tpu.memory_space<hbm>>
      %dma_start3A_58 = tpu.memref_squeeze %dma_start3A_57 : memref<1x1x40x125xi32, #tpu.memory_space<hbm>> -> memref<40x125xi32, #tpu.memory_space<hbm>>
      tpu.enqueue_dma source(%dma_start3A_58 : memref<40x125xi32, #tpu.memory_space<hbm>>) target(%arg11 : memref<40x125xi32, #tpu.memory_space<vmem>>) target_semaphore(%run_scoped3A_51 : memref<!tpu.dma_semaphore, #tpu.memory_space<semaphore_mem>>)
      %dma_wait3A = arith.constant 0 : i32
      %dma_wait3A_59 = arith.constant 0 : i32
      %dma_wait3A_60 = tpu.memref_slice %arg7[%arg1, %run_scoped3A_7, %dma_wait3A, %dma_wait3A_59] : memref<16x2x40x125xi32, #tpu.memory_space<hbm>> -> memref<1x1x40x125xi32, #tpu.memory_space<hbm>>
      %dma_wait3A_61 = tpu.memref_squeeze %dma_wait3A_60 : memref<1x1x40x125xi32, #tpu.memory_space<hbm>> -> memref<40x125xi32, #tpu.memory_space<hbm>>
      %dma_wait3A_62 = arith.constant 0 : i32
      %dma_wait3A_63 = arith.constant 0 : i32
      %dma_wait3A_64 = tpu.memref_slice %arg7[%arg1, %run_scoped3A_7, %dma_wait3A_62, %dma_wait3A_63] : memref<16x2x40x125xi32, #tpu.memory_space<hbm>> -> memref<1x1x40x125xi32, #tpu.memory_space<hbm>>
      %dma_wait3A_65 = tpu.memref_squeeze %dma_wait3A_64 : memref<1x1x40x125xi32, #tpu.memory_space<hbm>> -> memref<40x125xi32, #tpu.memory_space<hbm>>
      tpu.wait_dma2 semaphore(%run_scoped3A_51 : memref<!tpu.dma_semaphore, #tpu.memory_space<semaphore_mem>>) src(%dma_wait3A_65 : memref<40x125xi32, #tpu.memory_space<hbm>>) dst(%arg11 : memref<40x125xi32, #tpu.memory_space<vmem>>)
      tpu.yield
    }) : () -> ()
    %lt3A_8 = arith.constant 15 : i32
    %lt3A_9 = arith.cmpi slt, %arg1, %lt3A_8 : i32
    %convert_element_type3A_10 = arith.extui %lt3A_9 : i1 to i32
    %cond3A_11 = arith.constant 0 : i32
    %cond3A_12 = arith.cmpi ne, %convert_element_type3A_10, %cond3A_11 : i32
    scf.if %cond3A_12 {
      %eq3A_51 = arith.constant 0 : i32
      %eq3A_52 = arith.cmpi eq, %arg0, %eq3A_51 : i32
      %convert_element_type3A_53 = arith.extui %eq3A_52 : i1 to i32
      %cond3A_54 = arith.constant 0 : i32
      %cond3A_55 = arith.cmpi ne, %convert_element_type3A_53, %cond3A_54 : i32
      scf.if %cond3A_55 {
        %dma_wait3A = arith.constant 0 : i32
        %dma_wait3A_61 = tpu.memref_slice %arg14[%multiple_of3A, %dma_wait3A] : memref<10000x128xf32, #tpu.memory_space<vmem_shared>> -> memref<624x128xf32, #tpu.memory_space<vmem_shared>>
        %dma_wait3A_62 = arith.constant 0 : i32
        %dma_wait3A_63 = tpu.memref_slice %arg4[%multiple_of3A, %dma_wait3A_62] : memref<10000x128xf32, #tpu.memory_space<hbm>> -> memref<624x128xf32, #tpu.memory_space<hbm>>
        tpu.wait_dma2 semaphore(%arg15 : memref<!tpu.dma_semaphore, #tpu.memory_space<semaphore_mem>>) src(%dma_wait3A_63 : memref<624x128xf32, #tpu.memory_space<hbm>>) dst(%dma_wait3A_61 : memref<624x128xf32, #tpu.memory_space<vmem_shared>>)
      } else {
      }
      %eq3A_56 = arith.constant 1 : i32
      %eq3A_57 = arith.cmpi eq, %arg0, %eq3A_56 : i32
      %convert_element_type3A_58 = arith.extui %eq3A_57 : i1 to i32
      %cond3A_59 = arith.constant 0 : i32
      %cond3A_60 = arith.cmpi ne, %convert_element_type3A_58, %cond3A_59 : i32
      scf.if %cond3A_60 {
        %dma_wait3A = arith.constant 0 : i32
        %dma_wait3A_61 = tpu.memref_slice %arg14[%multiple_of3A, %dma_wait3A] : memref<10000x128xf32, #tpu.memory_space<vmem_shared>> -> memref<624x128xf32, #tpu.memory_space<vmem_shared>>
        %dma_wait3A_62 = arith.constant 0 : i32
        %dma_wait3A_63 = tpu.memref_slice %arg5[%multiple_of3A, %dma_wait3A_62] : memref<10000x128xf32, #tpu.memory_space<hbm>> -> memref<624x128xf32, #tpu.memory_space<hbm>>
        tpu.wait_dma2 semaphore(%arg15 : memref<!tpu.dma_semaphore, #tpu.memory_space<semaphore_mem>>) src(%dma_wait3A_63 : memref<624x128xf32, #tpu.memory_space<hbm>>) dst(%dma_wait3A_61 : memref<624x128xf32, #tpu.memory_space<vmem_shared>>)
      } else {
      }
    } else {
    }
    %eq3A_13 = arith.constant 15 : i32
    %eq3A_14 = arith.cmpi eq, %arg1, %eq3A_13 : i32
    %convert_element_type3A_15 = arith.extui %eq3A_14 : i1 to i32
    %cond3A_16 = arith.constant 0 : i32
    %cond3A_17 = arith.cmpi ne, %convert_element_type3A_15, %cond3A_16 : i32
    scf.if %cond3A_17 {
      %eq3A_51 = arith.constant 0 : i32
      %eq3A_52 = arith.cmpi eq, %arg0, %eq3A_51 : i32
      %convert_element_type3A_53 = arith.extui %eq3A_52 : i1 to i32
      %cond3A_54 = arith.constant 0 : i32
      %cond3A_55 = arith.cmpi ne, %convert_element_type3A_53, %cond3A_54 : i32
      scf.if %cond3A_55 {
        %dma_wait3A = arith.constant 9360 : i32
        %dma_wait3A_61 = arith.constant 0 : i32
        %dma_wait3A_62 = tpu.memref_slice %arg14[%dma_wait3A, %dma_wait3A_61] : memref<10000x128xf32, #tpu.memory_space<vmem_shared>> -> memref<640x128xf32, #tpu.memory_space<vmem_shared>>
        %dma_wait3A_63 = arith.constant 9360 : i32
        %dma_wait3A_64 = arith.constant 0 : i32
        %dma_wait3A_65 = tpu.memref_slice %arg4[%dma_wait3A_63, %dma_wait3A_64] : memref<10000x128xf32, #tpu.memory_space<hbm>> -> memref<640x128xf32, #tpu.memory_space<hbm>>
        tpu.wait_dma2 semaphore(%arg15 : memref<!tpu.dma_semaphore, #tpu.memory_space<semaphore_mem>>) src(%dma_wait3A_65 : memref<640x128xf32, #tpu.memory_space<hbm>>) dst(%dma_wait3A_62 : memref<640x128xf32, #tpu.memory_space<vmem_shared>>)
      } else {
      }
      %eq3A_56 = arith.constant 1 : i32
      %eq3A_57 = arith.cmpi eq, %arg0, %eq3A_56 : i32
      %convert_element_type3A_58 = arith.extui %eq3A_57 : i1 to i32
      %cond3A_59 = arith.constant 0 : i32
      %cond3A_60 = arith.cmpi ne, %convert_element_type3A_58, %cond3A_59 : i32
      scf.if %cond3A_60 {
        %dma_wait3A = arith.constant 9360 : i32
        %dma_wait3A_61 = arith.constant 0 : i32
        %dma_wait3A_62 = tpu.memref_slice %arg14[%dma_wait3A, %dma_wait3A_61] : memref<10000x128xf32, #tpu.memory_space<vmem_shared>> -> memref<640x128xf32, #tpu.memory_space<vmem_shared>>
        %dma_wait3A_63 = arith.constant 9360 : i32
        %dma_wait3A_64 = arith.constant 0 : i32
        %dma_wait3A_65 = tpu.memref_slice %arg5[%dma_wait3A_63, %dma_wait3A_64] : memref<10000x128xf32, #tpu.memory_space<hbm>> -> memref<640x128xf32, #tpu.memory_space<hbm>>
        tpu.wait_dma2 semaphore(%arg15 : memref<!tpu.dma_semaphore, #tpu.memory_space<semaphore_mem>>) src(%dma_wait3A_65 : memref<640x128xf32, #tpu.memory_space<hbm>>) dst(%dma_wait3A_62 : memref<640x128xf32, #tpu.memory_space<vmem_shared>>)
      } else {
      }
    } else {
    }
    %barrier3A = arith.constant 0 : index
    tpu.barrier barrier_id(%barrier3A)
    %eq3A_18 = arith.constant 0 : i32
    %eq3A_19 = arith.cmpi eq, %arg0, %eq3A_18 : i32
    %convert_element_type3A_20 = arith.extui %eq3A_19 : i1 to i32
    %cond3A_21 = arith.constant 0 : i32
    %cond3A_22 = arith.cmpi ne, %convert_element_type3A_20, %cond3A_21 : i32
    scf.if %cond3A_22 {
      %dma_start3A = arith.constant 0 : i32
      %dma_start3A_51 = arith.constant 0 : i32
      %dma_start3A_52 = tpu.memref_slice %arg10[%dma_start3A, %dma_start3A_51] : memref<40x125xi32, #tpu.memory_space<vmem>> -> memref<1x125xi32, #tpu.memory_space<vmem>>
      %dma_start3A_53 = tpu.memref_squeeze %dma_start3A_52 : memref<1x125xi32, #tpu.memory_space<vmem>> -> memref<125xi32, #tpu.memory_space<vmem>>
      %dma_start3A_54 = arith.constant 0 : i32
      %dma_start3A_55 = arith.constant 0 : i32
      %dma_start3A_56 = tpu.memref_slice %arg2[%dma_start3A_54, %dma_start3A_55] : memref<10000x128xf32, #tpu.memory_space<hbm>> -> memref<10000x128xf32, #tpu.memory_space<hbm>>
      tpu.enqueue_indirect_dma source(%dma_start3A_56 : memref<10000x128xf32, #tpu.memory_space<hbm>>) target(%arg12 : memref<125x128xf32, #tpu.memory_space<vmem>>) offsets(%dma_start3A_53 : memref<125xi32, #tpu.memory_space<vmem>>) semaphore(%arg15 : memref<!tpu.dma_semaphore, #tpu.memory_space<semaphore_mem>>)
      %scan3A = arith.constant 0 : i32
      %scan3A_57 = arith.constant 0 : i32
      %scan3A_58 = arith.constant 20 : i32
      %scan3A_59 = arith.addi %scan3A_57, %scan3A_58 : i32
      %scan3A_60 = arith.constant 1 : i32
      scf.for %scan3A_62 = %scan3A_57 to %scan3A_59 step %scan3A_60  : i32 {
        %mul3A_63 = arith.constant 2 : i32
        %mul3A_64 = arith.muli %mul3A_63, %scan3A_62 : i32
        %add3A = arith.constant 1 : i32
        %add3A_65 = arith.addi %mul3A_64, %add3A : i32
        %dma_start3A_66 = arith.constant 0 : i32
        %dma_start3A_67 = tpu.memref_slice %arg10[%add3A_65, %dma_start3A_66] : memref<40x125xi32, #tpu.memory_space<vmem>> -> memref<1x125xi32, #tpu.memory_space<vmem>>
        %dma_start3A_68 = tpu.memref_squeeze %dma_start3A_67 : memref<1x125xi32, #tpu.memory_space<vmem>> -> memref<125xi32, #tpu.memory_space<vmem>>
        %dma_start3A_69 = arith.constant 0 : i32
        %dma_start3A_70 = arith.constant 0 : i32
        %dma_start3A_71 = tpu.memref_slice %arg2[%dma_start3A_69, %dma_start3A_70] : memref<10000x128xf32, #tpu.memory_space<hbm>> -> memref<10000x128xf32, #tpu.memory_space<hbm>>
        tpu.enqueue_indirect_dma source(%dma_start3A_71 : memref<10000x128xf32, #tpu.memory_space<hbm>>) target(%arg13 : memref<125x128xf32, #tpu.memory_space<vmem>>) offsets(%dma_start3A_68 : memref<125xi32, #tpu.memory_space<vmem>>) semaphore(%arg16 : memref<!tpu.dma_semaphore, #tpu.memory_space<semaphore_mem>>)
        %dma_wait3A = arith.constant 0 : i32
        %dma_wait3A_72 = arith.constant 0 : i32
        %dma_wait3A_73 = tpu.memref_slice %arg10[%dma_wait3A, %dma_wait3A_72] : memref<40x125xi32, #tpu.memory_space<vmem>> -> memref<1x125xi32, #tpu.memory_space<vmem>>
        %dma_wait3A_74 = tpu.memref_squeeze %dma_wait3A_73 : memref<1x125xi32, #tpu.memory_space<vmem>> -> memref<125xi32, #tpu.memory_space<vmem>>
        %dma_wait3A_75 = arith.constant 0 : i32
        %dma_wait3A_76 = arith.constant 0 : i32
        %dma_wait3A_77 = tpu.memref_slice %arg2[%dma_wait3A_75, %dma_wait3A_76] : memref<10000x128xf32, #tpu.memory_space<hbm>> -> memref<10000x128xf32, #tpu.memory_space<hbm>>
        tpu.wait_indirect_dma semaphore(%arg15 : memref<!tpu.dma_semaphore, #tpu.memory_space<semaphore_mem>>) src(%dma_wait3A_77 : memref<10000x128xf32, #tpu.memory_space<hbm>>) dst(%arg12 : memref<125x128xf32, #tpu.memory_space<vmem>>)
        "tpu.region"() ({
          %run_scoped3A_92 = tpu.sem_alloc : memref<!tpu.dma_semaphore, #tpu.memory_space<semaphore_mem>>
          %dma_start3A_93 = arith.constant 0 : i32
          %dma_start3A_94 = tpu.memref_slice %arg11[%mul3A_64, %dma_start3A_93] : memref<40x125xi32, #tpu.memory_space<vmem>> -> memref<1x125xi32, #tpu.memory_space<vmem>>
          %dma_start3A_95 = tpu.memref_squeeze %dma_start3A_94 : memref<1x125xi32, #tpu.memory_space<vmem>> -> memref<125xi32, #tpu.memory_space<vmem>>
          %dma_start3A_96 = arith.constant 0 : i32
          %dma_start3A_97 = arith.constant 0 : i32
          %dma_start3A_98 = tpu.memref_slice %arg14[%dma_start3A_96, %dma_start3A_97] : memref<10000x128xf32, #tpu.memory_space<vmem_shared>> -> memref<10000x128xf32, #tpu.memory_space<vmem_shared>>
          tpu.enqueue_indirect_dma source(%arg12 : memref<125x128xf32, #tpu.memory_space<vmem>>) target(%dma_start3A_98 : memref<10000x128xf32, #tpu.memory_space<vmem_shared>>) offsets(%dma_start3A_95 : memref<125xi32, #tpu.memory_space<vmem>>) semaphore(%run_scoped3A_92 : memref<!tpu.dma_semaphore, #tpu.memory_space<semaphore_mem>>) {add = true}
          %dma_wait3A_99 = arith.constant 0 : i32
          %dma_wait3A_100 = tpu.memref_slice %arg11[%mul3A_64, %dma_wait3A_99] : memref<40x125xi32, #tpu.memory_space<vmem>> -> memref<1x125xi32, #tpu.memory_space<vmem>>
          %dma_wait3A_101 = tpu.memref_squeeze %dma_wait3A_100 : memref<1x125xi32, #tpu.memory_space<vmem>> -> memref<125xi32, #tpu.memory_space<vmem>>
          %dma_wait3A_102 = arith.constant 0 : i32
          %dma_wait3A_103 = arith.constant 0 : i32
          %dma_wait3A_104 = tpu.memref_slice %arg14[%dma_wait3A_102, %dma_wait3A_103] : memref<10000x128xf32, #tpu.memory_space<vmem_shared>> -> memref<10000x128xf32, #tpu.memory_space<vmem_shared>>
          tpu.wait_indirect_dma semaphore(%run_scoped3A_92 : memref<!tpu.dma_semaphore, #tpu.memory_space<semaphore_mem>>) src(%arg12 : memref<125x128xf32, #tpu.memory_space<vmem>>) dst(%dma_wait3A_104 : memref<10000x128xf32, #tpu.memory_space<vmem_shared>>)
          tpu.yield
        }) : () -> ()
        %lt3A_78 = arith.constant 19 : i32
        %lt3A_79 = arith.cmpi slt, %scan3A_62, %lt3A_78 : i32
        %convert_element_type3A_80 = arith.extui %lt3A_79 : i1 to i32
        %cond3A_81 = arith.constant 0 : i32
        %cond3A_82 = arith.cmpi ne, %convert_element_type3A_80, %cond3A_81 : i32
        scf.if %cond3A_82 {
          %add3A_92 = arith.constant 2 : i32
          %add3A_93 = arith.addi %mul3A_64, %add3A_92 : i32
          %dma_start3A_94 = arith.constant 0 : i32
          %dma_start3A_95 = tpu.memref_slice %arg10[%add3A_93, %dma_start3A_94] : memref<40x125xi32, #tpu.memory_space<vmem>> -> memref<1x125xi32, #tpu.memory_space<vmem>>
          %dma_start3A_96 = tpu.memref_squeeze %dma_start3A_95 : memref<1x125xi32, #tpu.memory_space<vmem>> -> memref<125xi32, #tpu.memory_space<vmem>>
          %dma_start3A_97 = arith.constant 0 : i32
          %dma_start3A_98 = arith.constant 0 : i32
          %dma_start3A_99 = tpu.memref_slice %arg2[%dma_start3A_97, %dma_start3A_98] : memref<10000x128xf32, #tpu.memory_space<hbm>> -> memref<10000x128xf32, #tpu.memory_space<hbm>>
          tpu.enqueue_indirect_dma source(%dma_start3A_99 : memref<10000x128xf32, #tpu.memory_space<hbm>>) target(%arg12 : memref<125x128xf32, #tpu.memory_space<vmem>>) offsets(%dma_start3A_96 : memref<125xi32, #tpu.memory_space<vmem>>) semaphore(%arg15 : memref<!tpu.dma_semaphore, #tpu.memory_space<semaphore_mem>>)
        } else {
        }
        %dma_wait3A_83 = arith.constant 0 : i32
        %dma_wait3A_84 = arith.constant 0 : i32
        %dma_wait3A_85 = tpu.memref_slice %arg10[%dma_wait3A_83, %dma_wait3A_84] : memref<40x125xi32, #tpu.memory_space<vmem>> -> memref<1x125xi32, #tpu.memory_space<vmem>>
        %dma_wait3A_86 = tpu.memref_squeeze %dma_wait3A_85 : memref<1x125xi32, #tpu.memory_space<vmem>> -> memref<125xi32, #tpu.memory_space<vmem>>
        %dma_wait3A_87 = arith.constant 0 : i32
        %dma_wait3A_88 = arith.constant 0 : i32
        %dma_wait3A_89 = tpu.memref_slice %arg2[%dma_wait3A_87, %dma_wait3A_88] : memref<10000x128xf32, #tpu.memory_space<hbm>> -> memref<10000x128xf32, #tpu.memory_space<hbm>>
        tpu.wait_indirect_dma semaphore(%arg16 : memref<!tpu.dma_semaphore, #tpu.memory_space<semaphore_mem>>) src(%dma_wait3A_89 : memref<10000x128xf32, #tpu.memory_space<hbm>>) dst(%arg13 : memref<125x128xf32, #tpu.memory_space<vmem>>)
        %add3A_90 = arith.constant 1 : i32
        %add3A_91 = arith.addi %mul3A_64, %add3A_90 : i32
        "tpu.region"() ({
          %run_scoped3A_92 = tpu.sem_alloc : memref<!tpu.dma_semaphore, #tpu.memory_space<semaphore_mem>>
          %dma_start3A_93 = arith.constant 0 : i32
          %dma_start3A_94 = tpu.memref_slice %arg11[%add3A_91, %dma_start3A_93] : memref<40x125xi32, #tpu.memory_space<vmem>> -> memref<1x125xi32, #tpu.memory_space<vmem>>
          %dma_start3A_95 = tpu.memref_squeeze %dma_start3A_94 : memref<1x125xi32, #tpu.memory_space<vmem>> -> memref<125xi32, #tpu.memory_space<vmem>>
          %dma_start3A_96 = arith.constant 0 : i32
          %dma_start3A_97 = arith.constant 0 : i32
          %dma_start3A_98 = tpu.memref_slice %arg14[%dma_start3A_96, %dma_start3A_97] : memref<10000x128xf32, #tpu.memory_space<vmem_shared>> -> memref<10000x128xf32, #tpu.memory_space<vmem_shared>>
          tpu.enqueue_indirect_dma source(%arg13 : memref<125x128xf32, #tpu.memory_space<vmem>>) target(%dma_start3A_98 : memref<10000x128xf32, #tpu.memory_space<vmem_shared>>) offsets(%dma_start3A_95 : memref<125xi32, #tpu.memory_space<vmem>>) semaphore(%run_scoped3A_92 : memref<!tpu.dma_semaphore, #tpu.memory_space<semaphore_mem>>) {add = true}
          %dma_wait3A_99 = arith.constant 0 : i32
          %dma_wait3A_100 = tpu.memref_slice %arg11[%add3A_91, %dma_wait3A_99] : memref<40x125xi32, #tpu.memory_space<vmem>> -> memref<1x125xi32, #tpu.memory_space<vmem>>
          %dma_wait3A_101 = tpu.memref_squeeze %dma_wait3A_100 : memref<1x125xi32, #tpu.memory_space<vmem>> -> memref<125xi32, #tpu.memory_space<vmem>>
          %dma_wait3A_102 = arith.constant 0 : i32
          %dma_wait3A_103 = arith.constant 0 : i32
          %dma_wait3A_104 = tpu.memref_slice %arg14[%dma_wait3A_102, %dma_wait3A_103] : memref<10000x128xf32, #tpu.memory_space<vmem_shared>> -> memref<10000x128xf32, #tpu.memory_space<vmem_shared>>
          tpu.wait_indirect_dma semaphore(%run_scoped3A_92 : memref<!tpu.dma_semaphore, #tpu.memory_space<semaphore_mem>>) src(%arg13 : memref<125x128xf32, #tpu.memory_space<vmem>>) dst(%dma_wait3A_104 : memref<10000x128xf32, #tpu.memory_space<vmem_shared>>)
          tpu.yield
        }) : () -> ()
      }
      %scan3A_61 = arith.constant 20 : i32
    } else {
    }
    %eq3A_23 = arith.constant 1 : i32
    %eq3A_24 = arith.cmpi eq, %arg0, %eq3A_23 : i32
    %convert_element_type3A_25 = arith.extui %eq3A_24 : i1 to i32
    %cond3A_26 = arith.constant 0 : i32
    %cond3A_27 = arith.cmpi ne, %convert_element_type3A_25, %cond3A_26 : i32
    scf.if %cond3A_27 {
      %dma_start3A = arith.constant 0 : i32
      %dma_start3A_51 = arith.constant 0 : i32
      %dma_start3A_52 = tpu.memref_slice %arg10[%dma_start3A, %dma_start3A_51] : memref<40x125xi32, #tpu.memory_space<vmem>> -> memref<1x125xi32, #tpu.memory_space<vmem>>
      %dma_start3A_53 = tpu.memref_squeeze %dma_start3A_52 : memref<1x125xi32, #tpu.memory_space<vmem>> -> memref<125xi32, #tpu.memory_space<vmem>>
      %dma_start3A_54 = arith.constant 0 : i32
      %dma_start3A_55 = arith.constant 0 : i32
      %dma_start3A_56 = tpu.memref_slice %arg3[%dma_start3A_54, %dma_start3A_55] : memref<10000x128xf32, #tpu.memory_space<hbm>> -> memref<10000x128xf32, #tpu.memory_space<hbm>>
      tpu.enqueue_indirect_dma source(%dma_start3A_56 : memref<10000x128xf32, #tpu.memory_space<hbm>>) target(%arg12 : memref<125x128xf32, #tpu.memory_space<vmem>>) offsets(%dma_start3A_53 : memref<125xi32, #tpu.memory_space<vmem>>) semaphore(%arg15 : memref<!tpu.dma_semaphore, #tpu.memory_space<semaphore_mem>>)
      %scan3A = arith.constant 0 : i32
      %scan3A_57 = arith.constant 0 : i32
      %scan3A_58 = arith.constant 20 : i32
      %scan3A_59 = arith.addi %scan3A_57, %scan3A_58 : i32
      %scan3A_60 = arith.constant 1 : i32
      scf.for %scan3A_62 = %scan3A_57 to %scan3A_59 step %scan3A_60  : i32 {
        %mul3A_63 = arith.constant 2 : i32
        %mul3A_64 = arith.muli %mul3A_63, %scan3A_62 : i32
        %add3A = arith.constant 1 : i32
        %add3A_65 = arith.addi %mul3A_64, %add3A : i32
        %dma_start3A_66 = arith.constant 0 : i32
        %dma_start3A_67 = tpu.memref_slice %arg10[%add3A_65, %dma_start3A_66] : memref<40x125xi32, #tpu.memory_space<vmem>> -> memref<1x125xi32, #tpu.memory_space<vmem>>
        %dma_start3A_68 = tpu.memref_squeeze %dma_start3A_67 : memref<1x125xi32, #tpu.memory_space<vmem>> -> memref<125xi32, #tpu.memory_space<vmem>>
        %dma_start3A_69 = arith.constant 0 : i32
        %dma_start3A_70 = arith.constant 0 : i32
        %dma_start3A_71 = tpu.memref_slice %arg3[%dma_start3A_69, %dma_start3A_70] : memref<10000x128xf32, #tpu.memory_space<hbm>> -> memref<10000x128xf32, #tpu.memory_space<hbm>>
        tpu.enqueue_indirect_dma source(%dma_start3A_71 : memref<10000x128xf32, #tpu.memory_space<hbm>>) target(%arg13 : memref<125x128xf32, #tpu.memory_space<vmem>>) offsets(%dma_start3A_68 : memref<125xi32, #tpu.memory_space<vmem>>) semaphore(%arg16 : memref<!tpu.dma_semaphore, #tpu.memory_space<semaphore_mem>>)
        %dma_wait3A = arith.constant 0 : i32
        %dma_wait3A_72 = arith.constant 0 : i32
        %dma_wait3A_73 = tpu.memref_slice %arg10[%dma_wait3A, %dma_wait3A_72] : memref<40x125xi32, #tpu.memory_space<vmem>> -> memref<1x125xi32, #tpu.memory_space<vmem>>
        %dma_wait3A_74 = tpu.memref_squeeze %dma_wait3A_73 : memref<1x125xi32, #tpu.memory_space<vmem>> -> memref<125xi32, #tpu.memory_space<vmem>>
        %dma_wait3A_75 = arith.constant 0 : i32
        %dma_wait3A_76 = arith.constant 0 : i32
        %dma_wait3A_77 = tpu.memref_slice %arg3[%dma_wait3A_75, %dma_wait3A_76] : memref<10000x128xf32, #tpu.memory_space<hbm>> -> memref<10000x128xf32, #tpu.memory_space<hbm>>
        tpu.wait_indirect_dma semaphore(%arg15 : memref<!tpu.dma_semaphore, #tpu.memory_space<semaphore_mem>>) src(%dma_wait3A_77 : memref<10000x128xf32, #tpu.memory_space<hbm>>) dst(%arg12 : memref<125x128xf32, #tpu.memory_space<vmem>>)
        "tpu.region"() ({
          %run_scoped3A_92 = tpu.sem_alloc : memref<!tpu.dma_semaphore, #tpu.memory_space<semaphore_mem>>
          %dma_start3A_93 = arith.constant 0 : i32
          %dma_start3A_94 = tpu.memref_slice %arg11[%mul3A_64, %dma_start3A_93] : memref<40x125xi32, #tpu.memory_space<vmem>> -> memref<1x125xi32, #tpu.memory_space<vmem>>
          %dma_start3A_95 = tpu.memref_squeeze %dma_start3A_94 : memref<1x125xi32, #tpu.memory_space<vmem>> -> memref<125xi32, #tpu.memory_space<vmem>>
          %dma_start3A_96 = arith.constant 0 : i32
          %dma_start3A_97 = arith.constant 0 : i32
          %dma_start3A_98 = tpu.memref_slice %arg14[%dma_start3A_96, %dma_start3A_97] : memref<10000x128xf32, #tpu.memory_space<vmem_shared>> -> memref<10000x128xf32, #tpu.memory_space<vmem_shared>>
          tpu.enqueue_indirect_dma source(%arg12 : memref<125x128xf32, #tpu.memory_space<vmem>>) target(%dma_start3A_98 : memref<10000x128xf32, #tpu.memory_space<vmem_shared>>) offsets(%dma_start3A_95 : memref<125xi32, #tpu.memory_space<vmem>>) semaphore(%run_scoped3A_92 : memref<!tpu.dma_semaphore, #tpu.memory_space<semaphore_mem>>) {add = true}
          %dma_wait3A_99 = arith.constant 0 : i32
          %dma_wait3A_100 = tpu.memref_slice %arg11[%mul3A_64, %dma_wait3A_99] : memref<40x125xi32, #tpu.memory_space<vmem>> -> memref<1x125xi32, #tpu.memory_space<vmem>>
          %dma_wait3A_101 = tpu.memref_squeeze %dma_wait3A_100 : memref<1x125xi32, #tpu.memory_space<vmem>> -> memref<125xi32, #tpu.memory_space<vmem>>
          %dma_wait3A_102 = arith.constant 0 : i32
          %dma_wait3A_103 = arith.constant 0 : i32
          %dma_wait3A_104 = tpu.memref_slice %arg14[%dma_wait3A_102, %dma_wait3A_103] : memref<10000x128xf32, #tpu.memory_space<vmem_shared>> -> memref<10000x128xf32, #tpu.memory_space<vmem_shared>>
          tpu.wait_indirect_dma semaphore(%run_scoped3A_92 : memref<!tpu.dma_semaphore, #tpu.memory_space<semaphore_mem>>) src(%arg12 : memref<125x128xf32, #tpu.memory_space<vmem>>) dst(%dma_wait3A_104 : memref<10000x128xf32, #tpu.memory_space<vmem_shared>>)
          tpu.yield
        }) : () -> ()
        %lt3A_78 = arith.constant 19 : i32
        %lt3A_79 = arith.cmpi slt, %scan3A_62, %lt3A_78 : i32
        %convert_element_type3A_80 = arith.extui %lt3A_79 : i1 to i32
        %cond3A_81 = arith.constant 0 : i32
        %cond3A_82 = arith.cmpi ne, %convert_element_type3A_80, %cond3A_81 : i32
        scf.if %cond3A_82 {
          %add3A_92 = arith.constant 2 : i32
          %add3A_93 = arith.addi %mul3A_64, %add3A_92 : i32
          %dma_start3A_94 = arith.constant 0 : i32
          %dma_start3A_95 = tpu.memref_slice %arg10[%add3A_93, %dma_start3A_94] : memref<40x125xi32, #tpu.memory_space<vmem>> -> memref<1x125xi32, #tpu.memory_space<vmem>>
          %dma_start3A_96 = tpu.memref_squeeze %dma_start3A_95 : memref<1x125xi32, #tpu.memory_space<vmem>> -> memref<125xi32, #tpu.memory_space<vmem>>
          %dma_start3A_97 = arith.constant 0 : i32
          %dma_start3A_98 = arith.constant 0 : i32
          %dma_start3A_99 = tpu.memref_slice %arg3[%dma_start3A_97, %dma_start3A_98] : memref<10000x128xf32, #tpu.memory_space<hbm>> -> memref<10000x128xf32, #tpu.memory_space<hbm>>
          tpu.enqueue_indirect_dma source(%dma_start3A_99 : memref<10000x128xf32, #tpu.memory_space<hbm>>) target(%arg12 : memref<125x128xf32, #tpu.memory_space<vmem>>) offsets(%dma_start3A_96 : memref<125xi32, #tpu.memory_space<vmem>>) semaphore(%arg15 : memref<!tpu.dma_semaphore, #tpu.memory_space<semaphore_mem>>)
        } else {
        }
        %dma_wait3A_83 = arith.constant 0 : i32
        %dma_wait3A_84 = arith.constant 0 : i32
        %dma_wait3A_85 = tpu.memref_slice %arg10[%dma_wait3A_83, %dma_wait3A_84] : memref<40x125xi32, #tpu.memory_space<vmem>> -> memref<1x125xi32, #tpu.memory_space<vmem>>
        %dma_wait3A_86 = tpu.memref_squeeze %dma_wait3A_85 : memref<1x125xi32, #tpu.memory_space<vmem>> -> memref<125xi32, #tpu.memory_space<vmem>>
        %dma_wait3A_87 = arith.constant 0 : i32
        %dma_wait3A_88 = arith.constant 0 : i32
        %dma_wait3A_89 = tpu.memref_slice %arg3[%dma_wait3A_87, %dma_wait3A_88] : memref<10000x128xf32, #tpu.memory_space<hbm>> -> memref<10000x128xf32, #tpu.memory_space<hbm>>
        tpu.wait_indirect_dma semaphore(%arg16 : memref<!tpu.dma_semaphore, #tpu.memory_space<semaphore_mem>>) src(%dma_wait3A_89 : memref<10000x128xf32, #tpu.memory_space<hbm>>) dst(%arg13 : memref<125x128xf32, #tpu.memory_space<vmem>>)
        %add3A_90 = arith.constant 1 : i32
        %add3A_91 = arith.addi %mul3A_64, %add3A_90 : i32
        "tpu.region"() ({
          %run_scoped3A_92 = tpu.sem_alloc : memref<!tpu.dma_semaphore, #tpu.memory_space<semaphore_mem>>
          %dma_start3A_93 = arith.constant 0 : i32
          %dma_start3A_94 = tpu.memref_slice %arg11[%add3A_91, %dma_start3A_93] : memref<40x125xi32, #tpu.memory_space<vmem>> -> memref<1x125xi32, #tpu.memory_space<vmem>>
          %dma_start3A_95 = tpu.memref_squeeze %dma_start3A_94 : memref<1x125xi32, #tpu.memory_space<vmem>> -> memref<125xi32, #tpu.memory_space<vmem>>
          %dma_start3A_96 = arith.constant 0 : i32
          %dma_start3A_97 = arith.constant 0 : i32
          %dma_start3A_98 = tpu.memref_slice %arg14[%dma_start3A_96, %dma_start3A_97] : memref<10000x128xf32, #tpu.memory_space<vmem_shared>> -> memref<10000x128xf32, #tpu.memory_space<vmem_shared>>
          tpu.enqueue_indirect_dma source(%arg13 : memref<125x128xf32, #tpu.memory_space<vmem>>) target(%dma_start3A_98 : memref<10000x128xf32, #tpu.memory_space<vmem_shared>>) offsets(%dma_start3A_95 : memref<125xi32, #tpu.memory_space<vmem>>) semaphore(%run_scoped3A_92 : memref<!tpu.dma_semaphore, #tpu.memory_space<semaphore_mem>>) {add = true}
          %dma_wait3A_99 = arith.constant 0 : i32
          %dma_wait3A_100 = tpu.memref_slice %arg11[%add3A_91, %dma_wait3A_99] : memref<40x125xi32, #tpu.memory_space<vmem>> -> memref<1x125xi32, #tpu.memory_space<vmem>>
          %dma_wait3A_101 = tpu.memref_squeeze %dma_wait3A_100 : memref<1x125xi32, #tpu.memory_space<vmem>> -> memref<125xi32, #tpu.memory_space<vmem>>
          %dma_wait3A_102 = arith.constant 0 : i32
          %dma_wait3A_103 = arith.constant 0 : i32
          %dma_wait3A_104 = tpu.memref_slice %arg14[%dma_wait3A_102, %dma_wait3A_103] : memref<10000x128xf32, #tpu.memory_space<vmem_shared>> -> memref<10000x128xf32, #tpu.memory_space<vmem_shared>>
          tpu.wait_indirect_dma semaphore(%run_scoped3A_92 : memref<!tpu.dma_semaphore, #tpu.memory_space<semaphore_mem>>) src(%arg13 : memref<125x128xf32, #tpu.memory_space<vmem>>) dst(%dma_wait3A_104 : memref<10000x128xf32, #tpu.memory_space<vmem_shared>>)
          tpu.yield
        }) : () -> ()
      }
      %scan3A_61 = arith.constant 20 : i32
    } else {
    }
    %run_scoped3A_28 = arith.constant 1 : i32
    "tpu.region"() ({
      %run_scoped3A_51 = tpu.sem_alloc : memref<!tpu.dma_semaphore, #tpu.memory_space<semaphore_mem>>
      %dma_start3A = arith.constant 0 : i32
      %dma_start3A_52 = arith.constant 0 : i32
      %dma_start3A_53 = tpu.memref_slice %arg6[%arg1, %run_scoped3A_28, %dma_start3A, %dma_start3A_52] : memref<16x2x40x125xi32, #tpu.memory_space<hbm>> -> memref<1x1x40x125xi32, #tpu.memory_space<hbm>>
      %dma_start3A_54 = tpu.memref_squeeze %dma_start3A_53 : memref<1x1x40x125xi32, #tpu.memory_space<hbm>> -> memref<40x125xi32, #tpu.memory_space<hbm>>
      %dma_start3A_55 = arith.constant 0 : i32
      %dma_start3A_56 = arith.constant 0 : i32
      %dma_start3A_57 = tpu.memref_slice %arg6[%arg1, %run_scoped3A_28, %dma_start3A_55, %dma_start3A_56] : memref<16x2x40x125xi32, #tpu.memory_space<hbm>> -> memref<1x1x40x125xi32, #tpu.memory_space<hbm>>
      %dma_start3A_58 = tpu.memref_squeeze %dma_start3A_57 : memref<1x1x40x125xi32, #tpu.memory_space<hbm>> -> memref<40x125xi32, #tpu.memory_space<hbm>>
      tpu.enqueue_dma source(%dma_start3A_58 : memref<40x125xi32, #tpu.memory_space<hbm>>) target(%arg10 : memref<40x125xi32, #tpu.memory_space<vmem>>) target_semaphore(%run_scoped3A_51 : memref<!tpu.dma_semaphore, #tpu.memory_space<semaphore_mem>>)
      %dma_wait3A = arith.constant 0 : i32
      %dma_wait3A_59 = arith.constant 0 : i32
      %dma_wait3A_60 = tpu.memref_slice %arg6[%arg1, %run_scoped3A_28, %dma_wait3A, %dma_wait3A_59] : memref<16x2x40x125xi32, #tpu.memory_space<hbm>> -> memref<1x1x40x125xi32, #tpu.memory_space<hbm>>
      %dma_wait3A_61 = tpu.memref_squeeze %dma_wait3A_60 : memref<1x1x40x125xi32, #tpu.memory_space<hbm>> -> memref<40x125xi32, #tpu.memory_space<hbm>>
      %dma_wait3A_62 = arith.constant 0 : i32
      %dma_wait3A_63 = arith.constant 0 : i32
      %dma_wait3A_64 = tpu.memref_slice %arg6[%arg1, %run_scoped3A_28, %dma_wait3A_62, %dma_wait3A_63] : memref<16x2x40x125xi32, #tpu.memory_space<hbm>> -> memref<1x1x40x125xi32, #tpu.memory_space<hbm>>
      %dma_wait3A_65 = tpu.memref_squeeze %dma_wait3A_64 : memref<1x1x40x125xi32, #tpu.memory_space<hbm>> -> memref<40x125xi32, #tpu.memory_space<hbm>>
      tpu.wait_dma2 semaphore(%run_scoped3A_51 : memref<!tpu.dma_semaphore, #tpu.memory_space<semaphore_mem>>) src(%dma_wait3A_65 : memref<40x125xi32, #tpu.memory_space<hbm>>) dst(%arg10 : memref<40x125xi32, #tpu.memory_space<vmem>>)
      tpu.yield
    }) : () -> ()
    %run_scoped3A_29 = arith.constant 1 : i32
    "tpu.region"() ({
      %run_scoped3A_51 = tpu.sem_alloc : memref<!tpu.dma_semaphore, #tpu.memory_space<semaphore_mem>>
      %dma_start3A = arith.constant 0 : i32
      %dma_start3A_52 = arith.constant 0 : i32
      %dma_start3A_53 = tpu.memref_slice %arg7[%arg1, %run_scoped3A_29, %dma_start3A, %dma_start3A_52] : memref<16x2x40x125xi32, #tpu.memory_space<hbm>> -> memref<1x1x40x125xi32, #tpu.memory_space<hbm>>
      %dma_start3A_54 = tpu.memref_squeeze %dma_start3A_53 : memref<1x1x40x125xi32, #tpu.memory_space<hbm>> -> memref<40x125xi32, #tpu.memory_space<hbm>>
      %dma_start3A_55 = arith.constant 0 : i32
      %dma_start3A_56 = arith.constant 0 : i32
      %dma_start3A_57 = tpu.memref_slice %arg7[%arg1, %run_scoped3A_29, %dma_start3A_55, %dma_start3A_56] : memref<16x2x40x125xi32, #tpu.memory_space<hbm>> -> memref<1x1x40x125xi32, #tpu.memory_space<hbm>>
      %dma_start3A_58 = tpu.memref_squeeze %dma_start3A_57 : memref<1x1x40x125xi32, #tpu.memory_space<hbm>> -> memref<40x125xi32, #tpu.memory_space<hbm>>
      tpu.enqueue_dma source(%dma_start3A_58 : memref<40x125xi32, #tpu.memory_space<hbm>>) target(%arg11 : memref<40x125xi32, #tpu.memory_space<vmem>>) target_semaphore(%run_scoped3A_51 : memref<!tpu.dma_semaphore, #tpu.memory_space<semaphore_mem>>)
      %dma_wait3A = arith.constant 0 : i32
      %dma_wait3A_59 = arith.constant 0 : i32
      %dma_wait3A_60 = tpu.memref_slice %arg7[%arg1, %run_scoped3A_29, %dma_wait3A, %dma_wait3A_59] : memref<16x2x40x125xi32, #tpu.memory_space<hbm>> -> memref<1x1x40x125xi32, #tpu.memory_space<hbm>>
      %dma_wait3A_61 = tpu.memref_squeeze %dma_wait3A_60 : memref<1x1x40x125xi32, #tpu.memory_space<hbm>> -> memref<40x125xi32, #tpu.memory_space<hbm>>
      %dma_wait3A_62 = arith.constant 0 : i32
      %dma_wait3A_63 = arith.constant 0 : i32
      %dma_wait3A_64 = tpu.memref_slice %arg7[%arg1, %run_scoped3A_29, %dma_wait3A_62, %dma_wait3A_63] : memref<16x2x40x125xi32, #tpu.memory_space<hbm>> -> memref<1x1x40x125xi32, #tpu.memory_space<hbm>>
      %dma_wait3A_65 = tpu.memref_squeeze %dma_wait3A_64 : memref<1x1x40x125xi32, #tpu.memory_space<hbm>> -> memref<40x125xi32, #tpu.memory_space<hbm>>
      tpu.wait_dma2 semaphore(%run_scoped3A_51 : memref<!tpu.dma_semaphore, #tpu.memory_space<semaphore_mem>>) src(%dma_wait3A_65 : memref<40x125xi32, #tpu.memory_space<hbm>>) dst(%arg11 : memref<40x125xi32, #tpu.memory_space<vmem>>)
      tpu.yield
    }) : () -> ()
    %eq3A_30 = arith.constant 0 : i32
    %eq3A_31 = arith.cmpi eq, %arg0, %eq3A_30 : i32
    %convert_element_type3A_32 = arith.extui %eq3A_31 : i1 to i32
    %cond3A_33 = arith.constant 0 : i32
    %cond3A_34 = arith.cmpi ne, %convert_element_type3A_32, %cond3A_33 : i32
    scf.if %cond3A_34 {
      %dma_start3A = arith.constant 0 : i32
      %dma_start3A_51 = arith.constant 0 : i32
      %dma_start3A_52 = tpu.memref_slice %arg10[%dma_start3A, %dma_start3A_51] : memref<40x125xi32, #tpu.memory_space<vmem>> -> memref<1x125xi32, #tpu.memory_space<vmem>>
      %dma_start3A_53 = tpu.memref_squeeze %dma_start3A_52 : memref<1x125xi32, #tpu.memory_space<vmem>> -> memref<125xi32, #tpu.memory_space<vmem>>
      %dma_start3A_54 = arith.constant 0 : i32
      %dma_start3A_55 = arith.constant 0 : i32
      %dma_start3A_56 = tpu.memref_slice %arg2[%dma_start3A_54, %dma_start3A_55] : memref<10000x128xf32, #tpu.memory_space<hbm>> -> memref<10000x128xf32, #tpu.memory_space<hbm>>
      tpu.enqueue_indirect_dma source(%dma_start3A_56 : memref<10000x128xf32, #tpu.memory_space<hbm>>) target(%arg12 : memref<125x128xf32, #tpu.memory_space<vmem>>) offsets(%dma_start3A_53 : memref<125xi32, #tpu.memory_space<vmem>>) semaphore(%arg15 : memref<!tpu.dma_semaphore, #tpu.memory_space<semaphore_mem>>)
      %scan3A = arith.constant 0 : i32
      %scan3A_57 = arith.constant 0 : i32
      %scan3A_58 = arith.constant 20 : i32
      %scan3A_59 = arith.addi %scan3A_57, %scan3A_58 : i32
      %scan3A_60 = arith.constant 1 : i32
      scf.for %scan3A_62 = %scan3A_57 to %scan3A_59 step %scan3A_60  : i32 {
        %mul3A_63 = arith.constant 2 : i32
        %mul3A_64 = arith.muli %mul3A_63, %scan3A_62 : i32
        %add3A = arith.constant 1 : i32
        %add3A_65 = arith.addi %mul3A_64, %add3A : i32
        %dma_start3A_66 = arith.constant 0 : i32
        %dma_start3A_67 = tpu.memref_slice %arg10[%add3A_65, %dma_start3A_66] : memref<40x125xi32, #tpu.memory_space<vmem>> -> memref<1x125xi32, #tpu.memory_space<vmem>>
        %dma_start3A_68 = tpu.memref_squeeze %dma_start3A_67 : memref<1x125xi32, #tpu.memory_space<vmem>> -> memref<125xi32, #tpu.memory_space<vmem>>
        %dma_start3A_69 = arith.constant 0 : i32
        %dma_start3A_70 = arith.constant 0 : i32
        %dma_start3A_71 = tpu.memref_slice %arg2[%dma_start3A_69, %dma_start3A_70] : memref<10000x128xf32, #tpu.memory_space<hbm>> -> memref<10000x128xf32, #tpu.memory_space<hbm>>
        tpu.enqueue_indirect_dma source(%dma_start3A_71 : memref<10000x128xf32, #tpu.memory_space<hbm>>) target(%arg13 : memref<125x128xf32, #tpu.memory_space<vmem>>) offsets(%dma_start3A_68 : memref<125xi32, #tpu.memory_space<vmem>>) semaphore(%arg16 : memref<!tpu.dma_semaphore, #tpu.memory_space<semaphore_mem>>)
        %dma_wait3A = arith.constant 0 : i32
        %dma_wait3A_72 = arith.constant 0 : i32
        %dma_wait3A_73 = tpu.memref_slice %arg10[%dma_wait3A, %dma_wait3A_72] : memref<40x125xi32, #tpu.memory_space<vmem>> -> memref<1x125xi32, #tpu.memory_space<vmem>>
        %dma_wait3A_74 = tpu.memref_squeeze %dma_wait3A_73 : memref<1x125xi32, #tpu.memory_space<vmem>> -> memref<125xi32, #tpu.memory_space<vmem>>
        %dma_wait3A_75 = arith.constant 0 : i32
        %dma_wait3A_76 = arith.constant 0 : i32
        %dma_wait3A_77 = tpu.memref_slice %arg2[%dma_wait3A_75, %dma_wait3A_76] : memref<10000x128xf32, #tpu.memory_space<hbm>> -> memref<10000x128xf32, #tpu.memory_space<hbm>>
        tpu.wait_indirect_dma semaphore(%arg15 : memref<!tpu.dma_semaphore, #tpu.memory_space<semaphore_mem>>) src(%dma_wait3A_77 : memref<10000x128xf32, #tpu.memory_space<hbm>>) dst(%arg12 : memref<125x128xf32, #tpu.memory_space<vmem>>)
        "tpu.region"() ({
          %run_scoped3A_92 = tpu.sem_alloc : memref<!tpu.dma_semaphore, #tpu.memory_space<semaphore_mem>>
          %dma_start3A_93 = arith.constant 0 : i32
          %dma_start3A_94 = tpu.memref_slice %arg11[%mul3A_64, %dma_start3A_93] : memref<40x125xi32, #tpu.memory_space<vmem>> -> memref<1x125xi32, #tpu.memory_space<vmem>>
          %dma_start3A_95 = tpu.memref_squeeze %dma_start3A_94 : memref<1x125xi32, #tpu.memory_space<vmem>> -> memref<125xi32, #tpu.memory_space<vmem>>
          %dma_start3A_96 = arith.constant 0 : i32
          %dma_start3A_97 = arith.constant 0 : i32
          %dma_start3A_98 = tpu.memref_slice %arg14[%dma_start3A_96, %dma_start3A_97] : memref<10000x128xf32, #tpu.memory_space<vmem_shared>> -> memref<10000x128xf32, #tpu.memory_space<vmem_shared>>
          tpu.enqueue_indirect_dma source(%arg12 : memref<125x128xf32, #tpu.memory_space<vmem>>) target(%dma_start3A_98 : memref<10000x128xf32, #tpu.memory_space<vmem_shared>>) offsets(%dma_start3A_95 : memref<125xi32, #tpu.memory_space<vmem>>) semaphore(%run_scoped3A_92 : memref<!tpu.dma_semaphore, #tpu.memory_space<semaphore_mem>>) {add = true}
          %dma_wait3A_99 = arith.constant 0 : i32
          %dma_wait3A_100 = tpu.memref_slice %arg11[%mul3A_64, %dma_wait3A_99] : memref<40x125xi32, #tpu.memory_space<vmem>> -> memref<1x125xi32, #tpu.memory_space<vmem>>
          %dma_wait3A_101 = tpu.memref_squeeze %dma_wait3A_100 : memref<1x125xi32, #tpu.memory_space<vmem>> -> memref<125xi32, #tpu.memory_space<vmem>>
          %dma_wait3A_102 = arith.constant 0 : i32
          %dma_wait3A_103 = arith.constant 0 : i32
          %dma_wait3A_104 = tpu.memref_slice %arg14[%dma_wait3A_102, %dma_wait3A_103] : memref<10000x128xf32, #tpu.memory_space<vmem_shared>> -> memref<10000x128xf32, #tpu.memory_space<vmem_shared>>
          tpu.wait_indirect_dma semaphore(%run_scoped3A_92 : memref<!tpu.dma_semaphore, #tpu.memory_space<semaphore_mem>>) src(%arg12 : memref<125x128xf32, #tpu.memory_space<vmem>>) dst(%dma_wait3A_104 : memref<10000x128xf32, #tpu.memory_space<vmem_shared>>)
          tpu.yield
        }) : () -> ()
        %lt3A_78 = arith.constant 19 : i32
        %lt3A_79 = arith.cmpi slt, %scan3A_62, %lt3A_78 : i32
        %convert_element_type3A_80 = arith.extui %lt3A_79 : i1 to i32
        %cond3A_81 = arith.constant 0 : i32
        %cond3A_82 = arith.cmpi ne, %convert_element_type3A_80, %cond3A_81 : i32
        scf.if %cond3A_82 {
          %add3A_92 = arith.constant 2 : i32
          %add3A_93 = arith.addi %mul3A_64, %add3A_92 : i32
          %dma_start3A_94 = arith.constant 0 : i32
          %dma_start3A_95 = tpu.memref_slice %arg10[%add3A_93, %dma_start3A_94] : memref<40x125xi32, #tpu.memory_space<vmem>> -> memref<1x125xi32, #tpu.memory_space<vmem>>
          %dma_start3A_96 = tpu.memref_squeeze %dma_start3A_95 : memref<1x125xi32, #tpu.memory_space<vmem>> -> memref<125xi32, #tpu.memory_space<vmem>>
          %dma_start3A_97 = arith.constant 0 : i32
          %dma_start3A_98 = arith.constant 0 : i32
          %dma_start3A_99 = tpu.memref_slice %arg2[%dma_start3A_97, %dma_start3A_98] : memref<10000x128xf32, #tpu.memory_space<hbm>> -> memref<10000x128xf32, #tpu.memory_space<hbm>>
          tpu.enqueue_indirect_dma source(%dma_start3A_99 : memref<10000x128xf32, #tpu.memory_space<hbm>>) target(%arg12 : memref<125x128xf32, #tpu.memory_space<vmem>>) offsets(%dma_start3A_96 : memref<125xi32, #tpu.memory_space<vmem>>) semaphore(%arg15 : memref<!tpu.dma_semaphore, #tpu.memory_space<semaphore_mem>>)
        } else {
        }
        %dma_wait3A_83 = arith.constant 0 : i32
        %dma_wait3A_84 = arith.constant 0 : i32
        %dma_wait3A_85 = tpu.memref_slice %arg10[%dma_wait3A_83, %dma_wait3A_84] : memref<40x125xi32, #tpu.memory_space<vmem>> -> memref<1x125xi32, #tpu.memory_space<vmem>>
        %dma_wait3A_86 = tpu.memref_squeeze %dma_wait3A_85 : memref<1x125xi32, #tpu.memory_space<vmem>> -> memref<125xi32, #tpu.memory_space<vmem>>
        %dma_wait3A_87 = arith.constant 0 : i32
        %dma_wait3A_88 = arith.constant 0 : i32
        %dma_wait3A_89 = tpu.memref_slice %arg2[%dma_wait3A_87, %dma_wait3A_88] : memref<10000x128xf32, #tpu.memory_space<hbm>> -> memref<10000x128xf32, #tpu.memory_space<hbm>>
        tpu.wait_indirect_dma semaphore(%arg16 : memref<!tpu.dma_semaphore, #tpu.memory_space<semaphore_mem>>) src(%dma_wait3A_89 : memref<10000x128xf32, #tpu.memory_space<hbm>>) dst(%arg13 : memref<125x128xf32, #tpu.memory_space<vmem>>)
        %add3A_90 = arith.constant 1 : i32
        %add3A_91 = arith.addi %mul3A_64, %add3A_90 : i32
        "tpu.region"() ({
          %run_scoped3A_92 = tpu.sem_alloc : memref<!tpu.dma_semaphore, #tpu.memory_space<semaphore_mem>>
          %dma_start3A_93 = arith.constant 0 : i32
          %dma_start3A_94 = tpu.memref_slice %arg11[%add3A_91, %dma_start3A_93] : memref<40x125xi32, #tpu.memory_space<vmem>> -> memref<1x125xi32, #tpu.memory_space<vmem>>
          %dma_start3A_95 = tpu.memref_squeeze %dma_start3A_94 : memref<1x125xi32, #tpu.memory_space<vmem>> -> memref<125xi32, #tpu.memory_space<vmem>>
          %dma_start3A_96 = arith.constant 0 : i32
          %dma_start3A_97 = arith.constant 0 : i32
          %dma_start3A_98 = tpu.memref_slice %arg14[%dma_start3A_96, %dma_start3A_97] : memref<10000x128xf32, #tpu.memory_space<vmem_shared>> -> memref<10000x128xf32, #tpu.memory_space<vmem_shared>>
          tpu.enqueue_indirect_dma source(%arg13 : memref<125x128xf32, #tpu.memory_space<vmem>>) target(%dma_start3A_98 : memref<10000x128xf32, #tpu.memory_space<vmem_shared>>) offsets(%dma_start3A_95 : memref<125xi32, #tpu.memory_space<vmem>>) semaphore(%run_scoped3A_92 : memref<!tpu.dma_semaphore, #tpu.memory_space<semaphore_mem>>) {add = true}
          %dma_wait3A_99 = arith.constant 0 : i32
          %dma_wait3A_100 = tpu.memref_slice %arg11[%add3A_91, %dma_wait3A_99] : memref<40x125xi32, #tpu.memory_space<vmem>> -> memref<1x125xi32, #tpu.memory_space<vmem>>
          %dma_wait3A_101 = tpu.memref_squeeze %dma_wait3A_100 : memref<1x125xi32, #tpu.memory_space<vmem>> -> memref<125xi32, #tpu.memory_space<vmem>>
          %dma_wait3A_102 = arith.constant 0 : i32
          %dma_wait3A_103 = arith.constant 0 : i32
          %dma_wait3A_104 = tpu.memref_slice %arg14[%dma_wait3A_102, %dma_wait3A_103] : memref<10000x128xf32, #tpu.memory_space<vmem_shared>> -> memref<10000x128xf32, #tpu.memory_space<vmem_shared>>
          tpu.wait_indirect_dma semaphore(%run_scoped3A_92 : memref<!tpu.dma_semaphore, #tpu.memory_space<semaphore_mem>>) src(%arg13 : memref<125x128xf32, #tpu.memory_space<vmem>>) dst(%dma_wait3A_104 : memref<10000x128xf32, #tpu.memory_space<vmem_shared>>)
          tpu.yield
        }) : () -> ()
      }
      %scan3A_61 = arith.constant 20 : i32
    } else {
    }
    %eq3A_35 = arith.constant 1 : i32
    %eq3A_36 = arith.cmpi eq, %arg0, %eq3A_35 : i32
    %convert_element_type3A_37 = arith.extui %eq3A_36 : i1 to i32
    %cond3A_38 = arith.constant 0 : i32
    %cond3A_39 = arith.cmpi ne, %convert_element_type3A_37, %cond3A_38 : i32
    scf.if %cond3A_39 {
      %dma_start3A = arith.constant 0 : i32
      %dma_start3A_51 = arith.constant 0 : i32
      %dma_start3A_52 = tpu.memref_slice %arg10[%dma_start3A, %dma_start3A_51] : memref<40x125xi32, #tpu.memory_space<vmem>> -> memref<1x125xi32, #tpu.memory_space<vmem>>
      %dma_start3A_53 = tpu.memref_squeeze %dma_start3A_52 : memref<1x125xi32, #tpu.memory_space<vmem>> -> memref<125xi32, #tpu.memory_space<vmem>>
      %dma_start3A_54 = arith.constant 0 : i32
      %dma_start3A_55 = arith.constant 0 : i32
      %dma_start3A_56 = tpu.memref_slice %arg3[%dma_start3A_54, %dma_start3A_55] : memref<10000x128xf32, #tpu.memory_space<hbm>> -> memref<10000x128xf32, #tpu.memory_space<hbm>>
      tpu.enqueue_indirect_dma source(%dma_start3A_56 : memref<10000x128xf32, #tpu.memory_space<hbm>>) target(%arg12 : memref<125x128xf32, #tpu.memory_space<vmem>>) offsets(%dma_start3A_53 : memref<125xi32, #tpu.memory_space<vmem>>) semaphore(%arg15 : memref<!tpu.dma_semaphore, #tpu.memory_space<semaphore_mem>>)
      %scan3A = arith.constant 0 : i32
      %scan3A_57 = arith.constant 0 : i32
      %scan3A_58 = arith.constant 20 : i32
      %scan3A_59 = arith.addi %scan3A_57, %scan3A_58 : i32
      %scan3A_60 = arith.constant 1 : i32
      scf.for %scan3A_62 = %scan3A_57 to %scan3A_59 step %scan3A_60  : i32 {
        %mul3A_63 = arith.constant 2 : i32
        %mul3A_64 = arith.muli %mul3A_63, %scan3A_62 : i32
        %add3A = arith.constant 1 : i32
        %add3A_65 = arith.addi %mul3A_64, %add3A : i32
        %dma_start3A_66 = arith.constant 0 : i32
        %dma_start3A_67 = tpu.memref_slice %arg10[%add3A_65, %dma_start3A_66] : memref<40x125xi32, #tpu.memory_space<vmem>> -> memref<1x125xi32, #tpu.memory_space<vmem>>
        %dma_start3A_68 = tpu.memref_squeeze %dma_start3A_67 : memref<1x125xi32, #tpu.memory_space<vmem>> -> memref<125xi32, #tpu.memory_space<vmem>>
        %dma_start3A_69 = arith.constant 0 : i32
        %dma_start3A_70 = arith.constant 0 : i32
        %dma_start3A_71 = tpu.memref_slice %arg3[%dma_start3A_69, %dma_start3A_70] : memref<10000x128xf32, #tpu.memory_space<hbm>> -> memref<10000x128xf32, #tpu.memory_space<hbm>>
        tpu.enqueue_indirect_dma source(%dma_start3A_71 : memref<10000x128xf32, #tpu.memory_space<hbm>>) target(%arg13 : memref<125x128xf32, #tpu.memory_space<vmem>>) offsets(%dma_start3A_68 : memref<125xi32, #tpu.memory_space<vmem>>) semaphore(%arg16 : memref<!tpu.dma_semaphore, #tpu.memory_space<semaphore_mem>>)
        %dma_wait3A = arith.constant 0 : i32
        %dma_wait3A_72 = arith.constant 0 : i32
        %dma_wait3A_73 = tpu.memref_slice %arg10[%dma_wait3A, %dma_wait3A_72] : memref<40x125xi32, #tpu.memory_space<vmem>> -> memref<1x125xi32, #tpu.memory_space<vmem>>
        %dma_wait3A_74 = tpu.memref_squeeze %dma_wait3A_73 : memref<1x125xi32, #tpu.memory_space<vmem>> -> memref<125xi32, #tpu.memory_space<vmem>>
        %dma_wait3A_75 = arith.constant 0 : i32
        %dma_wait3A_76 = arith.constant 0 : i32
        %dma_wait3A_77 = tpu.memref_slice %arg3[%dma_wait3A_75, %dma_wait3A_76] : memref<10000x128xf32, #tpu.memory_space<hbm>> -> memref<10000x128xf32, #tpu.memory_space<hbm>>
        tpu.wait_indirect_dma semaphore(%arg15 : memref<!tpu.dma_semaphore, #tpu.memory_space<semaphore_mem>>) src(%dma_wait3A_77 : memref<10000x128xf32, #tpu.memory_space<hbm>>) dst(%arg12 : memref<125x128xf32, #tpu.memory_space<vmem>>)
        "tpu.region"() ({
          %run_scoped3A_92 = tpu.sem_alloc : memref<!tpu.dma_semaphore, #tpu.memory_space<semaphore_mem>>
          %dma_start3A_93 = arith.constant 0 : i32
          %dma_start3A_94 = tpu.memref_slice %arg11[%mul3A_64, %dma_start3A_93] : memref<40x125xi32, #tpu.memory_space<vmem>> -> memref<1x125xi32, #tpu.memory_space<vmem>>
          %dma_start3A_95 = tpu.memref_squeeze %dma_start3A_94 : memref<1x125xi32, #tpu.memory_space<vmem>> -> memref<125xi32, #tpu.memory_space<vmem>>
          %dma_start3A_96 = arith.constant 0 : i32
          %dma_start3A_97 = arith.constant 0 : i32
          %dma_start3A_98 = tpu.memref_slice %arg14[%dma_start3A_96, %dma_start3A_97] : memref<10000x128xf32, #tpu.memory_space<vmem_shared>> -> memref<10000x128xf32, #tpu.memory_space<vmem_shared>>
          tpu.enqueue_indirect_dma source(%arg12 : memref<125x128xf32, #tpu.memory_space<vmem>>) target(%dma_start3A_98 : memref<10000x128xf32, #tpu.memory_space<vmem_shared>>) offsets(%dma_start3A_95 : memref<125xi32, #tpu.memory_space<vmem>>) semaphore(%run_scoped3A_92 : memref<!tpu.dma_semaphore, #tpu.memory_space<semaphore_mem>>) {add = true}
          %dma_wait3A_99 = arith.constant 0 : i32
          %dma_wait3A_100 = tpu.memref_slice %arg11[%mul3A_64, %dma_wait3A_99] : memref<40x125xi32, #tpu.memory_space<vmem>> -> memref<1x125xi32, #tpu.memory_space<vmem>>
          %dma_wait3A_101 = tpu.memref_squeeze %dma_wait3A_100 : memref<1x125xi32, #tpu.memory_space<vmem>> -> memref<125xi32, #tpu.memory_space<vmem>>
          %dma_wait3A_102 = arith.constant 0 : i32
          %dma_wait3A_103 = arith.constant 0 : i32
          %dma_wait3A_104 = tpu.memref_slice %arg14[%dma_wait3A_102, %dma_wait3A_103] : memref<10000x128xf32, #tpu.memory_space<vmem_shared>> -> memref<10000x128xf32, #tpu.memory_space<vmem_shared>>
          tpu.wait_indirect_dma semaphore(%run_scoped3A_92 : memref<!tpu.dma_semaphore, #tpu.memory_space<semaphore_mem>>) src(%arg12 : memref<125x128xf32, #tpu.memory_space<vmem>>) dst(%dma_wait3A_104 : memref<10000x128xf32, #tpu.memory_space<vmem_shared>>)
          tpu.yield
        }) : () -> ()
        %lt3A_78 = arith.constant 19 : i32
        %lt3A_79 = arith.cmpi slt, %scan3A_62, %lt3A_78 : i32
        %convert_element_type3A_80 = arith.extui %lt3A_79 : i1 to i32
        %cond3A_81 = arith.constant 0 : i32
        %cond3A_82 = arith.cmpi ne, %convert_element_type3A_80, %cond3A_81 : i32
        scf.if %cond3A_82 {
          %add3A_92 = arith.constant 2 : i32
          %add3A_93 = arith.addi %mul3A_64, %add3A_92 : i32
          %dma_start3A_94 = arith.constant 0 : i32
          %dma_start3A_95 = tpu.memref_slice %arg10[%add3A_93, %dma_start3A_94] : memref<40x125xi32, #tpu.memory_space<vmem>> -> memref<1x125xi32, #tpu.memory_space<vmem>>
          %dma_start3A_96 = tpu.memref_squeeze %dma_start3A_95 : memref<1x125xi32, #tpu.memory_space<vmem>> -> memref<125xi32, #tpu.memory_space<vmem>>
          %dma_start3A_97 = arith.constant 0 : i32
          %dma_start3A_98 = arith.constant 0 : i32
          %dma_start3A_99 = tpu.memref_slice %arg3[%dma_start3A_97, %dma_start3A_98] : memref<10000x128xf32, #tpu.memory_space<hbm>> -> memref<10000x128xf32, #tpu.memory_space<hbm>>
          tpu.enqueue_indirect_dma source(%dma_start3A_99 : memref<10000x128xf32, #tpu.memory_space<hbm>>) target(%arg12 : memref<125x128xf32, #tpu.memory_space<vmem>>) offsets(%dma_start3A_96 : memref<125xi32, #tpu.memory_space<vmem>>) semaphore(%arg15 : memref<!tpu.dma_semaphore, #tpu.memory_space<semaphore_mem>>)
        } else {
        }
        %dma_wait3A_83 = arith.constant 0 : i32
        %dma_wait3A_84 = arith.constant 0 : i32
        %dma_wait3A_85 = tpu.memref_slice %arg10[%dma_wait3A_83, %dma_wait3A_84] : memref<40x125xi32, #tpu.memory_space<vmem>> -> memref<1x125xi32, #tpu.memory_space<vmem>>
        %dma_wait3A_86 = tpu.memref_squeeze %dma_wait3A_85 : memref<1x125xi32, #tpu.memory_space<vmem>> -> memref<125xi32, #tpu.memory_space<vmem>>
        %dma_wait3A_87 = arith.constant 0 : i32
        %dma_wait3A_88 = arith.constant 0 : i32
        %dma_wait3A_89 = tpu.memref_slice %arg3[%dma_wait3A_87, %dma_wait3A_88] : memref<10000x128xf32, #tpu.memory_space<hbm>> -> memref<10000x128xf32, #tpu.memory_space<hbm>>
        tpu.wait_indirect_dma semaphore(%arg16 : memref<!tpu.dma_semaphore, #tpu.memory_space<semaphore_mem>>) src(%dma_wait3A_89 : memref<10000x128xf32, #tpu.memory_space<hbm>>) dst(%arg13 : memref<125x128xf32, #tpu.memory_space<vmem>>)
        %add3A_90 = arith.constant 1 : i32
        %add3A_91 = arith.addi %mul3A_64, %add3A_90 : i32
        "tpu.region"() ({
          %run_scoped3A_92 = tpu.sem_alloc : memref<!tpu.dma_semaphore, #tpu.memory_space<semaphore_mem>>
          %dma_start3A_93 = arith.constant 0 : i32
          %dma_start3A_94 = tpu.memref_slice %arg11[%add3A_91, %dma_start3A_93] : memref<40x125xi32, #tpu.memory_space<vmem>> -> memref<1x125xi32, #tpu.memory_space<vmem>>
          %dma_start3A_95 = tpu.memref_squeeze %dma_start3A_94 : memref<1x125xi32, #tpu.memory_space<vmem>> -> memref<125xi32, #tpu.memory_space<vmem>>
          %dma_start3A_96 = arith.constant 0 : i32
          %dma_start3A_97 = arith.constant 0 : i32
          %dma_start3A_98 = tpu.memref_slice %arg14[%dma_start3A_96, %dma_start3A_97] : memref<10000x128xf32, #tpu.memory_space<vmem_shared>> -> memref<10000x128xf32, #tpu.memory_space<vmem_shared>>
          tpu.enqueue_indirect_dma source(%arg13 : memref<125x128xf32, #tpu.memory_space<vmem>>) target(%dma_start3A_98 : memref<10000x128xf32, #tpu.memory_space<vmem_shared>>) offsets(%dma_start3A_95 : memref<125xi32, #tpu.memory_space<vmem>>) semaphore(%run_scoped3A_92 : memref<!tpu.dma_semaphore, #tpu.memory_space<semaphore_mem>>) {add = true}
          %dma_wait3A_99 = arith.constant 0 : i32
          %dma_wait3A_100 = tpu.memref_slice %arg11[%add3A_91, %dma_wait3A_99] : memref<40x125xi32, #tpu.memory_space<vmem>> -> memref<1x125xi32, #tpu.memory_space<vmem>>
          %dma_wait3A_101 = tpu.memref_squeeze %dma_wait3A_100 : memref<1x125xi32, #tpu.memory_space<vmem>> -> memref<125xi32, #tpu.memory_space<vmem>>
          %dma_wait3A_102 = arith.constant 0 : i32
          %dma_wait3A_103 = arith.constant 0 : i32
          %dma_wait3A_104 = tpu.memref_slice %arg14[%dma_wait3A_102, %dma_wait3A_103] : memref<10000x128xf32, #tpu.memory_space<vmem_shared>> -> memref<10000x128xf32, #tpu.memory_space<vmem_shared>>
          tpu.wait_indirect_dma semaphore(%run_scoped3A_92 : memref<!tpu.dma_semaphore, #tpu.memory_space<semaphore_mem>>) src(%arg13 : memref<125x128xf32, #tpu.memory_space<vmem>>) dst(%dma_wait3A_104 : memref<10000x128xf32, #tpu.memory_space<vmem_shared>>)
          tpu.yield
        }) : () -> ()
      }
      %scan3A_61 = arith.constant 20 : i32
    } else {
    }
    %barrier3A_40 = arith.constant 0 : index
    tpu.barrier barrier_id(%barrier3A_40)
    %lt3A_41 = arith.constant 15 : i32
    %lt3A_42 = arith.cmpi slt, %arg1, %lt3A_41 : i32
    %convert_element_type3A_43 = arith.extui %lt3A_42 : i1 to i32
    %cond3A_44 = arith.constant 0 : i32
    %cond3A_45 = arith.cmpi ne, %convert_element_type3A_43, %cond3A_44 : i32
    scf.if %cond3A_45 {
      %eq3A_51 = arith.constant 0 : i32
      %eq3A_52 = arith.cmpi eq, %arg0, %eq3A_51 : i32
      %convert_element_type3A_53 = arith.extui %eq3A_52 : i1 to i32
      %cond3A_54 = arith.constant 0 : i32
      %cond3A_55 = arith.cmpi ne, %convert_element_type3A_53, %cond3A_54 : i32
      scf.if %cond3A_55 {
        "tpu.region"() ({
          %run_scoped3A_61 = tpu.sem_alloc : memref<!tpu.dma_semaphore, #tpu.memory_space<semaphore_mem>>
          %dma_start3A = arith.constant 0 : i32
          %dma_start3A_62 = tpu.memref_slice %arg8[%multiple_of3A, %dma_start3A] : memref<10000x128xf32, #tpu.memory_space<hbm>> -> memref<624x128xf32, #tpu.memory_space<hbm>>
          %dma_start3A_63 = arith.constant 0 : i32
          %dma_start3A_64 = tpu.memref_slice %arg14[%multiple_of3A, %dma_start3A_63] : memref<10000x128xf32, #tpu.memory_space<vmem_shared>> -> memref<624x128xf32, #tpu.memory_space<vmem_shared>>
          tpu.enqueue_dma source(%dma_start3A_64 : memref<624x128xf32, #tpu.memory_space<vmem_shared>>) target(%dma_start3A_62 : memref<624x128xf32, #tpu.memory_space<hbm>>) target_semaphore(%run_scoped3A_61 : memref<!tpu.dma_semaphore, #tpu.memory_space<semaphore_mem>>)
          %dma_wait3A = arith.constant 0 : i32
          %dma_wait3A_65 = tpu.memref_slice %arg8[%multiple_of3A, %dma_wait3A] : memref<10000x128xf32, #tpu.memory_space<hbm>> -> memref<624x128xf32, #tpu.memory_space<hbm>>
          %dma_wait3A_66 = arith.constant 0 : i32
          %dma_wait3A_67 = tpu.memref_slice %arg14[%multiple_of3A, %dma_wait3A_66] : memref<10000x128xf32, #tpu.memory_space<vmem_shared>> -> memref<624x128xf32, #tpu.memory_space<vmem_shared>>
          tpu.wait_dma2 semaphore(%run_scoped3A_61 : memref<!tpu.dma_semaphore, #tpu.memory_space<semaphore_mem>>) src(%dma_wait3A_67 : memref<624x128xf32, #tpu.memory_space<vmem_shared>>) dst(%dma_wait3A_65 : memref<624x128xf32, #tpu.memory_space<hbm>>)
          tpu.yield
        }) : () -> ()
      } else {
      }
      %eq3A_56 = arith.constant 1 : i32
      %eq3A_57 = arith.cmpi eq, %arg0, %eq3A_56 : i32
      %convert_element_type3A_58 = arith.extui %eq3A_57 : i1 to i32
      %cond3A_59 = arith.constant 0 : i32
      %cond3A_60 = arith.cmpi ne, %convert_element_type3A_58, %cond3A_59 : i32
      scf.if %cond3A_60 {
        "tpu.region"() ({
          %run_scoped3A_61 = tpu.sem_alloc : memref<!tpu.dma_semaphore, #tpu.memory_space<semaphore_mem>>
          %dma_start3A = arith.constant 0 : i32
          %dma_start3A_62 = tpu.memref_slice %arg9[%multiple_of3A, %dma_start3A] : memref<10000x128xf32, #tpu.memory_space<hbm>> -> memref<624x128xf32, #tpu.memory_space<hbm>>
          %dma_start3A_63 = arith.constant 0 : i32
          %dma_start3A_64 = tpu.memref_slice %arg14[%multiple_of3A, %dma_start3A_63] : memref<10000x128xf32, #tpu.memory_space<vmem_shared>> -> memref<624x128xf32, #tpu.memory_space<vmem_shared>>
          tpu.enqueue_dma source(%dma_start3A_64 : memref<624x128xf32, #tpu.memory_space<vmem_shared>>) target(%dma_start3A_62 : memref<624x128xf32, #tpu.memory_space<hbm>>) target_semaphore(%run_scoped3A_61 : memref<!tpu.dma_semaphore, #tpu.memory_space<semaphore_mem>>)
          %dma_wait3A = arith.constant 0 : i32
          %dma_wait3A_65 = tpu.memref_slice %arg9[%multiple_of3A, %dma_wait3A] : memref<10000x128xf32, #tpu.memory_space<hbm>> -> memref<624x128xf32, #tpu.memory_space<hbm>>
          %dma_wait3A_66 = arith.constant 0 : i32
          %dma_wait3A_67 = tpu.memref_slice %arg14[%multiple_of3A, %dma_wait3A_66] : memref<10000x128xf32, #tpu.memory_space<vmem_shared>> -> memref<624x128xf32, #tpu.memory_space<vmem_shared>>
          tpu.wait_dma2 semaphore(%run_scoped3A_61 : memref<!tpu.dma_semaphore, #tpu.memory_space<semaphore_mem>>) src(%dma_wait3A_67 : memref<624x128xf32, #tpu.memory_space<vmem_shared>>) dst(%dma_wait3A_65 : memref<624x128xf32, #tpu.memory_space<hbm>>)
          tpu.yield
        }) : () -> ()
      } else {
      }
    } else {
    }
    %eq3A_46 = arith.constant 15 : i32
    %eq3A_47 = arith.cmpi eq, %arg1, %eq3A_46 : i32
    %convert_element_type3A_48 = arith.extui %eq3A_47 : i1 to i32
    %cond3A_49 = arith.constant 0 : i32
    %cond3A_50 = arith.cmpi ne, %convert_element_type3A_48, %cond3A_49 : i32
    scf.if %cond3A_50 {
      %eq3A_51 = arith.constant 0 : i32
      %eq3A_52 = arith.cmpi eq, %arg0, %eq3A_51 : i32
      %convert_element_type3A_53 = arith.extui %eq3A_52 : i1 to i32
      %cond3A_54 = arith.constant 0 : i32
      %cond3A_55 = arith.cmpi ne, %convert_element_type3A_53, %cond3A_54 : i32
      scf.if %cond3A_55 {
        "tpu.region"() ({
          %run_scoped3A_61 = tpu.sem_alloc : memref<!tpu.dma_semaphore, #tpu.memory_space<semaphore_mem>>
          %dma_start3A = arith.constant 9360 : i32
          %dma_start3A_62 = arith.constant 0 : i32
          %dma_start3A_63 = tpu.memref_slice %arg8[%dma_start3A, %dma_start3A_62] : memref<10000x128xf32, #tpu.memory_space<hbm>> -> memref<640x128xf32, #tpu.memory_space<hbm>>
          %dma_start3A_64 = arith.constant 9360 : i32
          %dma_start3A_65 = arith.constant 0 : i32
          %dma_start3A_66 = tpu.memref_slice %arg14[%dma_start3A_64, %dma_start3A_65] : memref<10000x128xf32, #tpu.memory_space<vmem_shared>> -> memref<640x128xf32, #tpu.memory_space<vmem_shared>>
          tpu.enqueue_dma source(%dma_start3A_66 : memref<640x128xf32, #tpu.memory_space<vmem_shared>>) target(%dma_start3A_63 : memref<640x128xf32, #tpu.memory_space<hbm>>) target_semaphore(%run_scoped3A_61 : memref<!tpu.dma_semaphore, #tpu.memory_space<semaphore_mem>>)
          %dma_wait3A = arith.constant 9360 : i32
          %dma_wait3A_67 = arith.constant 0 : i32
          %dma_wait3A_68 = tpu.memref_slice %arg8[%dma_wait3A, %dma_wait3A_67] : memref<10000x128xf32, #tpu.memory_space<hbm>> -> memref<640x128xf32, #tpu.memory_space<hbm>>
          %dma_wait3A_69 = arith.constant 9360 : i32
          %dma_wait3A_70 = arith.constant 0 : i32
          %dma_wait3A_71 = tpu.memref_slice %arg14[%dma_wait3A_69, %dma_wait3A_70] : memref<10000x128xf32, #tpu.memory_space<vmem_shared>> -> memref<640x128xf32, #tpu.memory_space<vmem_shared>>
          tpu.wait_dma2 semaphore(%run_scoped3A_61 : memref<!tpu.dma_semaphore, #tpu.memory_space<semaphore_mem>>) src(%dma_wait3A_71 : memref<640x128xf32, #tpu.memory_space<vmem_shared>>) dst(%dma_wait3A_68 : memref<640x128xf32, #tpu.memory_space<hbm>>)
          tpu.yield
        }) : () -> ()
      } else {
      }
      %eq3A_56 = arith.constant 1 : i32
      %eq3A_57 = arith.cmpi eq, %arg0, %eq3A_56 : i32
      %convert_element_type3A_58 = arith.extui %eq3A_57 : i1 to i32
      %cond3A_59 = arith.constant 0 : i32
      %cond3A_60 = arith.cmpi ne, %convert_element_type3A_58, %cond3A_59 : i32
      scf.if %cond3A_60 {
        "tpu.region"() ({
          %run_scoped3A_61 = tpu.sem_alloc : memref<!tpu.dma_semaphore, #tpu.memory_space<semaphore_mem>>
          %dma_start3A = arith.constant 9360 : i32
          %dma_start3A_62 = arith.constant 0 : i32
          %dma_start3A_63 = tpu.memref_slice %arg9[%dma_start3A, %dma_start3A_62] : memref<10000x128xf32, #tpu.memory_space<hbm>> -> memref<640x128xf32, #tpu.memory_space<hbm>>
          %dma_start3A_64 = arith.constant 9360 : i32
          %dma_start3A_65 = arith.constant 0 : i32
          %dma_start3A_66 = tpu.memref_slice %arg14[%dma_start3A_64, %dma_start3A_65] : memref<10000x128xf32, #tpu.memory_space<vmem_shared>> -> memref<640x128xf32, #tpu.memory_space<vmem_shared>>
          tpu.enqueue_dma source(%dma_start3A_66 : memref<640x128xf32, #tpu.memory_space<vmem_shared>>) target(%dma_start3A_63 : memref<640x128xf32, #tpu.memory_space<hbm>>) target_semaphore(%run_scoped3A_61 : memref<!tpu.dma_semaphore, #tpu.memory_space<semaphore_mem>>)
          %dma_wait3A = arith.constant 9360 : i32
          %dma_wait3A_67 = arith.constant 0 : i32
          %dma_wait3A_68 = tpu.memref_slice %arg9[%dma_wait3A, %dma_wait3A_67] : memref<10000x128xf32, #tpu.memory_space<hbm>> -> memref<640x128xf32, #tpu.memory_space<hbm>>
          %dma_wait3A_69 = arith.constant 9360 : i32
          %dma_wait3A_70 = arith.constant 0 : i32
          %dma_wait3A_71 = tpu.memref_slice %arg14[%dma_wait3A_69, %dma_wait3A_70] : memref<10000x128xf32, #tpu.memory_space<vmem_shared>> -> memref<640x128xf32, #tpu.memory_space<vmem_shared>>
          tpu.wait_dma2 semaphore(%run_scoped3A_61 : memref<!tpu.dma_semaphore, #tpu.memory_space<semaphore_mem>>) src(%dma_wait3A_71 : memref<640x128xf32, #tpu.memory_space<vmem_shared>>) dst(%dma_wait3A_68 : memref<640x128xf32, #tpu.memory_space<hbm>>)
          tpu.yield
        }) : () -> ()
      } else {
      }
    } else {
    }
    return
  }
}

module attributes {stable_mosaic.version = 14 : i64} {
  func.func @body(%arg0: i32, %arg1: memref<2000x256xf32, #tpu.memory_space<vmem>>, %arg2: memref<256x512xf32, #tpu.memory_space<vmem>>, %arg3: memref<1x256xf32, #tpu.memory_space<vmem>>, %arg4: memref<2000x128xf32, #tpu.memory_space<vmem>>, %arg5: memref<2000x128xf32, #tpu.memory_space<vmem>>, %arg6: memref<2000x128xf32, #tpu.memory_space<vmem>>, %arg7: memref<2000x128xf32, #tpu.memory_space<vmem>>) attributes {dimension_semantics = [#tpu.dimension_semantics<arbitrary>], iteration_bounds = array<i64: 5>, scalar_prefetch = 0 : i64, scratch_operands = 0 : i64, tpu.core_type = #tpu.core_type<tc>, window_params = [{transform_indices = @transform_0, window_bounds = array<i64: 2000, 256>}, {pipeline_mode = #tpu.pipeline_mode<synchronous>, transform_indices = @transform_1, window_bounds = array<i64: 256, 512>}, {pipeline_mode = #tpu.pipeline_mode<synchronous>, transform_indices = @transform_2, window_bounds = array<i64: 1, 256>}, {transform_indices = @transform_3, window_bounds = array<i64: 2000, 128>}, {transform_indices = @transform_4, window_bounds = array<i64: 2000, 128>}, {transform_indices = @transform_5, window_bounds = array<i64: 2000, 128>}, {transform_indices = @transform_6, window_bounds = array<i64: 2000, 128>}]} {
    %get3A = arith.constant 0 : index
    %get3A_0 = arith.constant 0 : index
    %get3A_1 = vector.load %arg1[%get3A, %get3A_0] : memref<2000x256xf32, #tpu.memory_space<vmem>>, vector<2000x256xf32>
    %get3A_2 = arith.constant 0 : index
    %get3A_3 = arith.constant 0 : index
    %get3A_4 = vector.load %arg2[%get3A_2, %get3A_3] : memref<256x512xf32, #tpu.memory_space<vmem>>, vector<256x512xf32>
    %dot_general3A = arith.constant dense<0.000000e+00> : vector<2000x512xf32>
    %dot_general3A_5 = tpu.matmul %get3A_1, %get3A_4, %dot_general3A {dimension_numbers = #tpu.dot_dimension_numbers<[1], [0], [0], [1], [0, 0, 1, 1], [], []>, transpose_lhs_hint = false} : vector<2000x256xf32>, vector<256x512xf32>, vector<2000x512xf32> -> vector<2000x512xf32>
    %slice3A = vector.extract_strided_slice %dot_general3A_5 {offsets = [0, 0], sizes = [2000, 256], strides = [1, 1]} : vector<2000x512xf32> to vector<2000x256xf32>
    %slice3A_6 = vector.extract_strided_slice %dot_general3A_5 {offsets = [0, 256], sizes = [2000, 256], strides = [1, 1]} : vector<2000x512xf32> to vector<2000x256xf32>
    %get3A_7 = arith.constant 0 : index
    %get3A_8 = arith.constant 0 : index
    %get3A_9 = vector.load %arg3[%get3A_7, %get3A_8] : memref<1x256xf32, #tpu.memory_space<vmem>>, vector<1x256xf32>
    %add3A = vector.broadcast %get3A_9 : vector<1x256xf32> to vector<2000x256xf32>
    %add3A_10 = arith.addf %slice3A_6, %add3A : vector<2000x256xf32>
    %slice3A_11 = vector.extract_strided_slice %slice3A {offsets = [0, 0], sizes = [2000, 128], strides = [1, 1]} : vector<2000x256xf32> to vector<2000x128xf32>
    %swap3A = arith.constant 0 : index
    %swap3A_12 = arith.constant 0 : index
    %swap3A_13 = vector.load %arg4[%swap3A, %swap3A_12] : memref<2000x128xf32, #tpu.memory_space<vmem>>, vector<2000x128xf32>
    tpu.vector_store %arg4[%swap3A, %swap3A_12], %slice3A_11 {strides = array<i32>} : memref<2000x128xf32, #tpu.memory_space<vmem>>, vector<2000x128xf32>,
    %slice3A_14 = vector.extract_strided_slice %slice3A {offsets = [0, 128], sizes = [2000, 128], strides = [1, 1]} : vector<2000x256xf32> to vector<2000x128xf32>
    %swap3A_15 = arith.constant 0 : index
    %swap3A_16 = arith.constant 0 : index
    %swap3A_17 = vector.load %arg5[%swap3A_15, %swap3A_16] : memref<2000x128xf32, #tpu.memory_space<vmem>>, vector<2000x128xf32>
    tpu.vector_store %arg5[%swap3A_15, %swap3A_16], %slice3A_14 {strides = array<i32>} : memref<2000x128xf32, #tpu.memory_space<vmem>>, vector<2000x128xf32>,
    %slice3A_18 = vector.extract_strided_slice %add3A_10 {offsets = [0, 0], sizes = [2000, 128], strides = [1, 1]} : vector<2000x256xf32> to vector<2000x128xf32>
    %swap3A_19 = arith.constant 0 : index
    %swap3A_20 = arith.constant 0 : index
    %swap3A_21 = vector.load %arg6[%swap3A_19, %swap3A_20] : memref<2000x128xf32, #tpu.memory_space<vmem>>, vector<2000x128xf32>
    tpu.vector_store %arg6[%swap3A_19, %swap3A_20], %slice3A_18 {strides = array<i32>} : memref<2000x128xf32, #tpu.memory_space<vmem>>, vector<2000x128xf32>,
    %slice3A_22 = vector.extract_strided_slice %add3A_10 {offsets = [0, 128], sizes = [2000, 128], strides = [1, 1]} : vector<2000x256xf32> to vector<2000x128xf32>
    %swap3A_23 = arith.constant 0 : index
    %swap3A_24 = arith.constant 0 : index
    %swap3A_25 = vector.load %arg7[%swap3A_23, %swap3A_24] : memref<2000x128xf32, #tpu.memory_space<vmem>>, vector<2000x128xf32>
    tpu.vector_store %arg7[%swap3A_23, %swap3A_24], %slice3A_22 {strides = array<i32>} : memref<2000x128xf32, #tpu.memory_space<vmem>>, vector<2000x128xf32>,
    return
  }
  func.func @transform_0(%arg0: i32) -> (i32, i32) {
    %c0_i32 = arith.constant 0 : i32
    %c0_i32_0 = arith.constant 0 : i32
    return %arg0, %c0_i32 : i32, i32
  }
  func.func @transform_1(%arg0: i32) -> (i32, i32) {
    %c0_i32 = arith.constant 0 : i32
    %c0_i32_0 = arith.constant 0 : i32
    %c0_i32_1 = arith.constant 0 : i32
    return %c0_i32, %c0_i32_0 : i32, i32
  }
  func.func @transform_2(%arg0: i32) -> (i32, i32) {
    %c0_i32 = arith.constant 0 : i32
    %c0_i32_0 = arith.constant 0 : i32
    %c0_i32_1 = arith.constant 0 : i32
    return %c0_i32, %c0_i32_0 : i32, i32
  }
  func.func @transform_3(%arg0: i32) -> (i32, i32) {
    %c0_i32 = arith.constant 0 : i32
    %c0_i32_0 = arith.constant 0 : i32
    return %arg0, %c0_i32 : i32, i32
  }
  func.func @transform_4(%arg0: i32) -> (i32, i32) {
    %c0_i32 = arith.constant 0 : i32
    %c0_i32_0 = arith.constant 0 : i32
    return %arg0, %c0_i32 : i32, i32
  }
  func.func @transform_5(%arg0: i32) -> (i32, i32) {
    %c0_i32 = arith.constant 0 : i32
    %c0_i32_0 = arith.constant 0 : i32
    return %arg0, %c0_i32 : i32, i32
  }
  func.func @transform_6(%arg0: i32) -> (i32, i32) {
    %c0_i32 = arith.constant 0 : i32
    %c0_i32_0 = arith.constant 0 : i32
    return %arg0, %c0_i32 : i32, i32
  }
}

module attributes {stable_mosaic.version = 14 : i64} {
  func.func @body(%arg0: i32, %arg1: memref<2000x128xf32, #tpu.memory_space<vmem>>, %arg2: memref<2000x128xf32, #tpu.memory_space<vmem>>, %arg3: memref<256x512xf32, #tpu.memory_space<vmem>>, %arg4: memref<1x256xf32, #tpu.memory_space<vmem>>, %arg5: memref<2000x128xf32, #tpu.memory_space<vmem>>, %arg6: memref<2000x128xf32, #tpu.memory_space<vmem>>, %arg7: memref<2000x128xf32, #tpu.memory_space<vmem>>, %arg8: memref<2000x128xf32, #tpu.memory_space<vmem>>) attributes {dimension_semantics = [#tpu.dimension_semantics<arbitrary>], iteration_bounds = array<i64: 5>, scalar_prefetch = 0 : i64, scratch_operands = 0 : i64, tpu.core_type = #tpu.core_type<tc>, window_params = [{transform_indices = @transform_0, window_bounds = array<i64: 2000, 128>}, {transform_indices = @transform_1, window_bounds = array<i64: 2000, 128>}, {pipeline_mode = #tpu.pipeline_mode<synchronous>, transform_indices = @transform_2, window_bounds = array<i64: 256, 512>}, {pipeline_mode = #tpu.pipeline_mode<synchronous>, transform_indices = @transform_3, window_bounds = array<i64: 1, 256>}, {transform_indices = @transform_4, window_bounds = array<i64: 2000, 128>}, {transform_indices = @transform_5, window_bounds = array<i64: 2000, 128>}, {transform_indices = @transform_6, window_bounds = array<i64: 2000, 128>}, {transform_indices = @transform_7, window_bounds = array<i64: 2000, 128>}]} {
    %get3A = arith.constant 0 : index
    %get3A_0 = arith.constant 0 : index
    %get3A_1 = vector.load %arg1[%get3A, %get3A_0] : memref<2000x128xf32, #tpu.memory_space<vmem>>, vector<2000x128xf32>
    %get3A_2 = arith.constant 0 : index
    %get3A_3 = arith.constant 0 : index
    %get3A_4 = vector.load %arg2[%get3A_2, %get3A_3] : memref<2000x128xf32, #tpu.memory_space<vmem>>, vector<2000x128xf32>
    %concatenate3A = tpu.concatenate %get3A_1, %get3A_4 in 1 : vector<2000x128xf32>, vector<2000x128xf32> -> vector<2000x256xf32>
    %mul3A = arith.mulf %concatenate3A, %concatenate3A : vector<2000x256xf32>
    %reduce_sum3A = arith.constant dense<0.000000e+00> : vector<2000xf32>
    %reduce_sum3A_5 = vector.multi_reduction <add>, %mul3A, %reduce_sum3A [1] : vector<2000x256xf32> to vector<2000xf32>
    %broadcast_in_dim3A = vector.shape_cast %reduce_sum3A_5 : vector<2000xf32> to vector<2000x1xf32>
    %sqrt3A = math.sqrt %broadcast_in_dim3A : vector<2000x1xf32>
    %max3A = arith.constant 9.99999996E-13 : f32
    %max3A_6 = vector.broadcast %max3A : f32 to vector<2000x1xf32>
    %max3A_7 = arith.maximumf %sqrt3A, %max3A_6 : vector<2000x1xf32>
    %div3A = vector.broadcast %max3A_7 : vector<2000x1xf32> to vector<2000x256xf32>
    %div3A_8 = arith.divf %concatenate3A, %div3A : vector<2000x256xf32>
    %max3A_9 = arith.constant 0.000000e+00 : f32
    %max3A_10 = vector.broadcast %max3A_9 : f32 to vector<2000x256xf32>
    %max3A_11 = arith.maximumf %div3A_8, %max3A_10 : vector<2000x256xf32>
    %get3A_12 = arith.constant 0 : index
    %get3A_13 = arith.constant 0 : index
    %get3A_14 = vector.load %arg3[%get3A_12, %get3A_13] : memref<256x512xf32, #tpu.memory_space<vmem>>, vector<256x512xf32>
    %dot_general3A = arith.constant dense<0.000000e+00> : vector<2000x512xf32>
    %dot_general3A_15 = tpu.matmul %max3A_11, %get3A_14, %dot_general3A {dimension_numbers = #tpu.dot_dimension_numbers<[1], [0], [0], [1], [0, 0, 1, 1], [], []>, transpose_lhs_hint = false} : vector<2000x256xf32>, vector<256x512xf32>, vector<2000x512xf32> -> vector<2000x512xf32>
    %slice3A = vector.extract_strided_slice %dot_general3A_15 {offsets = [0, 0], sizes = [2000, 256], strides = [1, 1]} : vector<2000x512xf32> to vector<2000x256xf32>
    %slice3A_16 = vector.extract_strided_slice %dot_general3A_15 {offsets = [0, 256], sizes = [2000, 256], strides = [1, 1]} : vector<2000x512xf32> to vector<2000x256xf32>
    %get3A_17 = arith.constant 0 : index
    %get3A_18 = arith.constant 0 : index
    %get3A_19 = vector.load %arg4[%get3A_17, %get3A_18] : memref<1x256xf32, #tpu.memory_space<vmem>>, vector<1x256xf32>
    %add3A = vector.broadcast %get3A_19 : vector<1x256xf32> to vector<2000x256xf32>
    %add3A_20 = arith.addf %slice3A_16, %add3A : vector<2000x256xf32>
    %slice3A_21 = vector.extract_strided_slice %slice3A {offsets = [0, 0], sizes = [2000, 128], strides = [1, 1]} : vector<2000x256xf32> to vector<2000x128xf32>
    %swap3A = arith.constant 0 : index
    %swap3A_22 = arith.constant 0 : index
    %swap3A_23 = vector.load %arg5[%swap3A, %swap3A_22] : memref<2000x128xf32, #tpu.memory_space<vmem>>, vector<2000x128xf32>
    tpu.vector_store %arg5[%swap3A, %swap3A_22], %slice3A_21 {strides = array<i32>} : memref<2000x128xf32, #tpu.memory_space<vmem>>, vector<2000x128xf32>,
    %slice3A_24 = vector.extract_strided_slice %slice3A {offsets = [0, 128], sizes = [2000, 128], strides = [1, 1]} : vector<2000x256xf32> to vector<2000x128xf32>
    %swap3A_25 = arith.constant 0 : index
    %swap3A_26 = arith.constant 0 : index
    %swap3A_27 = vector.load %arg6[%swap3A_25, %swap3A_26] : memref<2000x128xf32, #tpu.memory_space<vmem>>, vector<2000x128xf32>
    tpu.vector_store %arg6[%swap3A_25, %swap3A_26], %slice3A_24 {strides = array<i32>} : memref<2000x128xf32, #tpu.memory_space<vmem>>, vector<2000x128xf32>,
    %slice3A_28 = vector.extract_strided_slice %add3A_20 {offsets = [0, 0], sizes = [2000, 128], strides = [1, 1]} : vector<2000x256xf32> to vector<2000x128xf32>
    %swap3A_29 = arith.constant 0 : index
    %swap3A_30 = arith.constant 0 : index
    %swap3A_31 = vector.load %arg7[%swap3A_29, %swap3A_30] : memref<2000x128xf32, #tpu.memory_space<vmem>>, vector<2000x128xf32>
    tpu.vector_store %arg7[%swap3A_29, %swap3A_30], %slice3A_28 {strides = array<i32>} : memref<2000x128xf32, #tpu.memory_space<vmem>>, vector<2000x128xf32>,
    %slice3A_32 = vector.extract_strided_slice %add3A_20 {offsets = [0, 128], sizes = [2000, 128], strides = [1, 1]} : vector<2000x256xf32> to vector<2000x128xf32>
    %swap3A_33 = arith.constant 0 : index
    %swap3A_34 = arith.constant 0 : index
    %swap3A_35 = vector.load %arg8[%swap3A_33, %swap3A_34] : memref<2000x128xf32, #tpu.memory_space<vmem>>, vector<2000x128xf32>
    tpu.vector_store %arg8[%swap3A_33, %swap3A_34], %slice3A_32 {strides = array<i32>} : memref<2000x128xf32, #tpu.memory_space<vmem>>, vector<2000x128xf32>,
    return
  }
  func.func @transform_0(%arg0: i32) -> (i32, i32) {
    %c0_i32 = arith.constant 0 : i32
    %c0_i32_0 = arith.constant 0 : i32
    return %arg0, %c0_i32 : i32, i32
  }
  func.func @transform_1(%arg0: i32) -> (i32, i32) {
    %c0_i32 = arith.constant 0 : i32
    %c0_i32_0 = arith.constant 0 : i32
    return %arg0, %c0_i32 : i32, i32
  }
  func.func @transform_2(%arg0: i32) -> (i32, i32) {
    %c0_i32 = arith.constant 0 : i32
    %c0_i32_0 = arith.constant 0 : i32
    %c0_i32_1 = arith.constant 0 : i32
    return %c0_i32, %c0_i32_0 : i32, i32
  }
  func.func @transform_3(%arg0: i32) -> (i32, i32) {
    %c0_i32 = arith.constant 0 : i32
    %c0_i32_0 = arith.constant 0 : i32
    %c0_i32_1 = arith.constant 0 : i32
    return %c0_i32, %c0_i32_0 : i32, i32
  }
  func.func @transform_4(%arg0: i32) -> (i32, i32) {
    %c0_i32 = arith.constant 0 : i32
    %c0_i32_0 = arith.constant 0 : i32
    return %arg0, %c0_i32 : i32, i32
  }
  func.func @transform_5(%arg0: i32) -> (i32, i32) {
    %c0_i32 = arith.constant 0 : i32
    %c0_i32_0 = arith.constant 0 : i32
    return %arg0, %c0_i32 : i32, i32
  }
  func.func @transform_6(%arg0: i32) -> (i32, i32) {
    %c0_i32 = arith.constant 0 : i32
    %c0_i32_0 = arith.constant 0 : i32
    return %arg0, %c0_i32 : i32, i32
  }
  func.func @transform_7(%arg0: i32) -> (i32, i32) {
    %c0_i32 = arith.constant 0 : i32
    %c0_i32_0 = arith.constant 0 : i32
    return %arg0, %c0_i32 : i32, i32
  }
}

module attributes {stable_mosaic.version = 14 : i64} {
  func.func @body(%arg0: i32, %arg1: memref<2000x128xf32, #tpu.memory_space<vmem>>, %arg2: memref<2000x128xf32, #tpu.memory_space<vmem>>, %arg3: memref<256x256xf32, #tpu.memory_space<vmem>>, %arg4: memref<1x128xf32, #tpu.memory_space<vmem>>, %arg5: memref<2000x128xf32, #tpu.memory_space<vmem>>, %arg6: memref<2000x128xf32, #tpu.memory_space<vmem>>) attributes {dimension_semantics = [#tpu.dimension_semantics<arbitrary>], iteration_bounds = array<i64: 5>, scalar_prefetch = 0 : i64, scratch_operands = 0 : i64, tpu.core_type = #tpu.core_type<tc>, window_params = [{transform_indices = @transform_0, window_bounds = array<i64: 2000, 128>}, {transform_indices = @transform_1, window_bounds = array<i64: 2000, 128>}, {pipeline_mode = #tpu.pipeline_mode<synchronous>, transform_indices = @transform_2, window_bounds = array<i64: 256, 256>}, {pipeline_mode = #tpu.pipeline_mode<synchronous>, transform_indices = @transform_3, window_bounds = array<i64: 1, 128>}, {transform_indices = @transform_4, window_bounds = array<i64: 2000, 128>}, {transform_indices = @transform_5, window_bounds = array<i64: 2000, 128>}]} {
    %get3A = arith.constant 0 : index
    %get3A_0 = arith.constant 0 : index
    %get3A_1 = vector.load %arg1[%get3A, %get3A_0] : memref<2000x128xf32, #tpu.memory_space<vmem>>, vector<2000x128xf32>
    %get3A_2 = arith.constant 0 : index
    %get3A_3 = arith.constant 0 : index
    %get3A_4 = vector.load %arg2[%get3A_2, %get3A_3] : memref<2000x128xf32, #tpu.memory_space<vmem>>, vector<2000x128xf32>
    %concatenate3A = tpu.concatenate %get3A_1, %get3A_4 in 1 : vector<2000x128xf32>, vector<2000x128xf32> -> vector<2000x256xf32>
    %mul3A = arith.mulf %concatenate3A, %concatenate3A : vector<2000x256xf32>
    %reduce_sum3A = arith.constant dense<0.000000e+00> : vector<2000xf32>
    %reduce_sum3A_5 = vector.multi_reduction <add>, %mul3A, %reduce_sum3A [1] : vector<2000x256xf32> to vector<2000xf32>
    %broadcast_in_dim3A = vector.shape_cast %reduce_sum3A_5 : vector<2000xf32> to vector<2000x1xf32>
    %sqrt3A = math.sqrt %broadcast_in_dim3A : vector<2000x1xf32>
    %max3A = arith.constant 9.99999996E-13 : f32
    %max3A_6 = vector.broadcast %max3A : f32 to vector<2000x1xf32>
    %max3A_7 = arith.maximumf %sqrt3A, %max3A_6 : vector<2000x1xf32>
    %div3A = vector.broadcast %max3A_7 : vector<2000x1xf32> to vector<2000x256xf32>
    %div3A_8 = arith.divf %concatenate3A, %div3A : vector<2000x256xf32>
    %max3A_9 = arith.constant 0.000000e+00 : f32
    %max3A_10 = vector.broadcast %max3A_9 : f32 to vector<2000x256xf32>
    %max3A_11 = arith.maximumf %div3A_8, %max3A_10 : vector<2000x256xf32>
    %get3A_12 = arith.constant 0 : index
    %get3A_13 = arith.constant 0 : index
    %get3A_14 = vector.load %arg3[%get3A_12, %get3A_13] : memref<256x256xf32, #tpu.memory_space<vmem>>, vector<256x256xf32>
    %dot_general3A = arith.constant dense<0.000000e+00> : vector<2000x256xf32>
    %dot_general3A_15 = tpu.matmul %max3A_11, %get3A_14, %dot_general3A {dimension_numbers = #tpu.dot_dimension_numbers<[1], [0], [0], [1], [0, 0, 1, 1], [], []>, transpose_lhs_hint = false} : vector<2000x256xf32>, vector<256x256xf32>, vector<2000x256xf32> -> vector<2000x256xf32>
    %slice3A = vector.extract_strided_slice %dot_general3A_15 {offsets = [0, 0], sizes = [2000, 128], strides = [1, 1]} : vector<2000x256xf32> to vector<2000x128xf32>
    %slice3A_16 = vector.extract_strided_slice %dot_general3A_15 {offsets = [0, 128], sizes = [2000, 128], strides = [1, 1]} : vector<2000x256xf32> to vector<2000x128xf32>
    %get3A_17 = arith.constant 0 : index
    %get3A_18 = arith.constant 0 : index
    %get3A_19 = vector.load %arg4[%get3A_17, %get3A_18] : memref<1x128xf32, #tpu.memory_space<vmem>>, vector<1x128xf32>
    %add3A = vector.broadcast %get3A_19 : vector<1x128xf32> to vector<2000x128xf32>
    %add3A_20 = arith.addf %slice3A_16, %add3A : vector<2000x128xf32>
    %swap3A = arith.constant 0 : index
    %swap3A_21 = arith.constant 0 : index
    %swap3A_22 = vector.load %arg5[%swap3A, %swap3A_21] : memref<2000x128xf32, #tpu.memory_space<vmem>>, vector<2000x128xf32>
    tpu.vector_store %arg5[%swap3A, %swap3A_21], %slice3A {strides = array<i32>} : memref<2000x128xf32, #tpu.memory_space<vmem>>, vector<2000x128xf32>,
    %swap3A_23 = arith.constant 0 : index
    %swap3A_24 = arith.constant 0 : index
    %swap3A_25 = vector.load %arg6[%swap3A_23, %swap3A_24] : memref<2000x128xf32, #tpu.memory_space<vmem>>, vector<2000x128xf32>
    tpu.vector_store %arg6[%swap3A_23, %swap3A_24], %add3A_20 {strides = array<i32>} : memref<2000x128xf32, #tpu.memory_space<vmem>>, vector<2000x128xf32>,
    return
  }
  func.func @transform_0(%arg0: i32) -> (i32, i32) {
    %c0_i32 = arith.constant 0 : i32
    %c0_i32_0 = arith.constant 0 : i32
    return %arg0, %c0_i32 : i32, i32
  }
  func.func @transform_1(%arg0: i32) -> (i32, i32) {
    %c0_i32 = arith.constant 0 : i32
    %c0_i32_0 = arith.constant 0 : i32
    return %arg0, %c0_i32 : i32, i32
  }
  func.func @transform_2(%arg0: i32) -> (i32, i32) {
    %c0_i32 = arith.constant 0 : i32
    %c0_i32_0 = arith.constant 0 : i32
    %c0_i32_1 = arith.constant 0 : i32
    return %c0_i32, %c0_i32_0 : i32, i32
  }
  func.func @transform_3(%arg0: i32) -> (i32, i32) {
    %c0_i32 = arith.constant 0 : i32
    %c0_i32_0 = arith.constant 0 : i32
    %c0_i32_1 = arith.constant 0 : i32
    return %c0_i32, %c0_i32_0 : i32, i32
  }
  func.func @transform_4(%arg0: i32) -> (i32, i32) {
    %c0_i32 = arith.constant 0 : i32
    %c0_i32_0 = arith.constant 0 : i32
    return %arg0, %c0_i32 : i32, i32
  }
  func.func @transform_5(%arg0: i32) -> (i32, i32) {
    %c0_i32 = arith.constant 0 : i32
    %c0_i32_0 = arith.constant 0 : i32
    return %arg0, %c0_i32 : i32, i32
  }
}

module attributes {stable_mosaic.version = 14 : i64} {
  func.func @body(%arg0: i32, %arg1: memref<2000x128xf32, #tpu.memory_space<vmem>>, %arg2: memref<2000x128xf32, #tpu.memory_space<vmem>>, %arg3: memref<2000x128xf32, #tpu.memory_space<vmem>>) attributes {dimension_semantics = [#tpu.dimension_semantics<arbitrary>], iteration_bounds = array<i64: 5>, scalar_prefetch = 0 : i64, scratch_operands = 0 : i64, tpu.core_type = #tpu.core_type<tc>, window_params = [{transform_indices = @transform_0, window_bounds = array<i64: 2000, 128>}, {transform_indices = @transform_1, window_bounds = array<i64: 2000, 128>}, {transform_indices = @transform_2, window_bounds = array<i64: 2000, 128>}]} {
    %get3A = arith.constant 0 : index
    %get3A_0 = arith.constant 0 : index
    %get3A_1 = vector.load %arg1[%get3A, %get3A_0] : memref<2000x128xf32, #tpu.memory_space<vmem>>, vector<2000x128xf32>
    %get3A_2 = arith.constant 0 : index
    %get3A_3 = arith.constant 0 : index
    %get3A_4 = vector.load %arg2[%get3A_2, %get3A_3] : memref<2000x128xf32, #tpu.memory_space<vmem>>, vector<2000x128xf32>
    %add3A = arith.addf %get3A_1, %get3A_4 : vector<2000x128xf32>
    %mul3A = arith.mulf %add3A, %add3A : vector<2000x128xf32>
    %reduce_sum3A = arith.constant dense<0.000000e+00> : vector<2000xf32>
    %reduce_sum3A_5 = vector.multi_reduction <add>, %mul3A, %reduce_sum3A [1] : vector<2000x128xf32> to vector<2000xf32>
    %broadcast_in_dim3A = vector.shape_cast %reduce_sum3A_5 : vector<2000xf32> to vector<2000x1xf32>
    %sqrt3A = math.sqrt %broadcast_in_dim3A : vector<2000x1xf32>
    %max3A = arith.constant 9.99999996E-13 : f32
    %max3A_6 = vector.broadcast %max3A : f32 to vector<2000x1xf32>
    %max3A_7 = arith.maximumf %sqrt3A, %max3A_6 : vector<2000x1xf32>
    %div3A = vector.broadcast %max3A_7 : vector<2000x1xf32> to vector<2000x128xf32>
    %div3A_8 = arith.divf %add3A, %div3A : vector<2000x128xf32>
    %reduce_max3A = arith.constant dense<0xFF800000> : vector<2000xf32>
    %reduce_max3A_9 = vector.multi_reduction <maximumf>, %div3A_8, %reduce_max3A [1] : vector<2000x128xf32> to vector<2000xf32>
    %broadcast_in_dim3A_10 = vector.shape_cast %reduce_max3A_9 : vector<2000xf32> to vector<2000x1xf32>
    %sub3A = vector.broadcast %broadcast_in_dim3A_10 : vector<2000x1xf32> to vector<2000x128xf32>
    %sub3A_11 = arith.subf %div3A_8, %sub3A : vector<2000x128xf32>
    %exp3A = math.exp %sub3A_11 : vector<2000x128xf32>
    %reduce_sum3A_12 = arith.constant dense<0.000000e+00> : vector<2000xf32>
    %reduce_sum3A_13 = vector.multi_reduction <add>, %exp3A, %reduce_sum3A_12 [1] : vector<2000x128xf32> to vector<2000xf32>
    %broadcast_in_dim3A_14 = vector.shape_cast %reduce_sum3A_13 : vector<2000xf32> to vector<2000x1xf32>
    %log3A = math.log %broadcast_in_dim3A_14 : vector<2000x1xf32>
    %sub3A_15 = vector.broadcast %log3A : vector<2000x1xf32> to vector<2000x128xf32>
    %sub3A_16 = arith.subf %sub3A_11, %sub3A_15 : vector<2000x128xf32>
    %swap3A = arith.constant 0 : index
    %swap3A_17 = arith.constant 0 : index
    %swap3A_18 = vector.load %arg3[%swap3A, %swap3A_17] : memref<2000x128xf32, #tpu.memory_space<vmem>>, vector<2000x128xf32>
    tpu.vector_store %arg3[%swap3A, %swap3A_17], %sub3A_16 {strides = array<i32>} : memref<2000x128xf32, #tpu.memory_space<vmem>>, vector<2000x128xf32>,
    return
  }
  func.func @transform_0(%arg0: i32) -> (i32, i32) {
    %c0_i32 = arith.constant 0 : i32
    %c0_i32_0 = arith.constant 0 : i32
    return %arg0, %c0_i32 : i32, i32
  }
  func.func @transform_1(%arg0: i32) -> (i32, i32) {
    %c0_i32 = arith.constant 0 : i32
    %c0_i32_0 = arith.constant 0 : i32
    return %arg0, %c0_i32 : i32, i32
  }
  func.func @transform_2(%arg0: i32) -> (i32, i32) {
    %c0_i32 = arith.constant 0 : i32
    %c0_i32_0 = arith.constant 0 : i32
    return %arg0, %c0_i32 : i32, i32
  }
}

</mosaic_0001>

<sc_bundles>
// kernel: kernel.11.cloned.1.call-start
scs
__scs_entry_jumppad:
0x0: {  	(pc) =	sbr.rel $0x88, $3  }
0x1: {  	(tag) =	ssettag $0x0;
	lr =	simm.s32 $0x1  }
0x2: {  	[smem:$0x3F93] =	sst lr;
	_ =	strace $0xD0000000  }
0x3: {  	_ = 	snop  }
0x4: {  	_ = 	snop  }
0x5: {  	_ = 	snop  }
0x6: {  	_ = 	snop  }
0x7: {  	_ = 	snop  }
__scs_overlays_trampoline_lowered:
0x8: {  	[smem:$0x3FA2] =	sst s0  }
0x9: {  	[smem:$0x3FA3] =	sst s1  }
0xa: {  	[smem:$0x3FA4] =	sst s2  }
0xb: {  	[smem:$0x3FA5] =	sst s3  }
0xc: {  	[smem:$0x3FA6] =	sst s4  }
0xd: {  	[smem:$0x3FA7] =	sst s5  }
0xe: {  	[smem:$0x3FA8] =	sst s6  }
0xf: {  	[smem:$0x3FA9] =	sst s7  }
0x10: {  	[smem:$0x3FAA] =	sst s8  }
0x11: {  	[smem:$0x3FAB] =	sst s9;
	s0 =	simm.s32 @!p0 $0x0  }
0x12: {  	s1 =	sld [smem:$0x3F91];
	s0 =	simm.s32 @p0 $0x1  }
0x13: {  	[smem:$0x3FAC] =	sst s0;
	s0 =	simm.s32 @!p1 $0x0  }
0x14: {  	s2 =	sld [smem:$0x3F90];
	s0 =	simm.s32 @p1 $0x1  }
0x15: {  	[smem:$0x3FAD] =	sst s0;
	s0 =	simm.s32 @!p2 $0x0  }
0x16: {  	s3 =	sld [smem:$0x3FDB];
	s0 =	simm.s32 @p2 $0x1  }
0x17: {  	s4 =	simm.s32 $0x1BF5;
	[smem:$0x3FAF] =	sst s0  }
0x18: {  	s0 =	sld [smem:$0x3F92];
	_ =	swait.ge [sflag:s4], $0x0  }
0x19: {  	s7 =	sld [smem:$0x3F93]  }
0x1a: {  	s8 =	sadd.s32 $0xFFFFE003, lr  }
0x1b: {  	s9 =	sadd.s32 $0xFFFFFEF7, lr;
	s5 =	simm.s32 $0xFFFFFFFF;
	p2 =	slt.u32 s8, $0xFFFFF086  }
0x1c: {  	p1 =	slt.u32 s9, $0xF7A;
	s5 =	simm.s32 @!p2 $0x0  }
0x1d: {  	s5 =	simm.s32 @p1 $0x1;
	p0 =	seq.s32 s7, s2  }
0x1e: {  	s7 =	smul.u32 @!p0 $0xF7A, s2;
	p2 =	seq.s32 @!p0 s5, $0x0  }
0x1f: {  	s9 =	smul.u32 $0xF7A, s1;
	s8 =	simm.s32 @!p0 $0x1BF5;
	p2 =	por !p2, p0  }
0x20: {  	[sflag:s8] =	ssyncset.s32 @!p0 $0xFFFFF086;
	s6 =	sadd.s32 @!p0 s3, s7;
	s7 =	simm.s32 @!p0 $0x108  }
0x21: {  	s3 =	sadd.s32 s3, s9;
	s6 =	sadd.s32 @!p0 $0x88, s6;
	s7 =	simm.s32 @p2 $0x1082  }
0x22: {  	[simem:s7], [sflag:s8] =	dma.local @!p0 [hbm:s6], $0xF7A  }
0x23: {  	s9 =	sor.u32 $0xD0000000, s2;
	s6 =	simm.s32 $0x108;
	_ =	swait.ge @!p0 [sflag:s8], $0x0  }
0x24: {  	s3 =	sadd.s32 $0x88, s3;
	s6 =	simm.s32 @!p1 $0x1082;
	[sflag:s4] =	ssyncset.s32 $0xFFFFF086  }
0x25: {  	[simem:s6], [sflag:s4] =	dma.local [hbm:s3], $0xF7A  }
0x26: {  	[smem:$0x3F93] =	sst s1;
	(tag) =	ssettag s2;
	_ =	strace s9  }
0x27: {  	s1 =	sld [smem:$0x3FA3]  }
0x28: {  	s2 =	sld [smem:$0x3FA4]  }
0x29: {  	s4 =	sld [smem:$0x3FA6]  }
0x2a: {  	p0 =	seq.s32 s5, $0x0;
	s5 =	sld [smem:$0x3FA7]  }
0x2b: {  	s6 =	sld [smem:$0x3FA8]  }
0x2c: {  	s7 =	sld [smem:$0x3FA9]  }
0x2d: {  	s3 =	simm.s32 $0x108;
	s8 =	sld [smem:$0x3FAA]  }
0x2e: {  	s3 =	simm.s32 @!p0 $0x1082;
	s9 =	sld [smem:$0x3FAB]  }
0x2f: {  	lr =	sadd.s32 s0, s3;
	s0 =	sld [smem:$0x3FA2]  }
0x30: {  	s3 =	sld [smem:$0x3FA5]  }
0x31: {  	[smem:$0x3FAE] =	sst s10  }
0x32: {  	s10 =	sld [smem:$0x3FAC];
	_ =	sdelay $0x3  }
0x33: {  	p0 =	seq.s32 s10, $0x1;
	s10 =	sld [smem:$0x3FAE];
	_ =	sdelay $0x3  }
0x34: {  	[smem:$0x3FAE] =	sst s10  }
0x35: {  	s10 =	sld [smem:$0x3FAD];
	_ =	sdelay $0x3  }
0x36: {  	p1 =	seq.s32 s10, $0x1;
	s10 =	sld [smem:$0x3FAE];
	_ =	sdelay $0x3  }
0x37: {  	[smem:$0x3FAE] =	sst s10  }
0x38: {  	s10 =	sld [smem:$0x3FAF]  }
0x39: {  	_ = 	snop;
	(pc) =	sbr.ind lr, $3  }
0x3a: {  	_ = 	snop  }
0x3b: {  	_ = 	snop  }
0x3c: {  	p2 =	seq.s32 s10, $0x1;
	s10 =	sld [smem:$0x3FAE]  }
0x3d: {  	_ =	shalt  }
0x3e: {  	_ =	shalt  }
0x3f: {  	_ =	shalt  }
0x40: {  	_ =	shalt  }
0x41: {  	_ =	shalt  }
0x42: {  	_ =	shalt  }
0x43: {  	_ =	shalt  }
0x44: {  	_ =	shalt  }
0x45: {  	_ =	shalt  }
0x46: {  	_ =	shalt  }
0x47: {  	_ =	shalt  }
0x48: {  	_ =	shalt  }
0x49: {  	_ =	shalt  }
0x4a: {  	_ =	shalt  }
0x4b: {  	_ =	shalt  }
0x4c: {  	_ =	shalt  }
0x4d: {  	_ =	shalt  }
0x4e: {  	_ =	shalt  }
0x4f: {  	_ =	shalt  }
0x50: {  	_ =	shalt  }
0x51: {  	_ =	shalt  }
0x52: {  	_ =	shalt  }
0x53: {  	_ =	shalt  }
0x54: {  	_ =	shalt  }
0x55: {  	_ =	shalt  }
0x56: {  	_ =	shalt  }
0x57: {  	_ =	shalt  }
0x58: {  	_ =	shalt  }
0x59: {  	_ =	shalt  }
0x5a: {  	_ =	shalt  }
0x5b: {  	_ =	shalt  }
0x5c: {  	_ =	shalt  }
0x5d: {  	_ =	shalt  }
0x5e: {  	_ =	shalt  }
0x5f: {  	_ =	shalt  }
0x60: {  	_ =	shalt  }
0x61: {  	_ =	shalt  }
0x62: {  	_ =	shalt  }
0x63: {  	_ =	shalt  }
0x64: {  	_ =	shalt  }
0x65: {  	_ =	shalt  }
0x66: {  	_ =	shalt  }
0x67: {  	_ =	shalt  }
0x68: {  	_ =	shalt  }
0x69: {  	_ =	shalt  }
0x6a: {  	_ =	shalt  }
0x6b: {  	_ =	shalt  }
0x6c: {  	_ =	shalt  }
0x6d: {  	_ =	shalt  }
0x6e: {  	_ =	shalt  }
0x6f: {  	_ =	shalt  }
0x70: {  	_ =	shalt  }
0x71: {  	_ =	shalt  }
0x72: {  	_ =	shalt  }
0x73: {  	_ =	shalt  }
0x74: {  	_ =	shalt  }
0x75: {  	_ =	shalt  }
0x76: {  	_ =	shalt  }
0x77: {  	_ =	shalt  }
0x78: {  	_ =	shalt  }
0x79: {  	_ =	shalt  }
0x7a: {  	_ =	shalt  }
0x7b: {  	_ =	shalt  }
0x7c: {  	_ =	shalt  }
0x7d: {  	_ =	shalt  }
0x7e: {  	_ =	shalt  }
0x7f: {  	_ =	shalt  }
0x80: {  	_ =	shalt  }
0x81: {  	_ =	shalt  }
0x82: {  	_ =	shalt  }
0x83: {  	_ =	shalt  }
0x84: {  	_ =	shalt  }
0x85: {  	_ =	shalt  }
0x86: {  	_ =	shalt  }
0x87: {  	_ =	shalt  }
.Lfunc_end0:
.L_simem_size_0:
called_computation_lowered:
.L_overlay_start_0:
0x88: {  	s2 =	sld [smem:$0x3FD9]  }
0x89: {  	s3 =	sld [smem:$0x3FFE];
	_ =	sdelay $0x1  }
0x8a: {  	s1 =	srdreg.scid  }
0x8b: {  	s0 =	sand.u32 $0x1, s1  }
0x8c: {  	s17 =	sshll.u32 s0, $0xA;
	s2 =	sadd.s32 s3, s2  }
0x8d: {  	s2 =	sadd.s32 s2, s17  }
0x8e: {  	[smem:$0x3FBA] =	sst s2  }
0x8f: {  	_ = 	snop  }
0x90: {  	s2 =	sld [smem:$0x3FD0];
	(tm) =	ssettm $0x1  }
0x91: {  	s18 =	sld [smem:$0x3FFB];
	_ =	sdelay $0x3  }
0x92: {  	_ =	strace s18  }
0x93: {  	s3 =	sld [smem:$0x3FFC];
	_ =	sdelay $0x3  }
0x94: {  	_ =	strace s3  }
0x95: {  	s3 =	sld [smem:$0x3FFD];
	_ =	sdelay $0x3  }
0x96: {  	_ =	strace s3  }
0x97: {  	_ =	strace $0x8FFFFFFF  }
0x98: {  	s19 =	sld [smem:$0x3FDB];
	_ =	sdelay $0x1  }
0x99: {  	s4 =	simm.s32 $_scs_section_size  }
0x9a: {  	s5 =	simm.s32 $_size__tile_overlayer_lowered;
	s6 =	simm.s32 $_tile_overlayer_lowered  }
0x9b: {  	s22 =	simm.s32 $0x1BFF;
	s21 =	sshll.u32 s6, $0x1;
	s3 =	sadd.s32 s4, s19  }
0x9c: {  	s7 =	simm.s32 $0x0;
	s20 =	sshll.u32 s5, $0x1;
	s5 =	sadd.s32 s21, s3  }
0x9d: {  	[timem:s7], [sflag:s22] =	dma.local [hbm:s5], s20  }
0x9e: {  	_ =	swait.ge [sflag:s22], s20  }
0x9f: {  	s4 =	ssub.s32 $0x0, s20;
	[sflag:s22] =	ssyncset.done $0x0  }
0xa0: {  	[sflag:s22] =	ssyncadd.s32 s4;
	_ =	sdelay $0x1  }
0xa1: {  	s23 =	simm.s32 $0x1B8B  }
0xa2: {  	_ =	swait.ge [sflag:s23], $0x1  }
0xa3: {  	[sflag:s23] =	ssyncset.done $0x0  }
0xa4: {  	s25 =	simm.s32 $0x1B8E;
	s24 =	sld [smem:$0x3FFE];
	[sflag:s23] =	ssyncadd.s32 $0xFFFFFFFF  }
0xa5: {  	s26 =	simm.s32 $execute0_lowered;
	[smem:$0x3FD2] =	sst s25  }
0xa6: {  	s5 =	sshll.u32 s26, $0x1;
	_ =	strace $0x80000046;
	[dreg:$0x1] =	wrdreg $0xFFFFFFFF  }
0xa7: {  	s28 =	simm.s32 $_size_execute0_lowered;
	s3 =	sadd.s32 s3, s5;
	[dreg:$0x0] =	wrdreg $0x0  }
0xa8: {  	s5 =	sshll.u32 s28, $0x1;
	[dreg:$0x2] =	wrdreg s3  }
0xa9: {  	[dreg:$0x3] =	wrdreg s5  }
0xaa: {  	[dreg:$0x4] =	wrdreg $0xC0  }
0xab: {  	_ =	task [dreg:s7], $0x5FFFF  }
0xac: {  	[dreg:$0x1] =	wrdreg $0xFFFFFFFF  }
0xad: {  	[dreg:$0x0] =	wrdreg $0x60  }
0xae: {  	[dreg:$0x2] =	wrdreg s2  }
0xaf: {  	[dreg:$0x3] =	wrdreg s24  }
0xb0: {  	[dreg:$0x4] =	wrdreg $0xA8000  }
0xb1: {  	[dreg:$0x5] =	wrdreg $0x9  }
0xb2: {  	_ =	task.clear_ibuf [dreg:s7], $0x6FFFF;
	_ =	strace $0x90000046  }
0xb3: {  	s29 =	simm.s32 $0x9;
	_ =	strace $0x80000048  }
0xb4: {  	_ =	swait.ge [sflag:s29], $0x1  }
0xb5: {  	[sflag:s29] =	ssyncadd.s32 $0xFFFFFFFF  }
0xb6: {  	_ =	strace $0x90000048  }
0xb7: {  	_ =	sfence  }
0xb8: {  	s30 =	sld [smem:$0x0];
	_ =	sdelay $0x2  }
0xb9: {  	s31 =	sshll.u32 s1, $0xD;
	s1 =	sshrl.u32 s1, $0x2  }
0xba: {  	s3 =	sand.u32 $0x4000, s31;
	s1 =	sadd.s32 s1, s30  }
0xbb: {  	s0 =	sor.u32 s3, s0;
	s1 =	sshll.u32 s1, $0x11  }
0xbc: {  	s0 =	sor.u32 s1, s0  }
0xbd: {  	s0 =	sadd.s32 $0x8F2B, s0  }
0xbe: {  	[sflag:s0] =	ssyncadd.remote.s32 $0x1  }
0xbf: {  	_ =	sfence.sel $0xFFFF  }
0xc0: {  	[dreg:$0x0] =	wrdreg $0xFFFFFFFF;
	(pc) =	sbr.abs _section_cstart, $3  }
0xc1: {  	[dreg:$0x1] =	wrdreg $0xFFFFFFFF  }
0xc2: {  	_ =	task.clear_ibuf [dreg:s7], $0x2FFFF;
	_ =	strace $0x9FFFFFFF  }
0xc3: {  	(tm) =	ssettm $0x7FFFFFFF  }
tec
execute0_lowered:
.L_overlay_start_1:
0x0: {  	(tag) =	ssettag $0x1  }
0x1: {  	s1 =	rddreg [dreg:$0x0]  }
0x2: {  	s0 =	rddreg [dreg:$0x1]  }
0x3: {  	s2 =	rddreg [dreg:$0x2]  }
0x4: {  	s4 =	simm.s32 $0x0;
	s3 =	stileid.u32;
	s6 =	srdreg.scid  }
0x5: {  	s28 =	simm.s32 $0x1;
	s29 =	simm.s32 $0x2;
	s30 =	simm.s32 $0x1380  }
0x6: {  	s31 =	simm.s32 $0x2700;
	[smem:$0x7FF] =	sst s4;
	s7 =	smul.u32 $0x2700, s3  }
0x7: {  	s5 =	sadd.s32 $0xFC00, s0;
	s8 =	sand.u32 $0x1, s6;
	s9 =	smul.u32 $0x4E000, s3  }
0x8: {  	s14 =	sadd.s32 $0x5C00, s0;
	s15 =	sadd.s32 $0xAC00, s0;
	s19 =	smul.u32 $0x2800, s3  }
0x9: {  	s22 =	sadd.s32 $0x5B700, s0;
	s23 =	sadd.s32 $0x82900, s0;
	p0 =	seq.s32 s3, $0xF  }
0xa: {  	s26 =	sadd.s32 $0xD0D00, s0;
	_ =	strace $0x80000047;
	[dreg:$0x6] =	wrdreg s22  }
0xb: {  	s6 =	ssub.s32 $0x2, s8;
	p4 =	seq.s32 s8, $0x1;
	[dreg:$0x7] =	wrdreg s23  }
0xc: {  	[dreg:$0xa] =	wrdreg s26;
	s22 =	simm.s32 $0x3;
	s23 =	simm.s32 $0x1400  }
0xd: {  	p5 =	sne.s32 s8, $0x0;
	s26 =	simm.s32 $0x6800;
	s7 =	sadd.s32 s7, s0  }
0xe: {  	s10 =	sshrl.u32 s6, $0x1;
	s18 =	sshrl.u32 s9, $0x2;
	s9 =	sadd.s32 $0x124800, s2  }
0xf: {  	s13 =	sshrl.u32 s19, $0x3;
	p1 =	por !p4, !p0;
	s0 =	sadd.s32 $0xA9B00, s0  }
0x10: {  	p2 =	por p4, !p0;
	p3 =	por !p4, p0;
	p4 =	por p4, p0  }
0x11: {  	s16 =	ssub.s32 s6, s10;
	s6 =	sadd.s32 s18, s2;
	s20 =	sadd.s32 $0x36E00, s7  }
0x12: {  	s21 =	sadd.s32 $0x5E000, s7;
	s17 =	sadd.s32 $0x280, s13;
	[dreg:$0xc] =	wrdreg s0  }
0x13: {  	s24 =	sadd.s32 s14, s13;
	s13 =	sadd.s32 s15, s13;
	[dreg:$0x4] =	wrdreg s20  }
.Ltmp0:
0x14: {  	s25 =	sadd.s32 $0xAC400, s7;
	[dreg:$0x5] =	wrdreg s21;
	(pc) =	sbr.rel .LBB2_1-.Ltmp0, $4  }
0x15: {  	s7 =	sadd.s32 $0x85200, s7;
	s0 =	simm.s32 $0x2780;
	[dreg:$0x8] =	wrdreg s24  }
0x16: {  	s14 =	sadd.s32 s14, s17;
	s15 =	sadd.s32 s15, s17;
	[dreg:$0x9] =	wrdreg s25  }
0x17: {  	[dreg:$0xb] =	wrdreg s7;
	s20 =	smax.u32 s16, $0x1;
	s21 =	sshrl.u32 @!p1 s9, $0x3  }
0x18: {  	s24 =	simm.s32 $0x7D;
	s25 =	simm.s32 $0x2800;
	s16 =	simm.s32 $0x0  }
.LBB2_14:
0x19: {  	s8 =	sadd.s32 $0x80, s7;
	[sflag:s22] =	ssyncadd.s32 $0xFFFFC180  }
0x1a: {  	[tilespmem:s26], [sflag:$0x2] =	stream.indirect.gather [hbm4b:s5+s24], $0x80, s8, s24, $0xb8;
	[tilespmem:$0x1E080] =	vst v63  }
0x1b: {  	_ =	swait.ge [sflag:s28], $0x3E80  }
0x1c: {  	[sflag:s28] =	ssyncset.done $0x0  }
0x1d: {  	s10 =	sadd.s32 $0x1400, s7;
	[sflag:s28] =	ssyncadd.s32 $0xFFFFC180  }
0x1e: {  	[spmem:s2] =	stream.indirect.scatter.add.f32 [tilespmem:s25], [sflag:$0x3], $0x80, s10, s24, $0xb8;
	[tilespmem:$0x1E080] =	vst v63  }
0x1f: {  	_ =	swait.ge [sflag:s22], $0x3E80  }
0x20: {  	[sflag:s22] =	ssyncset.done $0x0  }
0x21: {  	s11 =	sadd.s32 $0x100, s7;
	[sflag:s22] =	ssyncadd.s32 $0xFFFFC180  }
0x22: {  	[tilespmem:s25], [sflag:$0x1] =	stream.indirect.gather [hbm4b:s5+s24], $0x80, s11, s24, $0xb8;
	[tilespmem:$0x1E080] =	vst v63  }
0x23: {  	_ =	swait.ge [sflag:s29], $0x3E80  }
0x24: {  	[sflag:s29] =	ssyncset.done $0x0  }
0x25: {  	s12 =	sadd.s32 $0x1480, s7;
	[sflag:s29] =	ssyncadd.s32 $0xFFFFC180  }
0x26: {  	[spmem:s2] =	stream.indirect.scatter.add.f32 [tilespmem:s26], [sflag:$0x3], $0x80, s12, s24, $0xb8;
	[tilespmem:$0x1E080] =	vst v63  }
0x27: {  	_ =	swait.ge [sflag:s22], $0x3E80  }
0x28: {  	[sflag:s22] =	ssyncset.done $0x0  }
0x29: {  	[sflag:s22] =	ssyncadd.s32 $0xFFFFC180  }
0x2a: {  	[tilespmem:s26], [sflag:$0x2] =	stream.indirect.gather [hbm4b:s5+s24], $0x80, s30, s24, $0xb8;
	[tilespmem:$0x1E080] =	vst v63  }
0x2b: {  	_ =	swait.ge [sflag:s28], $0x3E80  }
0x2c: {  	[sflag:s28] =	ssyncset.done $0x0  }
0x2d: {  	[sflag:s28] =	ssyncadd.s32 $0xFFFFC180  }
0x2e: {  	[spmem:s2] =	stream.indirect.scatter.add.f32 [tilespmem:s25], [sflag:$0x3], $0x80, s31, s24, $0xb8;
	[tilespmem:$0x1E080] =	vst v63  }
0x2f: {  	_ =	swait.ge [sflag:s22], $0x3E80  }
0x30: {  	[sflag:s22] =	ssyncset.done $0x0  }
0x31: {  	[sflag:s22] =	ssyncadd.s32 $0xFFFFC180  }
0x32: {  	_ =	swait.ge [sflag:s29], $0x3E80  }
0x33: {  	[sflag:s29] =	ssyncset.done $0x0  }
0x34: {  	[sflag:s29] =	ssyncadd.s32 $0xFFFFC180  }
0x35: {  	[spmem:s2] =	stream.indirect.scatter.add.f32 [tilespmem:s26], [sflag:$0x3], $0x80, s0, s24, $0xb8;
	[tilespmem:$0x1E080] =	vst v63  }
0x36: {  	_ =	swait.ge [sflag:s22], $0x3E80  }
0x37: {  	[sflag:s22] =	ssyncset.done $0x0  }
0x38: {  	[sflag:s22] =	ssyncadd.s32 $0xFFFFC180  }
0x39: {  	[bflag:$0x0] =	sbarrier.arrive $0xFFFF  }
0x3a: {  	s7 =	simm.s32 @p0 $0x1FC3;
	s8 =	rddreg [dreg:$0xa]  }
0x3b: {  	[hbm:s8], [sflag:s7] =	dma.local @p0 [spmem:s19], $0x2800  }
0x3c: {  	s7 =	simm.s32 @p0 $0x3  }
0x3d: {  	_ =	swait.ge @p0 [sflag:s7], $0x2800  }
0x3e: {  	[sflag:s7] =	ssyncset.done @p0 $0x0  }
0x3f: {  	[sflag:s7] =	ssyncadd.s32 @p0 $0xFFFFD800;
	s7 =	rddreg [dreg:$0x9]  }
0x40: {  	[hbm:s7], [sflag:s18] =	dma.local @!p0 [spmem:s17], $0x2700  }
0x41: {  	s7 =	simm.s32 @!p0 $0x3  }
0x42: {  	_ =	swait.ge @!p0 [sflag:s7], $0x2700  }
0x43: {  	[sflag:s7] =	ssyncset.done @!p0 $0x0  }
0x44: {  	[sflag:s7] =	ssyncadd.s32 @!p0 $0xFFFFD900  }
.LBB2_15:
0x45: {  	s16 =	sadd.s32 $0x1, s16  }
0x46: {  	p6 =	sne.s32 s16, s20  }
.Ltmp1:
0x47: {  	_ = 	snop;
	(pc) =	sbr.rel @!p6 .LBB2_16-.Ltmp1, $1  }
0x48: {  	_ =	sdelay $0x3  }
.LBB2_1:
0x49: {  	s7 =	simm.s32 @!p1 $0x1FC1;
	s8 =	rddreg [dreg:$0x7]  }
0x4a: {  	[spmem:s21], [sflag:s7] =	dma.local @!p1 [hbm:s8], $0x2800  }
0x4b: {  	s7 =	sshrl.u32 @!p2 s9, $0x3;
	s8 =	simm.s32 @!p2 $0x1FC1;
	s10 =	rddreg [dreg:$0x6]  }
0x4c: {  	[spmem:s7], [sflag:s8] =	dma.local @!p2 [hbm:s10], $0x2800  }
0x4d: {  	s7 =	sshll.u32 @!p3 s3, $0x6  }
0x4e: {  	s8 =	sshrl.u32 @!p3 s6, $0x3;
	s7 =	sor.u32 @!p3 $0x1C01, s7;
	s10 =	rddreg [dreg:$0x5]  }
0x4f: {  	[spmem:s8], [sflag:s7] =	dma.local @!p3 [hbm:s10], $0x2700  }
0x50: {  	s7 =	sshll.u32 @!p4 s3, $0x6  }
0x51: {  	s8 =	sshrl.u32 @!p4 s6, $0x3;
	s7 =	sor.u32 @!p4 $0x1C01, s7;
	s10 =	rddreg [dreg:$0x4]  }
0x52: {  	[spmem:s8], [sflag:s7] =	dma.local @!p4 [hbm:s10], $0x2700  }
0x53: {  	s7 =	rddreg [dreg:$0x8]  }
0x54: {  	[tilespmem:s4], [sflag:$0x3] =	stream.linear.gather [hbm4b:s7+s4], $0x1400, $0x38;
	[tilespmem:$0x1E080] =	vst v63  }
0x55: {  	_ =	swait.ge [sflag:s22], $0x1400  }
0x56: {  	[sflag:s22] =	ssyncset.done $0x0  }
0x57: {  	[sflag:s22] =	ssyncadd.s32 $0xFFFFEC00  }
0x58: {  	[tilespmem:s23], [sflag:$0x3] =	stream.linear.gather [hbm4b:s13+s4], $0x1400, $0x38;
	[tilespmem:$0x1E080] =	vst v63  }
0x59: {  	_ =	swait.ge [sflag:s22], $0x1400  }
0x5a: {  	[sflag:s22] =	ssyncset.done $0x0  }
0x5b: {  	s7 =	simm.s32 @p0 $0x1;
	[sflag:s22] =	ssyncadd.s32 $0xFFFFEC00  }
0x5c: {  	_ =	swait.ge @p0 [sflag:s7], $0x2800  }
0x5d: {  	[sflag:s7] =	ssyncset.done @p0 $0x0  }
0x5e: {  	[sflag:s7] =	ssyncadd.s32 @p0 $0xFFFFD800;
	s7 =	simm.s32 @!p0 $0x1  }
.Ltmp2:
0x5f: {  	_ =	swait.ge @!p0 [sflag:s7], $0x2700;
	(pc) =	sbr.rel @p5 .LBB2_5-.Ltmp2, $4  }
0x60: {  	[sflag:s7] =	ssyncset.done @!p0 $0x0  }
0x61: {  	[sflag:s7] =	ssyncadd.s32 @!p0 $0xFFFFD900  }
0x62: {  	[bflag:$0x0] =	sbarrier.arrive $0xFFFF  }
0x63: {  	s7 =	simm.s32 $0x0  }
0x64: {  	[tilespmem:s25], [sflag:$0x1] =	stream.indirect.gather [hbm4b:s1+s24], $0x80, s7, s24, $0xb8;
	[tilespmem:$0x1E080] =	vst v63  }
0x65: {  	s12 =	simm.s32 $0x80  }
0x66: {  	[tilespmem:s26], [sflag:$0x2] =	stream.indirect.gather [hbm4b:s1+s24], $0x80, s12, s24, $0xb8;
	[tilespmem:$0x1E080] =	vst v63  }
0x67: {  	_ =	swait.ge [sflag:s28], $0x3E80  }
0x68: {  	[sflag:s28] =	ssyncset.done $0x0  }
0x69: {  	s17 =	simm.s32 $0x1400;
	[sflag:s28] =	ssyncadd.s32 $0xFFFFC180  }
0x6a: {  	[spmem:s2] =	stream.indirect.scatter.add.f32 [tilespmem:s25], [sflag:$0x3], $0x80, s17, s24, $0xb8;
	[tilespmem:$0x1E080] =	vst v63  }
0x6b: {  	_ =	swait.ge [sflag:s22], $0x3E80  }
0x6c: {  	[sflag:s22] =	ssyncset.done $0x0  }
0x6d: {  	s18 =	simm.s32 $0x100;
	[sflag:s22] =	ssyncadd.s32 $0xFFFFC180  }
0x6e: {  	[tilespmem:s25], [sflag:$0x1] =	stream.indirect.gather [hbm4b:s1+s24], $0x80, s18, s24, $0xb8;
	[tilespmem:$0x1E080] =	vst v63  }
0x6f: {  	_ =	swait.ge [sflag:s29], $0x3E80  }
0x70: {  	[sflag:s29] =	ssyncset.done $0x0  }
0x71: {  	s19 =	simm.s32 $0x1480;
	[sflag:s29] =	ssyncadd.s32 $0xFFFFC180  }
0x72: {  	[spmem:s2] =	stream.indirect.scatter.add.f32 [tilespmem:s26], [sflag:$0x3], $0x80, s19, s24, $0xb8;
	[tilespmem:$0x1E080] =	vst v63  }
0x73: {  	_ =	swait.ge [sflag:s22], $0x3E80  }
0x74: {  	s7 =	simm.s32 $0x800;
	s17 =	simm.s32 $0x100;
	[sflag:s22] =	ssyncset.done $0x0  }
.LBB2_3:
0x75: {  	s8 =	sadd.s32 $0x80, s17  }
0x76: {  	[sflag:s22] =	ssyncadd.s32 $0xFFFFC180;
	s18 =	smov.u32 s7;
	s19 =	sadd.s32 $0x400, s7  }
0x77: {  	[tilespmem:s26], [sflag:$0x2] =	stream.indirect.gather [hbm4b:s1+s24], $0x80, s8, s24, $0xb8;
	[tilespmem:$0x1E080] =	vst v63  }
0x78: {  	p6 =	seq.s32 s7, $0x4800;
	_ =	swait.ge [sflag:s28], $0x3E80  }
0x79: {  	[sflag:s28] =	ssyncset.done $0x0  }
0x7a: {  	s7 =	sadd.s32 $0x1400, s17;
	[sflag:s28] =	ssyncadd.s32 $0xFFFFC180  }
0x7b: {  	[spmem:s2] =	stream.indirect.scatter.add.f32 [tilespmem:s25], [sflag:$0x3], $0x80, s7, s24, $0xb8;
	[tilespmem:$0x1E080] =	vst v63  }
0x7c: {  	_ =	swait.ge [sflag:s22], $0x3E80  }
0x7d: {  	[sflag:s22] =	ssyncset.done $0x0  }
0x7e: {  	s7 =	sadd.s32 $0x100, s17;
	[sflag:s22] =	ssyncadd.s32 $0xFFFFC180  }
0x7f: {  	[tilespmem:s25], [sflag:$0x1] =	stream.indirect.gather [hbm4b:s1+s24], $0x80, s7, s24, $0xb8;
	[tilespmem:$0x1E080] =	vst v63  }
0x80: {  	_ =	swait.ge [sflag:s29], $0x3E80  }
.Ltmp3:
0x81: {  	[sflag:s29] =	ssyncset.done $0x0;
	(pc) =	sbr.rel @!p6 .LBB2_3-.Ltmp3, $4  }
0x82: {  	s7 =	sadd.s32 $0x1480, s17;
	[sflag:s29] =	ssyncadd.s32 $0xFFFFC180  }
0x83: {  	[spmem:s2] =	stream.indirect.scatter.add.f32 [tilespmem:s26], [sflag:$0x3], $0x80, s7, s24, $0xb8;
	[tilespmem:$0x1E080] =	vst v63  }
0x84: {  	_ =	swait.ge [sflag:s22], $0x3E80  }
0x85: {  	s17 =	sshra.s32 s18, $0x2;
	s7 =	smov.u32 s19;
	[sflag:s22] =	ssyncset.done $0x0  }
0x86: {  	s7 =	sadd.s32 $0x80, s17;
	[sflag:s22] =	ssyncadd.s32 $0xFFFFC180  }
0x87: {  	[tilespmem:s26], [sflag:$0x2] =	stream.indirect.gather [hbm4b:s1+s24], $0x80, s7, s24, $0xb8;
	[tilespmem:$0x1E080] =	vst v63  }
0x88: {  	_ =	swait.ge [sflag:s28], $0x3E80  }
0x89: {  	[sflag:s28] =	ssyncset.done $0x0  }
0x8a: {  	s12 =	sadd.s32 $0x1400, s17;
	[sflag:s28] =	ssyncadd.s32 $0xFFFFC180  }
0x8b: {  	[spmem:s2] =	stream.indirect.scatter.add.f32 [tilespmem:s25], [sflag:$0x3], $0x80, s12, s24, $0xb8;
	[tilespmem:$0x1E080] =	vst v63  }
0x8c: {  	_ =	swait.ge [sflag:s22], $0x3E80  }
0x8d: {  	[sflag:s22] =	ssyncset.done $0x0  }
0x8e: {  	s18 =	sadd.s32 $0x100, s17;
	[sflag:s22] =	ssyncadd.s32 $0xFFFFC180  }
0x8f: {  	[tilespmem:s25], [sflag:$0x1] =	stream.indirect.gather [hbm4b:s1+s24], $0x80, s18, s24, $0xb8;
	[tilespmem:$0x1E080] =	vst v63  }
0x90: {  	_ =	swait.ge [sflag:s29], $0x3E80  }
0x91: {  	[sflag:s29] =	ssyncset.done $0x0  }
0x92: {  	s19 =	sadd.s32 $0x1480, s17;
	[sflag:s29] =	ssyncadd.s32 $0xFFFFC180  }
0x93: {  	[spmem:s2] =	stream.indirect.scatter.add.f32 [tilespmem:s26], [sflag:$0x3], $0x80, s19, s24, $0xb8;
	[tilespmem:$0x1E080] =	vst v63  }
.Ltmp4:
0x94: {  	_ = 	snop;
	(pc) =	sbr.rel .LBB2_8-.Ltmp4, $4  }
0x95: {  	_ =	swait.ge [sflag:s22], $0x3E80  }
0x96: {  	[sflag:s22] =	ssyncset.done $0x0  }
0x97: {  	[sflag:s22] =	ssyncadd.s32 $0xFFFFC180  }
0x98: {  	[tilespmem:s26], [sflag:$0x2] =	stream.indirect.gather [hbm4b:s1+s24], $0x80, s30, s24, $0xb8;
	[tilespmem:$0x1E080] =	vst v63  }
.LBB2_5:
0x99: {  	[tilespmem:s25], [sflag:$0x1] =	stream.indirect.gather [hbm4b:s5+s24], $0x80, s7, s24, $0xb8;
	[tilespmem:$0x1E080] =	vst v63  }
0x9a: {  	s12 =	simm.s32 $0x80  }
0x9b: {  	[tilespmem:s26], [sflag:$0x2] =	stream.indirect.gather [hbm4b:s5+s24], $0x80, s12, s24, $0xb8;
	[tilespmem:$0x1E080] =	vst v63  }
0x9c: {  	_ =	swait.ge [sflag:s28], $0x3E80  }
0x9d: {  	[sflag:s28] =	ssyncset.done $0x0  }
0x9e: {  	s17 =	simm.s32 $0x1400;
	[sflag:s28] =	ssyncadd.s32 $0xFFFFC180  }
0x9f: {  	[spmem:s2] =	stream.indirect.scatter.add.f32 [tilespmem:s25], [sflag:$0x3], $0x80, s17, s24, $0xb8;
	[tilespmem:$0x1E080] =	vst v63  }
0xa0: {  	_ =	swait.ge [sflag:s22], $0x3E80  }
0xa1: {  	[sflag:s22] =	ssyncset.done $0x0  }
0xa2: {  	s18 =	simm.s32 $0x100;
	[sflag:s22] =	ssyncadd.s32 $0xFFFFC180  }
0xa3: {  	[tilespmem:s25], [sflag:$0x1] =	stream.indirect.gather [hbm4b:s5+s24], $0x80, s18, s24, $0xb8;
	[tilespmem:$0x1E080] =	vst v63  }
0xa4: {  	_ =	swait.ge [sflag:s29], $0x3E80  }
0xa5: {  	[sflag:s29] =	ssyncset.done $0x0  }
0xa6: {  	s19 =	simm.s32 $0x1480;
	[sflag:s29] =	ssyncadd.s32 $0xFFFFC180  }
0xa7: {  	[spmem:s2] =	stream.indirect.scatter.add.f32 [tilespmem:s26], [sflag:$0x3], $0x80, s19, s24, $0xb8;
	[tilespmem:$0x1E080] =	vst v63  }
0xa8: {  	_ =	swait.ge [sflag:s22], $0x3E80  }
0xa9: {  	s7 =	simm.s32 $0x800;
	s17 =	simm.s32 $0x100;
	[sflag:s22] =	ssyncset.done $0x0  }
.LBB2_6:
0xaa: {  	s8 =	sadd.s32 $0x80, s17  }
0xab: {  	[sflag:s22] =	ssyncadd.s32 $0xFFFFC180;
	s18 =	smov.u32 s7;
	s19 =	sadd.s32 $0x400, s7  }
0xac: {  	[tilespmem:s26], [sflag:$0x2] =	stream.indirect.gather [hbm4b:s5+s24], $0x80, s8, s24, $0xb8;
	[tilespmem:$0x1E080] =	vst v63  }
0xad: {  	p6 =	seq.s32 s7, $0x4800;
	_ =	swait.ge [sflag:s28], $0x3E80  }
0xae: {  	[sflag:s28] =	ssyncset.done $0x0  }
0xaf: {  	s7 =	sadd.s32 $0x1400, s17;
	[sflag:s28] =	ssyncadd.s32 $0xFFFFC180  }
0xb0: {  	[spmem:s2] =	stream.indirect.scatter.add.f32 [tilespmem:s25], [sflag:$0x3], $0x80, s7, s24, $0xb8;
	[tilespmem:$0x1E080] =	vst v63  }
0xb1: {  	_ =	swait.ge [sflag:s22], $0x3E80  }
0xb2: {  	[sflag:s22] =	ssyncset.done $0x0  }
0xb3: {  	s7 =	sadd.s32 $0x100, s17;
	[sflag:s22] =	ssyncadd.s32 $0xFFFFC180  }
0xb4: {  	[tilespmem:s25], [sflag:$0x1] =	stream.indirect.gather [hbm4b:s5+s24], $0x80, s7, s24, $0xb8;
	[tilespmem:$0x1E080] =	vst v63  }
0xb5: {  	_ =	swait.ge [sflag:s29], $0x3E80  }
.Ltmp5:
0xb6: {  	[sflag:s29] =	ssyncset.done $0x0;
	(pc) =	sbr.rel @!p6 .LBB2_6-.Ltmp5, $4  }
0xb7: {  	s7 =	sadd.s32 $0x1480, s17;
	[sflag:s29] =	ssyncadd.s32 $0xFFFFC180  }
0xb8: {  	[spmem:s2] =	stream.indirect.scatter.add.f32 [tilespmem:s26], [sflag:$0x3], $0x80, s7, s24, $0xb8;
	[tilespmem:$0x1E080] =	vst v63  }
0xb9: {  	_ =	swait.ge [sflag:s22], $0x3E80  }
0xba: {  	s17 =	sshra.s32 s18, $0x2;
	s7 =	smov.u32 s19;
	[sflag:s22] =	ssyncset.done $0x0  }
0xbb: {  	s7 =	sadd.s32 $0x80, s17;
	[sflag:s22] =	ssyncadd.s32 $0xFFFFC180  }
0xbc: {  	[tilespmem:s26], [sflag:$0x2] =	stream.indirect.gather [hbm4b:s5+s24], $0x80, s7, s24, $0xb8;
	[tilespmem:$0x1E080] =	vst v63  }
0xbd: {  	_ =	swait.ge [sflag:s28], $0x3E80  }
0xbe: {  	[sflag:s28] =	ssyncset.done $0x0  }
0xbf: {  	s12 =	sadd.s32 $0x1400, s17;
	[sflag:s28] =	ssyncadd.s32 $0xFFFFC180  }
0xc0: {  	[spmem:s2] =	stream.indirect.scatter.add.f32 [tilespmem:s25], [sflag:$0x3], $0x80, s12, s24, $0xb8;
	[tilespmem:$0x1E080] =	vst v63  }
0xc1: {  	_ =	swait.ge [sflag:s22], $0x3E80  }
0xc2: {  	[sflag:s22] =	ssyncset.done $0x0  }
0xc3: {  	s18 =	sadd.s32 $0x100, s17;
	[sflag:s22] =	ssyncadd.s32 $0xFFFFC180  }
0xc4: {  	[tilespmem:s25], [sflag:$0x1] =	stream.indirect.gather [hbm4b:s5+s24], $0x80, s18, s24, $0xb8;
	[tilespmem:$0x1E080] =	vst v63  }
0xc5: {  	_ =	swait.ge [sflag:s29], $0x3E80  }
0xc6: {  	[sflag:s29] =	ssyncset.done $0x0  }
0xc7: {  	s19 =	sadd.s32 $0x1480, s17;
	[sflag:s29] =	ssyncadd.s32 $0xFFFFC180  }
0xc8: {  	[spmem:s2] =	stream.indirect.scatter.add.f32 [tilespmem:s26], [sflag:$0x3], $0x80, s19, s24, $0xb8;
	[tilespmem:$0x1E080] =	vst v63  }
0xc9: {  	_ =	swait.ge [sflag:s22], $0x3E80  }
0xca: {  	[sflag:s22] =	ssyncset.done $0x0  }
0xcb: {  	[sflag:s22] =	ssyncadd.s32 $0xFFFFC180  }
0xcc: {  	[tilespmem:s26], [sflag:$0x2] =	stream.indirect.gather [hbm4b:s5+s24], $0x80, s30, s24, $0xb8;
	[tilespmem:$0x1E080] =	vst v63  }
.LBB2_8:
0xcd: {  	_ =	swait.ge [sflag:s28], $0x3E80  }
0xce: {  	[sflag:s28] =	ssyncset.done $0x0  }
0xcf: {  	[sflag:s28] =	ssyncadd.s32 $0xFFFFC180  }
0xd0: {  	[spmem:s2] =	stream.indirect.scatter.add.f32 [tilespmem:s25], [sflag:$0x3], $0x80, s31, s24, $0xb8;
	[tilespmem:$0x1E080] =	vst v63  }
0xd1: {  	_ =	swait.ge [sflag:s22], $0x3E80  }
0xd2: {  	[sflag:s22] =	ssyncset.done $0x0  }
0xd3: {  	[sflag:s22] =	ssyncadd.s32 $0xFFFFC180  }
0xd4: {  	_ =	swait.ge [sflag:s29], $0x3E80  }
0xd5: {  	[sflag:s29] =	ssyncset.done $0x0  }
0xd6: {  	[sflag:s29] =	ssyncadd.s32 $0xFFFFC180  }
0xd7: {  	[spmem:s2] =	stream.indirect.scatter.add.f32 [tilespmem:s26], [sflag:$0x3], $0x80, s0, s24, $0xb8;
	[tilespmem:$0x1E080] =	vst v63  }
0xd8: {  	_ =	swait.ge [sflag:s22], $0x3E80  }
0xd9: {  	[sflag:s22] =	ssyncset.done $0x0  }
0xda: {  	[sflag:s22] =	ssyncadd.s32 $0xFFFFC180  }
0xdb: {  	[tilespmem:s4], [sflag:$0x3] =	stream.linear.gather [hbm4b:s14+s4], $0x1400, $0x38;
	[tilespmem:$0x1E080] =	vst v63  }
0xdc: {  	_ =	swait.ge [sflag:s22], $0x1400  }
0xdd: {  	[sflag:s22] =	ssyncset.done $0x0  }
.Ltmp6:
0xde: {  	[sflag:s22] =	ssyncadd.s32 $0xFFFFEC00;
	(pc) =	sbr.rel @p5 .LBB2_12-.Ltmp6, $4  }
0xdf: {  	[tilespmem:s23], [sflag:$0x3] =	stream.linear.gather [hbm4b:s15+s4], $0x1400, $0x38;
	[tilespmem:$0x1E080] =	vst v63  }
0xe0: {  	s7 =	sshll.u32 @!p0 s3, $0x6;
	_ =	swait.ge [sflag:s22], $0x1400  }
0xe1: {  	s19 =	sshrl.u32 @p0 s9, $0x3;
	s17 =	sshrl.u32 @!p0 s6, $0x3;
	[sflag:s22] =	ssyncset.done $0x0  }
0xe2: {  	s18 =	sor.u32 @!p0 $0x1C03, s7;
	s7 =	simm.s32 $0x0;
	[sflag:s22] =	ssyncadd.s32 $0xFFFFEC00  }
0xe3: {  	[tilespmem:s25], [sflag:$0x1] =	stream.indirect.gather [hbm4b:s1+s24], $0x80, s7, s24, $0xb8;
	[tilespmem:$0x1E080] =	vst v63  }
0xe4: {  	s8 =	simm.s32 $0x80  }
0xe5: {  	[tilespmem:s26], [sflag:$0x2] =	stream.indirect.gather [hbm4b:s1+s24], $0x80, s8, s24, $0xb8;
	[tilespmem:$0x1E080] =	vst v63  }
0xe6: {  	_ =	swait.ge [sflag:s28], $0x3E80  }
0xe7: {  	[sflag:s28] =	ssyncset.done $0x0  }
0xe8: {  	s10 =	simm.s32 $0x1400;
	[sflag:s28] =	ssyncadd.s32 $0xFFFFC180  }
0xe9: {  	[spmem:s2] =	stream.indirect.scatter.add.f32 [tilespmem:s25], [sflag:$0x3], $0x80, s10, s24, $0xb8;
	[tilespmem:$0x1E080] =	vst v63  }
0xea: {  	_ =	swait.ge [sflag:s22], $0x3E80  }
0xeb: {  	[sflag:s22] =	ssyncset.done $0x0  }
0xec: {  	s11 =	simm.s32 $0x100;
	[sflag:s22] =	ssyncadd.s32 $0xFFFFC180  }
0xed: {  	[tilespmem:s25], [sflag:$0x1] =	stream.indirect.gather [hbm4b:s1+s24], $0x80, s11, s24, $0xb8;
	[tilespmem:$0x1E080] =	vst v63  }
0xee: {  	_ =	swait.ge [sflag:s29], $0x3E80  }
0xef: {  	[sflag:s29] =	ssyncset.done $0x0  }
0xf0: {  	s12 =	simm.s32 $0x1480;
	[sflag:s29] =	ssyncadd.s32 $0xFFFFC180  }
0xf1: {  	[spmem:s2] =	stream.indirect.scatter.add.f32 [tilespmem:s26], [sflag:$0x3], $0x80, s12, s24, $0xb8;
	[tilespmem:$0x1E080] =	vst v63  }
0xf2: {  	_ =	swait.ge [sflag:s22], $0x3E80  }
0xf3: {  	s7 =	simm.s32 $0x100;
	s8 =	simm.s32 $0x800;
	[sflag:s22] =	ssyncset.done $0x0  }
.LBB2_10:
0xf4: {  	s10 =	sadd.s32 $0x80, s7  }
0xf5: {  	[sflag:s22] =	ssyncadd.s32 $0xFFFFC180;
	s11 =	smov.u32 s8;
	s12 =	sadd.s32 $0x400, s8  }
0xf6: {  	[tilespmem:s26], [sflag:$0x2] =	stream.indirect.gather [hbm4b:s1+s24], $0x80, s10, s24, $0xb8;
	[tilespmem:$0x1E080] =	vst v63  }
0xf7: {  	p6 =	seq.s32 s8, $0x4800;
	_ =	swait.ge [sflag:s28], $0x3E80  }
0xf8: {  	[sflag:s28] =	ssyncset.done $0x0  }
0xf9: {  	s8 =	sadd.s32 $0x1400, s7;
	[sflag:s28] =	ssyncadd.s32 $0xFFFFC180  }
0xfa: {  	[spmem:s2] =	stream.indirect.scatter.add.f32 [tilespmem:s25], [sflag:$0x3], $0x80, s8, s24, $0xb8;
	[tilespmem:$0x1E080] =	vst v63  }
0xfb: {  	_ =	swait.ge [sflag:s22], $0x3E80  }
0xfc: {  	[sflag:s22] =	ssyncset.done $0x0  }
0xfd: {  	s8 =	sadd.s32 $0x100, s7;
	[sflag:s22] =	ssyncadd.s32 $0xFFFFC180  }
0xfe: {  	[tilespmem:s25], [sflag:$0x1] =	stream.indirect.gather [hbm4b:s1+s24], $0x80, s8, s24, $0xb8;
	[tilespmem:$0x1E080] =	vst v63  }
0xff: {  	_ =	swait.ge [sflag:s29], $0x3E80  }
.Ltmp7:
0x100: {  	[sflag:s29] =	ssyncset.done $0x0;
	(pc) =	sbr.rel @!p6 .LBB2_10-.Ltmp7, $4  }
0x101: {  	s7 =	sadd.s32 $0x1480, s7;
	[sflag:s29] =	ssyncadd.s32 $0xFFFFC180  }
0x102: {  	[spmem:s2] =	stream.indirect.scatter.add.f32 [tilespmem:s26], [sflag:$0x3], $0x80, s7, s24, $0xb8;
	[tilespmem:$0x1E080] =	vst v63  }
0x103: {  	_ =	swait.ge [sflag:s22], $0x3E80  }
0x104: {  	s8 =	smov.u32 s12;
	s7 =	sshra.s32 s11, $0x2;
	[sflag:s22] =	ssyncset.done $0x0  }
0x105: {  	s8 =	sadd.s32 $0x80, s7;
	[sflag:s22] =	ssyncadd.s32 $0xFFFFC180  }
0x106: {  	[tilespmem:s26], [sflag:$0x2] =	stream.indirect.gather [hbm4b:s1+s24], $0x80, s8, s24, $0xb8;
	[tilespmem:$0x1E080] =	vst v63  }
0x107: {  	_ =	swait.ge [sflag:s28], $0x3E80  }
0x108: {  	[sflag:s28] =	ssyncset.done $0x0  }
0x109: {  	s10 =	sadd.s32 $0x1400, s7;
	[sflag:s28] =	ssyncadd.s32 $0xFFFFC180  }
0x10a: {  	[spmem:s2] =	stream.indirect.scatter.add.f32 [tilespmem:s25], [sflag:$0x3], $0x80, s10, s24, $0xb8;
	[tilespmem:$0x1E080] =	vst v63  }
0x10b: {  	_ =	swait.ge [sflag:s22], $0x3E80  }
0x10c: {  	[sflag:s22] =	ssyncset.done $0x0  }
0x10d: {  	s11 =	sadd.s32 $0x100, s7;
	[sflag:s22] =	ssyncadd.s32 $0xFFFFC180  }
0x10e: {  	[tilespmem:s25], [sflag:$0x1] =	stream.indirect.gather [hbm4b:s1+s24], $0x80, s11, s24, $0xb8;
	[tilespmem:$0x1E080] =	vst v63  }
0x10f: {  	_ =	swait.ge [sflag:s29], $0x3E80  }
0x110: {  	[sflag:s29] =	ssyncset.done $0x0  }
0x111: {  	s12 =	sadd.s32 $0x1480, s7;
	[sflag:s29] =	ssyncadd.s32 $0xFFFFC180  }
0x112: {  	[spmem:s2] =	stream.indirect.scatter.add.f32 [tilespmem:s26], [sflag:$0x3], $0x80, s12, s24, $0xb8;
	[tilespmem:$0x1E080] =	vst v63  }
0x113: {  	_ =	swait.ge [sflag:s22], $0x3E80  }
0x114: {  	[sflag:s22] =	ssyncset.done $0x0  }
0x115: {  	[sflag:s22] =	ssyncadd.s32 $0xFFFFC180  }
0x116: {  	[tilespmem:s26], [sflag:$0x2] =	stream.indirect.gather [hbm4b:s1+s24], $0x80, s30, s24, $0xb8;
	[tilespmem:$0x1E080] =	vst v63  }
0x117: {  	_ =	swait.ge [sflag:s28], $0x3E80  }
0x118: {  	[sflag:s28] =	ssyncset.done $0x0  }
0x119: {  	[sflag:s28] =	ssyncadd.s32 $0xFFFFC180  }
0x11a: {  	[spmem:s2] =	stream.indirect.scatter.add.f32 [tilespmem:s25], [sflag:$0x3], $0x80, s31, s24, $0xb8;
	[tilespmem:$0x1E080] =	vst v63  }
0x11b: {  	_ =	swait.ge [sflag:s22], $0x3E80  }
0x11c: {  	[sflag:s22] =	ssyncset.done $0x0  }
0x11d: {  	[sflag:s22] =	ssyncadd.s32 $0xFFFFC180  }
0x11e: {  	_ =	swait.ge [sflag:s29], $0x3E80  }
0x11f: {  	[sflag:s29] =	ssyncset.done $0x0  }
0x120: {  	[sflag:s29] =	ssyncadd.s32 $0xFFFFC180  }
0x121: {  	[spmem:s2] =	stream.indirect.scatter.add.f32 [tilespmem:s26], [sflag:$0x3], $0x80, s0, s24, $0xb8;
	[tilespmem:$0x1E080] =	vst v63  }
0x122: {  	_ =	swait.ge [sflag:s22], $0x3E80  }
0x123: {  	[sflag:s22] =	ssyncset.done $0x0  }
0x124: {  	[sflag:s22] =	ssyncadd.s32 $0xFFFFC180  }
0x125: {  	[bflag:$0x0] =	sbarrier.arrive $0xFFFF  }
0x126: {  	s7 =	simm.s32 @p0 $0x1FC3;
	s8 =	rddreg [dreg:$0xc]  }
0x127: {  	[hbm:s8], [sflag:s7] =	dma.local @p0 [spmem:s19], $0x2800  }
0x128: {  	s7 =	simm.s32 @p0 $0x3  }
0x129: {  	_ =	swait.ge @p0 [sflag:s7], $0x2800  }
0x12a: {  	[sflag:s7] =	ssyncset.done @p0 $0x0  }
0x12b: {  	[sflag:s7] =	ssyncadd.s32 @p0 $0xFFFFD800;
	s7 =	rddreg [dreg:$0xb]  }
0x12c: {  	[hbm:s7], [sflag:s18] =	dma.local @!p0 [spmem:s17], $0x2700  }
.Ltmp8:
0x12d: {  	_ = 	snop;
	(pc) =	sbr.rel .LBB2_15-.Ltmp8, $4  }
0x12e: {  	s7 =	simm.s32 @!p0 $0x3  }
0x12f: {  	_ =	swait.ge @!p0 [sflag:s7], $0x2700  }
0x130: {  	[sflag:s7] =	ssyncset.done @!p0 $0x0  }
0x131: {  	[sflag:s7] =	ssyncadd.s32 @!p0 $0xFFFFD900  }
.LBB2_12:
0x132: {  	[tilespmem:s25], [sflag:$0x1] =	stream.indirect.gather [hbm4b:s5+s24], $0x80, s7, s24, $0xb8;
	[tilespmem:$0x1E080] =	vst v63  }
0x133: {  	s8 =	simm.s32 $0x80  }
0x134: {  	[tilespmem:s26], [sflag:$0x2] =	stream.indirect.gather [hbm4b:s5+s24], $0x80, s8, s24, $0xb8;
	[tilespmem:$0x1E080] =	vst v63  }
0x135: {  	_ =	swait.ge [sflag:s28], $0x3E80  }
0x136: {  	[sflag:s28] =	ssyncset.done $0x0  }
0x137: {  	s10 =	simm.s32 $0x1400;
	[sflag:s28] =	ssyncadd.s32 $0xFFFFC180  }
0x138: {  	[spmem:s2] =	stream.indirect.scatter.add.f32 [tilespmem:s25], [sflag:$0x3], $0x80, s10, s24, $0xb8;
	[tilespmem:$0x1E080] =	vst v63  }
0x139: {  	_ =	swait.ge [sflag:s22], $0x3E80  }
0x13a: {  	[sflag:s22] =	ssyncset.done $0x0  }
0x13b: {  	s11 =	simm.s32 $0x100;
	[sflag:s22] =	ssyncadd.s32 $0xFFFFC180  }
0x13c: {  	[tilespmem:s25], [sflag:$0x1] =	stream.indirect.gather [hbm4b:s5+s24], $0x80, s11, s24, $0xb8;
	[tilespmem:$0x1E080] =	vst v63  }
0x13d: {  	_ =	swait.ge [sflag:s29], $0x3E80  }
0x13e: {  	[sflag:s29] =	ssyncset.done $0x0  }
0x13f: {  	s12 =	simm.s32 $0x1480;
	[sflag:s29] =	ssyncadd.s32 $0xFFFFC180  }
0x140: {  	[spmem:s2] =	stream.indirect.scatter.add.f32 [tilespmem:s26], [sflag:$0x3], $0x80, s12, s24, $0xb8;
	[tilespmem:$0x1E080] =	vst v63  }
0x141: {  	_ =	swait.ge [sflag:s22], $0x3E80  }
0x142: {  	s7 =	simm.s32 $0x100;
	s8 =	simm.s32 $0x800;
	[sflag:s22] =	ssyncset.done $0x0  }
.LBB2_13:
0x143: {  	s10 =	sadd.s32 $0x80, s7  }
0x144: {  	[sflag:s22] =	ssyncadd.s32 $0xFFFFC180;
	s11 =	smov.u32 s8;
	s12 =	sadd.s32 $0x400, s8  }
0x145: {  	[tilespmem:s26], [sflag:$0x2] =	stream.indirect.gather [hbm4b:s5+s24], $0x80, s10, s24, $0xb8;
	[tilespmem:$0x1E080] =	vst v63  }
0x146: {  	p6 =	sne.s32 s8, $0x4800;
	_ =	swait.ge [sflag:s28], $0x3E80  }
0x147: {  	[sflag:s28] =	ssyncset.done $0x0  }
0x148: {  	s8 =	sadd.s32 $0x1400, s7;
	[sflag:s28] =	ssyncadd.s32 $0xFFFFC180  }
0x149: {  	[spmem:s2] =	stream.indirect.scatter.add.f32 [tilespmem:s25], [sflag:$0x3], $0x80, s8, s24, $0xb8;
	[tilespmem:$0x1E080] =	vst v63  }
0x14a: {  	_ =	swait.ge [sflag:s22], $0x3E80  }
0x14b: {  	[sflag:s22] =	ssyncset.done $0x0  }
0x14c: {  	s8 =	sadd.s32 $0x100, s7;
	[sflag:s22] =	ssyncadd.s32 $0xFFFFC180  }
0x14d: {  	[tilespmem:s25], [sflag:$0x1] =	stream.indirect.gather [hbm4b:s5+s24], $0x80, s8, s24, $0xb8;
	[tilespmem:$0x1E080] =	vst v63  }
0x14e: {  	_ =	swait.ge [sflag:s29], $0x3E80  }
.Ltmp9:
0x14f: {  	[sflag:s29] =	ssyncset.done $0x0;
	(pc) =	sbr.rel @p6 .LBB2_13-.Ltmp9, $4  }
0x150: {  	s7 =	sadd.s32 $0x1480, s7;
	[sflag:s29] =	ssyncadd.s32 $0xFFFFC180  }
0x151: {  	[spmem:s2] =	stream.indirect.scatter.add.f32 [tilespmem:s26], [sflag:$0x3], $0x80, s7, s24, $0xb8;
	[tilespmem:$0x1E080] =	vst v63  }
0x152: {  	_ =	swait.ge [sflag:s22], $0x3E80  }
0x153: {  	s8 =	smov.u32 s12;
	s7 =	sshra.s32 s11, $0x2;
	[sflag:s22] =	ssyncset.done $0x0  }
.Ltmp10:
0x154: {  	_ = 	snop;
	(pc) =	sbr.rel .LBB2_14-.Ltmp10, $1  }
0x155: {  	_ =	sdelay $0x3  }
.LBB2_16:
0x156: {  	_ =	sfence.sel $0x180000  }
0x157: {  	[bflag:$0x0] =	sbarrier.arrive $0xFFFF  }
0x158: {  	_ =	strace $0x90000047  }
0x159: {  	[bflag:$0x2] =	sbarrier.arrive $0xFFFF  }
0x15a: {  	p0 =	sne.s32 s3, $0x0;
	s0 =	rddreg [dreg:$0x3]  }
0x15b: {  	s0 =	sadd.s32 @!p0 $0x100000, s0  }
0x15c: {  	[sflag:s0] =	ssyncadd.tile.s32 @!p0 $0x1;
	_ =	shalt  }
.Lfunc_end2:
_tile_overlayer_lowered:
.L_overlay_start_2:
0x15d: {  	(tag) =	ssettag $0x2  }
0x15e: {  	s0 =	rddreg [dreg:$0x0];
	s2 =	stileid.u32  }
0x15f: {  	s1 =	rddreg [dreg:$0x1];
	p0 =	sne.s32 s2, $0x0  }
0x160: {  	s3 =	rddreg [dreg:$0x2];
	[bflag:$0x3] =	sbarrier.arrive $0xFFFF;
	s2 =	simm.s32 @!p0 $0x1C03  }
0x161: {  	[timem:s3], [sflag:s2] =	dma.local @!p0 [hbm:s0], s1  }
0x162: {  	s0 =	simm.s32 @!p0 $0x3  }
0x163: {  	_ =	swait.ge @!p0 [sflag:s0], s1  }
0x164: {  	s1 =	ssub.s32 @!p0 $0x0, s1;
	[sflag:s0] =	ssyncset.done @!p0 $0x0  }
0x165: {  	[sflag:s0] =	ssyncadd.s32 @!p0 s1  }
0x166: {  	[bflag:$0x3] =	sbarrier.arrive $0xFFFF  }
0x167: {  	_ =	shalt  }

// kernel: kernel.14.cloned.1.call-start
scs
__scs_entry_jumppad:
0x0: {  	(pc) =	sbr.rel $0x88, $3  }
0x1: {  	(tag) =	ssettag $0x0;
	lr =	simm.s32 $0x1  }
0x2: {  	[smem:$0x3F93] =	sst lr;
	_ =	strace $0xD0000000  }
0x3: {  	_ = 	snop  }
0x4: {  	_ = 	snop  }
0x5: {  	_ = 	snop  }
0x6: {  	_ = 	snop  }
0x7: {  	_ = 	snop  }
__scs_overlays_trampoline_lowered:
0x8: {  	[smem:$0x3FA2] =	sst s0  }
0x9: {  	[smem:$0x3FA3] =	sst s1  }
0xa: {  	[smem:$0x3FA4] =	sst s2  }
0xb: {  	[smem:$0x3FA5] =	sst s3  }
0xc: {  	[smem:$0x3FA6] =	sst s4  }
0xd: {  	[smem:$0x3FA7] =	sst s5  }
0xe: {  	[smem:$0x3FA8] =	sst s6  }
0xf: {  	[smem:$0x3FA9] =	sst s7  }
0x10: {  	[smem:$0x3FAA] =	sst s8  }
0x11: {  	[smem:$0x3FAB] =	sst s9;
	s0 =	simm.s32 @!p0 $0x0  }
0x12: {  	s1 =	sld [smem:$0x3F91];
	s0 =	simm.s32 @p0 $0x1  }
0x13: {  	[smem:$0x3FAC] =	sst s0;
	s0 =	simm.s32 @!p1 $0x0  }
0x14: {  	s2 =	sld [smem:$0x3F90];
	s0 =	simm.s32 @p1 $0x1  }
0x15: {  	[smem:$0x3FAD] =	sst s0;
	s0 =	simm.s32 @!p2 $0x0  }
0x16: {  	s3 =	sld [smem:$0x3FDB];
	s0 =	simm.s32 @p2 $0x1  }
0x17: {  	s4 =	simm.s32 $0x1BF5;
	[smem:$0x3FAF] =	sst s0  }
0x18: {  	s0 =	sld [smem:$0x3F92];
	_ =	swait.ge [sflag:s4], $0x0  }
0x19: {  	s7 =	sld [smem:$0x3F93]  }
0x1a: {  	s8 =	sadd.s32 $0xFFFFE003, lr  }
0x1b: {  	s9 =	sadd.s32 $0xFFFFFEF7, lr;
	s5 =	simm.s32 $0xFFFFFFFF;
	p2 =	slt.u32 s8, $0xFFFFF086  }
0x1c: {  	p1 =	slt.u32 s9, $0xF7A;
	s5 =	simm.s32 @!p2 $0x0  }
0x1d: {  	s5 =	simm.s32 @p1 $0x1;
	p0 =	seq.s32 s7, s2  }
0x1e: {  	s7 =	smul.u32 @!p0 $0xF7A, s2;
	p2 =	seq.s32 @!p0 s5, $0x0  }
0x1f: {  	s9 =	smul.u32 $0xF7A, s1;
	s8 =	simm.s32 @!p0 $0x1BF5;
	p2 =	por !p2, p0  }
0x20: {  	[sflag:s8] =	ssyncset.s32 @!p0 $0xFFFFF086;
	s6 =	sadd.s32 @!p0 s3, s7;
	s7 =	simm.s32 @!p0 $0x108  }
0x21: {  	s3 =	sadd.s32 s3, s9;
	s6 =	sadd.s32 @!p0 $0x88, s6;
	s7 =	simm.s32 @p2 $0x1082  }
0x22: {  	[simem:s7], [sflag:s8] =	dma.local @!p0 [hbm:s6], $0xF7A  }
0x23: {  	s9 =	sor.u32 $0xD0000000, s2;
	s6 =	simm.s32 $0x108;
	_ =	swait.ge @!p0 [sflag:s8], $0x0  }
0x24: {  	s3 =	sadd.s32 $0x88, s3;
	s6 =	simm.s32 @!p1 $0x1082;
	[sflag:s4] =	ssyncset.s32 $0xFFFFF086  }
0x25: {  	[simem:s6], [sflag:s4] =	dma.local [hbm:s3], $0xF7A  }
0x26: {  	[smem:$0x3F93] =	sst s1;
	(tag) =	ssettag s2;
	_ =	strace s9  }
0x27: {  	s1 =	sld [smem:$0x3FA3]  }
0x28: {  	s2 =	sld [smem:$0x3FA4]  }
0x29: {  	s4 =	sld [smem:$0x3FA6]  }
0x2a: {  	p0 =	seq.s32 s5, $0x0;
	s5 =	sld [smem:$0x3FA7]  }
0x2b: {  	s6 =	sld [smem:$0x3FA8]  }
0x2c: {  	s7 =	sld [smem:$0x3FA9]  }
0x2d: {  	s3 =	simm.s32 $0x108;
	s8 =	sld [smem:$0x3FAA]  }
0x2e: {  	s3 =	simm.s32 @!p0 $0x1082;
	s9 =	sld [smem:$0x3FAB]  }
0x2f: {  	lr =	sadd.s32 s0, s3;
	s0 =	sld [smem:$0x3FA2]  }
0x30: {  	s3 =	sld [smem:$0x3FA5]  }
0x31: {  	[smem:$0x3FAE] =	sst s10  }
0x32: {  	s10 =	sld [smem:$0x3FAC];
	_ =	sdelay $0x3  }
0x33: {  	p0 =	seq.s32 s10, $0x1;
	s10 =	sld [smem:$0x3FAE];
	_ =	sdelay $0x3  }
0x34: {  	[smem:$0x3FAE] =	sst s10  }
0x35: {  	s10 =	sld [smem:$0x3FAD];
	_ =	sdelay $0x3  }
0x36: {  	p1 =	seq.s32 s10, $0x1;
	s10 =	sld [smem:$0x3FAE];
	_ =	sdelay $0x3  }
0x37: {  	[smem:$0x3FAE] =	sst s10  }
0x38: {  	s10 =	sld [smem:$0x3FAF]  }
0x39: {  	_ = 	snop;
	(pc) =	sbr.ind lr, $3  }
0x3a: {  	_ = 	snop  }
0x3b: {  	_ = 	snop  }
0x3c: {  	p2 =	seq.s32 s10, $0x1;
	s10 =	sld [smem:$0x3FAE]  }
0x3d: {  	_ =	shalt  }
0x3e: {  	_ =	shalt  }
0x3f: {  	_ =	shalt  }
0x40: {  	_ =	shalt  }
0x41: {  	_ =	shalt  }
0x42: {  	_ =	shalt  }
0x43: {  	_ =	shalt  }
0x44: {  	_ =	shalt  }
0x45: {  	_ =	shalt  }
0x46: {  	_ =	shalt  }
0x47: {  	_ =	shalt  }
0x48: {  	_ =	shalt  }
0x49: {  	_ =	shalt  }
0x4a: {  	_ =	shalt  }
0x4b: {  	_ =	shalt  }
0x4c: {  	_ =	shalt  }
0x4d: {  	_ =	shalt  }
0x4e: {  	_ =	shalt  }
0x4f: {  	_ =	shalt  }
0x50: {  	_ =	shalt  }
0x51: {  	_ =	shalt  }
0x52: {  	_ =	shalt  }
0x53: {  	_ =	shalt  }
0x54: {  	_ =	shalt  }
0x55: {  	_ =	shalt  }
0x56: {  	_ =	shalt  }
0x57: {  	_ =	shalt  }
0x58: {  	_ =	shalt  }
0x59: {  	_ =	shalt  }
0x5a: {  	_ =	shalt  }
0x5b: {  	_ =	shalt  }
0x5c: {  	_ =	shalt  }
0x5d: {  	_ =	shalt  }
0x5e: {  	_ =	shalt  }
0x5f: {  	_ =	shalt  }
0x60: {  	_ =	shalt  }
0x61: {  	_ =	shalt  }
0x62: {  	_ =	shalt  }
0x63: {  	_ =	shalt  }
0x64: {  	_ =	shalt  }
0x65: {  	_ =	shalt  }
0x66: {  	_ =	shalt  }
0x67: {  	_ =	shalt  }
0x68: {  	_ =	shalt  }
0x69: {  	_ =	shalt  }
0x6a: {  	_ =	shalt  }
0x6b: {  	_ =	shalt  }
0x6c: {  	_ =	shalt  }
0x6d: {  	_ =	shalt  }
0x6e: {  	_ =	shalt  }
0x6f: {  	_ =	shalt  }
0x70: {  	_ =	shalt  }
0x71: {  	_ =	shalt  }
0x72: {  	_ =	shalt  }
0x73: {  	_ =	shalt  }
0x74: {  	_ =	shalt  }
0x75: {  	_ =	shalt  }
0x76: {  	_ =	shalt  }
0x77: {  	_ =	shalt  }
0x78: {  	_ =	shalt  }
0x79: {  	_ =	shalt  }
0x7a: {  	_ =	shalt  }
0x7b: {  	_ =	shalt  }
0x7c: {  	_ =	shalt  }
0x7d: {  	_ =	shalt  }
0x7e: {  	_ =	shalt  }
0x7f: {  	_ =	shalt  }
0x80: {  	_ =	shalt  }
0x81: {  	_ =	shalt  }
0x82: {  	_ =	shalt  }
0x83: {  	_ =	shalt  }
0x84: {  	_ =	shalt  }
0x85: {  	_ =	shalt  }
0x86: {  	_ =	shalt  }
0x87: {  	_ =	shalt  }
.Lfunc_end0:
.L_simem_size_0:
called_computation.1_lowered:
.L_overlay_start_0:
0x88: {  	s2 =	sld [smem:$0x3FD9]  }
0x89: {  	s3 =	sld [smem:$0x3FFE];
	_ =	sdelay $0x1  }
0x8a: {  	s1 =	srdreg.scid  }
0x8b: {  	s0 =	sand.u32 $0x1, s1  }
0x8c: {  	s17 =	sshll.u32 s0, $0xA;
	s2 =	sadd.s32 s3, s2  }
0x8d: {  	s2 =	sadd.s32 s2, s17  }
0x8e: {  	[smem:$0x3FBA] =	sst s2  }
0x8f: {  	_ = 	snop  }
0x90: {  	s2 =	sld [smem:$0x3FD0];
	(tm) =	ssettm $0x1  }
0x91: {  	s18 =	sld [smem:$0x3FFB];
	_ =	sdelay $0x3  }
0x92: {  	_ =	strace s18  }
0x93: {  	s3 =	sld [smem:$0x3FFC];
	_ =	sdelay $0x3  }
0x94: {  	_ =	strace s3  }
0x95: {  	s3 =	sld [smem:$0x3FFD];
	_ =	sdelay $0x3  }
0x96: {  	_ =	strace s3  }
0x97: {  	_ =	strace $0x8FFFFFFF  }
0x98: {  	s19 =	sld [smem:$0x3FDB];
	_ =	sdelay $0x1  }
0x99: {  	s4 =	simm.s32 $_scs_section_size  }
0x9a: {  	s5 =	simm.s32 $_size__tile_overlayer_lowered;
	s6 =	simm.s32 $_tile_overlayer_lowered  }
0x9b: {  	s22 =	simm.s32 $0x1BFF;
	s21 =	sshll.u32 s6, $0x1;
	s3 =	sadd.s32 s4, s19  }
0x9c: {  	s7 =	simm.s32 $0x0;
	s20 =	sshll.u32 s5, $0x1;
	s5 =	sadd.s32 s21, s3  }
0x9d: {  	[timem:s7], [sflag:s22] =	dma.local [hbm:s5], s20  }
0x9e: {  	_ =	swait.ge [sflag:s22], s20  }
0x9f: {  	s4 =	ssub.s32 $0x0, s20;
	[sflag:s22] =	ssyncset.done $0x0  }
0xa0: {  	[sflag:s22] =	ssyncadd.s32 s4;
	_ =	sdelay $0x1  }
0xa1: {  	s23 =	simm.s32 $0x1B8B  }
0xa2: {  	_ =	swait.ge [sflag:s23], $0x1  }
0xa3: {  	[sflag:s23] =	ssyncset.done $0x0  }
0xa4: {  	s25 =	simm.s32 $0x1B8E;
	s24 =	sld [smem:$0x3FFE];
	[sflag:s23] =	ssyncadd.s32 $0xFFFFFFFF  }
0xa5: {  	s26 =	simm.s32 $execute0_lowered;
	[smem:$0x3FD2] =	sst s25  }
0xa6: {  	s5 =	sshll.u32 s26, $0x1;
	_ =	strace $0x80000049;
	[dreg:$0x1] =	wrdreg $0xFFFFFFFF  }
0xa7: {  	s28 =	simm.s32 $_size_execute0_lowered;
	s3 =	sadd.s32 s3, s5;
	[dreg:$0x0] =	wrdreg $0x0  }
0xa8: {  	s5 =	sshll.u32 s28, $0x1;
	[dreg:$0x2] =	wrdreg s3  }
0xa9: {  	[dreg:$0x3] =	wrdreg s5  }
0xaa: {  	[dreg:$0x4] =	wrdreg $0xC0  }
0xab: {  	_ =	task [dreg:s7], $0x5FFFF  }
0xac: {  	[dreg:$0x1] =	wrdreg $0xFFFFFFFF  }
0xad: {  	[dreg:$0x0] =	wrdreg $0x60  }
0xae: {  	[dreg:$0x2] =	wrdreg s2  }
0xaf: {  	[dreg:$0x3] =	wrdreg s24  }
0xb0: {  	[dreg:$0x4] =	wrdreg $0xA8000  }
0xb1: {  	[dreg:$0x5] =	wrdreg $0x9  }
0xb2: {  	_ =	task.clear_ibuf [dreg:s7], $0x6FFFF;
	_ =	strace $0x90000049  }
0xb3: {  	s29 =	simm.s32 $0x9;
	_ =	strace $0x8000004B  }
0xb4: {  	_ =	swait.ge [sflag:s29], $0x1  }
0xb5: {  	[sflag:s29] =	ssyncadd.s32 $0xFFFFFFFF  }
0xb6: {  	_ =	strace $0x9000004B  }
0xb7: {  	_ =	sfence  }
0xb8: {  	s30 =	sld [smem:$0x0];
	_ =	sdelay $0x2  }
0xb9: {  	s31 =	sshll.u32 s1, $0xD;
	s1 =	sshrl.u32 s1, $0x2  }
0xba: {  	s3 =	sand.u32 $0x4000, s31;
	s1 =	sadd.s32 s1, s30  }
0xbb: {  	s0 =	sor.u32 s3, s0;
	s1 =	sshll.u32 s1, $0x11  }
0xbc: {  	s0 =	sor.u32 s1, s0  }
0xbd: {  	s0 =	sadd.s32 $0x8F2B, s0  }
0xbe: {  	[sflag:s0] =	ssyncadd.remote.s32 $0x1  }
0xbf: {  	_ =	sfence.sel $0xFFFF  }
0xc0: {  	[dreg:$0x0] =	wrdreg $0xFFFFFFFF;
	(pc) =	sbr.abs _section_cstart, $3  }
0xc1: {  	[dreg:$0x1] =	wrdreg $0xFFFFFFFF  }
0xc2: {  	_ =	task.clear_ibuf [dreg:s7], $0x2FFFF;
	_ =	strace $0x9FFFFFFF  }
0xc3: {  	(tm) =	ssettm $0x7FFFFFFF  }
tec
execute0_lowered:
.L_overlay_start_1:
0x0: {  	(tag) =	ssettag $0x1  }
0x1: {  	s1 =	rddreg [dreg:$0x0]  }
0x2: {  	s0 =	rddreg [dreg:$0x1]  }
0x3: {  	s2 =	rddreg [dreg:$0x2]  }
0x4: {  	s4 =	simm.s32 $0x0;
	s3 =	stileid.u32;
	s6 =	srdreg.scid  }
0x5: {  	s28 =	simm.s32 $0x1;
	s29 =	simm.s32 $0x2;
	s30 =	simm.s32 $0x1380  }
0x6: {  	s31 =	simm.s32 $0x2700;
	[smem:$0x7FF] =	sst s4;
	s7 =	smul.u32 $0x2700, s3  }
0x7: {  	s5 =	sadd.s32 $0xFC00, s0;
	s8 =	sand.u32 $0x1, s6;
	s9 =	smul.u32 $0x4E000, s3  }
0x8: {  	s14 =	sadd.s32 $0x5C00, s0;
	s15 =	sadd.s32 $0xAC00, s0;
	s19 =	smul.u32 $0x2800, s3  }
0x9: {  	s22 =	sadd.s32 $0x5B700, s0;
	s23 =	sadd.s32 $0x82900, s0;
	p0 =	seq.s32 s3, $0xF  }
0xa: {  	s26 =	sadd.s32 $0xD0D00, s0;
	_ =	strace $0x8000004A;
	[dreg:$0x6] =	wrdreg s22  }
0xb: {  	s6 =	ssub.s32 $0x2, s8;
	p4 =	seq.s32 s8, $0x1;
	[dreg:$0x7] =	wrdreg s23  }
0xc: {  	[dreg:$0xa] =	wrdreg s26;
	s22 =	simm.s32 $0x3;
	s23 =	simm.s32 $0x1400  }
0xd: {  	p5 =	sne.s32 s8, $0x0;
	s26 =	simm.s32 $0x6800;
	s7 =	sadd.s32 s7, s0  }
0xe: {  	s10 =	sshrl.u32 s6, $0x1;
	s18 =	sshrl.u32 s9, $0x2;
	s9 =	sadd.s32 $0x124800, s2  }
0xf: {  	s13 =	sshrl.u32 s19, $0x3;
	p1 =	por !p4, !p0;
	s0 =	sadd.s32 $0xA9B00, s0  }
0x10: {  	p2 =	por p4, !p0;
	p3 =	por !p4, p0;
	p4 =	por p4, p0  }
0x11: {  	s16 =	ssub.s32 s6, s10;
	s6 =	sadd.s32 s18, s2;
	s20 =	sadd.s32 $0x36E00, s7  }
0x12: {  	s21 =	sadd.s32 $0x5E000, s7;
	s17 =	sadd.s32 $0x280, s13;
	[dreg:$0xc] =	wrdreg s0  }
0x13: {  	s24 =	sadd.s32 s14, s13;
	s13 =	sadd.s32 s15, s13;
	[dreg:$0x4] =	wrdreg s20  }
.Ltmp0:
0x14: {  	s25 =	sadd.s32 $0xAC400, s7;
	[dreg:$0x5] =	wrdreg s21;
	(pc) =	sbr.rel .LBB2_1-.Ltmp0, $4  }
0x15: {  	s7 =	sadd.s32 $0x85200, s7;
	s0 =	simm.s32 $0x2780;
	[dreg:$0x8] =	wrdreg s24  }
0x16: {  	s14 =	sadd.s32 s14, s17;
	s15 =	sadd.s32 s15, s17;
	[dreg:$0x9] =	wrdreg s25  }
0x17: {  	[dreg:$0xb] =	wrdreg s7;
	s20 =	smax.u32 s16, $0x1;
	s21 =	sshrl.u32 @!p1 s9, $0x3  }
0x18: {  	s24 =	simm.s32 $0x7D;
	s25 =	simm.s32 $0x2800;
	s16 =	simm.s32 $0x0  }
.LBB2_14:
0x19: {  	s8 =	sadd.s32 $0x80, s7;
	[sflag:s22] =	ssyncadd.s32 $0xFFFFC180  }
0x1a: {  	[tilespmem:s26], [sflag:$0x2] =	stream.indirect.gather [hbm4b:s5+s24], $0x80, s8, s24, $0xb8;
	[tilespmem:$0x1E080] =	vst v63  }
0x1b: {  	_ =	swait.ge [sflag:s28], $0x3E80  }
0x1c: {  	[sflag:s28] =	ssyncset.done $0x0  }
0x1d: {  	s10 =	sadd.s32 $0x1400, s7;
	[sflag:s28] =	ssyncadd.s32 $0xFFFFC180  }
0x1e: {  	[spmem:s2] =	stream.indirect.scatter.add.f32 [tilespmem:s25], [sflag:$0x3], $0x80, s10, s24, $0xb8;
	[tilespmem:$0x1E080] =	vst v63  }
0x1f: {  	_ =	swait.ge [sflag:s22], $0x3E80  }
0x20: {  	[sflag:s22] =	ssyncset.done $0x0  }
0x21: {  	s11 =	sadd.s32 $0x100, s7;
	[sflag:s22] =	ssyncadd.s32 $0xFFFFC180  }
0x22: {  	[tilespmem:s25], [sflag:$0x1] =	stream.indirect.gather [hbm4b:s5+s24], $0x80, s11, s24, $0xb8;
	[tilespmem:$0x1E080] =	vst v63  }
0x23: {  	_ =	swait.ge [sflag:s29], $0x3E80  }
0x24: {  	[sflag:s29] =	ssyncset.done $0x0  }
0x25: {  	s12 =	sadd.s32 $0x1480, s7;
	[sflag:s29] =	ssyncadd.s32 $0xFFFFC180  }
0x26: {  	[spmem:s2] =	stream.indirect.scatter.add.f32 [tilespmem:s26], [sflag:$0x3], $0x80, s12, s24, $0xb8;
	[tilespmem:$0x1E080] =	vst v63  }
0x27: {  	_ =	swait.ge [sflag:s22], $0x3E80  }
0x28: {  	[sflag:s22] =	ssyncset.done $0x0  }
0x29: {  	[sflag:s22] =	ssyncadd.s32 $0xFFFFC180  }
0x2a: {  	[tilespmem:s26], [sflag:$0x2] =	stream.indirect.gather [hbm4b:s5+s24], $0x80, s30, s24, $0xb8;
	[tilespmem:$0x1E080] =	vst v63  }
0x2b: {  	_ =	swait.ge [sflag:s28], $0x3E80  }
0x2c: {  	[sflag:s28] =	ssyncset.done $0x0  }
0x2d: {  	[sflag:s28] =	ssyncadd.s32 $0xFFFFC180  }
0x2e: {  	[spmem:s2] =	stream.indirect.scatter.add.f32 [tilespmem:s25], [sflag:$0x3], $0x80, s31, s24, $0xb8;
	[tilespmem:$0x1E080] =	vst v63  }
0x2f: {  	_ =	swait.ge [sflag:s22], $0x3E80  }
0x30: {  	[sflag:s22] =	ssyncset.done $0x0  }
0x31: {  	[sflag:s22] =	ssyncadd.s32 $0xFFFFC180  }
0x32: {  	_ =	swait.ge [sflag:s29], $0x3E80  }
0x33: {  	[sflag:s29] =	ssyncset.done $0x0  }
0x34: {  	[sflag:s29] =	ssyncadd.s32 $0xFFFFC180  }
0x35: {  	[spmem:s2] =	stream.indirect.scatter.add.f32 [tilespmem:s26], [sflag:$0x3], $0x80, s0, s24, $0xb8;
	[tilespmem:$0x1E080] =	vst v63  }
0x36: {  	_ =	swait.ge [sflag:s22], $0x3E80  }
0x37: {  	[sflag:s22] =	ssyncset.done $0x0  }
0x38: {  	[sflag:s22] =	ssyncadd.s32 $0xFFFFC180  }
0x39: {  	[bflag:$0x0] =	sbarrier.arrive $0xFFFF  }
0x3a: {  	s7 =	simm.s32 @p0 $0x1FC3;
	s8 =	rddreg [dreg:$0xa]  }
0x3b: {  	[hbm:s8], [sflag:s7] =	dma.local @p0 [spmem:s19], $0x2800  }
0x3c: {  	s7 =	simm.s32 @p0 $0x3  }
0x3d: {  	_ =	swait.ge @p0 [sflag:s7], $0x2800  }
0x3e: {  	[sflag:s7] =	ssyncset.done @p0 $0x0  }
0x3f: {  	[sflag:s7] =	ssyncadd.s32 @p0 $0xFFFFD800;
	s7 =	rddreg [dreg:$0x9]  }
0x40: {  	[hbm:s7], [sflag:s18] =	dma.local @!p0 [spmem:s17], $0x2700  }
0x41: {  	s7 =	simm.s32 @!p0 $0x3  }
0x42: {  	_ =	swait.ge @!p0 [sflag:s7], $0x2700  }
0x43: {  	[sflag:s7] =	ssyncset.done @!p0 $0x0  }
0x44: {  	[sflag:s7] =	ssyncadd.s32 @!p0 $0xFFFFD900  }
.LBB2_15:
0x45: {  	s16 =	sadd.s32 $0x1, s16  }
0x46: {  	p6 =	sne.s32 s16, s20  }
.Ltmp1:
0x47: {  	_ = 	snop;
	(pc) =	sbr.rel @!p6 .LBB2_16-.Ltmp1, $1  }
0x48: {  	_ =	sdelay $0x3  }
.LBB2_1:
0x49: {  	s7 =	simm.s32 @!p1 $0x1FC1;
	s8 =	rddreg [dreg:$0x7]  }
0x4a: {  	[spmem:s21], [sflag:s7] =	dma.local @!p1 [hbm:s8], $0x2800  }
0x4b: {  	s7 =	sshrl.u32 @!p2 s9, $0x3;
	s8 =	simm.s32 @!p2 $0x1FC1;
	s10 =	rddreg [dreg:$0x6]  }
0x4c: {  	[spmem:s7], [sflag:s8] =	dma.local @!p2 [hbm:s10], $0x2800  }
0x4d: {  	s7 =	sshll.u32 @!p3 s3, $0x6  }
0x4e: {  	s8 =	sshrl.u32 @!p3 s6, $0x3;
	s7 =	sor.u32 @!p3 $0x1C01, s7;
	s10 =	rddreg [dreg:$0x5]  }
0x4f: {  	[spmem:s8], [sflag:s7] =	dma.local @!p3 [hbm:s10], $0x2700  }
0x50: {  	s7 =	sshll.u32 @!p4 s3, $0x6  }
0x51: {  	s8 =	sshrl.u32 @!p4 s6, $0x3;
	s7 =	sor.u32 @!p4 $0x1C01, s7;
	s10 =	rddreg [dreg:$0x4]  }
0x52: {  	[spmem:s8], [sflag:s7] =	dma.local @!p4 [hbm:s10], $0x2700  }
0x53: {  	s7 =	rddreg [dreg:$0x8]  }
0x54: {  	[tilespmem:s4], [sflag:$0x3] =	stream.linear.gather [hbm4b:s7+s4], $0x1400, $0x38;
	[tilespmem:$0x1E080] =	vst v63  }
0x55: {  	_ =	swait.ge [sflag:s22], $0x1400  }
0x56: {  	[sflag:s22] =	ssyncset.done $0x0  }
0x57: {  	[sflag:s22] =	ssyncadd.s32 $0xFFFFEC00  }
0x58: {  	[tilespmem:s23], [sflag:$0x3] =	stream.linear.gather [hbm4b:s13+s4], $0x1400, $0x38;
	[tilespmem:$0x1E080] =	vst v63  }
0x59: {  	_ =	swait.ge [sflag:s22], $0x1400  }
0x5a: {  	[sflag:s22] =	ssyncset.done $0x0  }
0x5b: {  	s7 =	simm.s32 @p0 $0x1;
	[sflag:s22] =	ssyncadd.s32 $0xFFFFEC00  }
0x5c: {  	_ =	swait.ge @p0 [sflag:s7], $0x2800  }
0x5d: {  	[sflag:s7] =	ssyncset.done @p0 $0x0  }
0x5e: {  	[sflag:s7] =	ssyncadd.s32 @p0 $0xFFFFD800;
	s7 =	simm.s32 @!p0 $0x1  }
.Ltmp2:
0x5f: {  	_ =	swait.ge @!p0 [sflag:s7], $0x2700;
	(pc) =	sbr.rel @p5 .LBB2_5-.Ltmp2, $4  }
0x60: {  	[sflag:s7] =	ssyncset.done @!p0 $0x0  }
0x61: {  	[sflag:s7] =	ssyncadd.s32 @!p0 $0xFFFFD900  }
0x62: {  	[bflag:$0x0] =	sbarrier.arrive $0xFFFF  }
0x63: {  	s7 =	simm.s32 $0x0  }
0x64: {  	[tilespmem:s25], [sflag:$0x1] =	stream.indirect.gather [hbm4b:s1+s24], $0x80, s7, s24, $0xb8;
	[tilespmem:$0x1E080] =	vst v63  }
0x65: {  	s12 =	simm.s32 $0x80  }
0x66: {  	[tilespmem:s26], [sflag:$0x2] =	stream.indirect.gather [hbm4b:s1+s24], $0x80, s12, s24, $0xb8;
	[tilespmem:$0x1E080] =	vst v63  }
0x67: {  	_ =	swait.ge [sflag:s28], $0x3E80  }
0x68: {  	[sflag:s28] =	ssyncset.done $0x0  }
0x69: {  	s17 =	simm.s32 $0x1400;
	[sflag:s28] =	ssyncadd.s32 $0xFFFFC180  }
0x6a: {  	[spmem:s2] =	stream.indirect.scatter.add.f32 [tilespmem:s25], [sflag:$0x3], $0x80, s17, s24, $0xb8;
	[tilespmem:$0x1E080] =	vst v63  }
0x6b: {  	_ =	swait.ge [sflag:s22], $0x3E80  }
0x6c: {  	[sflag:s22] =	ssyncset.done $0x0  }
0x6d: {  	s18 =	simm.s32 $0x100;
	[sflag:s22] =	ssyncadd.s32 $0xFFFFC180  }
0x6e: {  	[tilespmem:s25], [sflag:$0x1] =	stream.indirect.gather [hbm4b:s1+s24], $0x80, s18, s24, $0xb8;
	[tilespmem:$0x1E080] =	vst v63  }
0x6f: {  	_ =	swait.ge [sflag:s29], $0x3E80  }
0x70: {  	[sflag:s29] =	ssyncset.done $0x0  }
0x71: {  	s19 =	simm.s32 $0x1480;
	[sflag:s29] =	ssyncadd.s32 $0xFFFFC180  }
0x72: {  	[spmem:s2] =	stream.indirect.scatter.add.f32 [tilespmem:s26], [sflag:$0x3], $0x80, s19, s24, $0xb8;
	[tilespmem:$0x1E080] =	vst v63  }
0x73: {  	_ =	swait.ge [sflag:s22], $0x3E80  }
0x74: {  	s7 =	simm.s32 $0x800;
	s17 =	simm.s32 $0x100;
	[sflag:s22] =	ssyncset.done $0x0  }
.LBB2_3:
0x75: {  	s8 =	sadd.s32 $0x80, s17  }
0x76: {  	[sflag:s22] =	ssyncadd.s32 $0xFFFFC180;
	s18 =	smov.u32 s7;
	s19 =	sadd.s32 $0x400, s7  }
0x77: {  	[tilespmem:s26], [sflag:$0x2] =	stream.indirect.gather [hbm4b:s1+s24], $0x80, s8, s24, $0xb8;
	[tilespmem:$0x1E080] =	vst v63  }
0x78: {  	p6 =	seq.s32 s7, $0x4800;
	_ =	swait.ge [sflag:s28], $0x3E80  }
0x79: {  	[sflag:s28] =	ssyncset.done $0x0  }
0x7a: {  	s7 =	sadd.s32 $0x1400, s17;
	[sflag:s28] =	ssyncadd.s32 $0xFFFFC180  }
0x7b: {  	[spmem:s2] =	stream.indirect.scatter.add.f32 [tilespmem:s25], [sflag:$0x3], $0x80, s7, s24, $0xb8;
	[tilespmem:$0x1E080] =	vst v63  }
0x7c: {  	_ =	swait.ge [sflag:s22], $0x3E80  }
0x7d: {  	[sflag:s22] =	ssyncset.done $0x0  }
0x7e: {  	s7 =	sadd.s32 $0x100, s17;
	[sflag:s22] =	ssyncadd.s32 $0xFFFFC180  }
0x7f: {  	[tilespmem:s25], [sflag:$0x1] =	stream.indirect.gather [hbm4b:s1+s24], $0x80, s7, s24, $0xb8;
	[tilespmem:$0x1E080] =	vst v63  }
0x80: {  	_ =	swait.ge [sflag:s29], $0x3E80  }
.Ltmp3:
0x81: {  	[sflag:s29] =	ssyncset.done $0x0;
	(pc) =	sbr.rel @!p6 .LBB2_3-.Ltmp3, $4  }
0x82: {  	s7 =	sadd.s32 $0x1480, s17;
	[sflag:s29] =	ssyncadd.s32 $0xFFFFC180  }
0x83: {  	[spmem:s2] =	stream.indirect.scatter.add.f32 [tilespmem:s26], [sflag:$0x3], $0x80, s7, s24, $0xb8;
	[tilespmem:$0x1E080] =	vst v63  }
0x84: {  	_ =	swait.ge [sflag:s22], $0x3E80  }
0x85: {  	s17 =	sshra.s32 s18, $0x2;
	s7 =	smov.u32 s19;
	[sflag:s22] =	ssyncset.done $0x0  }
0x86: {  	s7 =	sadd.s32 $0x80, s17;
	[sflag:s22] =	ssyncadd.s32 $0xFFFFC180  }
0x87: {  	[tilespmem:s26], [sflag:$0x2] =	stream.indirect.gather [hbm4b:s1+s24], $0x80, s7, s24, $0xb8;
	[tilespmem:$0x1E080] =	vst v63  }
0x88: {  	_ =	swait.ge [sflag:s28], $0x3E80  }
0x89: {  	[sflag:s28] =	ssyncset.done $0x0  }
0x8a: {  	s12 =	sadd.s32 $0x1400, s17;
	[sflag:s28] =	ssyncadd.s32 $0xFFFFC180  }
0x8b: {  	[spmem:s2] =	stream.indirect.scatter.add.f32 [tilespmem:s25], [sflag:$0x3], $0x80, s12, s24, $0xb8;
	[tilespmem:$0x1E080] =	vst v63  }
0x8c: {  	_ =	swait.ge [sflag:s22], $0x3E80  }
0x8d: {  	[sflag:s22] =	ssyncset.done $0x0  }
0x8e: {  	s18 =	sadd.s32 $0x100, s17;
	[sflag:s22] =	ssyncadd.s32 $0xFFFFC180  }
0x8f: {  	[tilespmem:s25], [sflag:$0x1] =	stream.indirect.gather [hbm4b:s1+s24], $0x80, s18, s24, $0xb8;
	[tilespmem:$0x1E080] =	vst v63  }
0x90: {  	_ =	swait.ge [sflag:s29], $0x3E80  }
0x91: {  	[sflag:s29] =	ssyncset.done $0x0  }
0x92: {  	s19 =	sadd.s32 $0x1480, s17;
	[sflag:s29] =	ssyncadd.s32 $0xFFFFC180  }
0x93: {  	[spmem:s2] =	stream.indirect.scatter.add.f32 [tilespmem:s26], [sflag:$0x3], $0x80, s19, s24, $0xb8;
	[tilespmem:$0x1E080] =	vst v63  }
.Ltmp4:
0x94: {  	_ = 	snop;
	(pc) =	sbr.rel .LBB2_8-.Ltmp4, $4  }
0x95: {  	_ =	swait.ge [sflag:s22], $0x3E80  }
0x96: {  	[sflag:s22] =	ssyncset.done $0x0  }
0x97: {  	[sflag:s22] =	ssyncadd.s32 $0xFFFFC180  }
0x98: {  	[tilespmem:s26], [sflag:$0x2] =	stream.indirect.gather [hbm4b:s1+s24], $0x80, s30, s24, $0xb8;
	[tilespmem:$0x1E080] =	vst v63  }
.LBB2_5:
0x99: {  	[tilespmem:s25], [sflag:$0x1] =	stream.indirect.gather [hbm4b:s5+s24], $0x80, s7, s24, $0xb8;
	[tilespmem:$0x1E080] =	vst v63  }
0x9a: {  	s12 =	simm.s32 $0x80  }
0x9b: {  	[tilespmem:s26], [sflag:$0x2] =	stream.indirect.gather [hbm4b:s5+s24], $0x80, s12, s24, $0xb8;
	[tilespmem:$0x1E080] =	vst v63  }
0x9c: {  	_ =	swait.ge [sflag:s28], $0x3E80  }
0x9d: {  	[sflag:s28] =	ssyncset.done $0x0  }
0x9e: {  	s17 =	simm.s32 $0x1400;
	[sflag:s28] =	ssyncadd.s32 $0xFFFFC180  }
0x9f: {  	[spmem:s2] =	stream.indirect.scatter.add.f32 [tilespmem:s25], [sflag:$0x3], $0x80, s17, s24, $0xb8;
	[tilespmem:$0x1E080] =	vst v63  }
0xa0: {  	_ =	swait.ge [sflag:s22], $0x3E80  }
0xa1: {  	[sflag:s22] =	ssyncset.done $0x0  }
0xa2: {  	s18 =	simm.s32 $0x100;
	[sflag:s22] =	ssyncadd.s32 $0xFFFFC180  }
0xa3: {  	[tilespmem:s25], [sflag:$0x1] =	stream.indirect.gather [hbm4b:s5+s24], $0x80, s18, s24, $0xb8;
	[tilespmem:$0x1E080] =	vst v63  }
0xa4: {  	_ =	swait.ge [sflag:s29], $0x3E80  }
0xa5: {  	[sflag:s29] =	ssyncset.done $0x0  }
0xa6: {  	s19 =	simm.s32 $0x1480;
	[sflag:s29] =	ssyncadd.s32 $0xFFFFC180  }
0xa7: {  	[spmem:s2] =	stream.indirect.scatter.add.f32 [tilespmem:s26], [sflag:$0x3], $0x80, s19, s24, $0xb8;
	[tilespmem:$0x1E080] =	vst v63  }
0xa8: {  	_ =	swait.ge [sflag:s22], $0x3E80  }
0xa9: {  	s7 =	simm.s32 $0x800;
	s17 =	simm.s32 $0x100;
	[sflag:s22] =	ssyncset.done $0x0  }
.LBB2_6:
0xaa: {  	s8 =	sadd.s32 $0x80, s17  }
0xab: {  	[sflag:s22] =	ssyncadd.s32 $0xFFFFC180;
	s18 =	smov.u32 s7;
	s19 =	sadd.s32 $0x400, s7  }
0xac: {  	[tilespmem:s26], [sflag:$0x2] =	stream.indirect.gather [hbm4b:s5+s24], $0x80, s8, s24, $0xb8;
	[tilespmem:$0x1E080] =	vst v63  }
0xad: {  	p6 =	seq.s32 s7, $0x4800;
	_ =	swait.ge [sflag:s28], $0x3E80  }
0xae: {  	[sflag:s28] =	ssyncset.done $0x0  }
0xaf: {  	s7 =	sadd.s32 $0x1400, s17;
	[sflag:s28] =	ssyncadd.s32 $0xFFFFC180  }
0xb0: {  	[spmem:s2] =	stream.indirect.scatter.add.f32 [tilespmem:s25], [sflag:$0x3], $0x80, s7, s24, $0xb8;
	[tilespmem:$0x1E080] =	vst v63  }
0xb1: {  	_ =	swait.ge [sflag:s22], $0x3E80  }
0xb2: {  	[sflag:s22] =	ssyncset.done $0x0  }
0xb3: {  	s7 =	sadd.s32 $0x100, s17;
	[sflag:s22] =	ssyncadd.s32 $0xFFFFC180  }
0xb4: {  	[tilespmem:s25], [sflag:$0x1] =	stream.indirect.gather [hbm4b:s5+s24], $0x80, s7, s24, $0xb8;
	[tilespmem:$0x1E080] =	vst v63  }
0xb5: {  	_ =	swait.ge [sflag:s29], $0x3E80  }
.Ltmp5:
0xb6: {  	[sflag:s29] =	ssyncset.done $0x0;
	(pc) =	sbr.rel @!p6 .LBB2_6-.Ltmp5, $4  }
0xb7: {  	s7 =	sadd.s32 $0x1480, s17;
	[sflag:s29] =	ssyncadd.s32 $0xFFFFC180  }
0xb8: {  	[spmem:s2] =	stream.indirect.scatter.add.f32 [tilespmem:s26], [sflag:$0x3], $0x80, s7, s24, $0xb8;
	[tilespmem:$0x1E080] =	vst v63  }
0xb9: {  	_ =	swait.ge [sflag:s22], $0x3E80  }
0xba: {  	s17 =	sshra.s32 s18, $0x2;
	s7 =	smov.u32 s19;
	[sflag:s22] =	ssyncset.done $0x0  }
0xbb: {  	s7 =	sadd.s32 $0x80, s17;
	[sflag:s22] =	ssyncadd.s32 $0xFFFFC180  }
0xbc: {  	[tilespmem:s26], [sflag:$0x2] =	stream.indirect.gather [hbm4b:s5+s24], $0x80, s7, s24, $0xb8;
	[tilespmem:$0x1E080] =	vst v63  }
0xbd: {  	_ =	swait.ge [sflag:s28], $0x3E80  }
0xbe: {  	[sflag:s28] =	ssyncset.done $0x0  }
0xbf: {  	s12 =	sadd.s32 $0x1400, s17;
	[sflag:s28] =	ssyncadd.s32 $0xFFFFC180  }
0xc0: {  	[spmem:s2] =	stream.indirect.scatter.add.f32 [tilespmem:s25], [sflag:$0x3], $0x80, s12, s24, $0xb8;
	[tilespmem:$0x1E080] =	vst v63  }
0xc1: {  	_ =	swait.ge [sflag:s22], $0x3E80  }
0xc2: {  	[sflag:s22] =	ssyncset.done $0x0  }
0xc3: {  	s18 =	sadd.s32 $0x100, s17;
	[sflag:s22] =	ssyncadd.s32 $0xFFFFC180  }
0xc4: {  	[tilespmem:s25], [sflag:$0x1] =	stream.indirect.gather [hbm4b:s5+s24], $0x80, s18, s24, $0xb8;
	[tilespmem:$0x1E080] =	vst v63  }
0xc5: {  	_ =	swait.ge [sflag:s29], $0x3E80  }
0xc6: {  	[sflag:s29] =	ssyncset.done $0x0  }
0xc7: {  	s19 =	sadd.s32 $0x1480, s17;
	[sflag:s29] =	ssyncadd.s32 $0xFFFFC180  }
0xc8: {  	[spmem:s2] =	stream.indirect.scatter.add.f32 [tilespmem:s26], [sflag:$0x3], $0x80, s19, s24, $0xb8;
	[tilespmem:$0x1E080] =	vst v63  }
0xc9: {  	_ =	swait.ge [sflag:s22], $0x3E80  }
0xca: {  	[sflag:s22] =	ssyncset.done $0x0  }
0xcb: {  	[sflag:s22] =	ssyncadd.s32 $0xFFFFC180  }
0xcc: {  	[tilespmem:s26], [sflag:$0x2] =	stream.indirect.gather [hbm4b:s5+s24], $0x80, s30, s24, $0xb8;
	[tilespmem:$0x1E080] =	vst v63  }
.LBB2_8:
0xcd: {  	_ =	swait.ge [sflag:s28], $0x3E80  }
0xce: {  	[sflag:s28] =	ssyncset.done $0x0  }
0xcf: {  	[sflag:s28] =	ssyncadd.s32 $0xFFFFC180  }
0xd0: {  	[spmem:s2] =	stream.indirect.scatter.add.f32 [tilespmem:s25], [sflag:$0x3], $0x80, s31, s24, $0xb8;
	[tilespmem:$0x1E080] =	vst v63  }
0xd1: {  	_ =	swait.ge [sflag:s22], $0x3E80  }
0xd2: {  	[sflag:s22] =	ssyncset.done $0x0  }
0xd3: {  	[sflag:s22] =	ssyncadd.s32 $0xFFFFC180  }
0xd4: {  	_ =	swait.ge [sflag:s29], $0x3E80  }
0xd5: {  	[sflag:s29] =	ssyncset.done $0x0  }
0xd6: {  	[sflag:s29] =	ssyncadd.s32 $0xFFFFC180  }
0xd7: {  	[spmem:s2] =	stream.indirect.scatter.add.f32 [tilespmem:s26], [sflag:$0x3], $0x80, s0, s24, $0xb8;
	[tilespmem:$0x1E080] =	vst v63  }
0xd8: {  	_ =	swait.ge [sflag:s22], $0x3E80  }
0xd9: {  	[sflag:s22] =	ssyncset.done $0x0  }
0xda: {  	[sflag:s22] =	ssyncadd.s32 $0xFFFFC180  }
0xdb: {  	[tilespmem:s4], [sflag:$0x3] =	stream.linear.gather [hbm4b:s14+s4], $0x1400, $0x38;
	[tilespmem:$0x1E080] =	vst v63  }
0xdc: {  	_ =	swait.ge [sflag:s22], $0x1400  }
0xdd: {  	[sflag:s22] =	ssyncset.done $0x0  }
.Ltmp6:
0xde: {  	[sflag:s22] =	ssyncadd.s32 $0xFFFFEC00;
	(pc) =	sbr.rel @p5 .LBB2_12-.Ltmp6, $4  }
0xdf: {  	[tilespmem:s23], [sflag:$0x3] =	stream.linear.gather [hbm4b:s15+s4], $0x1400, $0x38;
	[tilespmem:$0x1E080] =	vst v63  }
0xe0: {  	s7 =	sshll.u32 @!p0 s3, $0x6;
	_ =	swait.ge [sflag:s22], $0x1400  }
0xe1: {  	s19 =	sshrl.u32 @p0 s9, $0x3;
	s17 =	sshrl.u32 @!p0 s6, $0x3;
	[sflag:s22] =	ssyncset.done $0x0  }
0xe2: {  	s18 =	sor.u32 @!p0 $0x1C03, s7;
	s7 =	simm.s32 $0x0;
	[sflag:s22] =	ssyncadd.s32 $0xFFFFEC00  }
0xe3: {  	[tilespmem:s25], [sflag:$0x1] =	stream.indirect.gather [hbm4b:s1+s24], $0x80, s7, s24, $0xb8;
	[tilespmem:$0x1E080] =	vst v63  }
0xe4: {  	s8 =	simm.s32 $0x80  }
0xe5: {  	[tilespmem:s26], [sflag:$0x2] =	stream.indirect.gather [hbm4b:s1+s24], $0x80, s8, s24, $0xb8;
	[tilespmem:$0x1E080] =	vst v63  }
0xe6: {  	_ =	swait.ge [sflag:s28], $0x3E80  }
0xe7: {  	[sflag:s28] =	ssyncset.done $0x0  }
0xe8: {  	s10 =	simm.s32 $0x1400;
	[sflag:s28] =	ssyncadd.s32 $0xFFFFC180  }
0xe9: {  	[spmem:s2] =	stream.indirect.scatter.add.f32 [tilespmem:s25], [sflag:$0x3], $0x80, s10, s24, $0xb8;
	[tilespmem:$0x1E080] =	vst v63  }
0xea: {  	_ =	swait.ge [sflag:s22], $0x3E80  }
0xeb: {  	[sflag:s22] =	ssyncset.done $0x0  }
0xec: {  	s11 =	simm.s32 $0x100;
	[sflag:s22] =	ssyncadd.s32 $0xFFFFC180  }
0xed: {  	[tilespmem:s25], [sflag:$0x1] =	stream.indirect.gather [hbm4b:s1+s24], $0x80, s11, s24, $0xb8;
	[tilespmem:$0x1E080] =	vst v63  }
0xee: {  	_ =	swait.ge [sflag:s29], $0x3E80  }
0xef: {  	[sflag:s29] =	ssyncset.done $0x0  }
0xf0: {  	s12 =	simm.s32 $0x1480;
	[sflag:s29] =	ssyncadd.s32 $0xFFFFC180  }
0xf1: {  	[spmem:s2] =	stream.indirect.scatter.add.f32 [tilespmem:s26], [sflag:$0x3], $0x80, s12, s24, $0xb8;
	[tilespmem:$0x1E080] =	vst v63  }
0xf2: {  	_ =	swait.ge [sflag:s22], $0x3E80  }
0xf3: {  	s7 =	simm.s32 $0x100;
	s8 =	simm.s32 $0x800;
	[sflag:s22] =	ssyncset.done $0x0  }
.LBB2_10:
0xf4: {  	s10 =	sadd.s32 $0x80, s7  }
0xf5: {  	[sflag:s22] =	ssyncadd.s32 $0xFFFFC180;
	s11 =	smov.u32 s8;
	s12 =	sadd.s32 $0x400, s8  }
0xf6: {  	[tilespmem:s26], [sflag:$0x2] =	stream.indirect.gather [hbm4b:s1+s24], $0x80, s10, s24, $0xb8;
	[tilespmem:$0x1E080] =	vst v63  }
0xf7: {  	p6 =	seq.s32 s8, $0x4800;
	_ =	swait.ge [sflag:s28], $0x3E80  }
0xf8: {  	[sflag:s28] =	ssyncset.done $0x0  }
0xf9: {  	s8 =	sadd.s32 $0x1400, s7;
	[sflag:s28] =	ssyncadd.s32 $0xFFFFC180  }
0xfa: {  	[spmem:s2] =	stream.indirect.scatter.add.f32 [tilespmem:s25], [sflag:$0x3], $0x80, s8, s24, $0xb8;
	[tilespmem:$0x1E080] =	vst v63  }
0xfb: {  	_ =	swait.ge [sflag:s22], $0x3E80  }
0xfc: {  	[sflag:s22] =	ssyncset.done $0x0  }
0xfd: {  	s8 =	sadd.s32 $0x100, s7;
	[sflag:s22] =	ssyncadd.s32 $0xFFFFC180  }
0xfe: {  	[tilespmem:s25], [sflag:$0x1] =	stream.indirect.gather [hbm4b:s1+s24], $0x80, s8, s24, $0xb8;
	[tilespmem:$0x1E080] =	vst v63  }
0xff: {  	_ =	swait.ge [sflag:s29], $0x3E80  }
.Ltmp7:
0x100: {  	[sflag:s29] =	ssyncset.done $0x0;
	(pc) =	sbr.rel @!p6 .LBB2_10-.Ltmp7, $4  }
0x101: {  	s7 =	sadd.s32 $0x1480, s7;
	[sflag:s29] =	ssyncadd.s32 $0xFFFFC180  }
0x102: {  	[spmem:s2] =	stream.indirect.scatter.add.f32 [tilespmem:s26], [sflag:$0x3], $0x80, s7, s24, $0xb8;
	[tilespmem:$0x1E080] =	vst v63  }
0x103: {  	_ =	swait.ge [sflag:s22], $0x3E80  }
0x104: {  	s8 =	smov.u32 s12;
	s7 =	sshra.s32 s11, $0x2;
	[sflag:s22] =	ssyncset.done $0x0  }
0x105: {  	s8 =	sadd.s32 $0x80, s7;
	[sflag:s22] =	ssyncadd.s32 $0xFFFFC180  }
0x106: {  	[tilespmem:s26], [sflag:$0x2] =	stream.indirect.gather [hbm4b:s1+s24], $0x80, s8, s24, $0xb8;
	[tilespmem:$0x1E080] =	vst v63  }
0x107: {  	_ =	swait.ge [sflag:s28], $0x3E80  }
0x108: {  	[sflag:s28] =	ssyncset.done $0x0  }
0x109: {  	s10 =	sadd.s32 $0x1400, s7;
	[sflag:s28] =	ssyncadd.s32 $0xFFFFC180  }
0x10a: {  	[spmem:s2] =	stream.indirect.scatter.add.f32 [tilespmem:s25], [sflag:$0x3], $0x80, s10, s24, $0xb8;
	[tilespmem:$0x1E080] =	vst v63  }
0x10b: {  	_ =	swait.ge [sflag:s22], $0x3E80  }
0x10c: {  	[sflag:s22] =	ssyncset.done $0x0  }
0x10d: {  	s11 =	sadd.s32 $0x100, s7;
	[sflag:s22] =	ssyncadd.s32 $0xFFFFC180  }
0x10e: {  	[tilespmem:s25], [sflag:$0x1] =	stream.indirect.gather [hbm4b:s1+s24], $0x80, s11, s24, $0xb8;
	[tilespmem:$0x1E080] =	vst v63  }
0x10f: {  	_ =	swait.ge [sflag:s29], $0x3E80  }
0x110: {  	[sflag:s29] =	ssyncset.done $0x0  }
0x111: {  	s12 =	sadd.s32 $0x1480, s7;
	[sflag:s29] =	ssyncadd.s32 $0xFFFFC180  }
0x112: {  	[spmem:s2] =	stream.indirect.scatter.add.f32 [tilespmem:s26], [sflag:$0x3], $0x80, s12, s24, $0xb8;
	[tilespmem:$0x1E080] =	vst v63  }
0x113: {  	_ =	swait.ge [sflag:s22], $0x3E80  }
0x114: {  	[sflag:s22] =	ssyncset.done $0x0  }
0x115: {  	[sflag:s22] =	ssyncadd.s32 $0xFFFFC180  }
0x116: {  	[tilespmem:s26], [sflag:$0x2] =	stream.indirect.gather [hbm4b:s1+s24], $0x80, s30, s24, $0xb8;
	[tilespmem:$0x1E080] =	vst v63  }
0x117: {  	_ =	swait.ge [sflag:s28], $0x3E80  }
0x118: {  	[sflag:s28] =	ssyncset.done $0x0  }
0x119: {  	[sflag:s28] =	ssyncadd.s32 $0xFFFFC180  }
0x11a: {  	[spmem:s2] =	stream.indirect.scatter.add.f32 [tilespmem:s25], [sflag:$0x3], $0x80, s31, s24, $0xb8;
	[tilespmem:$0x1E080] =	vst v63  }
0x11b: {  	_ =	swait.ge [sflag:s22], $0x3E80  }
0x11c: {  	[sflag:s22] =	ssyncset.done $0x0  }
0x11d: {  	[sflag:s22] =	ssyncadd.s32 $0xFFFFC180  }
0x11e: {  	_ =	swait.ge [sflag:s29], $0x3E80  }
0x11f: {  	[sflag:s29] =	ssyncset.done $0x0  }
0x120: {  	[sflag:s29] =	ssyncadd.s32 $0xFFFFC180  }
0x121: {  	[spmem:s2] =	stream.indirect.scatter.add.f32 [tilespmem:s26], [sflag:$0x3], $0x80, s0, s24, $0xb8;
	[tilespmem:$0x1E080] =	vst v63  }
0x122: {  	_ =	swait.ge [sflag:s22], $0x3E80  }
0x123: {  	[sflag:s22] =	ssyncset.done $0x0  }
0x124: {  	[sflag:s22] =	ssyncadd.s32 $0xFFFFC180  }
0x125: {  	[bflag:$0x0] =	sbarrier.arrive $0xFFFF  }
0x126: {  	s7 =	simm.s32 @p0 $0x1FC3;
	s8 =	rddreg [dreg:$0xc]  }
0x127: {  	[hbm:s8], [sflag:s7] =	dma.local @p0 [spmem:s19], $0x2800  }
0x128: {  	s7 =	simm.s32 @p0 $0x3  }
0x129: {  	_ =	swait.ge @p0 [sflag:s7], $0x2800  }
0x12a: {  	[sflag:s7] =	ssyncset.done @p0 $0x0  }
0x12b: {  	[sflag:s7] =	ssyncadd.s32 @p0 $0xFFFFD800;
	s7 =	rddreg [dreg:$0xb]  }
0x12c: {  	[hbm:s7], [sflag:s18] =	dma.local @!p0 [spmem:s17], $0x2700  }
.Ltmp8:
0x12d: {  	_ = 	snop;
	(pc) =	sbr.rel .LBB2_15-.Ltmp8, $4  }
0x12e: {  	s7 =	simm.s32 @!p0 $0x3  }
0x12f: {  	_ =	swait.ge @!p0 [sflag:s7], $0x2700  }
0x130: {  	[sflag:s7] =	ssyncset.done @!p0 $0x0  }
0x131: {  	[sflag:s7] =	ssyncadd.s32 @!p0 $0xFFFFD900  }
.LBB2_12:
0x132: {  	[tilespmem:s25], [sflag:$0x1] =	stream.indirect.gather [hbm4b:s5+s24], $0x80, s7, s24, $0xb8;
	[tilespmem:$0x1E080] =	vst v63  }
0x133: {  	s8 =	simm.s32 $0x80  }
0x134: {  	[tilespmem:s26], [sflag:$0x2] =	stream.indirect.gather [hbm4b:s5+s24], $0x80, s8, s24, $0xb8;
	[tilespmem:$0x1E080] =	vst v63  }
0x135: {  	_ =	swait.ge [sflag:s28], $0x3E80  }
0x136: {  	[sflag:s28] =	ssyncset.done $0x0  }
0x137: {  	s10 =	simm.s32 $0x1400;
	[sflag:s28] =	ssyncadd.s32 $0xFFFFC180  }
0x138: {  	[spmem:s2] =	stream.indirect.scatter.add.f32 [tilespmem:s25], [sflag:$0x3], $0x80, s10, s24, $0xb8;
	[tilespmem:$0x1E080] =	vst v63  }
0x139: {  	_ =	swait.ge [sflag:s22], $0x3E80  }
0x13a: {  	[sflag:s22] =	ssyncset.done $0x0  }
0x13b: {  	s11 =	simm.s32 $0x100;
	[sflag:s22] =	ssyncadd.s32 $0xFFFFC180  }
0x13c: {  	[tilespmem:s25], [sflag:$0x1] =	stream.indirect.gather [hbm4b:s5+s24], $0x80, s11, s24, $0xb8;
	[tilespmem:$0x1E080] =	vst v63  }
0x13d: {  	_ =	swait.ge [sflag:s29], $0x3E80  }
0x13e: {  	[sflag:s29] =	ssyncset.done $0x0  }
0x13f: {  	s12 =	simm.s32 $0x1480;
	[sflag:s29] =	ssyncadd.s32 $0xFFFFC180  }
0x140: {  	[spmem:s2] =	stream.indirect.scatter.add.f32 [tilespmem:s26], [sflag:$0x3], $0x80, s12, s24, $0xb8;
	[tilespmem:$0x1E080] =	vst v63  }
0x141: {  	_ =	swait.ge [sflag:s22], $0x3E80  }
0x142: {  	s7 =	simm.s32 $0x100;
	s8 =	simm.s32 $0x800;
	[sflag:s22] =	ssyncset.done $0x0  }
.LBB2_13:
0x143: {  	s10 =	sadd.s32 $0x80, s7  }
0x144: {  	[sflag:s22] =	ssyncadd.s32 $0xFFFFC180;
	s11 =	smov.u32 s8;
	s12 =	sadd.s32 $0x400, s8  }
0x145: {  	[tilespmem:s26], [sflag:$0x2] =	stream.indirect.gather [hbm4b:s5+s24], $0x80, s10, s24, $0xb8;
	[tilespmem:$0x1E080] =	vst v63  }
0x146: {  	p6 =	sne.s32 s8, $0x4800;
	_ =	swait.ge [sflag:s28], $0x3E80  }
0x147: {  	[sflag:s28] =	ssyncset.done $0x0  }
0x148: {  	s8 =	sadd.s32 $0x1400, s7;
	[sflag:s28] =	ssyncadd.s32 $0xFFFFC180  }
0x149: {  	[spmem:s2] =	stream.indirect.scatter.add.f32 [tilespmem:s25], [sflag:$0x3], $0x80, s8, s24, $0xb8;
	[tilespmem:$0x1E080] =	vst v63  }
0x14a: {  	_ =	swait.ge [sflag:s22], $0x3E80  }
0x14b: {  	[sflag:s22] =	ssyncset.done $0x0  }
0x14c: {  	s8 =	sadd.s32 $0x100, s7;
	[sflag:s22] =	ssyncadd.s32 $0xFFFFC180  }
0x14d: {  	[tilespmem:s25], [sflag:$0x1] =	stream.indirect.gather [hbm4b:s5+s24], $0x80, s8, s24, $0xb8;
	[tilespmem:$0x1E080] =	vst v63  }
0x14e: {  	_ =	swait.ge [sflag:s29], $0x3E80  }
.Ltmp9:
0x14f: {  	[sflag:s29] =	ssyncset.done $0x0;
	(pc) =	sbr.rel @p6 .LBB2_13-.Ltmp9, $4  }
0x150: {  	s7 =	sadd.s32 $0x1480, s7;
	[sflag:s29] =	ssyncadd.s32 $0xFFFFC180  }
0x151: {  	[spmem:s2] =	stream.indirect.scatter.add.f32 [tilespmem:s26], [sflag:$0x3], $0x80, s7, s24, $0xb8;
	[tilespmem:$0x1E080] =	vst v63  }
0x152: {  	_ =	swait.ge [sflag:s22], $0x3E80  }
0x153: {  	s8 =	smov.u32 s12;
	s7 =	sshra.s32 s11, $0x2;
	[sflag:s22] =	ssyncset.done $0x0  }
.Ltmp10:
0x154: {  	_ = 	snop;
	(pc) =	sbr.rel .LBB2_14-.Ltmp10, $1  }
0x155: {  	_ =	sdelay $0x3  }
.LBB2_16:
0x156: {  	_ =	sfence.sel $0x180000  }
0x157: {  	[bflag:$0x0] =	sbarrier.arrive $0xFFFF  }
0x158: {  	_ =	strace $0x9000004A  }
0x159: {  	[bflag:$0x2] =	sbarrier.arrive $0xFFFF  }
0x15a: {  	p0 =	sne.s32 s3, $0x0;
	s0 =	rddreg [dreg:$0x3]  }
0x15b: {  	s0 =	sadd.s32 @!p0 $0x100000, s0  }
0x15c: {  	[sflag:s0] =	ssyncadd.tile.s32 @!p0 $0x1;
	_ =	shalt  }
.Lfunc_end2:
_tile_overlayer_lowered:
.L_overlay_start_2:
0x15d: {  	(tag) =	ssettag $0x2  }
0x15e: {  	s0 =	rddreg [dreg:$0x0];
	s2 =	stileid.u32  }
0x15f: {  	s1 =	rddreg [dreg:$0x1];
	p0 =	sne.s32 s2, $0x0  }
0x160: {  	s3 =	rddreg [dreg:$0x2];
	[bflag:$0x3] =	sbarrier.arrive $0xFFFF;
	s2 =	simm.s32 @!p0 $0x1C03  }
0x161: {  	[timem:s3], [sflag:s2] =	dma.local @!p0 [hbm:s0], s1  }
0x162: {  	s0 =	simm.s32 @!p0 $0x3  }
0x163: {  	_ =	swait.ge @!p0 [sflag:s0], s1  }
0x164: {  	s1 =	ssub.s32 @!p0 $0x0, s1;
	[sflag:s0] =	ssyncset.done @!p0 $0x0  }
0x165: {  	[sflag:s0] =	ssyncadd.s32 @!p0 s1  }
0x166: {  	[bflag:$0x3] =	sbarrier.arrive $0xFFFF  }
0x167: {  	_ =	shalt  }

// kernel: kernel.17.cloned.1.call-start
scs
__scs_entry_jumppad:
0x0: {  	(pc) =	sbr.rel $0x88, $3  }
0x1: {  	(tag) =	ssettag $0x0;
	lr =	simm.s32 $0x1  }
0x2: {  	[smem:$0x3F93] =	sst lr;
	_ =	strace $0xD0000000  }
0x3: {  	_ = 	snop  }
0x4: {  	_ = 	snop  }
0x5: {  	_ = 	snop  }
0x6: {  	_ = 	snop  }
0x7: {  	_ = 	snop  }
__scs_overlays_trampoline_lowered:
0x8: {  	[smem:$0x3FA2] =	sst s0  }
0x9: {  	[smem:$0x3FA3] =	sst s1  }
0xa: {  	[smem:$0x3FA4] =	sst s2  }
0xb: {  	[smem:$0x3FA5] =	sst s3  }
0xc: {  	[smem:$0x3FA6] =	sst s4  }
0xd: {  	[smem:$0x3FA7] =	sst s5  }
0xe: {  	[smem:$0x3FA8] =	sst s6  }
0xf: {  	[smem:$0x3FA9] =	sst s7  }
0x10: {  	[smem:$0x3FAA] =	sst s8  }
0x11: {  	[smem:$0x3FAB] =	sst s9;
	s0 =	simm.s32 @!p0 $0x0  }
0x12: {  	s1 =	sld [smem:$0x3F91];
	s0 =	simm.s32 @p0 $0x1  }
0x13: {  	[smem:$0x3FAC] =	sst s0;
	s0 =	simm.s32 @!p1 $0x0  }
0x14: {  	s2 =	sld [smem:$0x3F90];
	s0 =	simm.s32 @p1 $0x1  }
0x15: {  	[smem:$0x3FAD] =	sst s0;
	s0 =	simm.s32 @!p2 $0x0  }
0x16: {  	s3 =	sld [smem:$0x3FDB];
	s0 =	simm.s32 @p2 $0x1  }
0x17: {  	s4 =	simm.s32 $0x1BF5;
	[smem:$0x3FAF] =	sst s0  }
0x18: {  	s0 =	sld [smem:$0x3F92];
	_ =	swait.ge [sflag:s4], $0x0  }
0x19: {  	s7 =	sld [smem:$0x3F93]  }
0x1a: {  	s8 =	sadd.s32 $0xFFFFE003, lr  }
0x1b: {  	s9 =	sadd.s32 $0xFFFFFEF7, lr;
	s5 =	simm.s32 $0xFFFFFFFF;
	p2 =	slt.u32 s8, $0xFFFFF086  }
0x1c: {  	p1 =	slt.u32 s9, $0xF7A;
	s5 =	simm.s32 @!p2 $0x0  }
0x1d: {  	s5 =	simm.s32 @p1 $0x1;
	p0 =	seq.s32 s7, s2  }
0x1e: {  	s7 =	smul.u32 @!p0 $0xF7A, s2;
	p2 =	seq.s32 @!p0 s5, $0x0  }
0x1f: {  	s9 =	smul.u32 $0xF7A, s1;
	s8 =	simm.s32 @!p0 $0x1BF5;
	p2 =	por !p2, p0  }
0x20: {  	[sflag:s8] =	ssyncset.s32 @!p0 $0xFFFFF086;
	s6 =	sadd.s32 @!p0 s3, s7;
	s7 =	simm.s32 @!p0 $0x108  }
0x21: {  	s3 =	sadd.s32 s3, s9;
	s6 =	sadd.s32 @!p0 $0x88, s6;
	s7 =	simm.s32 @p2 $0x1082  }
0x22: {  	[simem:s7], [sflag:s8] =	dma.local @!p0 [hbm:s6], $0xF7A  }
0x23: {  	s9 =	sor.u32 $0xD0000000, s2;
	s6 =	simm.s32 $0x108;
	_ =	swait.ge @!p0 [sflag:s8], $0x0  }
0x24: {  	s3 =	sadd.s32 $0x88, s3;
	s6 =	simm.s32 @!p1 $0x1082;
	[sflag:s4] =	ssyncset.s32 $0xFFFFF086  }
0x25: {  	[simem:s6], [sflag:s4] =	dma.local [hbm:s3], $0xF7A  }
0x26: {  	[smem:$0x3F93] =	sst s1;
	(tag) =	ssettag s2;
	_ =	strace s9  }
0x27: {  	s1 =	sld [smem:$0x3FA3]  }
0x28: {  	s2 =	sld [smem:$0x3FA4]  }
0x29: {  	s4 =	sld [smem:$0x3FA6]  }
0x2a: {  	p0 =	seq.s32 s5, $0x0;
	s5 =	sld [smem:$0x3FA7]  }
0x2b: {  	s6 =	sld [smem:$0x3FA8]  }
0x2c: {  	s7 =	sld [smem:$0x3FA9]  }
0x2d: {  	s3 =	simm.s32 $0x108;
	s8 =	sld [smem:$0x3FAA]  }
0x2e: {  	s3 =	simm.s32 @!p0 $0x1082;
	s9 =	sld [smem:$0x3FAB]  }
0x2f: {  	lr =	sadd.s32 s0, s3;
	s0 =	sld [smem:$0x3FA2]  }
0x30: {  	s3 =	sld [smem:$0x3FA5]  }
0x31: {  	[smem:$0x3FAE] =	sst s10  }
0x32: {  	s10 =	sld [smem:$0x3FAC];
	_ =	sdelay $0x3  }
0x33: {  	p0 =	seq.s32 s10, $0x1;
	s10 =	sld [smem:$0x3FAE];
	_ =	sdelay $0x3  }
0x34: {  	[smem:$0x3FAE] =	sst s10  }
0x35: {  	s10 =	sld [smem:$0x3FAD];
	_ =	sdelay $0x3  }
0x36: {  	p1 =	seq.s32 s10, $0x1;
	s10 =	sld [smem:$0x3FAE];
	_ =	sdelay $0x3  }
0x37: {  	[smem:$0x3FAE] =	sst s10  }
0x38: {  	s10 =	sld [smem:$0x3FAF]  }
0x39: {  	_ = 	snop;
	(pc) =	sbr.ind lr, $3  }
0x3a: {  	_ = 	snop  }
0x3b: {  	_ = 	snop  }
0x3c: {  	p2 =	seq.s32 s10, $0x1;
	s10 =	sld [smem:$0x3FAE]  }
0x3d: {  	_ =	shalt  }
0x3e: {  	_ =	shalt  }
0x3f: {  	_ =	shalt  }
0x40: {  	_ =	shalt  }
0x41: {  	_ =	shalt  }
0x42: {  	_ =	shalt  }
0x43: {  	_ =	shalt  }
0x44: {  	_ =	shalt  }
0x45: {  	_ =	shalt  }
0x46: {  	_ =	shalt  }
0x47: {  	_ =	shalt  }
0x48: {  	_ =	shalt  }
0x49: {  	_ =	shalt  }
0x4a: {  	_ =	shalt  }
0x4b: {  	_ =	shalt  }
0x4c: {  	_ =	shalt  }
0x4d: {  	_ =	shalt  }
0x4e: {  	_ =	shalt  }
0x4f: {  	_ =	shalt  }
0x50: {  	_ =	shalt  }
0x51: {  	_ =	shalt  }
0x52: {  	_ =	shalt  }
0x53: {  	_ =	shalt  }
0x54: {  	_ =	shalt  }
0x55: {  	_ =	shalt  }
0x56: {  	_ =	shalt  }
0x57: {  	_ =	shalt  }
0x58: {  	_ =	shalt  }
0x59: {  	_ =	shalt  }
0x5a: {  	_ =	shalt  }
0x5b: {  	_ =	shalt  }
0x5c: {  	_ =	shalt  }
0x5d: {  	_ =	shalt  }
0x5e: {  	_ =	shalt  }
0x5f: {  	_ =	shalt  }
0x60: {  	_ =	shalt  }
0x61: {  	_ =	shalt  }
0x62: {  	_ =	shalt  }
0x63: {  	_ =	shalt  }
0x64: {  	_ =	shalt  }
0x65: {  	_ =	shalt  }
0x66: {  	_ =	shalt  }
0x67: {  	_ =	shalt  }
0x68: {  	_ =	shalt  }
0x69: {  	_ =	shalt  }
0x6a: {  	_ =	shalt  }
0x6b: {  	_ =	shalt  }
0x6c: {  	_ =	shalt  }
0x6d: {  	_ =	shalt  }
0x6e: {  	_ =	shalt  }
0x6f: {  	_ =	shalt  }
0x70: {  	_ =	shalt  }
0x71: {  	_ =	shalt  }
0x72: {  	_ =	shalt  }
0x73: {  	_ =	shalt  }
0x74: {  	_ =	shalt  }
0x75: {  	_ =	shalt  }
0x76: {  	_ =	shalt  }
0x77: {  	_ =	shalt  }
0x78: {  	_ =	shalt  }
0x79: {  	_ =	shalt  }
0x7a: {  	_ =	shalt  }
0x7b: {  	_ =	shalt  }
0x7c: {  	_ =	shalt  }
0x7d: {  	_ =	shalt  }
0x7e: {  	_ =	shalt  }
0x7f: {  	_ =	shalt  }
0x80: {  	_ =	shalt  }
0x81: {  	_ =	shalt  }
0x82: {  	_ =	shalt  }
0x83: {  	_ =	shalt  }
0x84: {  	_ =	shalt  }
0x85: {  	_ =	shalt  }
0x86: {  	_ =	shalt  }
0x87: {  	_ =	shalt  }
.Lfunc_end0:
.L_simem_size_0:
called_computation.2_lowered:
.L_overlay_start_0:
0x88: {  	s2 =	sld [smem:$0x3FD9]  }
0x89: {  	s3 =	sld [smem:$0x3FFE];
	_ =	sdelay $0x1  }
0x8a: {  	s1 =	srdreg.scid  }
0x8b: {  	s0 =	sand.u32 $0x1, s1  }
0x8c: {  	s17 =	sshll.u32 s0, $0xA;
	s2 =	sadd.s32 s3, s2  }
0x8d: {  	s2 =	sadd.s32 s2, s17  }
0x8e: {  	[smem:$0x3FBA] =	sst s2  }
0x8f: {  	_ = 	snop  }
0x90: {  	s2 =	sld [smem:$0x3FD0];
	(tm) =	ssettm $0x1  }
0x91: {  	s18 =	sld [smem:$0x3FFB];
	_ =	sdelay $0x3  }
0x92: {  	_ =	strace s18  }
0x93: {  	s3 =	sld [smem:$0x3FFC];
	_ =	sdelay $0x3  }
0x94: {  	_ =	strace s3  }
0x95: {  	s3 =	sld [smem:$0x3FFD];
	_ =	sdelay $0x3  }
0x96: {  	_ =	strace s3  }
0x97: {  	_ =	strace $0x8FFFFFFF  }
0x98: {  	s19 =	sld [smem:$0x3FDB];
	_ =	sdelay $0x1  }
0x99: {  	s4 =	simm.s32 $_scs_section_size  }
0x9a: {  	s5 =	simm.s32 $_size__tile_overlayer_lowered;
	s6 =	simm.s32 $_tile_overlayer_lowered  }
0x9b: {  	s22 =	simm.s32 $0x1BFF;
	s21 =	sshll.u32 s6, $0x1;
	s3 =	sadd.s32 s4, s19  }
0x9c: {  	s7 =	simm.s32 $0x0;
	s20 =	sshll.u32 s5, $0x1;
	s5 =	sadd.s32 s21, s3  }
0x9d: {  	[timem:s7], [sflag:s22] =	dma.local [hbm:s5], s20  }
0x9e: {  	_ =	swait.ge [sflag:s22], s20  }
0x9f: {  	s4 =	ssub.s32 $0x0, s20;
	[sflag:s22] =	ssyncset.done $0x0  }
0xa0: {  	[sflag:s22] =	ssyncadd.s32 s4;
	_ =	sdelay $0x1  }
0xa1: {  	s23 =	simm.s32 $0x1B8B  }
0xa2: {  	_ =	swait.ge [sflag:s23], $0x1  }
0xa3: {  	[sflag:s23] =	ssyncset.done $0x0  }
0xa4: {  	s25 =	simm.s32 $0x1B8E;
	s24 =	sld [smem:$0x3FFE];
	[sflag:s23] =	ssyncadd.s32 $0xFFFFFFFF  }
0xa5: {  	s26 =	simm.s32 $execute0_lowered;
	[smem:$0x3FD2] =	sst s25  }
0xa6: {  	s5 =	sshll.u32 s26, $0x1;
	_ =	strace $0x8000004C;
	[dreg:$0x1] =	wrdreg $0xFFFFFFFF  }
0xa7: {  	s28 =	simm.s32 $_size_execute0_lowered;
	s3 =	sadd.s32 s3, s5;
	[dreg:$0x0] =	wrdreg $0x0  }
0xa8: {  	s5 =	sshll.u32 s28, $0x1;
	[dreg:$0x2] =	wrdreg s3  }
0xa9: {  	[dreg:$0x3] =	wrdreg s5  }
0xaa: {  	[dreg:$0x4] =	wrdreg $0xC0  }
0xab: {  	_ =	task [dreg:s7], $0x5FFFF  }
0xac: {  	[dreg:$0x1] =	wrdreg $0xFFFFFFFF  }
0xad: {  	[dreg:$0x0] =	wrdreg $0x60  }
0xae: {  	[dreg:$0x2] =	wrdreg s2  }
0xaf: {  	[dreg:$0x3] =	wrdreg s24  }
0xb0: {  	[dreg:$0x4] =	wrdreg $0xA8000  }
0xb1: {  	[dreg:$0x5] =	wrdreg $0x9  }
0xb2: {  	_ =	task.clear_ibuf [dreg:s7], $0x6FFFF;
	_ =	strace $0x9000004C  }
0xb3: {  	s29 =	simm.s32 $0x9;
	_ =	strace $0x8000004E  }
0xb4: {  	_ =	swait.ge [sflag:s29], $0x1  }
0xb5: {  	[sflag:s29] =	ssyncadd.s32 $0xFFFFFFFF  }
0xb6: {  	_ =	strace $0x9000004E  }
0xb7: {  	_ =	sfence  }
0xb8: {  	s30 =	sld [smem:$0x0];
	_ =	sdelay $0x2  }
0xb9: {  	s31 =	sshll.u32 s1, $0xD;
	s1 =	sshrl.u32 s1, $0x2  }
0xba: {  	s3 =	sand.u32 $0x4000, s31;
	s1 =	sadd.s32 s1, s30  }
0xbb: {  	s0 =	sor.u32 s3, s0;
	s1 =	sshll.u32 s1, $0x11  }
0xbc: {  	s0 =	sor.u32 s1, s0  }
0xbd: {  	s0 =	sadd.s32 $0x8F2B, s0  }
0xbe: {  	[sflag:s0] =	ssyncadd.remote.s32 $0x1  }
0xbf: {  	_ =	sfence.sel $0xFFFF  }
0xc0: {  	[dreg:$0x0] =	wrdreg $0xFFFFFFFF;
	(pc) =	sbr.abs _section_cstart, $3  }
0xc1: {  	[dreg:$0x1] =	wrdreg $0xFFFFFFFF  }
0xc2: {  	_ =	task.clear_ibuf [dreg:s7], $0x2FFFF;
	_ =	strace $0x9FFFFFFF  }
0xc3: {  	(tm) =	ssettm $0x7FFFFFFF  }
tec
execute0_lowered:
.L_overlay_start_1:
0x0: {  	(tag) =	ssettag $0x1  }
0x1: {  	s1 =	rddreg [dreg:$0x0]  }
0x2: {  	s0 =	rddreg [dreg:$0x1]  }
0x3: {  	s2 =	rddreg [dreg:$0x2]  }
0x4: {  	s4 =	simm.s32 $0x0;
	s3 =	stileid.u32;
	s6 =	srdreg.scid  }
0x5: {  	s28 =	simm.s32 $0x1;
	s29 =	simm.s32 $0x2;
	s30 =	simm.s32 $0x1380  }
0x6: {  	s31 =	simm.s32 $0x2700;
	[smem:$0x7FF] =	sst s4;
	s7 =	smul.u32 $0x2700, s3  }
0x7: {  	s5 =	sadd.s32 $0xFC00, s0;
	s8 =	sand.u32 $0x1, s6;
	s9 =	smul.u32 $0x4E000, s3  }
0x8: {  	s14 =	sadd.s32 $0x5C00, s0;
	s15 =	sadd.s32 $0xAC00, s0;
	s19 =	smul.u32 $0x2800, s3  }
0x9: {  	s22 =	sadd.s32 $0x5B700, s0;
	s23 =	sadd.s32 $0x82900, s0;
	p0 =	seq.s32 s3, $0xF  }
0xa: {  	s26 =	sadd.s32 $0xD0D00, s0;
	_ =	strace $0x8000004D;
	[dreg:$0x6] =	wrdreg s22  }
0xb: {  	s6 =	ssub.s32 $0x2, s8;
	p4 =	seq.s32 s8, $0x1;
	[dreg:$0x7] =	wrdreg s23  }
0xc: {  	[dreg:$0xa] =	wrdreg s26;
	s22 =	simm.s32 $0x3;
	s23 =	simm.s32 $0x1400  }
0xd: {  	p5 =	sne.s32 s8, $0x0;
	s26 =	simm.s32 $0x6800;
	s7 =	sadd.s32 s7, s0  }
0xe: {  	s10 =	sshrl.u32 s6, $0x1;
	s18 =	sshrl.u32 s9, $0x2;
	s9 =	sadd.s32 $0x124800, s2  }
0xf: {  	s13 =	sshrl.u32 s19, $0x3;
	p1 =	por !p4, !p0;
	s0 =	sadd.s32 $0xA9B00, s0  }
0x10: {  	p2 =	por p4, !p0;
	p3 =	por !p4, p0;
	p4 =	por p4, p0  }
0x11: {  	s16 =	ssub.s32 s6, s10;
	s6 =	sadd.s32 s18, s2;
	s20 =	sadd.s32 $0x36E00, s7  }
0x12: {  	s21 =	sadd.s32 $0x5E000, s7;
	s17 =	sadd.s32 $0x280, s13;
	[dreg:$0xc] =	wrdreg s0  }
0x13: {  	s24 =	sadd.s32 s14, s13;
	s13 =	sadd.s32 s15, s13;
	[dreg:$0x4] =	wrdreg s20  }
.Ltmp0:
0x14: {  	s25 =	sadd.s32 $0xAC400, s7;
	[dreg:$0x5] =	wrdreg s21;
	(pc) =	sbr.rel .LBB2_1-.Ltmp0, $4  }
0x15: {  	s7 =	sadd.s32 $0x85200, s7;
	s0 =	simm.s32 $0x2780;
	[dreg:$0x8] =	wrdreg s24  }
0x16: {  	s14 =	sadd.s32 s14, s17;
	s15 =	sadd.s32 s15, s17;
	[dreg:$0x9] =	wrdreg s25  }
0x17: {  	[dreg:$0xb] =	wrdreg s7;
	s20 =	smax.u32 s16, $0x1;
	s21 =	sshrl.u32 @!p1 s9, $0x3  }
0x18: {  	s24 =	simm.s32 $0x7D;
	s25 =	simm.s32 $0x2800;
	s16 =	simm.s32 $0x0  }
.LBB2_14:
0x19: {  	s8 =	sadd.s32 $0x80, s7;
	[sflag:s22] =	ssyncadd.s32 $0xFFFFC180  }
0x1a: {  	[tilespmem:s26], [sflag:$0x2] =	stream.indirect.gather [hbm4b:s5+s24], $0x80, s8, s24, $0xb8;
	[tilespmem:$0x1E080] =	vst v63  }
0x1b: {  	_ =	swait.ge [sflag:s28], $0x3E80  }
0x1c: {  	[sflag:s28] =	ssyncset.done $0x0  }
0x1d: {  	s10 =	sadd.s32 $0x1400, s7;
	[sflag:s28] =	ssyncadd.s32 $0xFFFFC180  }
0x1e: {  	[spmem:s2] =	stream.indirect.scatter.add.f32 [tilespmem:s25], [sflag:$0x3], $0x80, s10, s24, $0xb8;
	[tilespmem:$0x1E080] =	vst v63  }
0x1f: {  	_ =	swait.ge [sflag:s22], $0x3E80  }
0x20: {  	[sflag:s22] =	ssyncset.done $0x0  }
0x21: {  	s11 =	sadd.s32 $0x100, s7;
	[sflag:s22] =	ssyncadd.s32 $0xFFFFC180  }
0x22: {  	[tilespmem:s25], [sflag:$0x1] =	stream.indirect.gather [hbm4b:s5+s24], $0x80, s11, s24, $0xb8;
	[tilespmem:$0x1E080] =	vst v63  }
0x23: {  	_ =	swait.ge [sflag:s29], $0x3E80  }
0x24: {  	[sflag:s29] =	ssyncset.done $0x0  }
0x25: {  	s12 =	sadd.s32 $0x1480, s7;
	[sflag:s29] =	ssyncadd.s32 $0xFFFFC180  }
0x26: {  	[spmem:s2] =	stream.indirect.scatter.add.f32 [tilespmem:s26], [sflag:$0x3], $0x80, s12, s24, $0xb8;
	[tilespmem:$0x1E080] =	vst v63  }
0x27: {  	_ =	swait.ge [sflag:s22], $0x3E80  }
0x28: {  	[sflag:s22] =	ssyncset.done $0x0  }
0x29: {  	[sflag:s22] =	ssyncadd.s32 $0xFFFFC180  }
0x2a: {  	[tilespmem:s26], [sflag:$0x2] =	stream.indirect.gather [hbm4b:s5+s24], $0x80, s30, s24, $0xb8;
	[tilespmem:$0x1E080] =	vst v63  }
0x2b: {  	_ =	swait.ge [sflag:s28], $0x3E80  }
0x2c: {  	[sflag:s28] =	ssyncset.done $0x0  }
0x2d: {  	[sflag:s28] =	ssyncadd.s32 $0xFFFFC180  }
0x2e: {  	[spmem:s2] =	stream.indirect.scatter.add.f32 [tilespmem:s25], [sflag:$0x3], $0x80, s31, s24, $0xb8;
	[tilespmem:$0x1E080] =	vst v63  }
0x2f: {  	_ =	swait.ge [sflag:s22], $0x3E80  }
0x30: {  	[sflag:s22] =	ssyncset.done $0x0  }
0x31: {  	[sflag:s22] =	ssyncadd.s32 $0xFFFFC180  }
0x32: {  	_ =	swait.ge [sflag:s29], $0x3E80  }
0x33: {  	[sflag:s29] =	ssyncset.done $0x0  }
0x34: {  	[sflag:s29] =	ssyncadd.s32 $0xFFFFC180  }
0x35: {  	[spmem:s2] =	stream.indirect.scatter.add.f32 [tilespmem:s26], [sflag:$0x3], $0x80, s0, s24, $0xb8;
	[tilespmem:$0x1E080] =	vst v63  }
0x36: {  	_ =	swait.ge [sflag:s22], $0x3E80  }
0x37: {  	[sflag:s22] =	ssyncset.done $0x0  }
0x38: {  	[sflag:s22] =	ssyncadd.s32 $0xFFFFC180  }
0x39: {  	[bflag:$0x0] =	sbarrier.arrive $0xFFFF  }
0x3a: {  	s7 =	simm.s32 @p0 $0x1FC3;
	s8 =	rddreg [dreg:$0xa]  }
0x3b: {  	[hbm:s8], [sflag:s7] =	dma.local @p0 [spmem:s19], $0x2800  }
0x3c: {  	s7 =	simm.s32 @p0 $0x3  }
0x3d: {  	_ =	swait.ge @p0 [sflag:s7], $0x2800  }
0x3e: {  	[sflag:s7] =	ssyncset.done @p0 $0x0  }
0x3f: {  	[sflag:s7] =	ssyncadd.s32 @p0 $0xFFFFD800;
	s7 =	rddreg [dreg:$0x9]  }
0x40: {  	[hbm:s7], [sflag:s18] =	dma.local @!p0 [spmem:s17], $0x2700  }
0x41: {  	s7 =	simm.s32 @!p0 $0x3  }
0x42: {  	_ =	swait.ge @!p0 [sflag:s7], $0x2700  }
0x43: {  	[sflag:s7] =	ssyncset.done @!p0 $0x0  }
0x44: {  	[sflag:s7] =	ssyncadd.s32 @!p0 $0xFFFFD900  }
.LBB2_15:
0x45: {  	s16 =	sadd.s32 $0x1, s16  }
0x46: {  	p6 =	sne.s32 s16, s20  }
.Ltmp1:
0x47: {  	_ = 	snop;
	(pc) =	sbr.rel @!p6 .LBB2_16-.Ltmp1, $1  }
0x48: {  	_ =	sdelay $0x3  }
.LBB2_1:
0x49: {  	s7 =	simm.s32 @!p1 $0x1FC1;
	s8 =	rddreg [dreg:$0x7]  }
0x4a: {  	[spmem:s21], [sflag:s7] =	dma.local @!p1 [hbm:s8], $0x2800  }
0x4b: {  	s7 =	sshrl.u32 @!p2 s9, $0x3;
	s8 =	simm.s32 @!p2 $0x1FC1;
	s10 =	rddreg [dreg:$0x6]  }
0x4c: {  	[spmem:s7], [sflag:s8] =	dma.local @!p2 [hbm:s10], $0x2800  }
0x4d: {  	s7 =	sshll.u32 @!p3 s3, $0x6  }
0x4e: {  	s8 =	sshrl.u32 @!p3 s6, $0x3;
	s7 =	sor.u32 @!p3 $0x1C01, s7;
	s10 =	rddreg [dreg:$0x5]  }
0x4f: {  	[spmem:s8], [sflag:s7] =	dma.local @!p3 [hbm:s10], $0x2700  }
0x50: {  	s7 =	sshll.u32 @!p4 s3, $0x6  }
0x51: {  	s8 =	sshrl.u32 @!p4 s6, $0x3;
	s7 =	sor.u32 @!p4 $0x1C01, s7;
	s10 =	rddreg [dreg:$0x4]  }
0x52: {  	[spmem:s8], [sflag:s7] =	dma.local @!p4 [hbm:s10], $0x2700  }
0x53: {  	s7 =	rddreg [dreg:$0x8]  }
0x54: {  	[tilespmem:s4], [sflag:$0x3] =	stream.linear.gather [hbm4b:s7+s4], $0x1400, $0x38;
	[tilespmem:$0x1E080] =	vst v63  }
0x55: {  	_ =	swait.ge [sflag:s22], $0x1400  }
0x56: {  	[sflag:s22] =	ssyncset.done $0x0  }
0x57: {  	[sflag:s22] =	ssyncadd.s32 $0xFFFFEC00  }
0x58: {  	[tilespmem:s23], [sflag:$0x3] =	stream.linear.gather [hbm4b:s13+s4], $0x1400, $0x38;
	[tilespmem:$0x1E080] =	vst v63  }
0x59: {  	_ =	swait.ge [sflag:s22], $0x1400  }
0x5a: {  	[sflag:s22] =	ssyncset.done $0x0  }
0x5b: {  	s7 =	simm.s32 @p0 $0x1;
	[sflag:s22] =	ssyncadd.s32 $0xFFFFEC00  }
0x5c: {  	_ =	swait.ge @p0 [sflag:s7], $0x2800  }
0x5d: {  	[sflag:s7] =	ssyncset.done @p0 $0x0  }
0x5e: {  	[sflag:s7] =	ssyncadd.s32 @p0 $0xFFFFD800;
	s7 =	simm.s32 @!p0 $0x1  }
.Ltmp2:
0x5f: {  	_ =	swait.ge @!p0 [sflag:s7], $0x2700;
	(pc) =	sbr.rel @p5 .LBB2_5-.Ltmp2, $4  }
0x60: {  	[sflag:s7] =	ssyncset.done @!p0 $0x0  }
0x61: {  	[sflag:s7] =	ssyncadd.s32 @!p0 $0xFFFFD900  }
0x62: {  	[bflag:$0x0] =	sbarrier.arrive $0xFFFF  }
0x63: {  	s7 =	simm.s32 $0x0  }
0x64: {  	[tilespmem:s25], [sflag:$0x1] =	stream.indirect.gather [hbm4b:s1+s24], $0x80, s7, s24, $0xb8;
	[tilespmem:$0x1E080] =	vst v63  }
0x65: {  	s12 =	simm.s32 $0x80  }
0x66: {  	[tilespmem:s26], [sflag:$0x2] =	stream.indirect.gather [hbm4b:s1+s24], $0x80, s12, s24, $0xb8;
	[tilespmem:$0x1E080] =	vst v63  }
0x67: {  	_ =	swait.ge [sflag:s28], $0x3E80  }
0x68: {  	[sflag:s28] =	ssyncset.done $0x0  }
0x69: {  	s17 =	simm.s32 $0x1400;
	[sflag:s28] =	ssyncadd.s32 $0xFFFFC180  }
0x6a: {  	[spmem:s2] =	stream.indirect.scatter.add.f32 [tilespmem:s25], [sflag:$0x3], $0x80, s17, s24, $0xb8;
	[tilespmem:$0x1E080] =	vst v63  }
0x6b: {  	_ =	swait.ge [sflag:s22], $0x3E80  }
0x6c: {  	[sflag:s22] =	ssyncset.done $0x0  }
0x6d: {  	s18 =	simm.s32 $0x100;
	[sflag:s22] =	ssyncadd.s32 $0xFFFFC180  }
0x6e: {  	[tilespmem:s25], [sflag:$0x1] =	stream.indirect.gather [hbm4b:s1+s24], $0x80, s18, s24, $0xb8;
	[tilespmem:$0x1E080] =	vst v63  }
0x6f: {  	_ =	swait.ge [sflag:s29], $0x3E80  }
0x70: {  	[sflag:s29] =	ssyncset.done $0x0  }
0x71: {  	s19 =	simm.s32 $0x1480;
	[sflag:s29] =	ssyncadd.s32 $0xFFFFC180  }
0x72: {  	[spmem:s2] =	stream.indirect.scatter.add.f32 [tilespmem:s26], [sflag:$0x3], $0x80, s19, s24, $0xb8;
	[tilespmem:$0x1E080] =	vst v63  }
0x73: {  	_ =	swait.ge [sflag:s22], $0x3E80  }
0x74: {  	s7 =	simm.s32 $0x800;
	s17 =	simm.s32 $0x100;
	[sflag:s22] =	ssyncset.done $0x0  }
.LBB2_3:
0x75: {  	s8 =	sadd.s32 $0x80, s17  }
0x76: {  	[sflag:s22] =	ssyncadd.s32 $0xFFFFC180;
	s18 =	smov.u32 s7;
	s19 =	sadd.s32 $0x400, s7  }
0x77: {  	[tilespmem:s26], [sflag:$0x2] =	stream.indirect.gather [hbm4b:s1+s24], $0x80, s8, s24, $0xb8;
	[tilespmem:$0x1E080] =	vst v63  }
0x78: {  	p6 =	seq.s32 s7, $0x4800;
	_ =	swait.ge [sflag:s28], $0x3E80  }
0x79: {  	[sflag:s28] =	ssyncset.done $0x0  }
0x7a: {  	s7 =	sadd.s32 $0x1400, s17;
	[sflag:s28] =	ssyncadd.s32 $0xFFFFC180  }
0x7b: {  	[spmem:s2] =	stream.indirect.scatter.add.f32 [tilespmem:s25], [sflag:$0x3], $0x80, s7, s24, $0xb8;
	[tilespmem:$0x1E080] =	vst v63  }
0x7c: {  	_ =	swait.ge [sflag:s22], $0x3E80  }
0x7d: {  	[sflag:s22] =	ssyncset.done $0x0  }
0x7e: {  	s7 =	sadd.s32 $0x100, s17;
	[sflag:s22] =	ssyncadd.s32 $0xFFFFC180  }
0x7f: {  	[tilespmem:s25], [sflag:$0x1] =	stream.indirect.gather [hbm4b:s1+s24], $0x80, s7, s24, $0xb8;
	[tilespmem:$0x1E080] =	vst v63  }
0x80: {  	_ =	swait.ge [sflag:s29], $0x3E80  }
.Ltmp3:
0x81: {  	[sflag:s29] =	ssyncset.done $0x0;
	(pc) =	sbr.rel @!p6 .LBB2_3-.Ltmp3, $4  }
0x82: {  	s7 =	sadd.s32 $0x1480, s17;
	[sflag:s29] =	ssyncadd.s32 $0xFFFFC180  }
0x83: {  	[spmem:s2] =	stream.indirect.scatter.add.f32 [tilespmem:s26], [sflag:$0x3], $0x80, s7, s24, $0xb8;
	[tilespmem:$0x1E080] =	vst v63  }
0x84: {  	_ =	swait.ge [sflag:s22], $0x3E80  }
0x85: {  	s17 =	sshra.s32 s18, $0x2;
	s7 =	smov.u32 s19;
	[sflag:s22] =	ssyncset.done $0x0  }
0x86: {  	s7 =	sadd.s32 $0x80, s17;
	[sflag:s22] =	ssyncadd.s32 $0xFFFFC180  }
0x87: {  	[tilespmem:s26], [sflag:$0x2] =	stream.indirect.gather [hbm4b:s1+s24], $0x80, s7, s24, $0xb8;
	[tilespmem:$0x1E080] =	vst v63  }
0x88: {  	_ =	swait.ge [sflag:s28], $0x3E80  }
0x89: {  	[sflag:s28] =	ssyncset.done $0x0  }
0x8a: {  	s12 =	sadd.s32 $0x1400, s17;
	[sflag:s28] =	ssyncadd.s32 $0xFFFFC180  }
0x8b: {  	[spmem:s2] =	stream.indirect.scatter.add.f32 [tilespmem:s25], [sflag:$0x3], $0x80, s12, s24, $0xb8;
	[tilespmem:$0x1E080] =	vst v63  }
0x8c: {  	_ =	swait.ge [sflag:s22], $0x3E80  }
0x8d: {  	[sflag:s22] =	ssyncset.done $0x0  }
0x8e: {  	s18 =	sadd.s32 $0x100, s17;
	[sflag:s22] =	ssyncadd.s32 $0xFFFFC180  }
0x8f: {  	[tilespmem:s25], [sflag:$0x1] =	stream.indirect.gather [hbm4b:s1+s24], $0x80, s18, s24, $0xb8;
	[tilespmem:$0x1E080] =	vst v63  }
0x90: {  	_ =	swait.ge [sflag:s29], $0x3E80  }
0x91: {  	[sflag:s29] =	ssyncset.done $0x0  }
0x92: {  	s19 =	sadd.s32 $0x1480, s17;
	[sflag:s29] =	ssyncadd.s32 $0xFFFFC180  }
0x93: {  	[spmem:s2] =	stream.indirect.scatter.add.f32 [tilespmem:s26], [sflag:$0x3], $0x80, s19, s24, $0xb8;
	[tilespmem:$0x1E080] =	vst v63  }
.Ltmp4:
0x94: {  	_ = 	snop;
	(pc) =	sbr.rel .LBB2_8-.Ltmp4, $4  }
0x95: {  	_ =	swait.ge [sflag:s22], $0x3E80  }
0x96: {  	[sflag:s22] =	ssyncset.done $0x0  }
0x97: {  	[sflag:s22] =	ssyncadd.s32 $0xFFFFC180  }
0x98: {  	[tilespmem:s26], [sflag:$0x2] =	stream.indirect.gather [hbm4b:s1+s24], $0x80, s30, s24, $0xb8;
	[tilespmem:$0x1E080] =	vst v63  }
.LBB2_5:
0x99: {  	[tilespmem:s25], [sflag:$0x1] =	stream.indirect.gather [hbm4b:s5+s24], $0x80, s7, s24, $0xb8;
	[tilespmem:$0x1E080] =	vst v63  }
0x9a: {  	s12 =	simm.s32 $0x80  }
0x9b: {  	[tilespmem:s26], [sflag:$0x2] =	stream.indirect.gather [hbm4b:s5+s24], $0x80, s12, s24, $0xb8;
	[tilespmem:$0x1E080] =	vst v63  }
0x9c: {  	_ =	swait.ge [sflag:s28], $0x3E80  }
0x9d: {  	[sflag:s28] =	ssyncset.done $0x0  }
0x9e: {  	s17 =	simm.s32 $0x1400;
	[sflag:s28] =	ssyncadd.s32 $0xFFFFC180  }
0x9f: {  	[spmem:s2] =	stream.indirect.scatter.add.f32 [tilespmem:s25], [sflag:$0x3], $0x80, s17, s24, $0xb8;
	[tilespmem:$0x1E080] =	vst v63  }
0xa0: {  	_ =	swait.ge [sflag:s22], $0x3E80  }
0xa1: {  	[sflag:s22] =	ssyncset.done $0x0  }
0xa2: {  	s18 =	simm.s32 $0x100;
	[sflag:s22] =	ssyncadd.s32 $0xFFFFC180  }
0xa3: {  	[tilespmem:s25], [sflag:$0x1] =	stream.indirect.gather [hbm4b:s5+s24], $0x80, s18, s24, $0xb8;
	[tilespmem:$0x1E080] =	vst v63  }
0xa4: {  	_ =	swait.ge [sflag:s29], $0x3E80  }
0xa5: {  	[sflag:s29] =	ssyncset.done $0x0  }
0xa6: {  	s19 =	simm.s32 $0x1480;
	[sflag:s29] =	ssyncadd.s32 $0xFFFFC180  }
0xa7: {  	[spmem:s2] =	stream.indirect.scatter.add.f32 [tilespmem:s26], [sflag:$0x3], $0x80, s19, s24, $0xb8;
	[tilespmem:$0x1E080] =	vst v63  }
0xa8: {  	_ =	swait.ge [sflag:s22], $0x3E80  }
0xa9: {  	s7 =	simm.s32 $0x800;
	s17 =	simm.s32 $0x100;
	[sflag:s22] =	ssyncset.done $0x0  }
.LBB2_6:
0xaa: {  	s8 =	sadd.s32 $0x80, s17  }
0xab: {  	[sflag:s22] =	ssyncadd.s32 $0xFFFFC180;
	s18 =	smov.u32 s7;
	s19 =	sadd.s32 $0x400, s7  }
0xac: {  	[tilespmem:s26], [sflag:$0x2] =	stream.indirect.gather [hbm4b:s5+s24], $0x80, s8, s24, $0xb8;
	[tilespmem:$0x1E080] =	vst v63  }
0xad: {  	p6 =	seq.s32 s7, $0x4800;
	_ =	swait.ge [sflag:s28], $0x3E80  }
0xae: {  	[sflag:s28] =	ssyncset.done $0x0  }
0xaf: {  	s7 =	sadd.s32 $0x1400, s17;
	[sflag:s28] =	ssyncadd.s32 $0xFFFFC180  }
0xb0: {  	[spmem:s2] =	stream.indirect.scatter.add.f32 [tilespmem:s25], [sflag:$0x3], $0x80, s7, s24, $0xb8;
	[tilespmem:$0x1E080] =	vst v63  }
0xb1: {  	_ =	swait.ge [sflag:s22], $0x3E80  }
0xb2: {  	[sflag:s22] =	ssyncset.done $0x0  }
0xb3: {  	s7 =	sadd.s32 $0x100, s17;
	[sflag:s22] =	ssyncadd.s32 $0xFFFFC180  }
0xb4: {  	[tilespmem:s25], [sflag:$0x1] =	stream.indirect.gather [hbm4b:s5+s24], $0x80, s7, s24, $0xb8;
	[tilespmem:$0x1E080] =	vst v63  }
0xb5: {  	_ =	swait.ge [sflag:s29], $0x3E80  }
.Ltmp5:
0xb6: {  	[sflag:s29] =	ssyncset.done $0x0;
	(pc) =	sbr.rel @!p6 .LBB2_6-.Ltmp5, $4  }
0xb7: {  	s7 =	sadd.s32 $0x1480, s17;
	[sflag:s29] =	ssyncadd.s32 $0xFFFFC180  }
0xb8: {  	[spmem:s2] =	stream.indirect.scatter.add.f32 [tilespmem:s26], [sflag:$0x3], $0x80, s7, s24, $0xb8;
	[tilespmem:$0x1E080] =	vst v63  }
0xb9: {  	_ =	swait.ge [sflag:s22], $0x3E80  }
0xba: {  	s17 =	sshra.s32 s18, $0x2;
	s7 =	smov.u32 s19;
	[sflag:s22] =	ssyncset.done $0x0  }
0xbb: {  	s7 =	sadd.s32 $0x80, s17;
	[sflag:s22] =	ssyncadd.s32 $0xFFFFC180  }
0xbc: {  	[tilespmem:s26], [sflag:$0x2] =	stream.indirect.gather [hbm4b:s5+s24], $0x80, s7, s24, $0xb8;
	[tilespmem:$0x1E080] =	vst v63  }
0xbd: {  	_ =	swait.ge [sflag:s28], $0x3E80  }
0xbe: {  	[sflag:s28] =	ssyncset.done $0x0  }
0xbf: {  	s12 =	sadd.s32 $0x1400, s17;
	[sflag:s28] =	ssyncadd.s32 $0xFFFFC180  }
0xc0: {  	[spmem:s2] =	stream.indirect.scatter.add.f32 [tilespmem:s25], [sflag:$0x3], $0x80, s12, s24, $0xb8;
	[tilespmem:$0x1E080] =	vst v63  }
0xc1: {  	_ =	swait.ge [sflag:s22], $0x3E80  }
0xc2: {  	[sflag:s22] =	ssyncset.done $0x0  }
0xc3: {  	s18 =	sadd.s32 $0x100, s17;
	[sflag:s22] =	ssyncadd.s32 $0xFFFFC180  }
0xc4: {  	[tilespmem:s25], [sflag:$0x1] =	stream.indirect.gather [hbm4b:s5+s24], $0x80, s18, s24, $0xb8;
	[tilespmem:$0x1E080] =	vst v63  }
0xc5: {  	_ =	swait.ge [sflag:s29], $0x3E80  }
0xc6: {  	[sflag:s29] =	ssyncset.done $0x0  }
0xc7: {  	s19 =	sadd.s32 $0x1480, s17;
	[sflag:s29] =	ssyncadd.s32 $0xFFFFC180  }
0xc8: {  	[spmem:s2] =	stream.indirect.scatter.add.f32 [tilespmem:s26], [sflag:$0x3], $0x80, s19, s24, $0xb8;
	[tilespmem:$0x1E080] =	vst v63  }
0xc9: {  	_ =	swait.ge [sflag:s22], $0x3E80  }
0xca: {  	[sflag:s22] =	ssyncset.done $0x0  }
0xcb: {  	[sflag:s22] =	ssyncadd.s32 $0xFFFFC180  }
0xcc: {  	[tilespmem:s26], [sflag:$0x2] =	stream.indirect.gather [hbm4b:s5+s24], $0x80, s30, s24, $0xb8;
	[tilespmem:$0x1E080] =	vst v63  }
.LBB2_8:
0xcd: {  	_ =	swait.ge [sflag:s28], $0x3E80  }
0xce: {  	[sflag:s28] =	ssyncset.done $0x0  }
0xcf: {  	[sflag:s28] =	ssyncadd.s32 $0xFFFFC180  }
0xd0: {  	[spmem:s2] =	stream.indirect.scatter.add.f32 [tilespmem:s25], [sflag:$0x3], $0x80, s31, s24, $0xb8;
	[tilespmem:$0x1E080] =	vst v63  }
0xd1: {  	_ =	swait.ge [sflag:s22], $0x3E80  }
0xd2: {  	[sflag:s22] =	ssyncset.done $0x0  }
0xd3: {  	[sflag:s22] =	ssyncadd.s32 $0xFFFFC180  }
0xd4: {  	_ =	swait.ge [sflag:s29], $0x3E80  }
0xd5: {  	[sflag:s29] =	ssyncset.done $0x0  }
0xd6: {  	[sflag:s29] =	ssyncadd.s32 $0xFFFFC180  }
0xd7: {  	[spmem:s2] =	stream.indirect.scatter.add.f32 [tilespmem:s26], [sflag:$0x3], $0x80, s0, s24, $0xb8;
	[tilespmem:$0x1E080] =	vst v63  }
0xd8: {  	_ =	swait.ge [sflag:s22], $0x3E80  }
0xd9: {  	[sflag:s22] =	ssyncset.done $0x0  }
0xda: {  	[sflag:s22] =	ssyncadd.s32 $0xFFFFC180  }
0xdb: {  	[tilespmem:s4], [sflag:$0x3] =	stream.linear.gather [hbm4b:s14+s4], $0x1400, $0x38;
	[tilespmem:$0x1E080] =	vst v63  }
0xdc: {  	_ =	swait.ge [sflag:s22], $0x1400  }
0xdd: {  	[sflag:s22] =	ssyncset.done $0x0  }
.Ltmp6:
0xde: {  	[sflag:s22] =	ssyncadd.s32 $0xFFFFEC00;
	(pc) =	sbr.rel @p5 .LBB2_12-.Ltmp6, $4  }
0xdf: {  	[tilespmem:s23], [sflag:$0x3] =	stream.linear.gather [hbm4b:s15+s4], $0x1400, $0x38;
	[tilespmem:$0x1E080] =	vst v63  }
0xe0: {  	s7 =	sshll.u32 @!p0 s3, $0x6;
	_ =	swait.ge [sflag:s22], $0x1400  }
0xe1: {  	s19 =	sshrl.u32 @p0 s9, $0x3;
	s17 =	sshrl.u32 @!p0 s6, $0x3;
	[sflag:s22] =	ssyncset.done $0x0  }
0xe2: {  	s18 =	sor.u32 @!p0 $0x1C03, s7;
	s7 =	simm.s32 $0x0;
	[sflag:s22] =	ssyncadd.s32 $0xFFFFEC00  }
0xe3: {  	[tilespmem:s25], [sflag:$0x1] =	stream.indirect.gather [hbm4b:s1+s24], $0x80, s7, s24, $0xb8;
	[tilespmem:$0x1E080] =	vst v63  }
0xe4: {  	s8 =	simm.s32 $0x80  }
0xe5: {  	[tilespmem:s26], [sflag:$0x2] =	stream.indirect.gather [hbm4b:s1+s24], $0x80, s8, s24, $0xb8;
	[tilespmem:$0x1E080] =	vst v63  }
0xe6: {  	_ =	swait.ge [sflag:s28], $0x3E80  }
0xe7: {  	[sflag:s28] =	ssyncset.done $0x0  }
0xe8: {  	s10 =	simm.s32 $0x1400;
	[sflag:s28] =	ssyncadd.s32 $0xFFFFC180  }
0xe9: {  	[spmem:s2] =	stream.indirect.scatter.add.f32 [tilespmem:s25], [sflag:$0x3], $0x80, s10, s24, $0xb8;
	[tilespmem:$0x1E080] =	vst v63  }
0xea: {  	_ =	swait.ge [sflag:s22], $0x3E80  }
0xeb: {  	[sflag:s22] =	ssyncset.done $0x0  }
0xec: {  	s11 =	simm.s32 $0x100;
	[sflag:s22] =	ssyncadd.s32 $0xFFFFC180  }
0xed: {  	[tilespmem:s25], [sflag:$0x1] =	stream.indirect.gather [hbm4b:s1+s24], $0x80, s11, s24, $0xb8;
	[tilespmem:$0x1E080] =	vst v63  }
0xee: {  	_ =	swait.ge [sflag:s29], $0x3E80  }
0xef: {  	[sflag:s29] =	ssyncset.done $0x0  }
0xf0: {  	s12 =	simm.s32 $0x1480;
	[sflag:s29] =	ssyncadd.s32 $0xFFFFC180  }
0xf1: {  	[spmem:s2] =	stream.indirect.scatter.add.f32 [tilespmem:s26], [sflag:$0x3], $0x80, s12, s24, $0xb8;
	[tilespmem:$0x1E080] =	vst v63  }
0xf2: {  	_ =	swait.ge [sflag:s22], $0x3E80  }
0xf3: {  	s7 =	simm.s32 $0x100;
	s8 =	simm.s32 $0x800;
	[sflag:s22] =	ssyncset.done $0x0  }
.LBB2_10:
0xf4: {  	s10 =	sadd.s32 $0x80, s7  }
0xf5: {  	[sflag:s22] =	ssyncadd.s32 $0xFFFFC180;
	s11 =	smov.u32 s8;
	s12 =	sadd.s32 $0x400, s8  }
0xf6: {  	[tilespmem:s26], [sflag:$0x2] =	stream.indirect.gather [hbm4b:s1+s24], $0x80, s10, s24, $0xb8;
	[tilespmem:$0x1E080] =	vst v63  }
0xf7: {  	p6 =	seq.s32 s8, $0x4800;
	_ =	swait.ge [sflag:s28], $0x3E80  }
0xf8: {  	[sflag:s28] =	ssyncset.done $0x0  }
0xf9: {  	s8 =	sadd.s32 $0x1400, s7;
	[sflag:s28] =	ssyncadd.s32 $0xFFFFC180  }
0xfa: {  	[spmem:s2] =	stream.indirect.scatter.add.f32 [tilespmem:s25], [sflag:$0x3], $0x80, s8, s24, $0xb8;
	[tilespmem:$0x1E080] =	vst v63  }
0xfb: {  	_ =	swait.ge [sflag:s22], $0x3E80  }
0xfc: {  	[sflag:s22] =	ssyncset.done $0x0  }
0xfd: {  	s8 =	sadd.s32 $0x100, s7;
	[sflag:s22] =	ssyncadd.s32 $0xFFFFC180  }
0xfe: {  	[tilespmem:s25], [sflag:$0x1] =	stream.indirect.gather [hbm4b:s1+s24], $0x80, s8, s24, $0xb8;
	[tilespmem:$0x1E080] =	vst v63  }
0xff: {  	_ =	swait.ge [sflag:s29], $0x3E80  }
.Ltmp7:
0x100: {  	[sflag:s29] =	ssyncset.done $0x0;
	(pc) =	sbr.rel @!p6 .LBB2_10-.Ltmp7, $4  }
0x101: {  	s7 =	sadd.s32 $0x1480, s7;
	[sflag:s29] =	ssyncadd.s32 $0xFFFFC180  }
0x102: {  	[spmem:s2] =	stream.indirect.scatter.add.f32 [tilespmem:s26], [sflag:$0x3], $0x80, s7, s24, $0xb8;
	[tilespmem:$0x1E080] =	vst v63  }
0x103: {  	_ =	swait.ge [sflag:s22], $0x3E80  }
0x104: {  	s8 =	smov.u32 s12;
	s7 =	sshra.s32 s11, $0x2;
	[sflag:s22] =	ssyncset.done $0x0  }
0x105: {  	s8 =	sadd.s32 $0x80, s7;
	[sflag:s22] =	ssyncadd.s32 $0xFFFFC180  }
0x106: {  	[tilespmem:s26], [sflag:$0x2] =	stream.indirect.gather [hbm4b:s1+s24], $0x80, s8, s24, $0xb8;
	[tilespmem:$0x1E080] =	vst v63  }
0x107: {  	_ =	swait.ge [sflag:s28], $0x3E80  }
0x108: {  	[sflag:s28] =	ssyncset.done $0x0  }
0x109: {  	s10 =	sadd.s32 $0x1400, s7;
	[sflag:s28] =	ssyncadd.s32 $0xFFFFC180  }
0x10a: {  	[spmem:s2] =	stream.indirect.scatter.add.f32 [tilespmem:s25], [sflag:$0x3], $0x80, s10, s24, $0xb8;
	[tilespmem:$0x1E080] =	vst v63  }
0x10b: {  	_ =	swait.ge [sflag:s22], $0x3E80  }
0x10c: {  	[sflag:s22] =	ssyncset.done $0x0  }
0x10d: {  	s11 =	sadd.s32 $0x100, s7;
	[sflag:s22] =	ssyncadd.s32 $0xFFFFC180  }
0x10e: {  	[tilespmem:s25], [sflag:$0x1] =	stream.indirect.gather [hbm4b:s1+s24], $0x80, s11, s24, $0xb8;
	[tilespmem:$0x1E080] =	vst v63  }
0x10f: {  	_ =	swait.ge [sflag:s29], $0x3E80  }
0x110: {  	[sflag:s29] =	ssyncset.done $0x0  }
0x111: {  	s12 =	sadd.s32 $0x1480, s7;
	[sflag:s29] =	ssyncadd.s32 $0xFFFFC180  }
0x112: {  	[spmem:s2] =	stream.indirect.scatter.add.f32 [tilespmem:s26], [sflag:$0x3], $0x80, s12, s24, $0xb8;
	[tilespmem:$0x1E080] =	vst v63  }
0x113: {  	_ =	swait.ge [sflag:s22], $0x3E80  }
0x114: {  	[sflag:s22] =	ssyncset.done $0x0  }
0x115: {  	[sflag:s22] =	ssyncadd.s32 $0xFFFFC180  }
0x116: {  	[tilespmem:s26], [sflag:$0x2] =	stream.indirect.gather [hbm4b:s1+s24], $0x80, s30, s24, $0xb8;
	[tilespmem:$0x1E080] =	vst v63  }
0x117: {  	_ =	swait.ge [sflag:s28], $0x3E80  }
0x118: {  	[sflag:s28] =	ssyncset.done $0x0  }
0x119: {  	[sflag:s28] =	ssyncadd.s32 $0xFFFFC180  }
0x11a: {  	[spmem:s2] =	stream.indirect.scatter.add.f32 [tilespmem:s25], [sflag:$0x3], $0x80, s31, s24, $0xb8;
	[tilespmem:$0x1E080] =	vst v63  }
0x11b: {  	_ =	swait.ge [sflag:s22], $0x3E80  }
0x11c: {  	[sflag:s22] =	ssyncset.done $0x0  }
0x11d: {  	[sflag:s22] =	ssyncadd.s32 $0xFFFFC180  }
0x11e: {  	_ =	swait.ge [sflag:s29], $0x3E80  }
0x11f: {  	[sflag:s29] =	ssyncset.done $0x0  }
0x120: {  	[sflag:s29] =	ssyncadd.s32 $0xFFFFC180  }
0x121: {  	[spmem:s2] =	stream.indirect.scatter.add.f32 [tilespmem:s26], [sflag:$0x3], $0x80, s0, s24, $0xb8;
	[tilespmem:$0x1E080] =	vst v63  }
0x122: {  	_ =	swait.ge [sflag:s22], $0x3E80  }
0x123: {  	[sflag:s22] =	ssyncset.done $0x0  }
0x124: {  	[sflag:s22] =	ssyncadd.s32 $0xFFFFC180  }
0x125: {  	[bflag:$0x0] =	sbarrier.arrive $0xFFFF  }
0x126: {  	s7 =	simm.s32 @p0 $0x1FC3;
	s8 =	rddreg [dreg:$0xc]  }
0x127: {  	[hbm:s8], [sflag:s7] =	dma.local @p0 [spmem:s19], $0x2800  }
0x128: {  	s7 =	simm.s32 @p0 $0x3  }
0x129: {  	_ =	swait.ge @p0 [sflag:s7], $0x2800  }
0x12a: {  	[sflag:s7] =	ssyncset.done @p0 $0x0  }
0x12b: {  	[sflag:s7] =	ssyncadd.s32 @p0 $0xFFFFD800;
	s7 =	rddreg [dreg:$0xb]  }
0x12c: {  	[hbm:s7], [sflag:s18] =	dma.local @!p0 [spmem:s17], $0x2700  }
.Ltmp8:
0x12d: {  	_ = 	snop;
	(pc) =	sbr.rel .LBB2_15-.Ltmp8, $4  }
0x12e: {  	s7 =	simm.s32 @!p0 $0x3  }
0x12f: {  	_ =	swait.ge @!p0 [sflag:s7], $0x2700  }
0x130: {  	[sflag:s7] =	ssyncset.done @!p0 $0x0  }
0x131: {  	[sflag:s7] =	ssyncadd.s32 @!p0 $0xFFFFD900  }
.LBB2_12:
0x132: {  	[tilespmem:s25], [sflag:$0x1] =	stream.indirect.gather [hbm4b:s5+s24], $0x80, s7, s24, $0xb8;
	[tilespmem:$0x1E080] =	vst v63  }
0x133: {  	s8 =	simm.s32 $0x80  }
0x134: {  	[tilespmem:s26], [sflag:$0x2] =	stream.indirect.gather [hbm4b:s5+s24], $0x80, s8, s24, $0xb8;
	[tilespmem:$0x1E080] =	vst v63  }
0x135: {  	_ =	swait.ge [sflag:s28], $0x3E80  }
0x136: {  	[sflag:s28] =	ssyncset.done $0x0  }
0x137: {  	s10 =	simm.s32 $0x1400;
	[sflag:s28] =	ssyncadd.s32 $0xFFFFC180  }
0x138: {  	[spmem:s2] =	stream.indirect.scatter.add.f32 [tilespmem:s25], [sflag:$0x3], $0x80, s10, s24, $0xb8;
	[tilespmem:$0x1E080] =	vst v63  }
0x139: {  	_ =	swait.ge [sflag:s22], $0x3E80  }
0x13a: {  	[sflag:s22] =	ssyncset.done $0x0  }
0x13b: {  	s11 =	simm.s32 $0x100;
	[sflag:s22] =	ssyncadd.s32 $0xFFFFC180  }
0x13c: {  	[tilespmem:s25], [sflag:$0x1] =	stream.indirect.gather [hbm4b:s5+s24], $0x80, s11, s24, $0xb8;
	[tilespmem:$0x1E080] =	vst v63  }
0x13d: {  	_ =	swait.ge [sflag:s29], $0x3E80  }
0x13e: {  	[sflag:s29] =	ssyncset.done $0x0  }
0x13f: {  	s12 =	simm.s32 $0x1480;
	[sflag:s29] =	ssyncadd.s32 $0xFFFFC180  }
0x140: {  	[spmem:s2] =	stream.indirect.scatter.add.f32 [tilespmem:s26], [sflag:$0x3], $0x80, s12, s24, $0xb8;
	[tilespmem:$0x1E080] =	vst v63  }
0x141: {  	_ =	swait.ge [sflag:s22], $0x3E80  }
0x142: {  	s7 =	simm.s32 $0x100;
	s8 =	simm.s32 $0x800;
	[sflag:s22] =	ssyncset.done $0x0  }
.LBB2_13:
0x143: {  	s10 =	sadd.s32 $0x80, s7  }
0x144: {  	[sflag:s22] =	ssyncadd.s32 $0xFFFFC180;
	s11 =	smov.u32 s8;
	s12 =	sadd.s32 $0x400, s8  }
0x145: {  	[tilespmem:s26], [sflag:$0x2] =	stream.indirect.gather [hbm4b:s5+s24], $0x80, s10, s24, $0xb8;
	[tilespmem:$0x1E080] =	vst v63  }
0x146: {  	p6 =	sne.s32 s8, $0x4800;
	_ =	swait.ge [sflag:s28], $0x3E80  }
0x147: {  	[sflag:s28] =	ssyncset.done $0x0  }
0x148: {  	s8 =	sadd.s32 $0x1400, s7;
	[sflag:s28] =	ssyncadd.s32 $0xFFFFC180  }
0x149: {  	[spmem:s2] =	stream.indirect.scatter.add.f32 [tilespmem:s25], [sflag:$0x3], $0x80, s8, s24, $0xb8;
	[tilespmem:$0x1E080] =	vst v63  }
0x14a: {  	_ =	swait.ge [sflag:s22], $0x3E80  }
0x14b: {  	[sflag:s22] =	ssyncset.done $0x0  }
0x14c: {  	s8 =	sadd.s32 $0x100, s7;
	[sflag:s22] =	ssyncadd.s32 $0xFFFFC180  }
0x14d: {  	[tilespmem:s25], [sflag:$0x1] =	stream.indirect.gather [hbm4b:s5+s24], $0x80, s8, s24, $0xb8;
	[tilespmem:$0x1E080] =	vst v63  }
0x14e: {  	_ =	swait.ge [sflag:s29], $0x3E80  }
.Ltmp9:
0x14f: {  	[sflag:s29] =	ssyncset.done $0x0;
	(pc) =	sbr.rel @p6 .LBB2_13-.Ltmp9, $4  }
0x150: {  	s7 =	sadd.s32 $0x1480, s7;
	[sflag:s29] =	ssyncadd.s32 $0xFFFFC180  }
0x151: {  	[spmem:s2] =	stream.indirect.scatter.add.f32 [tilespmem:s26], [sflag:$0x3], $0x80, s7, s24, $0xb8;
	[tilespmem:$0x1E080] =	vst v63  }
0x152: {  	_ =	swait.ge [sflag:s22], $0x3E80  }
0x153: {  	s8 =	smov.u32 s12;
	s7 =	sshra.s32 s11, $0x2;
	[sflag:s22] =	ssyncset.done $0x0  }
.Ltmp10:
0x154: {  	_ = 	snop;
	(pc) =	sbr.rel .LBB2_14-.Ltmp10, $1  }
0x155: {  	_ =	sdelay $0x3  }
.LBB2_16:
0x156: {  	_ =	sfence.sel $0x180000  }
0x157: {  	[bflag:$0x0] =	sbarrier.arrive $0xFFFF  }
0x158: {  	_ =	strace $0x9000004D  }
0x159: {  	[bflag:$0x2] =	sbarrier.arrive $0xFFFF  }
0x15a: {  	p0 =	sne.s32 s3, $0x0;
	s0 =	rddreg [dreg:$0x3]  }
0x15b: {  	s0 =	sadd.s32 @!p0 $0x100000, s0  }
0x15c: {  	[sflag:s0] =	ssyncadd.tile.s32 @!p0 $0x1;
	_ =	shalt  }
.Lfunc_end2:
_tile_overlayer_lowered:
.L_overlay_start_2:
0x15d: {  	(tag) =	ssettag $0x2  }
0x15e: {  	s0 =	rddreg [dreg:$0x0];
	s2 =	stileid.u32  }
0x15f: {  	s1 =	rddreg [dreg:$0x1];
	p0 =	sne.s32 s2, $0x0  }
0x160: {  	s3 =	rddreg [dreg:$0x2];
	[bflag:$0x3] =	sbarrier.arrive $0xFFFF;
	s2 =	simm.s32 @!p0 $0x1C03  }
0x161: {  	[timem:s3], [sflag:s2] =	dma.local @!p0 [hbm:s0], s1  }
0x162: {  	s0 =	simm.s32 @!p0 $0x3  }
0x163: {  	_ =	swait.ge @!p0 [sflag:s0], s1  }
0x164: {  	s1 =	ssub.s32 @!p0 $0x0, s1;
	[sflag:s0] =	ssyncset.done @!p0 $0x0  }
0x165: {  	[sflag:s0] =	ssyncadd.s32 @!p0 s1  }
0x166: {  	[bflag:$0x3] =	sbarrier.arrive $0xFFFF  }
0x167: {  	_ =	shalt  }

// kernel: kernel.20.cloned.1.call-start
scs
__scs_entry_jumppad:
0x0: {  	(pc) =	sbr.rel $0x88, $3  }
0x1: {  	(tag) =	ssettag $0x0;
	lr =	simm.s32 $0x1  }
0x2: {  	[smem:$0x3F93] =	sst lr;
	_ =	strace $0xD0000000  }
0x3: {  	_ = 	snop  }
0x4: {  	_ = 	snop  }
0x5: {  	_ = 	snop  }
0x6: {  	_ = 	snop  }
0x7: {  	_ = 	snop  }
__scs_overlays_trampoline_lowered:
0x8: {  	[smem:$0x3FA2] =	sst s0  }
0x9: {  	[smem:$0x3FA3] =	sst s1  }
0xa: {  	[smem:$0x3FA4] =	sst s2  }
0xb: {  	[smem:$0x3FA5] =	sst s3  }
0xc: {  	[smem:$0x3FA6] =	sst s4  }
0xd: {  	[smem:$0x3FA7] =	sst s5  }
0xe: {  	[smem:$0x3FA8] =	sst s6  }
0xf: {  	[smem:$0x3FA9] =	sst s7  }
0x10: {  	[smem:$0x3FAA] =	sst s8  }
0x11: {  	[smem:$0x3FAB] =	sst s9;
	s0 =	simm.s32 @!p0 $0x0  }
0x12: {  	s1 =	sld [smem:$0x3F91];
	s0 =	simm.s32 @p0 $0x1  }
0x13: {  	[smem:$0x3FAC] =	sst s0;
	s0 =	simm.s32 @!p1 $0x0  }
0x14: {  	s2 =	sld [smem:$0x3F90];
	s0 =	simm.s32 @p1 $0x1  }
0x15: {  	[smem:$0x3FAD] =	sst s0;
	s0 =	simm.s32 @!p2 $0x0  }
0x16: {  	s3 =	sld [smem:$0x3FDB];
	s0 =	simm.s32 @p2 $0x1  }
0x17: {  	s4 =	simm.s32 $0x1BF5;
	[smem:$0x3FAF] =	sst s0  }
0x18: {  	s0 =	sld [smem:$0x3F92];
	_ =	swait.ge [sflag:s4], $0x0  }
0x19: {  	s7 =	sld [smem:$0x3F93]  }
0x1a: {  	s8 =	sadd.s32 $0xFFFFE003, lr  }
0x1b: {  	s9 =	sadd.s32 $0xFFFFFEF7, lr;
	s5 =	simm.s32 $0xFFFFFFFF;
	p2 =	slt.u32 s8, $0xFFFFF086  }
0x1c: {  	p1 =	slt.u32 s9, $0xF7A;
	s5 =	simm.s32 @!p2 $0x0  }
0x1d: {  	s5 =	simm.s32 @p1 $0x1;
	p0 =	seq.s32 s7, s2  }
0x1e: {  	s7 =	smul.u32 @!p0 $0xF7A, s2;
	p2 =	seq.s32 @!p0 s5, $0x0  }
0x1f: {  	s9 =	smul.u32 $0xF7A, s1;
	s8 =	simm.s32 @!p0 $0x1BF5;
	p2 =	por !p2, p0  }
0x20: {  	[sflag:s8] =	ssyncset.s32 @!p0 $0xFFFFF086;
	s6 =	sadd.s32 @!p0 s3, s7;
	s7 =	simm.s32 @!p0 $0x108  }
0x21: {  	s3 =	sadd.s32 s3, s9;
	s6 =	sadd.s32 @!p0 $0x88, s6;
	s7 =	simm.s32 @p2 $0x1082  }
0x22: {  	[simem:s7], [sflag:s8] =	dma.local @!p0 [hbm:s6], $0xF7A  }
0x23: {  	s9 =	sor.u32 $0xD0000000, s2;
	s6 =	simm.s32 $0x108;
	_ =	swait.ge @!p0 [sflag:s8], $0x0  }
0x24: {  	s3 =	sadd.s32 $0x88, s3;
	s6 =	simm.s32 @!p1 $0x1082;
	[sflag:s4] =	ssyncset.s32 $0xFFFFF086  }
0x25: {  	[simem:s6], [sflag:s4] =	dma.local [hbm:s3], $0xF7A  }
0x26: {  	[smem:$0x3F93] =	sst s1;
	(tag) =	ssettag s2;
	_ =	strace s9  }
0x27: {  	s1 =	sld [smem:$0x3FA3]  }
0x28: {  	s2 =	sld [smem:$0x3FA4]  }
0x29: {  	s4 =	sld [smem:$0x3FA6]  }
0x2a: {  	p0 =	seq.s32 s5, $0x0;
	s5 =	sld [smem:$0x3FA7]  }
0x2b: {  	s6 =	sld [smem:$0x3FA8]  }
0x2c: {  	s7 =	sld [smem:$0x3FA9]  }
0x2d: {  	s3 =	simm.s32 $0x108;
	s8 =	sld [smem:$0x3FAA]  }
0x2e: {  	s3 =	simm.s32 @!p0 $0x1082;
	s9 =	sld [smem:$0x3FAB]  }
0x2f: {  	lr =	sadd.s32 s0, s3;
	s0 =	sld [smem:$0x3FA2]  }
0x30: {  	s3 =	sld [smem:$0x3FA5]  }
0x31: {  	[smem:$0x3FAE] =	sst s10  }
0x32: {  	s10 =	sld [smem:$0x3FAC];
	_ =	sdelay $0x3  }
0x33: {  	p0 =	seq.s32 s10, $0x1;
	s10 =	sld [smem:$0x3FAE];
	_ =	sdelay $0x3  }
0x34: {  	[smem:$0x3FAE] =	sst s10  }
0x35: {  	s10 =	sld [smem:$0x3FAD];
	_ =	sdelay $0x3  }
0x36: {  	p1 =	seq.s32 s10, $0x1;
	s10 =	sld [smem:$0x3FAE];
	_ =	sdelay $0x3  }
0x37: {  	[smem:$0x3FAE] =	sst s10  }
0x38: {  	s10 =	sld [smem:$0x3FAF]  }
0x39: {  	_ = 	snop;
	(pc) =	sbr.ind lr, $3  }
0x3a: {  	_ = 	snop  }
0x3b: {  	_ = 	snop  }
0x3c: {  	p2 =	seq.s32 s10, $0x1;
	s10 =	sld [smem:$0x3FAE]  }
0x3d: {  	_ =	shalt  }
0x3e: {  	_ =	shalt  }
0x3f: {  	_ =	shalt  }
0x40: {  	_ =	shalt  }
0x41: {  	_ =	shalt  }
0x42: {  	_ =	shalt  }
0x43: {  	_ =	shalt  }
0x44: {  	_ =	shalt  }
0x45: {  	_ =	shalt  }
0x46: {  	_ =	shalt  }
0x47: {  	_ =	shalt  }
0x48: {  	_ =	shalt  }
0x49: {  	_ =	shalt  }
0x4a: {  	_ =	shalt  }
0x4b: {  	_ =	shalt  }
0x4c: {  	_ =	shalt  }
0x4d: {  	_ =	shalt  }
0x4e: {  	_ =	shalt  }
0x4f: {  	_ =	shalt  }
0x50: {  	_ =	shalt  }
0x51: {  	_ =	shalt  }
0x52: {  	_ =	shalt  }
0x53: {  	_ =	shalt  }
0x54: {  	_ =	shalt  }
0x55: {  	_ =	shalt  }
0x56: {  	_ =	shalt  }
0x57: {  	_ =	shalt  }
0x58: {  	_ =	shalt  }
0x59: {  	_ =	shalt  }
0x5a: {  	_ =	shalt  }
0x5b: {  	_ =	shalt  }
0x5c: {  	_ =	shalt  }
0x5d: {  	_ =	shalt  }
0x5e: {  	_ =	shalt  }
0x5f: {  	_ =	shalt  }
0x60: {  	_ =	shalt  }
0x61: {  	_ =	shalt  }
0x62: {  	_ =	shalt  }
0x63: {  	_ =	shalt  }
0x64: {  	_ =	shalt  }
0x65: {  	_ =	shalt  }
0x66: {  	_ =	shalt  }
0x67: {  	_ =	shalt  }
0x68: {  	_ =	shalt  }
0x69: {  	_ =	shalt  }
0x6a: {  	_ =	shalt  }
0x6b: {  	_ =	shalt  }
0x6c: {  	_ =	shalt  }
0x6d: {  	_ =	shalt  }
0x6e: {  	_ =	shalt  }
0x6f: {  	_ =	shalt  }
0x70: {  	_ =	shalt  }
0x71: {  	_ =	shalt  }
0x72: {  	_ =	shalt  }
0x73: {  	_ =	shalt  }
0x74: {  	_ =	shalt  }
0x75: {  	_ =	shalt  }
0x76: {  	_ =	shalt  }
0x77: {  	_ =	shalt  }
0x78: {  	_ =	shalt  }
0x79: {  	_ =	shalt  }
0x7a: {  	_ =	shalt  }
0x7b: {  	_ =	shalt  }
0x7c: {  	_ =	shalt  }
0x7d: {  	_ =	shalt  }
0x7e: {  	_ =	shalt  }
0x7f: {  	_ =	shalt  }
0x80: {  	_ =	shalt  }
0x81: {  	_ =	shalt  }
0x82: {  	_ =	shalt  }
0x83: {  	_ =	shalt  }
0x84: {  	_ =	shalt  }
0x85: {  	_ =	shalt  }
0x86: {  	_ =	shalt  }
0x87: {  	_ =	shalt  }
.Lfunc_end0:
.L_simem_size_0:
called_computation.3_lowered:
.L_overlay_start_0:
0x88: {  	s2 =	sld [smem:$0x3FD9]  }
0x89: {  	s3 =	sld [smem:$0x3FFE];
	_ =	sdelay $0x1  }
0x8a: {  	s1 =	srdreg.scid  }
0x8b: {  	s0 =	sand.u32 $0x1, s1  }
0x8c: {  	s17 =	sshll.u32 s0, $0xA;
	s2 =	sadd.s32 s3, s2  }
0x8d: {  	s2 =	sadd.s32 s2, s17  }
0x8e: {  	[smem:$0x3FBA] =	sst s2  }
0x8f: {  	_ = 	snop  }
0x90: {  	s2 =	sld [smem:$0x3FD0];
	(tm) =	ssettm $0x1  }
0x91: {  	s18 =	sld [smem:$0x3FFB];
	_ =	sdelay $0x3  }
0x92: {  	_ =	strace s18  }
0x93: {  	s3 =	sld [smem:$0x3FFC];
	_ =	sdelay $0x3  }
0x94: {  	_ =	strace s3  }
0x95: {  	s3 =	sld [smem:$0x3FFD];
	_ =	sdelay $0x3  }
0x96: {  	_ =	strace s3  }
0x97: {  	_ =	strace $0x8FFFFFFF  }
0x98: {  	s19 =	sld [smem:$0x3FDB];
	_ =	sdelay $0x1  }
0x99: {  	s4 =	simm.s32 $_scs_section_size  }
0x9a: {  	s5 =	simm.s32 $_size__tile_overlayer_lowered;
	s6 =	simm.s32 $_tile_overlayer_lowered  }
0x9b: {  	s22 =	simm.s32 $0x1BFF;
	s21 =	sshll.u32 s6, $0x1;
	s3 =	sadd.s32 s4, s19  }
0x9c: {  	s7 =	simm.s32 $0x0;
	s20 =	sshll.u32 s5, $0x1;
	s5 =	sadd.s32 s21, s3  }
0x9d: {  	[timem:s7], [sflag:s22] =	dma.local [hbm:s5], s20  }
0x9e: {  	_ =	swait.ge [sflag:s22], s20  }
0x9f: {  	s4 =	ssub.s32 $0x0, s20;
	[sflag:s22] =	ssyncset.done $0x0  }
0xa0: {  	[sflag:s22] =	ssyncadd.s32 s4;
	_ =	sdelay $0x1  }
0xa1: {  	s23 =	simm.s32 $0x1B8B  }
0xa2: {  	_ =	swait.ge [sflag:s23], $0x1  }
0xa3: {  	[sflag:s23] =	ssyncset.done $0x0  }
0xa4: {  	s25 =	simm.s32 $0x1B8E;
	s24 =	sld [smem:$0x3FFE];
	[sflag:s23] =	ssyncadd.s32 $0xFFFFFFFF  }
0xa5: {  	s26 =	simm.s32 $execute0_lowered;
	[smem:$0x3FD2] =	sst s25  }
0xa6: {  	s5 =	sshll.u32 s26, $0x1;
	_ =	strace $0x8000004F;
	[dreg:$0x1] =	wrdreg $0xFFFFFFFF  }
0xa7: {  	s28 =	simm.s32 $_size_execute0_lowered;
	s3 =	sadd.s32 s3, s5;
	[dreg:$0x0] =	wrdreg $0x0  }
0xa8: {  	s5 =	sshll.u32 s28, $0x1;
	[dreg:$0x2] =	wrdreg s3  }
0xa9: {  	[dreg:$0x3] =	wrdreg s5  }
0xaa: {  	[dreg:$0x4] =	wrdreg $0xC0  }
0xab: {  	_ =	task [dreg:s7], $0x5FFFF  }
0xac: {  	[dreg:$0x1] =	wrdreg $0xFFFFFFFF  }
0xad: {  	[dreg:$0x0] =	wrdreg $0x60  }
0xae: {  	[dreg:$0x2] =	wrdreg s2  }
0xaf: {  	[dreg:$0x3] =	wrdreg s24  }
0xb0: {  	[dreg:$0x4] =	wrdreg $0xA8000  }
0xb1: {  	[dreg:$0x5] =	wrdreg $0x9  }
0xb2: {  	_ =	task.clear_ibuf [dreg:s7], $0x6FFFF;
	_ =	strace $0x9000004F  }
0xb3: {  	s29 =	simm.s32 $0x9;
	_ =	strace $0x80000051  }
0xb4: {  	_ =	swait.ge [sflag:s29], $0x1  }
0xb5: {  	[sflag:s29] =	ssyncadd.s32 $0xFFFFFFFF  }
0xb6: {  	_ =	strace $0x90000051  }
0xb7: {  	_ =	sfence  }
0xb8: {  	s30 =	sld [smem:$0x0];
	_ =	sdelay $0x2  }
0xb9: {  	s31 =	sshll.u32 s1, $0xD;
	s1 =	sshrl.u32 s1, $0x2  }
0xba: {  	s3 =	sand.u32 $0x4000, s31;
	s1 =	sadd.s32 s1, s30  }
0xbb: {  	s0 =	sor.u32 s3, s0;
	s1 =	sshll.u32 s1, $0x11  }
0xbc: {  	s0 =	sor.u32 s1, s0  }
0xbd: {  	s0 =	sadd.s32 $0x8F2B, s0  }
0xbe: {  	[sflag:s0] =	ssyncadd.remote.s32 $0x1  }
0xbf: {  	_ =	sfence.sel $0xFFFF  }
0xc0: {  	[dreg:$0x0] =	wrdreg $0xFFFFFFFF;
	(pc) =	sbr.abs _section_cstart, $3  }
0xc1: {  	[dreg:$0x1] =	wrdreg $0xFFFFFFFF  }
0xc2: {  	_ =	task.clear_ibuf [dreg:s7], $0x2FFFF;
	_ =	strace $0x9FFFFFFF  }
0xc3: {  	(tm) =	ssettm $0x7FFFFFFF  }
tec
execute0_lowered:
.L_overlay_start_1:
0x0: {  	(tag) =	ssettag $0x1  }
0x1: {  	s1 =	rddreg [dreg:$0x0]  }
0x2: {  	s0 =	srdreg.scid;
	s14 =	rddreg [dreg:$0x1]  }
0x3: {  	s19 =	stileid.u32;
	s3 =	rddreg [dreg:$0x2];
	s4 =	simm.s32 $0x0  }
0x4: {  	s28 =	simm.s32 $0x2800;
	s29 =	simm.s32 $0x6800;
	s30 =	simm.s32 $0x1  }
0x5: {  	s31 =	simm.s32 $0x2;
	s0 =	sand.u32 $0x1, s0;
	s5 =	smul.u32 $0x2700, s19  }
0x6: {  	[smem:$0x7FF] =	sst s4;
	s6 =	smul.u32 $0x4E000, s19;
	s17 =	sadd.s32 $0x124800, s3  }
0x7: {  	s26 =	sadd.s32 $0x2A500, s14;
	s8 =	sadd.s32 $0x51700, s14;
	p0 =	seq.s32 s19, $0xF  }
0x8: {  	s13 =	sadd.s32 $0x78900, s14;
	s2 =	sshll.u32 s0, $0x4;
	_ =	strace $0x80000050  }
0x9: {  	s7 =	ssub.s32 $0x2, s0;
	p4 =	seq.s32 s0, $0x1;
	[dreg:$0x6] =	wrdreg s26  }
0xa: {  	s26 =	simm.s32 $0x7D;
	s2 =	sor.u32 s19, s2;
	s12 =	sadd.s32 s5, s14  }
0xb: {  	s23 =	sshrl.u32 s7, $0x1;
	s6 =	sshrl.u32 s6, $0x2;
	p1 =	por !p4, !p0  }
0xc: {  	p2 =	por p4, !p0;
	p3 =	por !p4, p0;
	p4 =	por p4, p0  }
0xd: {  	s2 =	smul.u32 $0x280, s2;
	s15 =	ssub.s32 s7, s23;
	s0 =	sadd.s32 s6, s3  }
0xe: {  	s24 =	sadd.s32 $0x5C00, s12;
	s25 =	sadd.s32 $0x2CE00, s12;
	s11 =	sadd.s32 $0x54000, s12  }
0xf: {  	s12 =	sadd.s32 $0x7B200, s12;
	s16 =	sshrl.u32 @!p1 s17, $0x3;
	s17 =	sshrl.u32 @!p2 s17, $0x3  }
0x10: {  	s18 =	sshll.u32 @!p3 s19, $0x6;
	s19 =	sshll.u32 @!p4 s19, $0x6;
	[dreg:$0x4] =	wrdreg s24  }
0x11: {  	[dreg:$0x5] =	wrdreg s25;
	s15 =	smax.u32 s15, $0x1;
	s20 =	sor.u32 @!p3 $0x1C01, s18  }
0x12: {  	s21 =	sshrl.u32 @!p3 s0, $0x3;
	s22 =	sor.u32 @!p4 $0x1C01, s19;
	s23 =	sshrl.u32 @!p4 s0, $0x3  }
0x13: {  	s24 =	simm.s32 $0x3;
	s2 =	sadd.s32 s2, s14;
	s14 =	sadd.s32 $0x9FB00, s14  }
0x14: {  	s9 =	sadd.s32 $0xD3600, s2;
	s10 =	sadd.s32 $0xD8600, s2;
	s2 =	simm.s32 $0x0  }
.LBB2_1:
0x15: {  	s0 =	simm.s32 @!p1 $0x1FC1  }
0x16: {  	[spmem:s16], [sflag:s0] =	dma.local @!p1 [hbm:s8], $0x2800  }
0x17: {  	s0 =	simm.s32 @!p2 $0x1FC1;
	s5 =	rddreg [dreg:$0x6]  }
0x18: {  	[spmem:s17], [sflag:s0] =	dma.local @!p2 [hbm:s5], $0x2800  }
0x19: {  	s0 =	rddreg [dreg:$0x5]  }
0x1a: {  	[spmem:s21], [sflag:s20] =	dma.local @!p3 [hbm:s0], $0x2700  }
0x1b: {  	s0 =	rddreg [dreg:$0x4]  }
0x1c: {  	[spmem:s23], [sflag:s22] =	dma.local @!p4 [hbm:s0], $0x2700  }
0x1d: {  	[tilespmem:s4], [sflag:$0x3] =	stream.linear.gather [hbm4b:s9+s4], $0x1400, $0x38;
	[tilespmem:$0x1E080] =	vst v63  }
0x1e: {  	_ =	swait.ge [sflag:s24], $0x1400  }
0x1f: {  	[sflag:s24] =	ssyncset.done $0x0  }
0x20: {  	s25 =	simm.s32 $0x1400;
	[sflag:s24] =	ssyncadd.s32 $0xFFFFEC00  }
0x21: {  	[tilespmem:s25], [sflag:$0x3] =	stream.linear.gather [hbm4b:s10+s4], $0x1400, $0x38;
	[tilespmem:$0x1E080] =	vst v63  }
0x22: {  	_ =	swait.ge [sflag:s24], $0x1400  }
0x23: {  	[sflag:s24] =	ssyncset.done $0x0  }
0x24: {  	s0 =	simm.s32 @p0 $0x1;
	[sflag:s24] =	ssyncadd.s32 $0xFFFFEC00  }
0x25: {  	_ =	swait.ge @p0 [sflag:s0], $0x2800  }
0x26: {  	[sflag:s0] =	ssyncset.done @p0 $0x0  }
0x27: {  	[sflag:s0] =	ssyncadd.s32 @p0 $0xFFFFD800;
	s0 =	simm.s32 @!p0 $0x1  }
0x28: {  	_ =	swait.ge @!p0 [sflag:s0], $0x2700  }
0x29: {  	[sflag:s0] =	ssyncset.done @!p0 $0x0  }
0x2a: {  	[sflag:s0] =	ssyncadd.s32 @!p0 $0xFFFFD900  }
0x2b: {  	[bflag:$0x0] =	sbarrier.arrive $0xFFFF  }
0x2c: {  	[tilespmem:s28], [sflag:$0x1] =	stream.indirect.gather [hbm4b:s1+s26], $0x80, s4, s26, $0xb8;
	[tilespmem:$0x1E080] =	vst v63  }
0x2d: {  	s5 =	simm.s32 $0x80  }
0x2e: {  	[tilespmem:s29], [sflag:$0x2] =	stream.indirect.gather [hbm4b:s1+s26], $0x80, s5, s26, $0xb8;
	[tilespmem:$0x1E080] =	vst v63  }
0x2f: {  	_ =	swait.ge [sflag:s30], $0x3E80  }
0x30: {  	[sflag:s30] =	ssyncset.done $0x0  }
0x31: {  	s6 =	simm.s32 $0x1400;
	[sflag:s30] =	ssyncadd.s32 $0xFFFFC180  }
0x32: {  	[spmem:s3] =	stream.indirect.scatter.add.f32 [tilespmem:s28], [sflag:$0x3], $0x80, s6, s26, $0xb8;
	[tilespmem:$0x1E080] =	vst v63  }
0x33: {  	_ =	swait.ge [sflag:s24], $0x3E80  }
0x34: {  	[sflag:s24] =	ssyncset.done $0x0  }
0x35: {  	s7 =	simm.s32 $0x100;
	[sflag:s24] =	ssyncadd.s32 $0xFFFFC180  }
0x36: {  	[tilespmem:s28], [sflag:$0x1] =	stream.indirect.gather [hbm4b:s1+s26], $0x80, s7, s26, $0xb8;
	[tilespmem:$0x1E080] =	vst v63  }
0x37: {  	_ =	swait.ge [sflag:s31], $0x3E80  }
0x38: {  	[sflag:s31] =	ssyncset.done $0x0  }
0x39: {  	s25 =	simm.s32 $0x1480;
	[sflag:s31] =	ssyncadd.s32 $0xFFFFC180  }
0x3a: {  	[spmem:s3] =	stream.indirect.scatter.add.f32 [tilespmem:s29], [sflag:$0x3], $0x80, s25, s26, $0xb8;
	[tilespmem:$0x1E080] =	vst v63  }
0x3b: {  	_ =	swait.ge [sflag:s24], $0x3E80  }
0x3c: {  	s0 =	simm.s32 $0x100;
	s25 =	simm.s32 $0x800;
	[sflag:s24] =	ssyncset.done $0x0  }
.LBB2_2:
0x3d: {  	s5 =	sadd.s32 $0x80, s0  }
0x3e: {  	[sflag:s24] =	ssyncadd.s32 $0xFFFFC180;
	s6 =	smov.u32 s25;
	s7 =	sadd.s32 $0x400, s25  }
0x3f: {  	[tilespmem:s29], [sflag:$0x2] =	stream.indirect.gather [hbm4b:s1+s26], $0x80, s5, s26, $0xb8;
	[tilespmem:$0x1E080] =	vst v63  }
0x40: {  	p5 =	sne.s32 s25, $0x4800;
	_ =	swait.ge [sflag:s30], $0x3E80  }
0x41: {  	[sflag:s30] =	ssyncset.done $0x0  }
0x42: {  	s5 =	sadd.s32 $0x1400, s0;
	[sflag:s30] =	ssyncadd.s32 $0xFFFFC180  }
0x43: {  	[spmem:s3] =	stream.indirect.scatter.add.f32 [tilespmem:s28], [sflag:$0x3], $0x80, s5, s26, $0xb8;
	[tilespmem:$0x1E080] =	vst v63  }
0x44: {  	_ =	swait.ge [sflag:s24], $0x3E80  }
0x45: {  	[sflag:s24] =	ssyncset.done $0x0  }
0x46: {  	s5 =	sadd.s32 $0x100, s0;
	[sflag:s24] =	ssyncadd.s32 $0xFFFFC180  }
0x47: {  	[tilespmem:s28], [sflag:$0x1] =	stream.indirect.gather [hbm4b:s1+s26], $0x80, s5, s26, $0xb8;
	[tilespmem:$0x1E080] =	vst v63  }
0x48: {  	_ =	swait.ge [sflag:s31], $0x3E80  }
.Ltmp0:
0x49: {  	[sflag:s31] =	ssyncset.done $0x0;
	(pc) =	sbr.rel @p5 .LBB2_2-.Ltmp0, $4  }
0x4a: {  	s0 =	sadd.s32 $0x1480, s0;
	[sflag:s31] =	ssyncadd.s32 $0xFFFFC180  }
0x4b: {  	[spmem:s3] =	stream.indirect.scatter.add.f32 [tilespmem:s29], [sflag:$0x3], $0x80, s0, s26, $0xb8;
	[tilespmem:$0x1E080] =	vst v63  }
0x4c: {  	_ =	swait.ge [sflag:s24], $0x3E80  }
0x4d: {  	s25 =	smov.u32 s7;
	s0 =	sshra.s32 s6, $0x2;
	[sflag:s24] =	ssyncset.done $0x0  }
0x4e: {  	s5 =	sadd.s32 $0x80, s0;
	[sflag:s24] =	ssyncadd.s32 $0xFFFFC180  }
0x4f: {  	[tilespmem:s29], [sflag:$0x2] =	stream.indirect.gather [hbm4b:s1+s26], $0x80, s5, s26, $0xb8;
	[tilespmem:$0x1E080] =	vst v63  }
0x50: {  	_ =	swait.ge [sflag:s30], $0x3E80  }
0x51: {  	[sflag:s30] =	ssyncset.done $0x0  }
0x52: {  	s7 =	sadd.s32 $0x1400, s0;
	[sflag:s30] =	ssyncadd.s32 $0xFFFFC180  }
0x53: {  	[spmem:s3] =	stream.indirect.scatter.add.f32 [tilespmem:s28], [sflag:$0x3], $0x80, s7, s26, $0xb8;
	[tilespmem:$0x1E080] =	vst v63  }
0x54: {  	_ =	swait.ge [sflag:s24], $0x3E80  }
0x55: {  	[sflag:s24] =	ssyncset.done $0x0  }
0x56: {  	s25 =	sadd.s32 $0x100, s0;
	[sflag:s24] =	ssyncadd.s32 $0xFFFFC180  }
0x57: {  	[tilespmem:s28], [sflag:$0x1] =	stream.indirect.gather [hbm4b:s1+s26], $0x80, s25, s26, $0xb8;
	[tilespmem:$0x1E080] =	vst v63  }
0x58: {  	_ =	swait.ge [sflag:s31], $0x3E80  }
0x59: {  	[sflag:s31] =	ssyncset.done $0x0  }
0x5a: {  	s5 =	sadd.s32 $0x1480, s0;
	[sflag:s31] =	ssyncadd.s32 $0xFFFFC180  }
0x5b: {  	[spmem:s3] =	stream.indirect.scatter.add.f32 [tilespmem:s29], [sflag:$0x3], $0x80, s5, s26, $0xb8;
	[tilespmem:$0x1E080] =	vst v63  }
0x5c: {  	_ =	swait.ge [sflag:s24], $0x3E80  }
0x5d: {  	[sflag:s24] =	ssyncset.done $0x0  }
0x5e: {  	s6 =	simm.s32 $0x1380;
	[sflag:s24] =	ssyncadd.s32 $0xFFFFC180  }
0x5f: {  	[tilespmem:s29], [sflag:$0x2] =	stream.indirect.gather [hbm4b:s1+s26], $0x80, s6, s26, $0xb8;
	[tilespmem:$0x1E080] =	vst v63  }
0x60: {  	_ =	swait.ge [sflag:s30], $0x3E80  }
0x61: {  	[sflag:s30] =	ssyncset.done $0x0  }
0x62: {  	s7 =	simm.s32 $0x2700;
	[sflag:s30] =	ssyncadd.s32 $0xFFFFC180  }
0x63: {  	[spmem:s3] =	stream.indirect.scatter.add.f32 [tilespmem:s28], [sflag:$0x3], $0x80, s7, s26, $0xb8;
	[tilespmem:$0x1E080] =	vst v63  }
0x64: {  	_ =	swait.ge [sflag:s24], $0x3E80  }
0x65: {  	[sflag:s24] =	ssyncset.done $0x0  }
0x66: {  	[sflag:s24] =	ssyncadd.s32 $0xFFFFC180  }
0x67: {  	_ =	swait.ge [sflag:s31], $0x3E80  }
0x68: {  	[sflag:s31] =	ssyncset.done $0x0  }
0x69: {  	s25 =	simm.s32 $0x2780;
	[sflag:s31] =	ssyncadd.s32 $0xFFFFC180  }
0x6a: {  	[spmem:s3] =	stream.indirect.scatter.add.f32 [tilespmem:s29], [sflag:$0x3], $0x80, s25, s26, $0xb8;
	[tilespmem:$0x1E080] =	vst v63  }
0x6b: {  	_ =	swait.ge [sflag:s24], $0x3E80  }
0x6c: {  	[sflag:s24] =	ssyncset.done $0x0  }
0x6d: {  	[sflag:s24] =	ssyncadd.s32 $0xFFFFC180  }
0x6e: {  	s0 =	simm.s32 @!p1 $0x1FC3;
	[bflag:$0x0] =	sbarrier.arrive $0xFFFF  }
0x6f: {  	[hbm:s14], [sflag:s0] =	dma.local @!p1 [spmem:s16], $0x2800  }
0x70: {  	s0 =	simm.s32 @!p1 $0x3  }
0x71: {  	_ =	swait.ge @!p1 [sflag:s0], $0x2800  }
0x72: {  	[sflag:s0] =	ssyncset.done @!p1 $0x0  }
0x73: {  	[sflag:s0] =	ssyncadd.s32 @!p1 $0xFFFFD800;
	s0 =	simm.s32 @!p2 $0x1FC3  }
0x74: {  	[hbm:s13], [sflag:s0] =	dma.local @!p2 [spmem:s17], $0x2800  }
0x75: {  	s0 =	simm.s32 @!p2 $0x3  }
0x76: {  	_ =	swait.ge @!p2 [sflag:s0], $0x2800  }
0x77: {  	[sflag:s0] =	ssyncset.done @!p2 $0x0  }
0x78: {  	[sflag:s0] =	ssyncadd.s32 @!p2 $0xFFFFD800;
	s0 =	sor.u32 @!p3 $0x1C03, s18  }
0x79: {  	[hbm:s12], [sflag:s0] =	dma.local @!p3 [spmem:s21], $0x2700  }
0x7a: {  	s0 =	simm.s32 @!p3 $0x3  }
0x7b: {  	_ =	swait.ge @!p3 [sflag:s0], $0x2700  }
0x7c: {  	s2 =	sadd.s32 $0x1, s2;
	[sflag:s0] =	ssyncset.done @!p3 $0x0  }
0x7d: {  	p5 =	sne.s32 s2, s15;
	[sflag:s0] =	ssyncadd.s32 @!p3 $0xFFFFD900;
	s0 =	sor.u32 @!p4 $0x1C03, s19  }
0x7e: {  	[hbm:s11], [sflag:s0] =	dma.local @!p4 [spmem:s23], $0x2700  }
.Ltmp1:
0x7f: {  	_ = 	snop;
	(pc) =	sbr.rel @p5 .LBB2_1-.Ltmp1, $4  }
0x80: {  	s0 =	simm.s32 @!p4 $0x3  }
0x81: {  	_ =	swait.ge @!p4 [sflag:s0], $0x2700  }
0x82: {  	[sflag:s0] =	ssyncset.done @!p4 $0x0  }
0x83: {  	[sflag:s0] =	ssyncadd.s32 @!p4 $0xFFFFD900  }
0x84: {  	_ =	sfence.sel $0x180000  }
0x85: {  	[bflag:$0x0] =	sbarrier.arrive $0xFFFF  }
0x86: {  	_ =	strace $0x90000050  }
0x87: {  	s0 =	stileid.u32;
	[bflag:$0x2] =	sbarrier.arrive $0xFFFF  }
0x88: {  	p0 =	sne.s32 s0, $0x0;
	s0 =	rddreg [dreg:$0x3]  }
0x89: {  	s0 =	sadd.s32 @!p0 $0x100000, s0  }
0x8a: {  	[sflag:s0] =	ssyncadd.tile.s32 @!p0 $0x1;
	_ =	shalt  }
.Lfunc_end2:
_tile_overlayer_lowered:
.L_overlay_start_2:
0x8b: {  	(tag) =	ssettag $0x2  }
0x8c: {  	s0 =	rddreg [dreg:$0x0];
	s2 =	stileid.u32  }
0x8d: {  	s1 =	rddreg [dreg:$0x1];
	p0 =	sne.s32 s2, $0x0  }
0x8e: {  	s3 =	rddreg [dreg:$0x2];
	[bflag:$0x3] =	sbarrier.arrive $0xFFFF;
	s2 =	simm.s32 @!p0 $0x1C03  }
0x8f: {  	[timem:s3], [sflag:s2] =	dma.local @!p0 [hbm:s0], s1  }
0x90: {  	s0 =	simm.s32 @!p0 $0x3  }
0x91: {  	_ =	swait.ge @!p0 [sflag:s0], s1  }
0x92: {  	s1 =	ssub.s32 @!p0 $0x0, s1;
	[sflag:s0] =	ssyncset.done @!p0 $0x0  }
0x93: {  	[sflag:s0] =	ssyncadd.s32 @!p0 s1  }
0x94: {  	[bflag:$0x3] =	sbarrier.arrive $0xFFFF  }
0x95: {  	_ =	shalt  }

</sc_bundles>
